<compile_context>
chip_gen: v7x
topology: tpu7x:2x2x1
jax: 0.10.2.dev20260603
libtpu: 0.0.44.dev20260713+nightly
codegen_flags: <defaults>
</compile_context>

<pallas_src>
import jax
import jax.numpy as jnp
from jax import lax
from jax.experimental import pallas as pl
from jax.experimental.pallas import tpu as pltpu
from jax.experimental.pallas import tpu_sc as plsc

B, S, D = 4, 8192, 768
ROWS = B * S
SC_ROWS = ROWS // 2
NW = 32
RPW = SC_ROWS // NW
CH = 16
NCH = RPW // CH
NL = 16
DV = D // NL
RB = 512
NBLK = ROWS // RB
TIME_ROWS = 288


def _pe_body(x_hbm, tb_hbm, pos_hbm, time_hbm, out_hbm,
             xb, tbuf, pb, ob, idxall, semL0, semL1, semS0, semS1):
    wid = lax.axis_index("s") * 2 + lax.axis_index("c")
    base = wid * RPW
    sbase = base % S
    semL = (semL0, semL1)
    semS = (semS0, semS1)

    pltpu.sync_copy(tb_hbm.at[pl.ds(base, RPW)], idxall)

    def load_descs(i, b):
        r0 = base + i * CH
        p0 = sbase + i * CH
        return (
            pltpu.make_async_copy(x_hbm.at[pl.ds(r0, CH)], xb.at[b], semL[b]),
            pltpu.make_async_copy(pos_hbm.at[pl.ds(p0, CH)], pb.at[b], semL[b]),
            pltpu.make_async_copy(
                time_hbm.at[idxall.at[pl.ds(i * CH, CH)]], tbuf.at[b], semL[b]),
        )

    def store_desc(i, b):
        r0 = base + i * CH
        return pltpu.make_async_copy(ob.at[b], out_hbm.at[pl.ds(r0, CH)],
                                     semS[b])

    def issue_loads(i, b):
        for d in load_descs(i, b):
            d.start()

    for b in (0, 1):
        issue_loads(b, b)

    def chunk(i, b):
        for d in load_descs(i, b):
            d.wait()

        @pl.when(i >= 2)
        def _():
            store_desc(i - 2, b).wait()

        x_, t_, p_, o_ = xb.at[b], tbuf.at[b], pb.at[b], ob.at[b]

        def row(c, carry):
            for j in range(DV):
                sl = pl.ds(j * NL, NL)
                o_[c, sl] = x_[c, sl] + t_[c, sl] + p_[c, sl]
            return carry

        lax.fori_loop(0, CH, row, None)
        store_desc(i, b).start()

        @pl.when(i + 2 < NCH)
        def _():
            issue_loads(i + 2, b)

    def outer(g, carry):
        chunk(2 * g, 0)
        chunk(2 * g + 1, 1)
        return carry

    lax.fori_loop(0, NCH // 2, outer, None)
    store_desc(NCH - 2, 0).wait()
    store_desc(NCH - 1, 1).wait()


@jax.jit
def _pe(x2d, tb1d, pos_table, time_table):
    mesh = plsc.VectorSubcoreMesh(core_axis_name="c", subcore_axis_name="s")
    return pl.kernel(
        _pe_body,
        mesh=mesh,
        out_type=jax.ShapeDtypeStruct((ROWS, D), jnp.float32),
        scratch_types=[
            pltpu.VMEM((2, CH, D), jnp.float32),
            pltpu.VMEM((2, CH, D), jnp.float32),
            pltpu.VMEM((2, CH, D), jnp.float32),
            pltpu.VMEM((2, CH, D), jnp.float32),
            pltpu.VMEM((RPW,), jnp.int32),
            pltpu.SemaphoreType.DMA,
            pltpu.SemaphoreType.DMA,
            pltpu.SemaphoreType.DMA,
            pltpu.SemaphoreType.DMA,
        ],
    )(x2d, tb1d, pos_table, time_table)


def _tc_body(alias_ref, x_ref, tb_ref, pos_ref, tt_ref, out_ref):
    del alias_ref
    for k in range(2):
        tb_vec = tb_ref[k, 0, 0, :]
        onehot = (tb_vec[:, None]
                  == lax.broadcasted_iota(jnp.int32, (RB, TIME_ROWS), 1))
        temb = jnp.dot(onehot.astype(jnp.bfloat16), tt_ref[...],
                       preferred_element_type=jnp.float32)
        out_ref[k, 0] = x_ref[k, 0] + pos_ref[0] + temb


def _tc_fill(out_sc, xv, tbv, posv, tt16):
    nsb = S // RB
    return pl.pallas_call(
        _tc_body,
        grid=(nsb,),
        in_specs=[
            pl.BlockSpec(memory_space=pltpu.MemorySpace.HBM),
            pl.BlockSpec((2, 1, RB, D), lambda j: (1, j, 0, 0)),
            pl.BlockSpec((2, 1, 1, RB), lambda j: (1, j, 0, 0)),
            pl.BlockSpec((1, RB, D), lambda j: (j, 0, 0)),
            pl.BlockSpec((TIME_ROWS, D), lambda j: (0, 0)),
        ],
        out_specs=pl.BlockSpec((2, 1, RB, D), lambda j: (1, j, 0, 0)),
        out_shape=jax.ShapeDtypeStruct((B, S // RB, RB, D), jnp.float32),
        input_output_aliases={0: 0},
    )(out_sc, xv, tbv, posv, tt16)


@jax.jit
def _pe_hybrid(x2d, tb1d, pos_table, time_table):
    out_sc = _pe(x2d, tb1d, pos_table, time_table)
    xv = x2d.reshape(B, S // RB, RB, D)
    tbv = tb1d.reshape(B, S // RB, 1, RB)
    posv = pos_table.reshape(S // RB, RB, D)
    tt16 = time_table.astype(jnp.bfloat16)
    return _tc_fill(out_sc.reshape(B, S // RB, RB, D), xv, tbv, posv, tt16)


def kernel(x, time_buckets, pos_table, time_table):
    x2d = x.reshape(ROWS, D)
    tb1d = time_buckets.astype(jnp.int32).reshape(ROWS)
    out = _pe_hybrid(x2d, tb1d, pos_table, time_table)
    return out.reshape(B, S, D)

# --- scband reference (transcript-rebuilt; emitter-appended) ---
"""Pipeline reference for scband-positional-encoding-23880018165799 (READ-ONLY COPY).

The authoritative reference and input builder live on the scoring server;
editing this copy changes nothing except your own understanding.
"""

import jax, jax.numpy as jnp
import numpy as np

BATCH = 4
SEQ = 8192
D_MODEL = 768
MAX_SEQ = 8192
TIME_BUCKETS = 288


def setup_inputs(seed: int = 0) -> dict:
    key = jax.random.key(seed)
    k1, k2, k3, k4 = jax.random.split(key, 4)
    x = jax.random.normal(k1, (BATCH, SEQ, D_MODEL), dtype=jnp.float32)
    time_buckets = jax.random.randint(k2, (BATCH, SEQ), 0, TIME_BUCKETS, dtype=jnp.int64)
    # learned parameters per init_kwargs (max_seq_length=8192, d_model=768, time_buckets=288)
    pos_table = jax.random.normal(k3, (MAX_SEQ, D_MODEL), dtype=jnp.float32) * 0.02
    time_table = jax.random.normal(k4, (TIME_BUCKETS, D_MODEL), dtype=jnp.float32) * 0.02
    return {"x": x, "time_buckets": time_buckets, "pos_table": pos_table, "time_table": time_table}


def reference(x, time_buckets, pos_table, time_table):
    # learned positional embedding: gather rows [0, seq_len) from pos_table
    seq_len = x.shape[1]
    pos_ids = jnp.arange(seq_len)[None, :]  # (1, seq_len)
    pos_emb = jnp.take(pos_table, pos_ids, axis=0)  # (1, seq_len, d_model)
    x = x + pos_emb
    # time-aware embedding: gather by time bucket ids
    time_emb = jnp.take(time_table, time_buckets, axis=0)  # (B, seq_len, d_model)
    x = x + time_emb
    return x

if __name__ == "__main__":
    import jax
    _d = setup_inputs()
    print(jax.jit(kernel)(*tuple(_d.values())))

</pallas_src>

<mosaic_0001>
#map = affine_map<(d0, d1) -> (0, 0)>
#map1 = affine_map<(d0, d1) -> (0)>
module attributes {stable_mosaic.version = 14 : i64} {
  func.func @_pe_body(%arg0: i32, %arg1: i32, %arg2: memref<32768x768xf32, #tpu.memory_space<hbm>>, %arg3: memref<32768xi32, #tpu.memory_space<hbm>>, %arg4: memref<8192x768xf32, #tpu.memory_space<hbm>>, %arg5: memref<288x768xf32, #tpu.memory_space<hbm>>, %arg6: memref<32768x768xf32, #tpu.memory_space<hbm>>, %arg7: memref<2x16x768xf32, #tpu.memory_space<vmem>>, %arg8: memref<2x16x768xf32, #tpu.memory_space<vmem>>, %arg9: memref<2x16x768xf32, #tpu.memory_space<vmem>>, %arg10: memref<2x16x768xf32, #tpu.memory_space<vmem>>, %arg11: memref<512xi32, #tpu.memory_space<vmem>>, %arg12: memref<!tpu.dma_semaphore, #tpu.memory_space<semaphore_mem>>, %arg13: memref<!tpu.dma_semaphore, #tpu.memory_space<semaphore_mem>>, %arg14: memref<!tpu.dma_semaphore, #tpu.memory_space<semaphore_mem>>, %arg15: memref<!tpu.dma_semaphore, #tpu.memory_space<semaphore_mem>>) attributes {dimension_semantics = [#tpu.dimension_semantics<core_parallel>, #tpu.dimension_semantics<subcore_parallel>], iteration_bounds = array<i64: 2, 16>, scalar_prefetch = 0 : i64, scratch_operands = 9 : i64, tpu.core_type = #tpu.core_type<sc_vector_subcore>, window_params = [{transform_indices = #map}, {transform_indices = #map1}, {transform_indices = #map}, {transform_indices = #map}, {transform_indices = #map}]} {
    %mul3A = arith.constant 2 : i32
    %mul3A_0 = arith.muli %arg1, %mul3A : i32
    %add3A = arith.addi %mul3A_0, %arg0 : i32
    %mul3A_1 = arith.constant 512 : i32
    %mul3A_2 = arith.muli %add3A, %mul3A_1 : i32
    %jit3A = arith.constant 8192 : i32
    %eq3A = arith.constant 0 : i32
    %eq3A_3 = arith.cmpi eq, %jit3A, %eq3A : i32
    %jit3A_4 = arith.constant 1 : i32
    %select_n3A = arith.select %eq3A_3, %jit3A_4, %jit3A : i32
    %rem3A = arith.remsi %mul3A_2, %select_n3A : i32
    %ne3A = arith.constant 0 : i32
    %ne3A_5 = arith.cmpi ne, %rem3A, %ne3A : i32
    %lt3A = arith.constant 0 : i32
    %lt3A_6 = arith.cmpi slt, %rem3A, %lt3A : i32
    %lt3A_7 = arith.constant 0 : i32
    %lt3A_8 = arith.cmpi slt, %select_n3A, %lt3A_7 : i32
    %ne3A_9 = arith.xori %lt3A_6, %lt3A_8 : i1
    %and3A = arith.andi %ne3A_9, %ne3A_5 : i1
    %add3A_10 = arith.addi %rem3A, %select_n3A : i32
    %select_n3A_11 = arith.select %and3A, %add3A_10, %rem3A : i32
    "tpu.region"() ({
      %run_scoped3A = tpu.sem_alloc : memref<!tpu.dma_semaphore, #tpu.memory_space<semaphore_mem>>
      %dma_start3A_124 = tpu.memref_slice %arg3[%mul3A_2] : memref<32768xi32, #tpu.memory_space<hbm>> -> memref<512xi32, #tpu.memory_space<hbm>>
      %dma_start3A_125 = tpu.memref_slice %arg3[%mul3A_2] : memref<32768xi32, #tpu.memory_space<hbm>> -> memref<512xi32, #tpu.memory_space<hbm>>
      tpu.enqueue_dma source(%dma_start3A_125 : memref<512xi32, #tpu.memory_space<hbm>>) target(%arg11 : memref<512xi32, #tpu.memory_space<vmem>>) target_semaphore(%run_scoped3A : memref<!tpu.dma_semaphore, #tpu.memory_space<semaphore_mem>>)
      %dma_wait3A_126 = tpu.memref_slice %arg3[%mul3A_2] : memref<32768xi32, #tpu.memory_space<hbm>> -> memref<512xi32, #tpu.memory_space<hbm>>
      %dma_wait3A_127 = tpu.memref_slice %arg3[%mul3A_2] : memref<32768xi32, #tpu.memory_space<hbm>> -> memref<512xi32, #tpu.memory_space<hbm>>
      tpu.wait_dma2 semaphore(%run_scoped3A : memref<!tpu.dma_semaphore, #tpu.memory_space<semaphore_mem>>) src(%dma_wait3A_127 : memref<512xi32, #tpu.memory_space<hbm>>) dst(%arg11 : memref<512xi32, #tpu.memory_space<vmem>>)
      tpu.yield
    }) : () -> ()
    %add3A_12 = arith.constant 0 : i32
    %add3A_13 = arith.addi %mul3A_2, %add3A_12 : i32
    %add3A_14 = arith.constant 0 : i32
    %add3A_15 = arith.addi %select_n3A_11, %add3A_14 : i32
    %dma_start3A = arith.constant 0 : i32
    %dma_start3A_16 = arith.constant 0 : i32
    %dma_start3A_17 = arith.constant 0 : i32
    %dma_start3A_18 = tpu.memref_slice %arg7[%dma_start3A, %dma_start3A_16, %dma_start3A_17] : memref<2x16x768xf32, #tpu.memory_space<vmem>> -> memref<1x16x768xf32, #tpu.memory_space<vmem>>
    %dma_start3A_19 = tpu.memref_squeeze %dma_start3A_18 : memref<1x16x768xf32, #tpu.memory_space<vmem>> -> memref<16x768xf32, #tpu.memory_space<vmem>>
    %dma_start3A_20 = arith.constant 0 : i32
    %dma_start3A_21 = tpu.memref_slice %arg2[%add3A_13, %dma_start3A_20] : memref<32768x768xf32, #tpu.memory_space<hbm>> -> memref<16x768xf32, #tpu.memory_space<hbm>>
    %dma_start3A_22 = arith.constant 0 : i32
    %dma_start3A_23 = arith.constant 0 : i32
    %dma_start3A_24 = tpu.memref_slice %arg7[%dma_start3A, %dma_start3A_22, %dma_start3A_23] : memref<2x16x768xf32, #tpu.memory_space<vmem>> -> memref<1x16x768xf32, #tpu.memory_space<vmem>>
    %dma_start3A_25 = tpu.memref_squeeze %dma_start3A_24 : memref<1x16x768xf32, #tpu.memory_space<vmem>> -> memref<16x768xf32, #tpu.memory_space<vmem>>
    %dma_start3A_26 = arith.constant 0 : i32
    %dma_start3A_27 = tpu.memref_slice %arg2[%add3A_13, %dma_start3A_26] : memref<32768x768xf32, #tpu.memory_space<hbm>> -> memref<16x768xf32, #tpu.memory_space<hbm>>
    tpu.enqueue_dma source(%dma_start3A_27 : memref<16x768xf32, #tpu.memory_space<hbm>>) target(%dma_start3A_25 : memref<16x768xf32, #tpu.memory_space<vmem>>) target_semaphore(%arg12 : memref<!tpu.dma_semaphore, #tpu.memory_space<semaphore_mem>>)
    %dma_start3A_28 = arith.constant 0 : i32
    %dma_start3A_29 = arith.constant 0 : i32
    %dma_start3A_30 = arith.constant 0 : i32
    %dma_start3A_31 = tpu.memref_slice %arg9[%dma_start3A_28, %dma_start3A_29, %dma_start3A_30] : memref<2x16x768xf32, #tpu.memory_space<vmem>> -> memref<1x16x768xf32, #tpu.memory_space<vmem>>
    %dma_start3A_32 = tpu.memref_squeeze %dma_start3A_31 : memref<1x16x768xf32, #tpu.memory_space<vmem>> -> memref<16x768xf32, #tpu.memory_space<vmem>>
    %dma_start3A_33 = arith.constant 0 : i32
    %dma_start3A_34 = tpu.memref_slice %arg4[%add3A_15, %dma_start3A_33] : memref<8192x768xf32, #tpu.memory_space<hbm>> -> memref<16x768xf32, #tpu.memory_space<hbm>>
    %dma_start3A_35 = arith.constant 0 : i32
    %dma_start3A_36 = arith.constant 0 : i32
    %dma_start3A_37 = tpu.memref_slice %arg9[%dma_start3A_28, %dma_start3A_35, %dma_start3A_36] : memref<2x16x768xf32, #tpu.memory_space<vmem>> -> memref<1x16x768xf32, #tpu.memory_space<vmem>>
    %dma_start3A_38 = tpu.memref_squeeze %dma_start3A_37 : memref<1x16x768xf32, #tpu.memory_space<vmem>> -> memref<16x768xf32, #tpu.memory_space<vmem>>
    %dma_start3A_39 = arith.constant 0 : i32
    %dma_start3A_40 = tpu.memref_slice %arg4[%add3A_15, %dma_start3A_39] : memref<8192x768xf32, #tpu.memory_space<hbm>> -> memref<16x768xf32, #tpu.memory_space<hbm>>
    tpu.enqueue_dma source(%dma_start3A_40 : memref<16x768xf32, #tpu.memory_space<hbm>>) target(%dma_start3A_38 : memref<16x768xf32, #tpu.memory_space<vmem>>) target_semaphore(%arg12 : memref<!tpu.dma_semaphore, #tpu.memory_space<semaphore_mem>>)
    %dma_start3A_41 = arith.constant 0 : i32
    %dma_start3A_42 = arith.constant 0 : i32
    %dma_start3A_43 = arith.constant 0 : i32
    %dma_start3A_44 = tpu.memref_slice %arg8[%dma_start3A_41, %dma_start3A_42, %dma_start3A_43] : memref<2x16x768xf32, #tpu.memory_space<vmem>> -> memref<1x16x768xf32, #tpu.memory_space<vmem>>
    %dma_start3A_45 = tpu.memref_squeeze %dma_start3A_44 : memref<1x16x768xf32, #tpu.memory_space<vmem>> -> memref<16x768xf32, #tpu.memory_space<vmem>>
    %dma_start3A_46 = arith.constant 0 : i32
    %dma_start3A_47 = tpu.memref_slice %arg11[%dma_start3A_46] : memref<512xi32, #tpu.memory_space<vmem>> -> memref<16xi32, #tpu.memory_space<vmem>>
    %dma_start3A_48 = arith.constant 0 : i32
    %dma_start3A_49 = arith.constant 0 : i32
    %dma_start3A_50 = tpu.memref_slice %arg5[%dma_start3A_48, %dma_start3A_49] : memref<288x768xf32, #tpu.memory_space<hbm>> -> memref<288x768xf32, #tpu.memory_space<hbm>>
    tpu.enqueue_indirect_dma source(%dma_start3A_50 : memref<288x768xf32, #tpu.memory_space<hbm>>) target(%dma_start3A_45 : memref<16x768xf32, #tpu.memory_space<vmem>>) offsets(%dma_start3A_47 : memref<16xi32, #tpu.memory_space<vmem>>) semaphore(%arg12 : memref<!tpu.dma_semaphore, #tpu.memory_space<semaphore_mem>>)
    %add3A_51 = arith.constant 16 : i32
    %add3A_52 = arith.addi %mul3A_2, %add3A_51 : i32
    %add3A_53 = arith.constant 16 : i32
    %add3A_54 = arith.addi %select_n3A_11, %add3A_53 : i32
    %dma_start3A_55 = arith.constant 1 : i32
    %dma_start3A_56 = arith.constant 0 : i32
    %dma_start3A_57 = arith.constant 0 : i32
    %dma_start3A_58 = tpu.memref_slice %arg7[%dma_start3A_55, %dma_start3A_56, %dma_start3A_57] : memref<2x16x768xf32, #tpu.memory_space<vmem>> -> memref<1x16x768xf32, #tpu.memory_space<vmem>>
    %dma_start3A_59 = tpu.memref_squeeze %dma_start3A_58 : memref<1x16x768xf32, #tpu.memory_space<vmem>> -> memref<16x768xf32, #tpu.memory_space<vmem>>
    %dma_start3A_60 = arith.constant 0 : i32
    %dma_start3A_61 = tpu.memref_slice %arg2[%add3A_52, %dma_start3A_60] : memref<32768x768xf32, #tpu.memory_space<hbm>> -> memref<16x768xf32, #tpu.memory_space<hbm>>
    %dma_start3A_62 = arith.constant 0 : i32
    %dma_start3A_63 = arith.constant 0 : i32
    %dma_start3A_64 = tpu.memref_slice %arg7[%dma_start3A_55, %dma_start3A_62, %dma_start3A_63] : memref<2x16x768xf32, #tpu.memory_space<vmem>> -> memref<1x16x768xf32, #tpu.memory_space<vmem>>
    %dma_start3A_65 = tpu.memref_squeeze %dma_start3A_64 : memref<1x16x768xf32, #tpu.memory_space<vmem>> -> memref<16x768xf32, #tpu.memory_space<vmem>>
    %dma_start3A_66 = arith.constant 0 : i32
    %dma_start3A_67 = tpu.memref_slice %arg2[%add3A_52, %dma_start3A_66] : memref<32768x768xf32, #tpu.memory_space<hbm>> -> memref<16x768xf32, #tpu.memory_space<hbm>>
    tpu.enqueue_dma source(%dma_start3A_67 : memref<16x768xf32, #tpu.memory_space<hbm>>) target(%dma_start3A_65 : memref<16x768xf32, #tpu.memory_space<vmem>>) target_semaphore(%arg13 : memref<!tpu.dma_semaphore, #tpu.memory_space<semaphore_mem>>)
    %dma_start3A_68 = arith.constant 1 : i32
    %dma_start3A_69 = arith.constant 0 : i32
    %dma_start3A_70 = arith.constant 0 : i32
    %dma_start3A_71 = tpu.memref_slice %arg9[%dma_start3A_68, %dma_start3A_69, %dma_start3A_70] : memref<2x16x768xf32, #tpu.memory_space<vmem>> -> memref<1x16x768xf32, #tpu.memory_space<vmem>>
    %dma_start3A_72 = tpu.memref_squeeze %dma_start3A_71 : memref<1x16x768xf32, #tpu.memory_space<vmem>> -> memref<16x768xf32, #tpu.memory_space<vmem>>
    %dma_start3A_73 = arith.constant 0 : i32
    %dma_start3A_74 = tpu.memref_slice %arg4[%add3A_54, %dma_start3A_73] : memref<8192x768xf32, #tpu.memory_space<hbm>> -> memref<16x768xf32, #tpu.memory_space<hbm>>
    %dma_start3A_75 = arith.constant 0 : i32
    %dma_start3A_76 = arith.constant 0 : i32
    %dma_start3A_77 = tpu.memref_slice %arg9[%dma_start3A_68, %dma_start3A_75, %dma_start3A_76] : memref<2x16x768xf32, #tpu.memory_space<vmem>> -> memref<1x16x768xf32, #tpu.memory_space<vmem>>
    %dma_start3A_78 = tpu.memref_squeeze %dma_start3A_77 : memref<1x16x768xf32, #tpu.memory_space<vmem>> -> memref<16x768xf32, #tpu.memory_space<vmem>>
    %dma_start3A_79 = arith.constant 0 : i32
    %dma_start3A_80 = tpu.memref_slice %arg4[%add3A_54, %dma_start3A_79] : memref<8192x768xf32, #tpu.memory_space<hbm>> -> memref<16x768xf32, #tpu.memory_space<hbm>>
    tpu.enqueue_dma source(%dma_start3A_80 : memref<16x768xf32, #tpu.memory_space<hbm>>) target(%dma_start3A_78 : memref<16x768xf32, #tpu.memory_space<vmem>>) target_semaphore(%arg13 : memref<!tpu.dma_semaphore, #tpu.memory_space<semaphore_mem>>)
    %dma_start3A_81 = arith.constant 1 : i32
    %dma_start3A_82 = arith.constant 0 : i32
    %dma_start3A_83 = arith.constant 0 : i32
    %dma_start3A_84 = tpu.memref_slice %arg8[%dma_start3A_81, %dma_start3A_82, %dma_start3A_83] : memref<2x16x768xf32, #tpu.memory_space<vmem>> -> memref<1x16x768xf32, #tpu.memory_space<vmem>>
    %dma_start3A_85 = tpu.memref_squeeze %dma_start3A_84 : memref<1x16x768xf32, #tpu.memory_space<vmem>> -> memref<16x768xf32, #tpu.memory_space<vmem>>
    %dma_start3A_86 = arith.constant 16 : i32
    %dma_start3A_87 = tpu.memref_slice %arg11[%dma_start3A_86] : memref<512xi32, #tpu.memory_space<vmem>> -> memref<16xi32, #tpu.memory_space<vmem>>
    %dma_start3A_88 = arith.constant 0 : i32
    %dma_start3A_89 = arith.constant 0 : i32
    %dma_start3A_90 = tpu.memref_slice %arg5[%dma_start3A_88, %dma_start3A_89] : memref<288x768xf32, #tpu.memory_space<hbm>> -> memref<288x768xf32, #tpu.memory_space<hbm>>
    tpu.enqueue_indirect_dma source(%dma_start3A_90 : memref<288x768xf32, #tpu.memory_space<hbm>>) target(%dma_start3A_85 : memref<16x768xf32, #tpu.memory_space<vmem>>) offsets(%dma_start3A_87 : memref<16xi32, #tpu.memory_space<vmem>>) semaphore(%arg13 : memref<!tpu.dma_semaphore, #tpu.memory_space<semaphore_mem>>)
    %scan3A = arith.constant 0 : i32
    %scan3A_91 = arith.constant 16 : i32
    %scan3A_92 = arith.addi %scan3A, %scan3A_91 : i32
    %scan3A_93 = arith.constant 1 : i32
    scf.for %scan3A_124 = %scan3A to %scan3A_92 step %scan3A_93  : i32 {
      %mul3A_125 = arith.constant 2 : i32
      %mul3A_126 = arith.muli %mul3A_125, %scan3A_124 : i32
      %mul3A_127 = arith.constant 16 : i32
      %mul3A_128 = arith.muli %mul3A_126, %mul3A_127 : i32
      %add3A_129 = arith.addi %mul3A_2, %mul3A_128 : i32
      %mul3A_130 = arith.constant 16 : i32
      %mul3A_131 = arith.muli %mul3A_126, %mul3A_130 : i32
      %add3A_132 = arith.addi %select_n3A_11, %mul3A_131 : i32
      %mul3A_133 = arith.constant 16 : i32
      %mul3A_134 = arith.muli %mul3A_126, %mul3A_133 : i32
      %dma_wait3A_135 = arith.constant 0 : i32
      %dma_wait3A_136 = arith.constant 0 : i32
      %dma_wait3A_137 = arith.constant 0 : i32
      %dma_wait3A_138 = tpu.memref_slice %arg7[%dma_wait3A_135, %dma_wait3A_136, %dma_wait3A_137] : memref<2x16x768xf32, #tpu.memory_space<vmem>> -> memref<1x16x768xf32, #tpu.memory_space<vmem>>
      %dma_wait3A_139 = tpu.memref_squeeze %dma_wait3A_138 : memref<1x16x768xf32, #tpu.memory_space<vmem>> -> memref<16x768xf32, #tpu.memory_space<vmem>>
      %dma_wait3A_140 = arith.constant 0 : i32
      %dma_wait3A_141 = tpu.memref_slice %arg2[%add3A_129, %dma_wait3A_140] : memref<32768x768xf32, #tpu.memory_space<hbm>> -> memref<16x768xf32, #tpu.memory_space<hbm>>
      %dma_wait3A_142 = arith.constant 0 : i32
      %dma_wait3A_143 = arith.constant 0 : i32
      %dma_wait3A_144 = tpu.memref_slice %arg7[%dma_wait3A_135, %dma_wait3A_142, %dma_wait3A_143] : memref<2x16x768xf32, #tpu.memory_space<vmem>> -> memref<1x16x768xf32, #tpu.memory_space<vmem>>
      %dma_wait3A_145 = tpu.memref_squeeze %dma_wait3A_144 : memref<1x16x768xf32, #tpu.memory_space<vmem>> -> memref<16x768xf32, #tpu.memory_space<vmem>>
      %dma_wait3A_146 = arith.constant 0 : i32
      %dma_wait3A_147 = tpu.memref_slice %arg2[%add3A_129, %dma_wait3A_146] : memref<32768x768xf32, #tpu.memory_space<hbm>> -> memref<16x768xf32, #tpu.memory_space<hbm>>
      tpu.wait_dma2 semaphore(%arg12 : memref<!tpu.dma_semaphore, #tpu.memory_space<semaphore_mem>>) src(%dma_wait3A_147 : memref<16x768xf32, #tpu.memory_space<hbm>>) dst(%dma_wait3A_145 : memref<16x768xf32, #tpu.memory_space<vmem>>)
      %dma_wait3A_148 = arith.constant 0 : i32
      %dma_wait3A_149 = arith.constant 0 : i32
      %dma_wait3A_150 = arith.constant 0 : i32
      %dma_wait3A_151 = tpu.memref_slice %arg9[%dma_wait3A_148, %dma_wait3A_149, %dma_wait3A_150] : memref<2x16x768xf32, #tpu.memory_space<vmem>> -> memref<1x16x768xf32, #tpu.memory_space<vmem>>
      %dma_wait3A_152 = tpu.memref_squeeze %dma_wait3A_151 : memref<1x16x768xf32, #tpu.memory_space<vmem>> -> memref<16x768xf32, #tpu.memory_space<vmem>>
      %dma_wait3A_153 = arith.constant 0 : i32
      %dma_wait3A_154 = tpu.memref_slice %arg4[%add3A_132, %dma_wait3A_153] : memref<8192x768xf32, #tpu.memory_space<hbm>> -> memref<16x768xf32, #tpu.memory_space<hbm>>
      %dma_wait3A_155 = arith.constant 0 : i32
      %dma_wait3A_156 = arith.constant 0 : i32
      %dma_wait3A_157 = tpu.memref_slice %arg9[%dma_wait3A_148, %dma_wait3A_155, %dma_wait3A_156] : memref<2x16x768xf32, #tpu.memory_space<vmem>> -> memref<1x16x768xf32, #tpu.memory_space<vmem>>
      %dma_wait3A_158 = tpu.memref_squeeze %dma_wait3A_157 : memref<1x16x768xf32, #tpu.memory_space<vmem>> -> memref<16x768xf32, #tpu.memory_space<vmem>>
      %dma_wait3A_159 = arith.constant 0 : i32
      %dma_wait3A_160 = tpu.memref_slice %arg4[%add3A_132, %dma_wait3A_159] : memref<8192x768xf32, #tpu.memory_space<hbm>> -> memref<16x768xf32, #tpu.memory_space<hbm>>
      tpu.wait_dma2 semaphore(%arg12 : memref<!tpu.dma_semaphore, #tpu.memory_space<semaphore_mem>>) src(%dma_wait3A_160 : memref<16x768xf32, #tpu.memory_space<hbm>>) dst(%dma_wait3A_158 : memref<16x768xf32, #tpu.memory_space<vmem>>)
      %dma_wait3A_161 = arith.constant 0 : i32
      %dma_wait3A_162 = arith.constant 0 : i32
      %dma_wait3A_163 = arith.constant 0 : i32
      %dma_wait3A_164 = tpu.memref_slice %arg8[%dma_wait3A_161, %dma_wait3A_162, %dma_wait3A_163] : memref<2x16x768xf32, #tpu.memory_space<vmem>> -> memref<1x16x768xf32, #tpu.memory_space<vmem>>
      %dma_wait3A_165 = tpu.memref_squeeze %dma_wait3A_164 : memref<1x16x768xf32, #tpu.memory_space<vmem>> -> memref<16x768xf32, #tpu.memory_space<vmem>>
      %dma_wait3A_166 = tpu.memref_slice %arg11[%mul3A_134] : memref<512xi32, #tpu.memory_space<vmem>> -> memref<16xi32, #tpu.memory_space<vmem>>
      %dma_wait3A_167 = arith.constant 0 : i32
      %dma_wait3A_168 = arith.constant 0 : i32
      %dma_wait3A_169 = tpu.memref_slice %arg5[%dma_wait3A_167, %dma_wait3A_168] : memref<288x768xf32, #tpu.memory_space<hbm>> -> memref<288x768xf32, #tpu.memory_space<hbm>>
      tpu.wait_indirect_dma semaphore(%arg12 : memref<!tpu.dma_semaphore, #tpu.memory_space<semaphore_mem>>) src(%dma_wait3A_169 : memref<288x768xf32, #tpu.memory_space<hbm>>) dst(%dma_wait3A_165 : memref<16x768xf32, #tpu.memory_space<vmem>>)
      %ge3A = arith.constant 2 : i32
      %ge3A_170 = arith.cmpi sge, %mul3A_126, %ge3A : i32
      %convert_element_type3A = arith.extui %ge3A_170 : i1 to i32
      %cond3A = arith.constant 0 : i32
      %cond3A_171 = arith.cmpi ne, %convert_element_type3A, %cond3A : i32
      scf.if %cond3A_171 {
        %sub3A = arith.constant 2 : i32
        %sub3A_288 = arith.subi %mul3A_126, %sub3A : i32
        %mul3A_289 = arith.constant 16 : i32
        %mul3A_290 = arith.muli %sub3A_288, %mul3A_289 : i32
        %add3A_291 = arith.addi %mul3A_2, %mul3A_290 : i32
        %dma_wait3A_292 = arith.constant 0 : i32
        %dma_wait3A_293 = arith.constant 0 : i32
        %dma_wait3A_294 = arith.constant 0 : i32
        %dma_wait3A_295 = tpu.memref_slice %arg10[%dma_wait3A_292, %dma_wait3A_293, %dma_wait3A_294] : memref<2x16x768xf32, #tpu.memory_space<vmem>> -> memref<1x16x768xf32, #tpu.memory_space<vmem>>
        %dma_wait3A_296 = tpu.memref_squeeze %dma_wait3A_295 : memref<1x16x768xf32, #tpu.memory_space<vmem>> -> memref<16x768xf32, #tpu.memory_space<vmem>>
        %dma_wait3A_297 = arith.constant 0 : i32
        %dma_wait3A_298 = tpu.memref_slice %arg6[%add3A_291, %dma_wait3A_297] : memref<32768x768xf32, #tpu.memory_space<hbm>> -> memref<16x768xf32, #tpu.memory_space<hbm>>
        %dma_wait3A_299 = arith.constant 0 : i32
        %dma_wait3A_300 = tpu.memref_slice %arg6[%add3A_291, %dma_wait3A_299] : memref<32768x768xf32, #tpu.memory_space<hbm>> -> memref<16x768xf32, #tpu.memory_space<hbm>>
        %dma_wait3A_301 = arith.constant 0 : i32
        %dma_wait3A_302 = arith.constant 0 : i32
        %dma_wait3A_303 = tpu.memref_slice %arg10[%dma_wait3A_292, %dma_wait3A_301, %dma_wait3A_302] : memref<2x16x768xf32, #tpu.memory_space<vmem>> -> memref<1x16x768xf32, #tpu.memory_space<vmem>>
        %dma_wait3A_304 = tpu.memref_squeeze %dma_wait3A_303 : memref<1x16x768xf32, #tpu.memory_space<vmem>> -> memref<16x768xf32, #tpu.memory_space<vmem>>
        tpu.wait_dma2 semaphore(%arg14 : memref<!tpu.dma_semaphore, #tpu.memory_space<semaphore_mem>>) src(%dma_wait3A_304 : memref<16x768xf32, #tpu.memory_space<vmem>>) dst(%dma_wait3A_300 : memref<16x768xf32, #tpu.memory_space<hbm>>)
      } else {
      }
      %scan3A_172 = arith.constant 0 : i32
      %scan3A_173 = arith.constant 0 : i32
      %scan3A_174 = arith.constant 0 : i32
      %scan3A_175 = arith.constant 0 : i32
      %scan3A_176 = arith.constant 0 : i32
      %scan3A_177 = arith.constant 16 : i32
      %scan3A_178 = arith.addi %scan3A_176, %scan3A_177 : i32
      %scan3A_179 = arith.constant 1 : i32
      scf.for %scan3A_288 = %scan3A_176 to %scan3A_178 step %scan3A_179  : i32 {
        %get3A = arith.constant 0 : i32
        %get3A_289 = arith.constant 0 : i32
        %get3A_290 = tpu.memref_slice %arg7[%scan3A_172, %get3A, %get3A_289] : memref<2x16x768xf32, #tpu.memory_space<vmem>> -> memref<1x16x768xf32, #tpu.memory_space<vmem>>
        %get3A_291 = tpu.memref_squeeze %get3A_290 : memref<1x16x768xf32, #tpu.memory_space<vmem>> -> memref<16x768xf32, #tpu.memory_space<vmem>>
        %get3A_292 = arith.index_cast %scan3A_288 : i32 to index
        %get3A_293 = arith.constant 0 : index
        %get3A_294 = tpu.vector_load %get3A_291[%get3A_292, %get3A_293] {strides = array<i32>} : memref<16x768xf32, #tpu.memory_space<vmem>>, vector<1x16xf32>,
        %get3A_295 = vector.shape_cast %get3A_294 : vector<1x16xf32> to vector<16xf32>
        %get3A_296 = arith.constant 0 : i32
        %get3A_297 = arith.constant 0 : i32
        %get3A_298 = tpu.memref_slice %arg8[%scan3A_173, %get3A_296, %get3A_297] : memref<2x16x768xf32, #tpu.memory_space<vmem>> -> memref<1x16x768xf32, #tpu.memory_space<vmem>>
        %get3A_299 = tpu.memref_squeeze %get3A_298 : memref<1x16x768xf32, #tpu.memory_space<vmem>> -> memref<16x768xf32, #tpu.memory_space<vmem>>
        %get3A_300 = arith.index_cast %scan3A_288 : i32 to index
        %get3A_301 = arith.constant 0 : index
        %get3A_302 = tpu.vector_load %get3A_299[%get3A_300, %get3A_301] {strides = array<i32>} : memref<16x768xf32, #tpu.memory_space<vmem>>, vector<1x16xf32>,
        %get3A_303 = vector.shape_cast %get3A_302 : vector<1x16xf32> to vector<16xf32>
        %add3A_304 = arith.addf %get3A_295, %get3A_303 : vector<16xf32>
        %get3A_305 = arith.constant 0 : i32
        %get3A_306 = arith.constant 0 : i32
        %get3A_307 = tpu.memref_slice %arg9[%scan3A_174, %get3A_305, %get3A_306] : memref<2x16x768xf32, #tpu.memory_space<vmem>> -> memref<1x16x768xf32, #tpu.memory_space<vmem>>
        %get3A_308 = tpu.memref_squeeze %get3A_307 : memref<1x16x768xf32, #tpu.memory_space<vmem>> -> memref<16x768xf32, #tpu.memory_space<vmem>>
        %get3A_309 = arith.index_cast %scan3A_288 : i32 to index
        %get3A_310 = arith.constant 0 : index
        %get3A_311 = tpu.vector_load %get3A_308[%get3A_309, %get3A_310] {strides = array<i32>} : memref<16x768xf32, #tpu.memory_space<vmem>>, vector<1x16xf32>,
        %get3A_312 = vector.shape_cast %get3A_311 : vector<1x16xf32> to vector<16xf32>
        %add3A_313 = arith.addf %add3A_304, %get3A_312 : vector<16xf32>
        %swap3A = arith.constant 0 : i32
        %swap3A_314 = arith.constant 0 : i32
        %swap3A_315 = tpu.memref_slice %arg10[%scan3A_175, %swap3A, %swap3A_314] : memref<2x16x768xf32, #tpu.memory_space<vmem>> -> memref<1x16x768xf32, #tpu.memory_space<vmem>>
        %swap3A_316 = tpu.memref_squeeze %swap3A_315 : memref<1x16x768xf32, #tpu.memory_space<vmem>> -> memref<16x768xf32, #tpu.memory_space<vmem>>
        %swap3A_317 = arith.index_cast %scan3A_288 : i32 to index
        %swap3A_318 = arith.constant 0 : index
        %swap3A_319 = tpu.vector_load %swap3A_316[%swap3A_317, %swap3A_318] {strides = array<i32>} : memref<16x768xf32, #tpu.memory_space<vmem>>, vector<1x16xf32>,
        %swap3A_320 = vector.shape_cast %swap3A_319 : vector<1x16xf32> to vector<16xf32>
        %swap3A_321 = vector.shape_cast %add3A_313 : vector<16xf32> to vector<1x16xf32>
        tpu.vector_store %swap3A_316[%swap3A_317, %swap3A_318], %swap3A_321 {strides = array<i32>} : memref<16x768xf32, #tpu.memory_space<vmem>>, vector<1x16xf32>,
        %get3A_322 = arith.constant 0 : i32
        %get3A_323 = arith.constant 0 : i32
        %get3A_324 = tpu.memref_slice %arg7[%scan3A_172, %get3A_322, %get3A_323] : memref<2x16x768xf32, #tpu.memory_space<vmem>> -> memref<1x16x768xf32, #tpu.memory_space<vmem>>
        %get3A_325 = tpu.memref_squeeze %get3A_324 : memref<1x16x768xf32, #tpu.memory_space<vmem>> -> memref<16x768xf32, #tpu.memory_space<vmem>>
        %get3A_326 = arith.index_cast %scan3A_288 : i32 to index
        %get3A_327 = arith.constant 16 : index
        %get3A_328 = tpu.vector_load %get3A_325[%get3A_326, %get3A_327] {strides = array<i32>} : memref<16x768xf32, #tpu.memory_space<vmem>>, vector<1x16xf32>,
        %get3A_329 = vector.shape_cast %get3A_328 : vector<1x16xf32> to vector<16xf32>
        %get3A_330 = arith.constant 0 : i32
        %get3A_331 = arith.constant 0 : i32
        %get3A_332 = tpu.memref_slice %arg8[%scan3A_173, %get3A_330, %get3A_331] : memref<2x16x768xf32, #tpu.memory_space<vmem>> -> memref<1x16x768xf32, #tpu.memory_space<vmem>>
        %get3A_333 = tpu.memref_squeeze %get3A_332 : memref<1x16x768xf32, #tpu.memory_space<vmem>> -> memref<16x768xf32, #tpu.memory_space<vmem>>
        %get3A_334 = arith.index_cast %scan3A_288 : i32 to index
        %get3A_335 = arith.constant 16 : index
        %get3A_336 = tpu.vector_load %get3A_333[%get3A_334, %get3A_335] {strides = array<i32>} : memref<16x768xf32, #tpu.memory_space<vmem>>, vector<1x16xf32>,
        %get3A_337 = vector.shape_cast %get3A_336 : vector<1x16xf32> to vector<16xf32>
        %add3A_338 = arith.addf %get3A_329, %get3A_337 : vector<16xf32>
        %get3A_339 = arith.constant 0 : i32
        %get3A_340 = arith.constant 0 : i32
        %get3A_341 = tpu.memref_slice %arg9[%scan3A_174, %get3A_339, %get3A_340] : memref<2x16x768xf32, #tpu.memory_space<vmem>> -> memref<1x16x768xf32, #tpu.memory_space<vmem>>
        %get3A_342 = tpu.memref_squeeze %get3A_341 : memref<1x16x768xf32, #tpu.memory_space<vmem>> -> memref<16x768xf32, #tpu.memory_space<vmem>>
        %get3A_343 = arith.index_cast %scan3A_288 : i32 to index
        %get3A_344 = arith.constant 16 : index
        %get3A_345 = tpu.vector_load %get3A_342[%get3A_343, %get3A_344] {strides = array<i32>} : memref<16x768xf32, #tpu.memory_space<vmem>>, vector<1x16xf32>,
        %get3A_346 = vector.shape_cast %get3A_345 : vector<1x16xf32> to vector<16xf32>
        %add3A_347 = arith.addf %add3A_338, %get3A_346 : vector<16xf32>
        %swap3A_348 = arith.constant 0 : i32
        %swap3A_349 = arith.constant 0 : i32
        %swap3A_350 = tpu.memref_slice %arg10[%scan3A_175, %swap3A_348, %swap3A_349] : memref<2x16x768xf32, #tpu.memory_space<vmem>> -> memref<1x16x768xf32, #tpu.memory_space<vmem>>
        %swap3A_351 = tpu.memref_squeeze %swap3A_350 : memref<1x16x768xf32, #tpu.memory_space<vmem>> -> memref<16x768xf32, #tpu.memory_space<vmem>>
        %swap3A_352 = arith.index_cast %scan3A_288 : i32 to index
        %swap3A_353 = arith.constant 16 : index
        %swap3A_354 = tpu.vector_load %swap3A_351[%swap3A_352, %swap3A_353] {strides = array<i32>} : memref<16x768xf32, #tpu.memory_space<vmem>>, vector<1x16xf32>,
        %swap3A_355 = vector.shape_cast %swap3A_354 : vector<1x16xf32> to vector<16xf32>
        %swap3A_356 = vector.shape_cast %add3A_347 : vector<16xf32> to vector<1x16xf32>
        tpu.vector_store %swap3A_351[%swap3A_352, %swap3A_353], %swap3A_356 {strides = array<i32>} : memref<16x768xf32, #tpu.memory_space<vmem>>, vector<1x16xf32>,
        %get3A_357 = arith.constant 0 : i32
        %get3A_358 = arith.constant 0 : i32
        %get3A_359 = tpu.memref_slice %arg7[%scan3A_172, %get3A_357, %get3A_358] : memref<2x16x768xf32, #tpu.memory_space<vmem>> -> memref<1x16x768xf32, #tpu.memory_space<vmem>>
        %get3A_360 = tpu.memref_squeeze %get3A_359 : memref<1x16x768xf32, #tpu.memory_space<vmem>> -> memref<16x768xf32, #tpu.memory_space<vmem>>
        %get3A_361 = arith.index_cast %scan3A_288 : i32 to index
        %get3A_362 = arith.constant 32 : index
        %get3A_363 = tpu.vector_load %get3A_360[%get3A_361, %get3A_362] {strides = array<i32>} : memref<16x768xf32, #tpu.memory_space<vmem>>, vector<1x16xf32>,
        %get3A_364 = vector.shape_cast %get3A_363 : vector<1x16xf32> to vector<16xf32>
        %get3A_365 = arith.constant 0 : i32
        %get3A_366 = arith.constant 0 : i32
        %get3A_367 = tpu.memref_slice %arg8[%scan3A_173, %get3A_365, %get3A_366] : memref<2x16x768xf32, #tpu.memory_space<vmem>> -> memref<1x16x768xf32, #tpu.memory_space<vmem>>
        %get3A_368 = tpu.memref_squeeze %get3A_367 : memref<1x16x768xf32, #tpu.memory_space<vmem>> -> memref<16x768xf32, #tpu.memory_space<vmem>>
        %get3A_369 = arith.index_cast %scan3A_288 : i32 to index
        %get3A_370 = arith.constant 32 : index
        %get3A_371 = tpu.vector_load %get3A_368[%get3A_369, %get3A_370] {strides = array<i32>} : memref<16x768xf32, #tpu.memory_space<vmem>>, vector<1x16xf32>,
        %get3A_372 = vector.shape_cast %get3A_371 : vector<1x16xf32> to vector<16xf32>
        %add3A_373 = arith.addf %get3A_364, %get3A_372 : vector<16xf32>
        %get3A_374 = arith.constant 0 : i32
        %get3A_375 = arith.constant 0 : i32
        %get3A_376 = tpu.memref_slice %arg9[%scan3A_174, %get3A_374, %get3A_375] : memref<2x16x768xf32, #tpu.memory_space<vmem>> -> memref<1x16x768xf32, #tpu.memory_space<vmem>>
        %get3A_377 = tpu.memref_squeeze %get3A_376 : memref<1x16x768xf32, #tpu.memory_space<vmem>> -> memref<16x768xf32, #tpu.memory_space<vmem>>
        %get3A_378 = arith.index_cast %scan3A_288 : i32 to index
        %get3A_379 = arith.constant 32 : index
        %get3A_380 = tpu.vector_load %get3A_377[%get3A_378, %get3A_379] {strides = array<i32>} : memref<16x768xf32, #tpu.memory_space<vmem>>, vector<1x16xf32>,
        %get3A_381 = vector.shape_cast %get3A_380 : vector<1x16xf32> to vector<16xf32>
        %add3A_382 = arith.addf %add3A_373, %get3A_381 : vector<16xf32>
        %swap3A_383 = arith.constant 0 : i32
        %swap3A_384 = arith.constant 0 : i32
        %swap3A_385 = tpu.memref_slice %arg10[%scan3A_175, %swap3A_383, %swap3A_384] : memref<2x16x768xf32, #tpu.memory_space<vmem>> -> memref<1x16x768xf32, #tpu.memory_space<vmem>>
        %swap3A_386 = tpu.memref_squeeze %swap3A_385 : memref<1x16x768xf32, #tpu.memory_space<vmem>> -> memref<16x768xf32, #tpu.memory_space<vmem>>
        %swap3A_387 = arith.index_cast %scan3A_288 : i32 to index
        %swap3A_388 = arith.constant 32 : index
        %swap3A_389 = tpu.vector_load %swap3A_386[%swap3A_387, %swap3A_388] {strides = array<i32>} : memref<16x768xf32, #tpu.memory_space<vmem>>, vector<1x16xf32>,
        %swap3A_390 = vector.shape_cast %swap3A_389 : vector<1x16xf32> to vector<16xf32>
        %swap3A_391 = vector.shape_cast %add3A_382 : vector<16xf32> to vector<1x16xf32>
        tpu.vector_store %swap3A_386[%swap3A_387, %swap3A_388], %swap3A_391 {strides = array<i32>} : memref<16x768xf32, #tpu.memory_space<vmem>>, vector<1x16xf32>,
        %get3A_392 = arith.constant 0 : i32
        %get3A_393 = arith.constant 0 : i32
        %get3A_394 = tpu.memref_slice %arg7[%scan3A_172, %get3A_392, %get3A_393] : memref<2x16x768xf32, #tpu.memory_space<vmem>> -> memref<1x16x768xf32, #tpu.memory_space<vmem>>
        %get3A_395 = tpu.memref_squeeze %get3A_394 : memref<1x16x768xf32, #tpu.memory_space<vmem>> -> memref<16x768xf32, #tpu.memory_space<vmem>>
        %get3A_396 = arith.index_cast %scan3A_288 : i32 to index
        %get3A_397 = arith.constant 48 : index
        %get3A_398 = tpu.vector_load %get3A_395[%get3A_396, %get3A_397] {strides = array<i32>} : memref<16x768xf32, #tpu.memory_space<vmem>>, vector<1x16xf32>,
        %get3A_399 = vector.shape_cast %get3A_398 : vector<1x16xf32> to vector<16xf32>
        %get3A_400 = arith.constant 0 : i32
        %get3A_401 = arith.constant 0 : i32
        %get3A_402 = tpu.memref_slice %arg8[%scan3A_173, %get3A_400, %get3A_401] : memref<2x16x768xf32, #tpu.memory_space<vmem>> -> memref<1x16x768xf32, #tpu.memory_space<vmem>>
        %get3A_403 = tpu.memref_squeeze %get3A_402 : memref<1x16x768xf32, #tpu.memory_space<vmem>> -> memref<16x768xf32, #tpu.memory_space<vmem>>
        %get3A_404 = arith.index_cast %scan3A_288 : i32 to index
        %get3A_405 = arith.constant 48 : index
        %get3A_406 = tpu.vector_load %get3A_403[%get3A_404, %get3A_405] {strides = array<i32>} : memref<16x768xf32, #tpu.memory_space<vmem>>, vector<1x16xf32>,
        %get3A_407 = vector.shape_cast %get3A_406 : vector<1x16xf32> to vector<16xf32>
        %add3A_408 = arith.addf %get3A_399, %get3A_407 : vector<16xf32>
        %get3A_409 = arith.constant 0 : i32
        %get3A_410 = arith.constant 0 : i32
        %get3A_411 = tpu.memref_slice %arg9[%scan3A_174, %get3A_409, %get3A_410] : memref<2x16x768xf32, #tpu.memory_space<vmem>> -> memref<1x16x768xf32, #tpu.memory_space<vmem>>
        %get3A_412 = tpu.memref_squeeze %get3A_411 : memref<1x16x768xf32, #tpu.memory_space<vmem>> -> memref<16x768xf32, #tpu.memory_space<vmem>>
        %get3A_413 = arith.index_cast %scan3A_288 : i32 to index
        %get3A_414 = arith.constant 48 : index
        %get3A_415 = tpu.vector_load %get3A_412[%get3A_413, %get3A_414] {strides = array<i32>} : memref<16x768xf32, #tpu.memory_space<vmem>>, vector<1x16xf32>,
        %get3A_416 = vector.shape_cast %get3A_415 : vector<1x16xf32> to vector<16xf32>
        %add3A_417 = arith.addf %add3A_408, %get3A_416 : vector<16xf32>
        %swap3A_418 = arith.constant 0 : i32
        %swap3A_419 = arith.constant 0 : i32
        %swap3A_420 = tpu.memref_slice %arg10[%scan3A_175, %swap3A_418, %swap3A_419] : memref<2x16x768xf32, #tpu.memory_space<vmem>> -> memref<1x16x768xf32, #tpu.memory_space<vmem>>
        %swap3A_421 = tpu.memref_squeeze %swap3A_420 : memref<1x16x768xf32, #tpu.memory_space<vmem>> -> memref<16x768xf32, #tpu.memory_space<vmem>>
        %swap3A_422 = arith.index_cast %scan3A_288 : i32 to index
        %swap3A_423 = arith.constant 48 : index
        %swap3A_424 = tpu.vector_load %swap3A_421[%swap3A_422, %swap3A_423] {strides = array<i32>} : memref<16x768xf32, #tpu.memory_space<vmem>>, vector<1x16xf32>,
        %swap3A_425 = vector.shape_cast %swap3A_424 : vector<1x16xf32> to vector<16xf32>
        %swap3A_426 = vector.shape_cast %add3A_417 : vector<16xf32> to vector<1x16xf32>
        tpu.vector_store %swap3A_421[%swap3A_422, %swap3A_423], %swap3A_426 {strides = array<i32>} : memref<16x768xf32, #tpu.memory_space<vmem>>, vector<1x16xf32>,
        %get3A_427 = arith.constant 0 : i32
        %get3A_428 = arith.constant 0 : i32
        %get3A_429 = tpu.memref_slice %arg7[%scan3A_172, %get3A_427, %get3A_428] : memref<2x16x768xf32, #tpu.memory_space<vmem>> -> memref<1x16x768xf32, #tpu.memory_space<vmem>>
        %get3A_430 = tpu.memref_squeeze %get3A_429 : memref<1x16x768xf32, #tpu.memory_space<vmem>> -> memref<16x768xf32, #tpu.memory_space<vmem>>
        %get3A_431 = arith.index_cast %scan3A_288 : i32 to index
        %get3A_432 = arith.constant 64 : index
        %get3A_433 = tpu.vector_load %get3A_430[%get3A_431, %get3A_432] {strides = array<i32>} : memref<16x768xf32, #tpu.memory_space<vmem>>, vector<1x16xf32>,
        %get3A_434 = vector.shape_cast %get3A_433 : vector<1x16xf32> to vector<16xf32>
        %get3A_435 = arith.constant 0 : i32
        %get3A_436 = arith.constant 0 : i32
        %get3A_437 = tpu.memref_slice %arg8[%scan3A_173, %get3A_435, %get3A_436] : memref<2x16x768xf32, #tpu.memory_space<vmem>> -> memref<1x16x768xf32, #tpu.memory_space<vmem>>
        %get3A_438 = tpu.memref_squeeze %get3A_437 : memref<1x16x768xf32, #tpu.memory_space<vmem>> -> memref<16x768xf32, #tpu.memory_space<vmem>>
        %get3A_439 = arith.index_cast %scan3A_288 : i32 to index
        %get3A_440 = arith.constant 64 : index
        %get3A_441 = tpu.vector_load %get3A_438[%get3A_439, %get3A_440] {strides = array<i32>} : memref<16x768xf32, #tpu.memory_space<vmem>>, vector<1x16xf32>,
        %get3A_442 = vector.shape_cast %get3A_441 : vector<1x16xf32> to vector<16xf32>
        %add3A_443 = arith.addf %get3A_434, %get3A_442 : vector<16xf32>
        %get3A_444 = arith.constant 0 : i32
        %get3A_445 = arith.constant 0 : i32
        %get3A_446 = tpu.memref_slice %arg9[%scan3A_174, %get3A_444, %get3A_445] : memref<2x16x768xf32, #tpu.memory_space<vmem>> -> memref<1x16x768xf32, #tpu.memory_space<vmem>>
        %get3A_447 = tpu.memref_squeeze %get3A_446 : memref<1x16x768xf32, #tpu.memory_space<vmem>> -> memref<16x768xf32, #tpu.memory_space<vmem>>
        %get3A_448 = arith.index_cast %scan3A_288 : i32 to index
        %get3A_449 = arith.constant 64 : index
        %get3A_450 = tpu.vector_load %get3A_447[%get3A_448, %get3A_449] {strides = array<i32>} : memref<16x768xf32, #tpu.memory_space<vmem>>, vector<1x16xf32>,
        %get3A_451 = vector.shape_cast %get3A_450 : vector<1x16xf32> to vector<16xf32>
        %add3A_452 = arith.addf %add3A_443, %get3A_451 : vector<16xf32>
        %swap3A_453 = arith.constant 0 : i32
        %swap3A_454 = arith.constant 0 : i32
        %swap3A_455 = tpu.memref_slice %arg10[%scan3A_175, %swap3A_453, %swap3A_454] : memref<2x16x768xf32, #tpu.memory_space<vmem>> -> memref<1x16x768xf32, #tpu.memory_space<vmem>>
        %swap3A_456 = tpu.memref_squeeze %swap3A_455 : memref<1x16x768xf32, #tpu.memory_space<vmem>> -> memref<16x768xf32, #tpu.memory_space<vmem>>
        %swap3A_457 = arith.index_cast %scan3A_288 : i32 to index
        %swap3A_458 = arith.constant 64 : index
        %swap3A_459 = tpu.vector_load %swap3A_456[%swap3A_457, %swap3A_458] {strides = array<i32>} : memref<16x768xf32, #tpu.memory_space<vmem>>, vector<1x16xf32>,
        %swap3A_460 = vector.shape_cast %swap3A_459 : vector<1x16xf32> to vector<16xf32>
        %swap3A_461 = vector.shape_cast %add3A_452 : vector<16xf32> to vector<1x16xf32>
        tpu.vector_store %swap3A_456[%swap3A_457, %swap3A_458], %swap3A_461 {strides = array<i32>} : memref<16x768xf32, #tpu.memory_space<vmem>>, vector<1x16xf32>,
        %get3A_462 = arith.constant 0 : i32
        %get3A_463 = arith.constant 0 : i32
        %get3A_464 = tpu.memref_slice %arg7[%scan3A_172, %get3A_462, %get3A_463] : memref<2x16x768xf32, #tpu.memory_space<vmem>> -> memref<1x16x768xf32, #tpu.memory_space<vmem>>
        %get3A_465 = tpu.memref_squeeze %get3A_464 : memref<1x16x768xf32, #tpu.memory_space<vmem>> -> memref<16x768xf32, #tpu.memory_space<vmem>>
        %get3A_466 = arith.index_cast %scan3A_288 : i32 to index
        %get3A_467 = arith.constant 80 : index
        %get3A_468 = tpu.vector_load %get3A_465[%get3A_466, %get3A_467] {strides = array<i32>} : memref<16x768xf32, #tpu.memory_space<vmem>>, vector<1x16xf32>,
        %get3A_469 = vector.shape_cast %get3A_468 : vector<1x16xf32> to vector<16xf32>
        %get3A_470 = arith.constant 0 : i32
        %get3A_471 = arith.constant 0 : i32
        %get3A_472 = tpu.memref_slice %arg8[%scan3A_173, %get3A_470, %get3A_471] : memref<2x16x768xf32, #tpu.memory_space<vmem>> -> memref<1x16x768xf32, #tpu.memory_space<vmem>>
        %get3A_473 = tpu.memref_squeeze %get3A_472 : memref<1x16x768xf32, #tpu.memory_space<vmem>> -> memref<16x768xf32, #tpu.memory_space<vmem>>
        %get3A_474 = arith.index_cast %scan3A_288 : i32 to index
        %get3A_475 = arith.constant 80 : index
        %get3A_476 = tpu.vector_load %get3A_473[%get3A_474, %get3A_475] {strides = array<i32>} : memref<16x768xf32, #tpu.memory_space<vmem>>, vector<1x16xf32>,
        %get3A_477 = vector.shape_cast %get3A_476 : vector<1x16xf32> to vector<16xf32>
        %add3A_478 = arith.addf %get3A_469, %get3A_477 : vector<16xf32>
        %get3A_479 = arith.constant 0 : i32
        %get3A_480 = arith.constant 0 : i32
        %get3A_481 = tpu.memref_slice %arg9[%scan3A_174, %get3A_479, %get3A_480] : memref<2x16x768xf32, #tpu.memory_space<vmem>> -> memref<1x16x768xf32, #tpu.memory_space<vmem>>
        %get3A_482 = tpu.memref_squeeze %get3A_481 : memref<1x16x768xf32, #tpu.memory_space<vmem>> -> memref<16x768xf32, #tpu.memory_space<vmem>>
        %get3A_483 = arith.index_cast %scan3A_288 : i32 to index
        %get3A_484 = arith.constant 80 : index
        %get3A_485 = tpu.vector_load %get3A_482[%get3A_483, %get3A_484] {strides = array<i32>} : memref<16x768xf32, #tpu.memory_space<vmem>>, vector<1x16xf32>,
        %get3A_486 = vector.shape_cast %get3A_485 : vector<1x16xf32> to vector<16xf32>
        %add3A_487 = arith.addf %add3A_478, %get3A_486 : vector<16xf32>
        %swap3A_488 = arith.constant 0 : i32
        %swap3A_489 = arith.constant 0 : i32
        %swap3A_490 = tpu.memref_slice %arg10[%scan3A_175, %swap3A_488, %swap3A_489] : memref<2x16x768xf32, #tpu.memory_space<vmem>> -> memref<1x16x768xf32, #tpu.memory_space<vmem>>
        %swap3A_491 = tpu.memref_squeeze %swap3A_490 : memref<1x16x768xf32, #tpu.memory_space<vmem>> -> memref<16x768xf32, #tpu.memory_space<vmem>>
        %swap3A_492 = arith.index_cast %scan3A_288 : i32 to index
        %swap3A_493 = arith.constant 80 : index
        %swap3A_494 = tpu.vector_load %swap3A_491[%swap3A_492, %swap3A_493] {strides = array<i32>} : memref<16x768xf32, #tpu.memory_space<vmem>>, vector<1x16xf32>,
        %swap3A_495 = vector.shape_cast %swap3A_494 : vector<1x16xf32> to vector<16xf32>
        %swap3A_496 = vector.shape_cast %add3A_487 : vector<16xf32> to vector<1x16xf32>
        tpu.vector_store %swap3A_491[%swap3A_492, %swap3A_493], %swap3A_496 {strides = array<i32>} : memref<16x768xf32, #tpu.memory_space<vmem>>, vector<1x16xf32>,
        %get3A_497 = arith.constant 0 : i32
        %get3A_498 = arith.constant 0 : i32
        %get3A_499 = tpu.memref_slice %arg7[%scan3A_172, %get3A_497, %get3A_498] : memref<2x16x768xf32, #tpu.memory_space<vmem>> -> memref<1x16x768xf32, #tpu.memory_space<vmem>>
        %get3A_500 = tpu.memref_squeeze %get3A_499 : memref<1x16x768xf32, #tpu.memory_space<vmem>> -> memref<16x768xf32, #tpu.memory_space<vmem>>
        %get3A_501 = arith.index_cast %scan3A_288 : i32 to index
        %get3A_502 = arith.constant 96 : index
        %get3A_503 = tpu.vector_load %get3A_500[%get3A_501, %get3A_502] {strides = array<i32>} : memref<16x768xf32, #tpu.memory_space<vmem>>, vector<1x16xf32>,
        %get3A_504 = vector.shape_cast %get3A_503 : vector<1x16xf32> to vector<16xf32>
        %get3A_505 = arith.constant 0 : i32
        %get3A_506 = arith.constant 0 : i32
        %get3A_507 = tpu.memref_slice %arg8[%scan3A_173, %get3A_505, %get3A_506] : memref<2x16x768xf32, #tpu.memory_space<vmem>> -> memref<1x16x768xf32, #tpu.memory_space<vmem>>
        %get3A_508 = tpu.memref_squeeze %get3A_507 : memref<1x16x768xf32, #tpu.memory_space<vmem>> -> memref<16x768xf32, #tpu.memory_space<vmem>>
        %get3A_509 = arith.index_cast %scan3A_288 : i32 to index
        %get3A_510 = arith.constant 96 : index
        %get3A_511 = tpu.vector_load %get3A_508[%get3A_509, %get3A_510] {strides = array<i32>} : memref<16x768xf32, #tpu.memory_space<vmem>>, vector<1x16xf32>,
        %get3A_512 = vector.shape_cast %get3A_511 : vector<1x16xf32> to vector<16xf32>
        %add3A_513 = arith.addf %get3A_504, %get3A_512 : vector<16xf32>
        %get3A_514 = arith.constant 0 : i32
        %get3A_515 = arith.constant 0 : i32
        %get3A_516 = tpu.memref_slice %arg9[%scan3A_174, %get3A_514, %get3A_515] : memref<2x16x768xf32, #tpu.memory_space<vmem>> -> memref<1x16x768xf32, #tpu.memory_space<vmem>>
        %get3A_517 = tpu.memref_squeeze %get3A_516 : memref<1x16x768xf32, #tpu.memory_space<vmem>> -> memref<16x768xf32, #tpu.memory_space<vmem>>
        %get3A_518 = arith.index_cast %scan3A_288 : i32 to index
        %get3A_519 = arith.constant 96 : index
        %get3A_520 = tpu.vector_load %get3A_517[%get3A_518, %get3A_519] {strides = array<i32>} : memref<16x768xf32, #tpu.memory_space<vmem>>, vector<1x16xf32>,
        %get3A_521 = vector.shape_cast %get3A_520 : vector<1x16xf32> to vector<16xf32>
        %add3A_522 = arith.addf %add3A_513, %get3A_521 : vector<16xf32>
        %swap3A_523 = arith.constant 0 : i32
        %swap3A_524 = arith.constant 0 : i32
        %swap3A_525 = tpu.memref_slice %arg10[%scan3A_175, %swap3A_523, %swap3A_524] : memref<2x16x768xf32, #tpu.memory_space<vmem>> -> memref<1x16x768xf32, #tpu.memory_space<vmem>>
        %swap3A_526 = tpu.memref_squeeze %swap3A_525 : memref<1x16x768xf32, #tpu.memory_space<vmem>> -> memref<16x768xf32, #tpu.memory_space<vmem>>
        %swap3A_527 = arith.index_cast %scan3A_288 : i32 to index
        %swap3A_528 = arith.constant 96 : index
        %swap3A_529 = tpu.vector_load %swap3A_526[%swap3A_527, %swap3A_528] {strides = array<i32>} : memref<16x768xf32, #tpu.memory_space<vmem>>, vector<1x16xf32>,
        %swap3A_530 = vector.shape_cast %swap3A_529 : vector<1x16xf32> to vector<16xf32>
        %swap3A_531 = vector.shape_cast %add3A_522 : vector<16xf32> to vector<1x16xf32>
        tpu.vector_store %swap3A_526[%swap3A_527, %swap3A_528], %swap3A_531 {strides = array<i32>} : memref<16x768xf32, #tpu.memory_space<vmem>>, vector<1x16xf32>,
        %get3A_532 = arith.constant 0 : i32
        %get3A_533 = arith.constant 0 : i32
        %get3A_534 = tpu.memref_slice %arg7[%scan3A_172, %get3A_532, %get3A_533] : memref<2x16x768xf32, #tpu.memory_space<vmem>> -> memref<1x16x768xf32, #tpu.memory_space<vmem>>
        %get3A_535 = tpu.memref_squeeze %get3A_534 : memref<1x16x768xf32, #tpu.memory_space<vmem>> -> memref<16x768xf32, #tpu.memory_space<vmem>>
        %get3A_536 = arith.index_cast %scan3A_288 : i32 to index
        %get3A_537 = arith.constant 112 : index
        %get3A_538 = tpu.vector_load %get3A_535[%get3A_536, %get3A_537] {strides = array<i32>} : memref<16x768xf32, #tpu.memory_space<vmem>>, vector<1x16xf32>,
        %get3A_539 = vector.shape_cast %get3A_538 : vector<1x16xf32> to vector<16xf32>
        %get3A_540 = arith.constant 0 : i32
        %get3A_541 = arith.constant 0 : i32
        %get3A_542 = tpu.memref_slice %arg8[%scan3A_173, %get3A_540, %get3A_541] : memref<2x16x768xf32, #tpu.memory_space<vmem>> -> memref<1x16x768xf32, #tpu.memory_space<vmem>>
        %get3A_543 = tpu.memref_squeeze %get3A_542 : memref<1x16x768xf32, #tpu.memory_space<vmem>> -> memref<16x768xf32, #tpu.memory_space<vmem>>
        %get3A_544 = arith.index_cast %scan3A_288 : i32 to index
        %get3A_545 = arith.constant 112 : index
        %get3A_546 = tpu.vector_load %get3A_543[%get3A_544, %get3A_545] {strides = array<i32>} : memref<16x768xf32, #tpu.memory_space<vmem>>, vector<1x16xf32>,
        %get3A_547 = vector.shape_cast %get3A_546 : vector<1x16xf32> to vector<16xf32>
        %add3A_548 = arith.addf %get3A_539, %get3A_547 : vector<16xf32>
        %get3A_549 = arith.constant 0 : i32
        %get3A_550 = arith.constant 0 : i32
        %get3A_551 = tpu.memref_slice %arg9[%scan3A_174, %get3A_549, %get3A_550] : memref<2x16x768xf32, #tpu.memory_space<vmem>> -> memref<1x16x768xf32, #tpu.memory_space<vmem>>
        %get3A_552 = tpu.memref_squeeze %get3A_551 : memref<1x16x768xf32, #tpu.memory_space<vmem>> -> memref<16x768xf32, #tpu.memory_space<vmem>>
        %get3A_553 = arith.index_cast %scan3A_288 : i32 to index
        %get3A_554 = arith.constant 112 : index
        %get3A_555 = tpu.vector_load %get3A_552[%get3A_553, %get3A_554] {strides = array<i32>} : memref<16x768xf32, #tpu.memory_space<vmem>>, vector<1x16xf32>,
        %get3A_556 = vector.shape_cast %get3A_555 : vector<1x16xf32> to vector<16xf32>
        %add3A_557 = arith.addf %add3A_548, %get3A_556 : vector<16xf32>
        %swap3A_558 = arith.constant 0 : i32
        %swap3A_559 = arith.constant 0 : i32
        %swap3A_560 = tpu.memref_slice %arg10[%scan3A_175, %swap3A_558, %swap3A_559] : memref<2x16x768xf32, #tpu.memory_space<vmem>> -> memref<1x16x768xf32, #tpu.memory_space<vmem>>
        %swap3A_561 = tpu.memref_squeeze %swap3A_560 : memref<1x16x768xf32, #tpu.memory_space<vmem>> -> memref<16x768xf32, #tpu.memory_space<vmem>>
        %swap3A_562 = arith.index_cast %scan3A_288 : i32 to index
        %swap3A_563 = arith.constant 112 : index
        %swap3A_564 = tpu.vector_load %swap3A_561[%swap3A_562, %swap3A_563] {strides = array<i32>} : memref<16x768xf32, #tpu.memory_space<vmem>>, vector<1x16xf32>,
        %swap3A_565 = vector.shape_cast %swap3A_564 : vector<1x16xf32> to vector<16xf32>
        %swap3A_566 = vector.shape_cast %add3A_557 : vector<16xf32> to vector<1x16xf32>
        tpu.vector_store %swap3A_561[%swap3A_562, %swap3A_563], %swap3A_566 {strides = array<i32>} : memref<16x768xf32, #tpu.memory_space<vmem>>, vector<1x16xf32>,
        %get3A_567 = arith.constant 0 : i32
        %get3A_568 = arith.constant 0 : i32
        %get3A_569 = tpu.memref_slice %arg7[%scan3A_172, %get3A_567, %get3A_568] : memref<2x16x768xf32, #tpu.memory_space<vmem>> -> memref<1x16x768xf32, #tpu.memory_space<vmem>>
        %get3A_570 = tpu.memref_squeeze %get3A_569 : memref<1x16x768xf32, #tpu.memory_space<vmem>> -> memref<16x768xf32, #tpu.memory_space<vmem>>
        %get3A_571 = arith.index_cast %scan3A_288 : i32 to index
        %get3A_572 = arith.constant 128 : index
        %get3A_573 = tpu.vector_load %get3A_570[%get3A_571, %get3A_572] {strides = array<i32>} : memref<16x768xf32, #tpu.memory_space<vmem>>, vector<1x16xf32>,
        %get3A_574 = vector.shape_cast %get3A_573 : vector<1x16xf32> to vector<16xf32>
        %get3A_575 = arith.constant 0 : i32
        %get3A_576 = arith.constant 0 : i32
        %get3A_577 = tpu.memref_slice %arg8[%scan3A_173, %get3A_575, %get3A_576] : memref<2x16x768xf32, #tpu.memory_space<vmem>> -> memref<1x16x768xf32, #tpu.memory_space<vmem>>
        %get3A_578 = tpu.memref_squeeze %get3A_577 : memref<1x16x768xf32, #tpu.memory_space<vmem>> -> memref<16x768xf32, #tpu.memory_space<vmem>>
        %get3A_579 = arith.index_cast %scan3A_288 : i32 to index
        %get3A_580 = arith.constant 128 : index
        %get3A_581 = tpu.vector_load %get3A_578[%get3A_579, %get3A_580] {strides = array<i32>} : memref<16x768xf32, #tpu.memory_space<vmem>>, vector<1x16xf32>,
        %get3A_582 = vector.shape_cast %get3A_581 : vector<1x16xf32> to vector<16xf32>
        %add3A_583 = arith.addf %get3A_574, %get3A_582 : vector<16xf32>
        %get3A_584 = arith.constant 0 : i32
        %get3A_585 = arith.constant 0 : i32
        %get3A_586 = tpu.memref_slice %arg9[%scan3A_174, %get3A_584, %get3A_585] : memref<2x16x768xf32, #tpu.memory_space<vmem>> -> memref<1x16x768xf32, #tpu.memory_space<vmem>>
        %get3A_587 = tpu.memref_squeeze %get3A_586 : memref<1x16x768xf32, #tpu.memory_space<vmem>> -> memref<16x768xf32, #tpu.memory_space<vmem>>
        %get3A_588 = arith.index_cast %scan3A_288 : i32 to index
        %get3A_589 = arith.constant 128 : index
        %get3A_590 = tpu.vector_load %get3A_587[%get3A_588, %get3A_589] {strides = array<i32>} : memref<16x768xf32, #tpu.memory_space<vmem>>, vector<1x16xf32>,
        %get3A_591 = vector.shape_cast %get3A_590 : vector<1x16xf32> to vector<16xf32>
        %add3A_592 = arith.addf %add3A_583, %get3A_591 : vector<16xf32>
        %swap3A_593 = arith.constant 0 : i32
        %swap3A_594 = arith.constant 0 : i32
        %swap3A_595 = tpu.memref_slice %arg10[%scan3A_175, %swap3A_593, %swap3A_594] : memref<2x16x768xf32, #tpu.memory_space<vmem>> -> memref<1x16x768xf32, #tpu.memory_space<vmem>>
        %swap3A_596 = tpu.memref_squeeze %swap3A_595 : memref<1x16x768xf32, #tpu.memory_space<vmem>> -> memref<16x768xf32, #tpu.memory_space<vmem>>
        %swap3A_597 = arith.index_cast %scan3A_288 : i32 to index
        %swap3A_598 = arith.constant 128 : index
        %swap3A_599 = tpu.vector_load %swap3A_596[%swap3A_597, %swap3A_598] {strides = array<i32>} : memref<16x768xf32, #tpu.memory_space<vmem>>, vector<1x16xf32>,
        %swap3A_600 = vector.shape_cast %swap3A_599 : vector<1x16xf32> to vector<16xf32>
        %swap3A_601 = vector.shape_cast %add3A_592 : vector<16xf32> to vector<1x16xf32>
        tpu.vector_store %swap3A_596[%swap3A_597, %swap3A_598], %swap3A_601 {strides = array<i32>} : memref<16x768xf32, #tpu.memory_space<vmem>>, vector<1x16xf32>,
        %get3A_602 = arith.constant 0 : i32
        %get3A_603 = arith.constant 0 : i32
        %get3A_604 = tpu.memref_slice %arg7[%scan3A_172, %get3A_602, %get3A_603] : memref<2x16x768xf32, #tpu.memory_space<vmem>> -> memref<1x16x768xf32, #tpu.memory_space<vmem>>
        %get3A_605 = tpu.memref_squeeze %get3A_604 : memref<1x16x768xf32, #tpu.memory_space<vmem>> -> memref<16x768xf32, #tpu.memory_space<vmem>>
        %get3A_606 = arith.index_cast %scan3A_288 : i32 to index
        %get3A_607 = arith.constant 144 : index
        %get3A_608 = tpu.vector_load %get3A_605[%get3A_606, %get3A_607] {strides = array<i32>} : memref<16x768xf32, #tpu.memory_space<vmem>>, vector<1x16xf32>,
        %get3A_609 = vector.shape_cast %get3A_608 : vector<1x16xf32> to vector<16xf32>
        %get3A_610 = arith.constant 0 : i32
        %get3A_611 = arith.constant 0 : i32
        %get3A_612 = tpu.memref_slice %arg8[%scan3A_173, %get3A_610, %get3A_611] : memref<2x16x768xf32, #tpu.memory_space<vmem>> -> memref<1x16x768xf32, #tpu.memory_space<vmem>>
        %get3A_613 = tpu.memref_squeeze %get3A_612 : memref<1x16x768xf32, #tpu.memory_space<vmem>> -> memref<16x768xf32, #tpu.memory_space<vmem>>
        %get3A_614 = arith.index_cast %scan3A_288 : i32 to index
        %get3A_615 = arith.constant 144 : index
        %get3A_616 = tpu.vector_load %get3A_613[%get3A_614, %get3A_615] {strides = array<i32>} : memref<16x768xf32, #tpu.memory_space<vmem>>, vector<1x16xf32>,
        %get3A_617 = vector.shape_cast %get3A_616 : vector<1x16xf32> to vector<16xf32>
        %add3A_618 = arith.addf %get3A_609, %get3A_617 : vector<16xf32>
        %get3A_619 = arith.constant 0 : i32
        %get3A_620 = arith.constant 0 : i32
        %get3A_621 = tpu.memref_slice %arg9[%scan3A_174, %get3A_619, %get3A_620] : memref<2x16x768xf32, #tpu.memory_space<vmem>> -> memref<1x16x768xf32, #tpu.memory_space<vmem>>
        %get3A_622 = tpu.memref_squeeze %get3A_621 : memref<1x16x768xf32, #tpu.memory_space<vmem>> -> memref<16x768xf32, #tpu.memory_space<vmem>>
        %get3A_623 = arith.index_cast %scan3A_288 : i32 to index
        %get3A_624 = arith.constant 144 : index
        %get3A_625 = tpu.vector_load %get3A_622[%get3A_623, %get3A_624] {strides = array<i32>} : memref<16x768xf32, #tpu.memory_space<vmem>>, vector<1x16xf32>,
        %get3A_626 = vector.shape_cast %get3A_625 : vector<1x16xf32> to vector<16xf32>
        %add3A_627 = arith.addf %add3A_618, %get3A_626 : vector<16xf32>
        %swap3A_628 = arith.constant 0 : i32
        %swap3A_629 = arith.constant 0 : i32
        %swap3A_630 = tpu.memref_slice %arg10[%scan3A_175, %swap3A_628, %swap3A_629] : memref<2x16x768xf32, #tpu.memory_space<vmem>> -> memref<1x16x768xf32, #tpu.memory_space<vmem>>
        %swap3A_631 = tpu.memref_squeeze %swap3A_630 : memref<1x16x768xf32, #tpu.memory_space<vmem>> -> memref<16x768xf32, #tpu.memory_space<vmem>>
        %swap3A_632 = arith.index_cast %scan3A_288 : i32 to index
        %swap3A_633 = arith.constant 144 : index
        %swap3A_634 = tpu.vector_load %swap3A_631[%swap3A_632, %swap3A_633] {strides = array<i32>} : memref<16x768xf32, #tpu.memory_space<vmem>>, vector<1x16xf32>,
        %swap3A_635 = vector.shape_cast %swap3A_634 : vector<1x16xf32> to vector<16xf32>
        %swap3A_636 = vector.shape_cast %add3A_627 : vector<16xf32> to vector<1x16xf32>
        tpu.vector_store %swap3A_631[%swap3A_632, %swap3A_633], %swap3A_636 {strides = array<i32>} : memref<16x768xf32, #tpu.memory_space<vmem>>, vector<1x16xf32>,
        %get3A_637 = arith.constant 0 : i32
        %get3A_638 = arith.constant 0 : i32
        %get3A_639 = tpu.memref_slice %arg7[%scan3A_172, %get3A_637, %get3A_638] : memref<2x16x768xf32, #tpu.memory_space<vmem>> -> memref<1x16x768xf32, #tpu.memory_space<vmem>>
        %get3A_640 = tpu.memref_squeeze %get3A_639 : memref<1x16x768xf32, #tpu.memory_space<vmem>> -> memref<16x768xf32, #tpu.memory_space<vmem>>
        %get3A_641 = arith.index_cast %scan3A_288 : i32 to index
        %get3A_642 = arith.constant 160 : index
        %get3A_643 = tpu.vector_load %get3A_640[%get3A_641, %get3A_642] {strides = array<i32>} : memref<16x768xf32, #tpu.memory_space<vmem>>, vector<1x16xf32>,
        %get3A_644 = vector.shape_cast %get3A_643 : vector<1x16xf32> to vector<16xf32>
        %get3A_645 = arith.constant 0 : i32
        %get3A_646 = arith.constant 0 : i32
        %get3A_647 = tpu.memref_slice %arg8[%scan3A_173, %get3A_645, %get3A_646] : memref<2x16x768xf32, #tpu.memory_space<vmem>> -> memref<1x16x768xf32, #tpu.memory_space<vmem>>
        %get3A_648 = tpu.memref_squeeze %get3A_647 : memref<1x16x768xf32, #tpu.memory_space<vmem>> -> memref<16x768xf32, #tpu.memory_space<vmem>>
        %get3A_649 = arith.index_cast %scan3A_288 : i32 to index
        %get3A_650 = arith.constant 160 : index
        %get3A_651 = tpu.vector_load %get3A_648[%get3A_649, %get3A_650] {strides = array<i32>} : memref<16x768xf32, #tpu.memory_space<vmem>>, vector<1x16xf32>,
        %get3A_652 = vector.shape_cast %get3A_651 : vector<1x16xf32> to vector<16xf32>
        %add3A_653 = arith.addf %get3A_644, %get3A_652 : vector<16xf32>
        %get3A_654 = arith.constant 0 : i32
        %get3A_655 = arith.constant 0 : i32
        %get3A_656 = tpu.memref_slice %arg9[%scan3A_174, %get3A_654, %get3A_655] : memref<2x16x768xf32, #tpu.memory_space<vmem>> -> memref<1x16x768xf32, #tpu.memory_space<vmem>>
        %get3A_657 = tpu.memref_squeeze %get3A_656 : memref<1x16x768xf32, #tpu.memory_space<vmem>> -> memref<16x768xf32, #tpu.memory_space<vmem>>
        %get3A_658 = arith.index_cast %scan3A_288 : i32 to index
        %get3A_659 = arith.constant 160 : index
        %get3A_660 = tpu.vector_load %get3A_657[%get3A_658, %get3A_659] {strides = array<i32>} : memref<16x768xf32, #tpu.memory_space<vmem>>, vector<1x16xf32>,
        %get3A_661 = vector.shape_cast %get3A_660 : vector<1x16xf32> to vector<16xf32>
        %add3A_662 = arith.addf %add3A_653, %get3A_661 : vector<16xf32>
        %swap3A_663 = arith.constant 0 : i32
        %swap3A_664 = arith.constant 0 : i32
        %swap3A_665 = tpu.memref_slice %arg10[%scan3A_175, %swap3A_663, %swap3A_664] : memref<2x16x768xf32, #tpu.memory_space<vmem>> -> memref<1x16x768xf32, #tpu.memory_space<vmem>>
        %swap3A_666 = tpu.memref_squeeze %swap3A_665 : memref<1x16x768xf32, #tpu.memory_space<vmem>> -> memref<16x768xf32, #tpu.memory_space<vmem>>
        %swap3A_667 = arith.index_cast %scan3A_288 : i32 to index
        %swap3A_668 = arith.constant 160 : index
        %swap3A_669 = tpu.vector_load %swap3A_666[%swap3A_667, %swap3A_668] {strides = array<i32>} : memref<16x768xf32, #tpu.memory_space<vmem>>, vector<1x16xf32>,
        %swap3A_670 = vector.shape_cast %swap3A_669 : vector<1x16xf32> to vector<16xf32>
        %swap3A_671 = vector.shape_cast %add3A_662 : vector<16xf32> to vector<1x16xf32>
        tpu.vector_store %swap3A_666[%swap3A_667, %swap3A_668], %swap3A_671 {strides = array<i32>} : memref<16x768xf32, #tpu.memory_space<vmem>>, vector<1x16xf32>,
        %get3A_672 = arith.constant 0 : i32
        %get3A_673 = arith.constant 0 : i32
        %get3A_674 = tpu.memref_slice %arg7[%scan3A_172, %get3A_672, %get3A_673] : memref<2x16x768xf32, #tpu.memory_space<vmem>> -> memref<1x16x768xf32, #tpu.memory_space<vmem>>
        %get3A_675 = tpu.memref_squeeze %get3A_674 : memref<1x16x768xf32, #tpu.memory_space<vmem>> -> memref<16x768xf32, #tpu.memory_space<vmem>>
        %get3A_676 = arith.index_cast %scan3A_288 : i32 to index
        %get3A_677 = arith.constant 176 : index
        %get3A_678 = tpu.vector_load %get3A_675[%get3A_676, %get3A_677] {strides = array<i32>} : memref<16x768xf32, #tpu.memory_space<vmem>>, vector<1x16xf32>,
        %get3A_679 = vector.shape_cast %get3A_678 : vector<1x16xf32> to vector<16xf32>
        %get3A_680 = arith.constant 0 : i32
        %get3A_681 = arith.constant 0 : i32
        %get3A_682 = tpu.memref_slice %arg8[%scan3A_173, %get3A_680, %get3A_681] : memref<2x16x768xf32, #tpu.memory_space<vmem>> -> memref<1x16x768xf32, #tpu.memory_space<vmem>>
        %get3A_683 = tpu.memref_squeeze %get3A_682 : memref<1x16x768xf32, #tpu.memory_space<vmem>> -> memref<16x768xf32, #tpu.memory_space<vmem>>
        %get3A_684 = arith.index_cast %scan3A_288 : i32 to index
        %get3A_685 = arith.constant 176 : index
        %get3A_686 = tpu.vector_load %get3A_683[%get3A_684, %get3A_685] {strides = array<i32>} : memref<16x768xf32, #tpu.memory_space<vmem>>, vector<1x16xf32>,
        %get3A_687 = vector.shape_cast %get3A_686 : vector<1x16xf32> to vector<16xf32>
        %add3A_688 = arith.addf %get3A_679, %get3A_687 : vector<16xf32>
        %get3A_689 = arith.constant 0 : i32
        %get3A_690 = arith.constant 0 : i32
        %get3A_691 = tpu.memref_slice %arg9[%scan3A_174, %get3A_689, %get3A_690] : memref<2x16x768xf32, #tpu.memory_space<vmem>> -> memref<1x16x768xf32, #tpu.memory_space<vmem>>
        %get3A_692 = tpu.memref_squeeze %get3A_691 : memref<1x16x768xf32, #tpu.memory_space<vmem>> -> memref<16x768xf32, #tpu.memory_space<vmem>>
        %get3A_693 = arith.index_cast %scan3A_288 : i32 to index
        %get3A_694 = arith.constant 176 : index
        %get3A_695 = tpu.vector_load %get3A_692[%get3A_693, %get3A_694] {strides = array<i32>} : memref<16x768xf32, #tpu.memory_space<vmem>>, vector<1x16xf32>,
        %get3A_696 = vector.shape_cast %get3A_695 : vector<1x16xf32> to vector<16xf32>
        %add3A_697 = arith.addf %add3A_688, %get3A_696 : vector<16xf32>
        %swap3A_698 = arith.constant 0 : i32
        %swap3A_699 = arith.constant 0 : i32
        %swap3A_700 = tpu.memref_slice %arg10[%scan3A_175, %swap3A_698, %swap3A_699] : memref<2x16x768xf32, #tpu.memory_space<vmem>> -> memref<1x16x768xf32, #tpu.memory_space<vmem>>
        %swap3A_701 = tpu.memref_squeeze %swap3A_700 : memref<1x16x768xf32, #tpu.memory_space<vmem>> -> memref<16x768xf32, #tpu.memory_space<vmem>>
        %swap3A_702 = arith.index_cast %scan3A_288 : i32 to index
        %swap3A_703 = arith.constant 176 : index
        %swap3A_704 = tpu.vector_load %swap3A_701[%swap3A_702, %swap3A_703] {strides = array<i32>} : memref<16x768xf32, #tpu.memory_space<vmem>>, vector<1x16xf32>,
        %swap3A_705 = vector.shape_cast %swap3A_704 : vector<1x16xf32> to vector<16xf32>
        %swap3A_706 = vector.shape_cast %add3A_697 : vector<16xf32> to vector<1x16xf32>
        tpu.vector_store %swap3A_701[%swap3A_702, %swap3A_703], %swap3A_706 {strides = array<i32>} : memref<16x768xf32, #tpu.memory_space<vmem>>, vector<1x16xf32>,
        %get3A_707 = arith.constant 0 : i32
        %get3A_708 = arith.constant 0 : i32
        %get3A_709 = tpu.memref_slice %arg7[%scan3A_172, %get3A_707, %get3A_708] : memref<2x16x768xf32, #tpu.memory_space<vmem>> -> memref<1x16x768xf32, #tpu.memory_space<vmem>>
        %get3A_710 = tpu.memref_squeeze %get3A_709 : memref<1x16x768xf32, #tpu.memory_space<vmem>> -> memref<16x768xf32, #tpu.memory_space<vmem>>
        %get3A_711 = arith.index_cast %scan3A_288 : i32 to index
        %get3A_712 = arith.constant 192 : index
        %get3A_713 = tpu.vector_load %get3A_710[%get3A_711, %get3A_712] {strides = array<i32>} : memref<16x768xf32, #tpu.memory_space<vmem>>, vector<1x16xf32>,
        %get3A_714 = vector.shape_cast %get3A_713 : vector<1x16xf32> to vector<16xf32>
        %get3A_715 = arith.constant 0 : i32
        %get3A_716 = arith.constant 0 : i32
        %get3A_717 = tpu.memref_slice %arg8[%scan3A_173, %get3A_715, %get3A_716] : memref<2x16x768xf32, #tpu.memory_space<vmem>> -> memref<1x16x768xf32, #tpu.memory_space<vmem>>
        %get3A_718 = tpu.memref_squeeze %get3A_717 : memref<1x16x768xf32, #tpu.memory_space<vmem>> -> memref<16x768xf32, #tpu.memory_space<vmem>>
        %get3A_719 = arith.index_cast %scan3A_288 : i32 to index
        %get3A_720 = arith.constant 192 : index
        %get3A_721 = tpu.vector_load %get3A_718[%get3A_719, %get3A_720] {strides = array<i32>} : memref<16x768xf32, #tpu.memory_space<vmem>>, vector<1x16xf32>,
        %get3A_722 = vector.shape_cast %get3A_721 : vector<1x16xf32> to vector<16xf32>
        %add3A_723 = arith.addf %get3A_714, %get3A_722 : vector<16xf32>
        %get3A_724 = arith.constant 0 : i32
        %get3A_725 = arith.constant 0 : i32
        %get3A_726 = tpu.memref_slice %arg9[%scan3A_174, %get3A_724, %get3A_725] : memref<2x16x768xf32, #tpu.memory_space<vmem>> -> memref<1x16x768xf32, #tpu.memory_space<vmem>>
        %get3A_727 = tpu.memref_squeeze %get3A_726 : memref<1x16x768xf32, #tpu.memory_space<vmem>> -> memref<16x768xf32, #tpu.memory_space<vmem>>
        %get3A_728 = arith.index_cast %scan3A_288 : i32 to index
        %get3A_729 = arith.constant 192 : index
        %get3A_730 = tpu.vector_load %get3A_727[%get3A_728, %get3A_729] {strides = array<i32>} : memref<16x768xf32, #tpu.memory_space<vmem>>, vector<1x16xf32>,
        %get3A_731 = vector.shape_cast %get3A_730 : vector<1x16xf32> to vector<16xf32>
        %add3A_732 = arith.addf %add3A_723, %get3A_731 : vector<16xf32>
        %swap3A_733 = arith.constant 0 : i32
        %swap3A_734 = arith.constant 0 : i32
        %swap3A_735 = tpu.memref_slice %arg10[%scan3A_175, %swap3A_733, %swap3A_734] : memref<2x16x768xf32, #tpu.memory_space<vmem>> -> memref<1x16x768xf32, #tpu.memory_space<vmem>>
        %swap3A_736 = tpu.memref_squeeze %swap3A_735 : memref<1x16x768xf32, #tpu.memory_space<vmem>> -> memref<16x768xf32, #tpu.memory_space<vmem>>
        %swap3A_737 = arith.index_cast %scan3A_288 : i32 to index
        %swap3A_738 = arith.constant 192 : index
        %swap3A_739 = tpu.vector_load %swap3A_736[%swap3A_737, %swap3A_738] {strides = array<i32>} : memref<16x768xf32, #tpu.memory_space<vmem>>, vector<1x16xf32>,
        %swap3A_740 = vector.shape_cast %swap3A_739 : vector<1x16xf32> to vector<16xf32>
        %swap3A_741 = vector.shape_cast %add3A_732 : vector<16xf32> to vector<1x16xf32>
        tpu.vector_store %swap3A_736[%swap3A_737, %swap3A_738], %swap3A_741 {strides = array<i32>} : memref<16x768xf32, #tpu.memory_space<vmem>>, vector<1x16xf32>,
        %get3A_742 = arith.constant 0 : i32
        %get3A_743 = arith.constant 0 : i32
        %get3A_744 = tpu.memref_slice %arg7[%scan3A_172, %get3A_742, %get3A_743] : memref<2x16x768xf32, #tpu.memory_space<vmem>> -> memref<1x16x768xf32, #tpu.memory_space<vmem>>
        %get3A_745 = tpu.memref_squeeze %get3A_744 : memref<1x16x768xf32, #tpu.memory_space<vmem>> -> memref<16x768xf32, #tpu.memory_space<vmem>>
        %get3A_746 = arith.index_cast %scan3A_288 : i32 to index
        %get3A_747 = arith.constant 208 : index
        %get3A_748 = tpu.vector_load %get3A_745[%get3A_746, %get3A_747] {strides = array<i32>} : memref<16x768xf32, #tpu.memory_space<vmem>>, vector<1x16xf32>,
        %get3A_749 = vector.shape_cast %get3A_748 : vector<1x16xf32> to vector<16xf32>
        %get3A_750 = arith.constant 0 : i32
        %get3A_751 = arith.constant 0 : i32
        %get3A_752 = tpu.memref_slice %arg8[%scan3A_173, %get3A_750, %get3A_751] : memref<2x16x768xf32, #tpu.memory_space<vmem>> -> memref<1x16x768xf32, #tpu.memory_space<vmem>>
        %get3A_753 = tpu.memref_squeeze %get3A_752 : memref<1x16x768xf32, #tpu.memory_space<vmem>> -> memref<16x768xf32, #tpu.memory_space<vmem>>
        %get3A_754 = arith.index_cast %scan3A_288 : i32 to index
        %get3A_755 = arith.constant 208 : index
        %get3A_756 = tpu.vector_load %get3A_753[%get3A_754, %get3A_755] {strides = array<i32>} : memref<16x768xf32, #tpu.memory_space<vmem>>, vector<1x16xf32>,
        %get3A_757 = vector.shape_cast %get3A_756 : vector<1x16xf32> to vector<16xf32>
        %add3A_758 = arith.addf %get3A_749, %get3A_757 : vector<16xf32>
        %get3A_759 = arith.constant 0 : i32
        %get3A_760 = arith.constant 0 : i32
        %get3A_761 = tpu.memref_slice %arg9[%scan3A_174, %get3A_759, %get3A_760] : memref<2x16x768xf32, #tpu.memory_space<vmem>> -> memref<1x16x768xf32, #tpu.memory_space<vmem>>
        %get3A_762 = tpu.memref_squeeze %get3A_761 : memref<1x16x768xf32, #tpu.memory_space<vmem>> -> memref<16x768xf32, #tpu.memory_space<vmem>>
        %get3A_763 = arith.index_cast %scan3A_288 : i32 to index
        %get3A_764 = arith.constant 208 : index
        %get3A_765 = tpu.vector_load %get3A_762[%get3A_763, %get3A_764] {strides = array<i32>} : memref<16x768xf32, #tpu.memory_space<vmem>>, vector<1x16xf32>,
        %get3A_766 = vector.shape_cast %get3A_765 : vector<1x16xf32> to vector<16xf32>
        %add3A_767 = arith.addf %add3A_758, %get3A_766 : vector<16xf32>
        %swap3A_768 = arith.constant 0 : i32
        %swap3A_769 = arith.constant 0 : i32
        %swap3A_770 = tpu.memref_slice %arg10[%scan3A_175, %swap3A_768, %swap3A_769] : memref<2x16x768xf32, #tpu.memory_space<vmem>> -> memref<1x16x768xf32, #tpu.memory_space<vmem>>
        %swap3A_771 = tpu.memref_squeeze %swap3A_770 : memref<1x16x768xf32, #tpu.memory_space<vmem>> -> memref<16x768xf32, #tpu.memory_space<vmem>>
        %swap3A_772 = arith.index_cast %scan3A_288 : i32 to index
        %swap3A_773 = arith.constant 208 : index
        %swap3A_774 = tpu.vector_load %swap3A_771[%swap3A_772, %swap3A_773] {strides = array<i32>} : memref<16x768xf32, #tpu.memory_space<vmem>>, vector<1x16xf32>,
        %swap3A_775 = vector.shape_cast %swap3A_774 : vector<1x16xf32> to vector<16xf32>
        %swap3A_776 = vector.shape_cast %add3A_767 : vector<16xf32> to vector<1x16xf32>
        tpu.vector_store %swap3A_771[%swap3A_772, %swap3A_773], %swap3A_776 {strides = array<i32>} : memref<16x768xf32, #tpu.memory_space<vmem>>, vector<1x16xf32>,
        %get3A_777 = arith.constant 0 : i32
        %get3A_778 = arith.constant 0 : i32
        %get3A_779 = tpu.memref_slice %arg7[%scan3A_172, %get3A_777, %get3A_778] : memref<2x16x768xf32, #tpu.memory_space<vmem>> -> memref<1x16x768xf32, #tpu.memory_space<vmem>>
        %get3A_780 = tpu.memref_squeeze %get3A_779 : memref<1x16x768xf32, #tpu.memory_space<vmem>> -> memref<16x768xf32, #tpu.memory_space<vmem>>
        %get3A_781 = arith.index_cast %scan3A_288 : i32 to index
        %get3A_782 = arith.constant 224 : index
        %get3A_783 = tpu.vector_load %get3A_780[%get3A_781, %get3A_782] {strides = array<i32>} : memref<16x768xf32, #tpu.memory_space<vmem>>, vector<1x16xf32>,
        %get3A_784 = vector.shape_cast %get3A_783 : vector<1x16xf32> to vector<16xf32>
        %get3A_785 = arith.constant 0 : i32
        %get3A_786 = arith.constant 0 : i32
        %get3A_787 = tpu.memref_slice %arg8[%scan3A_173, %get3A_785, %get3A_786] : memref<2x16x768xf32, #tpu.memory_space<vmem>> -> memref<1x16x768xf32, #tpu.memory_space<vmem>>
        %get3A_788 = tpu.memref_squeeze %get3A_787 : memref<1x16x768xf32, #tpu.memory_space<vmem>> -> memref<16x768xf32, #tpu.memory_space<vmem>>
        %get3A_789 = arith.index_cast %scan3A_288 : i32 to index
        %get3A_790 = arith.constant 224 : index
        %get3A_791 = tpu.vector_load %get3A_788[%get3A_789, %get3A_790] {strides = array<i32>} : memref<16x768xf32, #tpu.memory_space<vmem>>, vector<1x16xf32>,
        %get3A_792 = vector.shape_cast %get3A_791 : vector<1x16xf32> to vector<16xf32>
        %add3A_793 = arith.addf %get3A_784, %get3A_792 : vector<16xf32>
        %get3A_794 = arith.constant 0 : i32
        %get3A_795 = arith.constant 0 : i32
        %get3A_796 = tpu.memref_slice %arg9[%scan3A_174, %get3A_794, %get3A_795] : memref<2x16x768xf32, #tpu.memory_space<vmem>> -> memref<1x16x768xf32, #tpu.memory_space<vmem>>
        %get3A_797 = tpu.memref_squeeze %get3A_796 : memref<1x16x768xf32, #tpu.memory_space<vmem>> -> memref<16x768xf32, #tpu.memory_space<vmem>>
        %get3A_798 = arith.index_cast %scan3A_288 : i32 to index
        %get3A_799 = arith.constant 224 : index
        %get3A_800 = tpu.vector_load %get3A_797[%get3A_798, %get3A_799] {strides = array<i32>} : memref<16x768xf32, #tpu.memory_space<vmem>>, vector<1x16xf32>,
        %get3A_801 = vector.shape_cast %get3A_800 : vector<1x16xf32> to vector<16xf32>
        %add3A_802 = arith.addf %add3A_793, %get3A_801 : vector<16xf32>
        %swap3A_803 = arith.constant 0 : i32
        %swap3A_804 = arith.constant 0 : i32
        %swap3A_805 = tpu.memref_slice %arg10[%scan3A_175, %swap3A_803, %swap3A_804] : memref<2x16x768xf32, #tpu.memory_space<vmem>> -> memref<1x16x768xf32, #tpu.memory_space<vmem>>
        %swap3A_806 = tpu.memref_squeeze %swap3A_805 : memref<1x16x768xf32, #tpu.memory_space<vmem>> -> memref<16x768xf32, #tpu.memory_space<vmem>>
        %swap3A_807 = arith.index_cast %scan3A_288 : i32 to index
        %swap3A_808 = arith.constant 224 : index
        %swap3A_809 = tpu.vector_load %swap3A_806[%swap3A_807, %swap3A_808] {strides = array<i32>} : memref<16x768xf32, #tpu.memory_space<vmem>>, vector<1x16xf32>,
        %swap3A_810 = vector.shape_cast %swap3A_809 : vector<1x16xf32> to vector<16xf32>
        %swap3A_811 = vector.shape_cast %add3A_802 : vector<16xf32> to vector<1x16xf32>
        tpu.vector_store %swap3A_806[%swap3A_807, %swap3A_808], %swap3A_811 {strides = array<i32>} : memref<16x768xf32, #tpu.memory_space<vmem>>, vector<1x16xf32>,
        %get3A_812 = arith.constant 0 : i32
        %get3A_813 = arith.constant 0 : i32
        %get3A_814 = tpu.memref_slice %arg7[%scan3A_172, %get3A_812, %get3A_813] : memref<2x16x768xf32, #tpu.memory_space<vmem>> -> memref<1x16x768xf32, #tpu.memory_space<vmem>>
        %get3A_815 = tpu.memref_squeeze %get3A_814 : memref<1x16x768xf32, #tpu.memory_space<vmem>> -> memref<16x768xf32, #tpu.memory_space<vmem>>
        %get3A_816 = arith.index_cast %scan3A_288 : i32 to index
        %get3A_817 = arith.constant 240 : index
        %get3A_818 = tpu.vector_load %get3A_815[%get3A_816, %get3A_817] {strides = array<i32>} : memref<16x768xf32, #tpu.memory_space<vmem>>, vector<1x16xf32>,
        %get3A_819 = vector.shape_cast %get3A_818 : vector<1x16xf32> to vector<16xf32>
        %get3A_820 = arith.constant 0 : i32
        %get3A_821 = arith.constant 0 : i32
        %get3A_822 = tpu.memref_slice %arg8[%scan3A_173, %get3A_820, %get3A_821] : memref<2x16x768xf32, #tpu.memory_space<vmem>> -> memref<1x16x768xf32, #tpu.memory_space<vmem>>
        %get3A_823 = tpu.memref_squeeze %get3A_822 : memref<1x16x768xf32, #tpu.memory_space<vmem>> -> memref<16x768xf32, #tpu.memory_space<vmem>>
        %get3A_824 = arith.index_cast %scan3A_288 : i32 to index
        %get3A_825 = arith.constant 240 : index
        %get3A_826 = tpu.vector_load %get3A_823[%get3A_824, %get3A_825] {strides = array<i32>} : memref<16x768xf32, #tpu.memory_space<vmem>>, vector<1x16xf32>,
        %get3A_827 = vector.shape_cast %get3A_826 : vector<1x16xf32> to vector<16xf32>
        %add3A_828 = arith.addf %get3A_819, %get3A_827 : vector<16xf32>
        %get3A_829 = arith.constant 0 : i32
        %get3A_830 = arith.constant 0 : i32
        %get3A_831 = tpu.memref_slice %arg9[%scan3A_174, %get3A_829, %get3A_830] : memref<2x16x768xf32, #tpu.memory_space<vmem>> -> memref<1x16x768xf32, #tpu.memory_space<vmem>>
        %get3A_832 = tpu.memref_squeeze %get3A_831 : memref<1x16x768xf32, #tpu.memory_space<vmem>> -> memref<16x768xf32, #tpu.memory_space<vmem>>
        %get3A_833 = arith.index_cast %scan3A_288 : i32 to index
        %get3A_834 = arith.constant 240 : index
        %get3A_835 = tpu.vector_load %get3A_832[%get3A_833, %get3A_834] {strides = array<i32>} : memref<16x768xf32, #tpu.memory_space<vmem>>, vector<1x16xf32>,
        %get3A_836 = vector.shape_cast %get3A_835 : vector<1x16xf32> to vector<16xf32>
        %add3A_837 = arith.addf %add3A_828, %get3A_836 : vector<16xf32>
        %swap3A_838 = arith.constant 0 : i32
        %swap3A_839 = arith.constant 0 : i32
        %swap3A_840 = tpu.memref_slice %arg10[%scan3A_175, %swap3A_838, %swap3A_839] : memref<2x16x768xf32, #tpu.memory_space<vmem>> -> memref<1x16x768xf32, #tpu.memory_space<vmem>>
        %swap3A_841 = tpu.memref_squeeze %swap3A_840 : memref<1x16x768xf32, #tpu.memory_space<vmem>> -> memref<16x768xf32, #tpu.memory_space<vmem>>
        %swap3A_842 = arith.index_cast %scan3A_288 : i32 to index
        %swap3A_843 = arith.constant 240 : index
        %swap3A_844 = tpu.vector_load %swap3A_841[%swap3A_842, %swap3A_843] {strides = array<i32>} : memref<16x768xf32, #tpu.memory_space<vmem>>, vector<1x16xf32>,
        %swap3A_845 = vector.shape_cast %swap3A_844 : vector<1x16xf32> to vector<16xf32>
        %swap3A_846 = vector.shape_cast %add3A_837 : vector<16xf32> to vector<1x16xf32>
        tpu.vector_store %swap3A_841[%swap3A_842, %swap3A_843], %swap3A_846 {strides = array<i32>} : memref<16x768xf32, #tpu.memory_space<vmem>>, vector<1x16xf32>,
        %get3A_847 = arith.constant 0 : i32
        %get3A_848 = arith.constant 0 : i32
        %get3A_849 = tpu.memref_slice %arg7[%scan3A_172, %get3A_847, %get3A_848] : memref<2x16x768xf32, #tpu.memory_space<vmem>> -> memref<1x16x768xf32, #tpu.memory_space<vmem>>
        %get3A_850 = tpu.memref_squeeze %get3A_849 : memref<1x16x768xf32, #tpu.memory_space<vmem>> -> memref<16x768xf32, #tpu.memory_space<vmem>>
        %get3A_851 = arith.index_cast %scan3A_288 : i32 to index
        %get3A_852 = arith.constant 256 : index
        %get3A_853 = tpu.vector_load %get3A_850[%get3A_851, %get3A_852] {strides = array<i32>} : memref<16x768xf32, #tpu.memory_space<vmem>>, vector<1x16xf32>,
        %get3A_854 = vector.shape_cast %get3A_853 : vector<1x16xf32> to vector<16xf32>
        %get3A_855 = arith.constant 0 : i32
        %get3A_856 = arith.constant 0 : i32
        %get3A_857 = tpu.memref_slice %arg8[%scan3A_173, %get3A_855, %get3A_856] : memref<2x16x768xf32, #tpu.memory_space<vmem>> -> memref<1x16x768xf32, #tpu.memory_space<vmem>>
        %get3A_858 = tpu.memref_squeeze %get3A_857 : memref<1x16x768xf32, #tpu.memory_space<vmem>> -> memref<16x768xf32, #tpu.memory_space<vmem>>
        %get3A_859 = arith.index_cast %scan3A_288 : i32 to index
        %get3A_860 = arith.constant 256 : index
        %get3A_861 = tpu.vector_load %get3A_858[%get3A_859, %get3A_860] {strides = array<i32>} : memref<16x768xf32, #tpu.memory_space<vmem>>, vector<1x16xf32>,
        %get3A_862 = vector.shape_cast %get3A_861 : vector<1x16xf32> to vector<16xf32>
        %add3A_863 = arith.addf %get3A_854, %get3A_862 : vector<16xf32>
        %get3A_864 = arith.constant 0 : i32
        %get3A_865 = arith.constant 0 : i32
        %get3A_866 = tpu.memref_slice %arg9[%scan3A_174, %get3A_864, %get3A_865] : memref<2x16x768xf32, #tpu.memory_space<vmem>> -> memref<1x16x768xf32, #tpu.memory_space<vmem>>
        %get3A_867 = tpu.memref_squeeze %get3A_866 : memref<1x16x768xf32, #tpu.memory_space<vmem>> -> memref<16x768xf32, #tpu.memory_space<vmem>>
        %get3A_868 = arith.index_cast %scan3A_288 : i32 to index
        %get3A_869 = arith.constant 256 : index
        %get3A_870 = tpu.vector_load %get3A_867[%get3A_868, %get3A_869] {strides = array<i32>} : memref<16x768xf32, #tpu.memory_space<vmem>>, vector<1x16xf32>,
        %get3A_871 = vector.shape_cast %get3A_870 : vector<1x16xf32> to vector<16xf32>
        %add3A_872 = arith.addf %add3A_863, %get3A_871 : vector<16xf32>
        %swap3A_873 = arith.constant 0 : i32
        %swap3A_874 = arith.constant 0 : i32
        %swap3A_875 = tpu.memref_slice %arg10[%scan3A_175, %swap3A_873, %swap3A_874] : memref<2x16x768xf32, #tpu.memory_space<vmem>> -> memref<1x16x768xf32, #tpu.memory_space<vmem>>
        %swap3A_876 = tpu.memref_squeeze %swap3A_875 : memref<1x16x768xf32, #tpu.memory_space<vmem>> -> memref<16x768xf32, #tpu.memory_space<vmem>>
        %swap3A_877 = arith.index_cast %scan3A_288 : i32 to index
        %swap3A_878 = arith.constant 256 : index
        %swap3A_879 = tpu.vector_load %swap3A_876[%swap3A_877, %swap3A_878] {strides = array<i32>} : memref<16x768xf32, #tpu.memory_space<vmem>>, vector<1x16xf32>,
        %swap3A_880 = vector.shape_cast %swap3A_879 : vector<1x16xf32> to vector<16xf32>
        %swap3A_881 = vector.shape_cast %add3A_872 : vector<16xf32> to vector<1x16xf32>
        tpu.vector_store %swap3A_876[%swap3A_877, %swap3A_878], %swap3A_881 {strides = array<i32>} : memref<16x768xf32, #tpu.memory_space<vmem>>, vector<1x16xf32>,
        %get3A_882 = arith.constant 0 : i32
        %get3A_883 = arith.constant 0 : i32
        %get3A_884 = tpu.memref_slice %arg7[%scan3A_172, %get3A_882, %get3A_883] : memref<2x16x768xf32, #tpu.memory_space<vmem>> -> memref<1x16x768xf32, #tpu.memory_space<vmem>>
        %get3A_885 = tpu.memref_squeeze %get3A_884 : memref<1x16x768xf32, #tpu.memory_space<vmem>> -> memref<16x768xf32, #tpu.memory_space<vmem>>
        %get3A_886 = arith.index_cast %scan3A_288 : i32 to index
        %get3A_887 = arith.constant 272 : index
        %get3A_888 = tpu.vector_load %get3A_885[%get3A_886, %get3A_887] {strides = array<i32>} : memref<16x768xf32, #tpu.memory_space<vmem>>, vector<1x16xf32>,
        %get3A_889 = vector.shape_cast %get3A_888 : vector<1x16xf32> to vector<16xf32>
        %get3A_890 = arith.constant 0 : i32
        %get3A_891 = arith.constant 0 : i32
        %get3A_892 = tpu.memref_slice %arg8[%scan3A_173, %get3A_890, %get3A_891] : memref<2x16x768xf32, #tpu.memory_space<vmem>> -> memref<1x16x768xf32, #tpu.memory_space<vmem>>
        %get3A_893 = tpu.memref_squeeze %get3A_892 : memref<1x16x768xf32, #tpu.memory_space<vmem>> -> memref<16x768xf32, #tpu.memory_space<vmem>>
        %get3A_894 = arith.index_cast %scan3A_288 : i32 to index
        %get3A_895 = arith.constant 272 : index
        %get3A_896 = tpu.vector_load %get3A_893[%get3A_894, %get3A_895] {strides = array<i32>} : memref<16x768xf32, #tpu.memory_space<vmem>>, vector<1x16xf32>,
        %get3A_897 = vector.shape_cast %get3A_896 : vector<1x16xf32> to vector<16xf32>
        %add3A_898 = arith.addf %get3A_889, %get3A_897 : vector<16xf32>
        %get3A_899 = arith.constant 0 : i32
        %get3A_900 = arith.constant 0 : i32
        %get3A_901 = tpu.memref_slice %arg9[%scan3A_174, %get3A_899, %get3A_900] : memref<2x16x768xf32, #tpu.memory_space<vmem>> -> memref<1x16x768xf32, #tpu.memory_space<vmem>>
        %get3A_902 = tpu.memref_squeeze %get3A_901 : memref<1x16x768xf32, #tpu.memory_space<vmem>> -> memref<16x768xf32, #tpu.memory_space<vmem>>
        %get3A_903 = arith.index_cast %scan3A_288 : i32 to index
        %get3A_904 = arith.constant 272 : index
        %get3A_905 = tpu.vector_load %get3A_902[%get3A_903, %get3A_904] {strides = array<i32>} : memref<16x768xf32, #tpu.memory_space<vmem>>, vector<1x16xf32>,
        %get3A_906 = vector.shape_cast %get3A_905 : vector<1x16xf32> to vector<16xf32>
        %add3A_907 = arith.addf %add3A_898, %get3A_906 : vector<16xf32>
        %swap3A_908 = arith.constant 0 : i32
        %swap3A_909 = arith.constant 0 : i32
        %swap3A_910 = tpu.memref_slice %arg10[%scan3A_175, %swap3A_908, %swap3A_909] : memref<2x16x768xf32, #tpu.memory_space<vmem>> -> memref<1x16x768xf32, #tpu.memory_space<vmem>>
        %swap3A_911 = tpu.memref_squeeze %swap3A_910 : memref<1x16x768xf32, #tpu.memory_space<vmem>> -> memref<16x768xf32, #tpu.memory_space<vmem>>
        %swap3A_912 = arith.index_cast %scan3A_288 : i32 to index
        %swap3A_913 = arith.constant 272 : index
        %swap3A_914 = tpu.vector_load %swap3A_911[%swap3A_912, %swap3A_913] {strides = array<i32>} : memref<16x768xf32, #tpu.memory_space<vmem>>, vector<1x16xf32>,
        %swap3A_915 = vector.shape_cast %swap3A_914 : vector<1x16xf32> to vector<16xf32>
        %swap3A_916 = vector.shape_cast %add3A_907 : vector<16xf32> to vector<1x16xf32>
        tpu.vector_store %swap3A_911[%swap3A_912, %swap3A_913], %swap3A_916 {strides = array<i32>} : memref<16x768xf32, #tpu.memory_space<vmem>>, vector<1x16xf32>,
        %get3A_917 = arith.constant 0 : i32
        %get3A_918 = arith.constant 0 : i32
        %get3A_919 = tpu.memref_slice %arg7[%scan3A_172, %get3A_917, %get3A_918] : memref<2x16x768xf32, #tpu.memory_space<vmem>> -> memref<1x16x768xf32, #tpu.memory_space<vmem>>
        %get3A_920 = tpu.memref_squeeze %get3A_919 : memref<1x16x768xf32, #tpu.memory_space<vmem>> -> memref<16x768xf32, #tpu.memory_space<vmem>>
        %get3A_921 = arith.index_cast %scan3A_288 : i32 to index
        %get3A_922 = arith.constant 288 : index
        %get3A_923 = tpu.vector_load %get3A_920[%get3A_921, %get3A_922] {strides = array<i32>} : memref<16x768xf32, #tpu.memory_space<vmem>>, vector<1x16xf32>,
        %get3A_924 = vector.shape_cast %get3A_923 : vector<1x16xf32> to vector<16xf32>
        %get3A_925 = arith.constant 0 : i32
        %get3A_926 = arith.constant 0 : i32
        %get3A_927 = tpu.memref_slice %arg8[%scan3A_173, %get3A_925, %get3A_926] : memref<2x16x768xf32, #tpu.memory_space<vmem>> -> memref<1x16x768xf32, #tpu.memory_space<vmem>>
        %get3A_928 = tpu.memref_squeeze %get3A_927 : memref<1x16x768xf32, #tpu.memory_space<vmem>> -> memref<16x768xf32, #tpu.memory_space<vmem>>
        %get3A_929 = arith.index_cast %scan3A_288 : i32 to index
        %get3A_930 = arith.constant 288 : index
        %get3A_931 = tpu.vector_load %get3A_928[%get3A_929, %get3A_930] {strides = array<i32>} : memref<16x768xf32, #tpu.memory_space<vmem>>, vector<1x16xf32>,
        %get3A_932 = vector.shape_cast %get3A_931 : vector<1x16xf32> to vector<16xf32>
        %add3A_933 = arith.addf %get3A_924, %get3A_932 : vector<16xf32>
        %get3A_934 = arith.constant 0 : i32
        %get3A_935 = arith.constant 0 : i32
        %get3A_936 = tpu.memref_slice %arg9[%scan3A_174, %get3A_934, %get3A_935] : memref<2x16x768xf32, #tpu.memory_space<vmem>> -> memref<1x16x768xf32, #tpu.memory_space<vmem>>
        %get3A_937 = tpu.memref_squeeze %get3A_936 : memref<1x16x768xf32, #tpu.memory_space<vmem>> -> memref<16x768xf32, #tpu.memory_space<vmem>>
        %get3A_938 = arith.index_cast %scan3A_288 : i32 to index
        %get3A_939 = arith.constant 288 : index
        %get3A_940 = tpu.vector_load %get3A_937[%get3A_938, %get3A_939] {strides = array<i32>} : memref<16x768xf32, #tpu.memory_space<vmem>>, vector<1x16xf32>,
        %get3A_941 = vector.shape_cast %get3A_940 : vector<1x16xf32> to vector<16xf32>
        %add3A_942 = arith.addf %add3A_933, %get3A_941 : vector<16xf32>
        %swap3A_943 = arith.constant 0 : i32
        %swap3A_944 = arith.constant 0 : i32
        %swap3A_945 = tpu.memref_slice %arg10[%scan3A_175, %swap3A_943, %swap3A_944] : memref<2x16x768xf32, #tpu.memory_space<vmem>> -> memref<1x16x768xf32, #tpu.memory_space<vmem>>
        %swap3A_946 = tpu.memref_squeeze %swap3A_945 : memref<1x16x768xf32, #tpu.memory_space<vmem>> -> memref<16x768xf32, #tpu.memory_space<vmem>>
        %swap3A_947 = arith.index_cast %scan3A_288 : i32 to index
        %swap3A_948 = arith.constant 288 : index
        %swap3A_949 = tpu.vector_load %swap3A_946[%swap3A_947, %swap3A_948] {strides = array<i32>} : memref<16x768xf32, #tpu.memory_space<vmem>>, vector<1x16xf32>,
        %swap3A_950 = vector.shape_cast %swap3A_949 : vector<1x16xf32> to vector<16xf32>
        %swap3A_951 = vector.shape_cast %add3A_942 : vector<16xf32> to vector<1x16xf32>
        tpu.vector_store %swap3A_946[%swap3A_947, %swap3A_948], %swap3A_951 {strides = array<i32>} : memref<16x768xf32, #tpu.memory_space<vmem>>, vector<1x16xf32>,
        %get3A_952 = arith.constant 0 : i32
        %get3A_953 = arith.constant 0 : i32
        %get3A_954 = tpu.memref_slice %arg7[%scan3A_172, %get3A_952, %get3A_953] : memref<2x16x768xf32, #tpu.memory_space<vmem>> -> memref<1x16x768xf32, #tpu.memory_space<vmem>>
        %get3A_955 = tpu.memref_squeeze %get3A_954 : memref<1x16x768xf32, #tpu.memory_space<vmem>> -> memref<16x768xf32, #tpu.memory_space<vmem>>
        %get3A_956 = arith.index_cast %scan3A_288 : i32 to index
        %get3A_957 = arith.constant 304 : index
        %get3A_958 = tpu.vector_load %get3A_955[%get3A_956, %get3A_957] {strides = array<i32>} : memref<16x768xf32, #tpu.memory_space<vmem>>, vector<1x16xf32>,
        %get3A_959 = vector.shape_cast %get3A_958 : vector<1x16xf32> to vector<16xf32>
        %get3A_960 = arith.constant 0 : i32
        %get3A_961 = arith.constant 0 : i32
        %get3A_962 = tpu.memref_slice %arg8[%scan3A_173, %get3A_960, %get3A_961] : memref<2x16x768xf32, #tpu.memory_space<vmem>> -> memref<1x16x768xf32, #tpu.memory_space<vmem>>
        %get3A_963 = tpu.memref_squeeze %get3A_962 : memref<1x16x768xf32, #tpu.memory_space<vmem>> -> memref<16x768xf32, #tpu.memory_space<vmem>>
        %get3A_964 = arith.index_cast %scan3A_288 : i32 to index
        %get3A_965 = arith.constant 304 : index
        %get3A_966 = tpu.vector_load %get3A_963[%get3A_964, %get3A_965] {strides = array<i32>} : memref<16x768xf32, #tpu.memory_space<vmem>>, vector<1x16xf32>,
        %get3A_967 = vector.shape_cast %get3A_966 : vector<1x16xf32> to vector<16xf32>
        %add3A_968 = arith.addf %get3A_959, %get3A_967 : vector<16xf32>
        %get3A_969 = arith.constant 0 : i32
        %get3A_970 = arith.constant 0 : i32
        %get3A_971 = tpu.memref_slice %arg9[%scan3A_174, %get3A_969, %get3A_970] : memref<2x16x768xf32, #tpu.memory_space<vmem>> -> memref<1x16x768xf32, #tpu.memory_space<vmem>>
        %get3A_972 = tpu.memref_squeeze %get3A_971 : memref<1x16x768xf32, #tpu.memory_space<vmem>> -> memref<16x768xf32, #tpu.memory_space<vmem>>
        %get3A_973 = arith.index_cast %scan3A_288 : i32 to index
        %get3A_974 = arith.constant 304 : index
        %get3A_975 = tpu.vector_load %get3A_972[%get3A_973, %get3A_974] {strides = array<i32>} : memref<16x768xf32, #tpu.memory_space<vmem>>, vector<1x16xf32>,
        %get3A_976 = vector.shape_cast %get3A_975 : vector<1x16xf32> to vector<16xf32>
        %add3A_977 = arith.addf %add3A_968, %get3A_976 : vector<16xf32>
        %swap3A_978 = arith.constant 0 : i32
        %swap3A_979 = arith.constant 0 : i32
        %swap3A_980 = tpu.memref_slice %arg10[%scan3A_175, %swap3A_978, %swap3A_979] : memref<2x16x768xf32, #tpu.memory_space<vmem>> -> memref<1x16x768xf32, #tpu.memory_space<vmem>>
        %swap3A_981 = tpu.memref_squeeze %swap3A_980 : memref<1x16x768xf32, #tpu.memory_space<vmem>> -> memref<16x768xf32, #tpu.memory_space<vmem>>
        %swap3A_982 = arith.index_cast %scan3A_288 : i32 to index
        %swap3A_983 = arith.constant 304 : index
        %swap3A_984 = tpu.vector_load %swap3A_981[%swap3A_982, %swap3A_983] {strides = array<i32>} : memref<16x768xf32, #tpu.memory_space<vmem>>, vector<1x16xf32>,
        %swap3A_985 = vector.shape_cast %swap3A_984 : vector<1x16xf32> to vector<16xf32>
        %swap3A_986 = vector.shape_cast %add3A_977 : vector<16xf32> to vector<1x16xf32>
        tpu.vector_store %swap3A_981[%swap3A_982, %swap3A_983], %swap3A_986 {strides = array<i32>} : memref<16x768xf32, #tpu.memory_space<vmem>>, vector<1x16xf32>,
        %get3A_987 = arith.constant 0 : i32
        %get3A_988 = arith.constant 0 : i32
        %get3A_989 = tpu.memref_slice %arg7[%scan3A_172, %get3A_987, %get3A_988] : memref<2x16x768xf32, #tpu.memory_space<vmem>> -> memref<1x16x768xf32, #tpu.memory_space<vmem>>
        %get3A_990 = tpu.memref_squeeze %get3A_989 : memref<1x16x768xf32, #tpu.memory_space<vmem>> -> memref<16x768xf32, #tpu.memory_space<vmem>>
        %get3A_991 = arith.index_cast %scan3A_288 : i32 to index
        %get3A_992 = arith.constant 320 : index
        %get3A_993 = tpu.vector_load %get3A_990[%get3A_991, %get3A_992] {strides = array<i32>} : memref<16x768xf32, #tpu.memory_space<vmem>>, vector<1x16xf32>,
        %get3A_994 = vector.shape_cast %get3A_993 : vector<1x16xf32> to vector<16xf32>
        %get3A_995 = arith.constant 0 : i32
        %get3A_996 = arith.constant 0 : i32
        %get3A_997 = tpu.memref_slice %arg8[%scan3A_173, %get3A_995, %get3A_996] : memref<2x16x768xf32, #tpu.memory_space<vmem>> -> memref<1x16x768xf32, #tpu.memory_space<vmem>>
        %get3A_998 = tpu.memref_squeeze %get3A_997 : memref<1x16x768xf32, #tpu.memory_space<vmem>> -> memref<16x768xf32, #tpu.memory_space<vmem>>
        %get3A_999 = arith.index_cast %scan3A_288 : i32 to index
        %get3A_1000 = arith.constant 320 : index
        %get3A_1001 = tpu.vector_load %get3A_998[%get3A_999, %get3A_1000] {strides = array<i32>} : memref<16x768xf32, #tpu.memory_space<vmem>>, vector<1x16xf32>,
        %get3A_1002 = vector.shape_cast %get3A_1001 : vector<1x16xf32> to vector<16xf32>
        %add3A_1003 = arith.addf %get3A_994, %get3A_1002 : vector<16xf32>
        %get3A_1004 = arith.constant 0 : i32
        %get3A_1005 = arith.constant 0 : i32
        %get3A_1006 = tpu.memref_slice %arg9[%scan3A_174, %get3A_1004, %get3A_1005] : memref<2x16x768xf32, #tpu.memory_space<vmem>> -> memref<1x16x768xf32, #tpu.memory_space<vmem>>
        %get3A_1007 = tpu.memref_squeeze %get3A_1006 : memref<1x16x768xf32, #tpu.memory_space<vmem>> -> memref<16x768xf32, #tpu.memory_space<vmem>>
        %get3A_1008 = arith.index_cast %scan3A_288 : i32 to index
        %get3A_1009 = arith.constant 320 : index
        %get3A_1010 = tpu.vector_load %get3A_1007[%get3A_1008, %get3A_1009] {strides = array<i32>} : memref<16x768xf32, #tpu.memory_space<vmem>>, vector<1x16xf32>,
        %get3A_1011 = vector.shape_cast %get3A_1010 : vector<1x16xf32> to vector<16xf32>
        %add3A_1012 = arith.addf %add3A_1003, %get3A_1011 : vector<16xf32>
        %swap3A_1013 = arith.constant 0 : i32
        %swap3A_1014 = arith.constant 0 : i32
        %swap3A_1015 = tpu.memref_slice %arg10[%scan3A_175, %swap3A_1013, %swap3A_1014] : memref<2x16x768xf32, #tpu.memory_space<vmem>> -> memref<1x16x768xf32, #tpu.memory_space<vmem>>
        %swap3A_1016 = tpu.memref_squeeze %swap3A_1015 : memref<1x16x768xf32, #tpu.memory_space<vmem>> -> memref<16x768xf32, #tpu.memory_space<vmem>>
        %swap3A_1017 = arith.index_cast %scan3A_288 : i32 to index
        %swap3A_1018 = arith.constant 320 : index
        %swap3A_1019 = tpu.vector_load %swap3A_1016[%swap3A_1017, %swap3A_1018] {strides = array<i32>} : memref<16x768xf32, #tpu.memory_space<vmem>>, vector<1x16xf32>,
        %swap3A_1020 = vector.shape_cast %swap3A_1019 : vector<1x16xf32> to vector<16xf32>
        %swap3A_1021 = vector.shape_cast %add3A_1012 : vector<16xf32> to vector<1x16xf32>
        tpu.vector_store %swap3A_1016[%swap3A_1017, %swap3A_1018], %swap3A_1021 {strides = array<i32>} : memref<16x768xf32, #tpu.memory_space<vmem>>, vector<1x16xf32>,
        %get3A_1022 = arith.constant 0 : i32
        %get3A_1023 = arith.constant 0 : i32
        %get3A_1024 = tpu.memref_slice %arg7[%scan3A_172, %get3A_1022, %get3A_1023] : memref<2x16x768xf32, #tpu.memory_space<vmem>> -> memref<1x16x768xf32, #tpu.memory_space<vmem>>
        %get3A_1025 = tpu.memref_squeeze %get3A_1024 : memref<1x16x768xf32, #tpu.memory_space<vmem>> -> memref<16x768xf32, #tpu.memory_space<vmem>>
        %get3A_1026 = arith.index_cast %scan3A_288 : i32 to index
        %get3A_1027 = arith.constant 336 : index
        %get3A_1028 = tpu.vector_load %get3A_1025[%get3A_1026, %get3A_1027] {strides = array<i32>} : memref<16x768xf32, #tpu.memory_space<vmem>>, vector<1x16xf32>,
        %get3A_1029 = vector.shape_cast %get3A_1028 : vector<1x16xf32> to vector<16xf32>
        %get3A_1030 = arith.constant 0 : i32
        %get3A_1031 = arith.constant 0 : i32
        %get3A_1032 = tpu.memref_slice %arg8[%scan3A_173, %get3A_1030, %get3A_1031] : memref<2x16x768xf32, #tpu.memory_space<vmem>> -> memref<1x16x768xf32, #tpu.memory_space<vmem>>
        %get3A_1033 = tpu.memref_squeeze %get3A_1032 : memref<1x16x768xf32, #tpu.memory_space<vmem>> -> memref<16x768xf32, #tpu.memory_space<vmem>>
        %get3A_1034 = arith.index_cast %scan3A_288 : i32 to index
        %get3A_1035 = arith.constant 336 : index
        %get3A_1036 = tpu.vector_load %get3A_1033[%get3A_1034, %get3A_1035] {strides = array<i32>} : memref<16x768xf32, #tpu.memory_space<vmem>>, vector<1x16xf32>,
        %get3A_1037 = vector.shape_cast %get3A_1036 : vector<1x16xf32> to vector<16xf32>
        %add3A_1038 = arith.addf %get3A_1029, %get3A_1037 : vector<16xf32>
        %get3A_1039 = arith.constant 0 : i32
        %get3A_1040 = arith.constant 0 : i32
        %get3A_1041 = tpu.memref_slice %arg9[%scan3A_174, %get3A_1039, %get3A_1040] : memref<2x16x768xf32, #tpu.memory_space<vmem>> -> memref<1x16x768xf32, #tpu.memory_space<vmem>>
        %get3A_1042 = tpu.memref_squeeze %get3A_1041 : memref<1x16x768xf32, #tpu.memory_space<vmem>> -> memref<16x768xf32, #tpu.memory_space<vmem>>
        %get3A_1043 = arith.index_cast %scan3A_288 : i32 to index
        %get3A_1044 = arith.constant 336 : index
        %get3A_1045 = tpu.vector_load %get3A_1042[%get3A_1043, %get3A_1044] {strides = array<i32>} : memref<16x768xf32, #tpu.memory_space<vmem>>, vector<1x16xf32>,
        %get3A_1046 = vector.shape_cast %get3A_1045 : vector<1x16xf32> to vector<16xf32>
        %add3A_1047 = arith.addf %add3A_1038, %get3A_1046 : vector<16xf32>
        %swap3A_1048 = arith.constant 0 : i32
        %swap3A_1049 = arith.constant 0 : i32
        %swap3A_1050 = tpu.memref_slice %arg10[%scan3A_175, %swap3A_1048, %swap3A_1049] : memref<2x16x768xf32, #tpu.memory_space<vmem>> -> memref<1x16x768xf32, #tpu.memory_space<vmem>>
        %swap3A_1051 = tpu.memref_squeeze %swap3A_1050 : memref<1x16x768xf32, #tpu.memory_space<vmem>> -> memref<16x768xf32, #tpu.memory_space<vmem>>
        %swap3A_1052 = arith.index_cast %scan3A_288 : i32 to index
        %swap3A_1053 = arith.constant 336 : index
        %swap3A_1054 = tpu.vector_load %swap3A_1051[%swap3A_1052, %swap3A_1053] {strides = array<i32>} : memref<16x768xf32, #tpu.memory_space<vmem>>, vector<1x16xf32>,
        %swap3A_1055 = vector.shape_cast %swap3A_1054 : vector<1x16xf32> to vector<16xf32>
        %swap3A_1056 = vector.shape_cast %add3A_1047 : vector<16xf32> to vector<1x16xf32>
        tpu.vector_store %swap3A_1051[%swap3A_1052, %swap3A_1053], %swap3A_1056 {strides = array<i32>} : memref<16x768xf32, #tpu.memory_space<vmem>>, vector<1x16xf32>,
        %get3A_1057 = arith.constant 0 : i32
        %get3A_1058 = arith.constant 0 : i32
        %get3A_1059 = tpu.memref_slice %arg7[%scan3A_172, %get3A_1057, %get3A_1058] : memref<2x16x768xf32, #tpu.memory_space<vmem>> -> memref<1x16x768xf32, #tpu.memory_space<vmem>>
        %get3A_1060 = tpu.memref_squeeze %get3A_1059 : memref<1x16x768xf32, #tpu.memory_space<vmem>> -> memref<16x768xf32, #tpu.memory_space<vmem>>
        %get3A_1061 = arith.index_cast %scan3A_288 : i32 to index
        %get3A_1062 = arith.constant 352 : index
        %get3A_1063 = tpu.vector_load %get3A_1060[%get3A_1061, %get3A_1062] {strides = array<i32>} : memref<16x768xf32, #tpu.memory_space<vmem>>, vector<1x16xf32>,
        %get3A_1064 = vector.shape_cast %get3A_1063 : vector<1x16xf32> to vector<16xf32>
        %get3A_1065 = arith.constant 0 : i32
        %get3A_1066 = arith.constant 0 : i32
        %get3A_1067 = tpu.memref_slice %arg8[%scan3A_173, %get3A_1065, %get3A_1066] : memref<2x16x768xf32, #tpu.memory_space<vmem>> -> memref<1x16x768xf32, #tpu.memory_space<vmem>>
        %get3A_1068 = tpu.memref_squeeze %get3A_1067 : memref<1x16x768xf32, #tpu.memory_space<vmem>> -> memref<16x768xf32, #tpu.memory_space<vmem>>
        %get3A_1069 = arith.index_cast %scan3A_288 : i32 to index
        %get3A_1070 = arith.constant 352 : index
        %get3A_1071 = tpu.vector_load %get3A_1068[%get3A_1069, %get3A_1070] {strides = array<i32>} : memref<16x768xf32, #tpu.memory_space<vmem>>, vector<1x16xf32>,
        %get3A_1072 = vector.shape_cast %get3A_1071 : vector<1x16xf32> to vector<16xf32>
        %add3A_1073 = arith.addf %get3A_1064, %get3A_1072 : vector<16xf32>
        %get3A_1074 = arith.constant 0 : i32
        %get3A_1075 = arith.constant 0 : i32
        %get3A_1076 = tpu.memref_slice %arg9[%scan3A_174, %get3A_1074, %get3A_1075] : memref<2x16x768xf32, #tpu.memory_space<vmem>> -> memref<1x16x768xf32, #tpu.memory_space<vmem>>
        %get3A_1077 = tpu.memref_squeeze %get3A_1076 : memref<1x16x768xf32, #tpu.memory_space<vmem>> -> memref<16x768xf32, #tpu.memory_space<vmem>>
        %get3A_1078 = arith.index_cast %scan3A_288 : i32 to index
        %get3A_1079 = arith.constant 352 : index
        %get3A_1080 = tpu.vector_load %get3A_1077[%get3A_1078, %get3A_1079] {strides = array<i32>} : memref<16x768xf32, #tpu.memory_space<vmem>>, vector<1x16xf32>,
        %get3A_1081 = vector.shape_cast %get3A_1080 : vector<1x16xf32> to vector<16xf32>
        %add3A_1082 = arith.addf %add3A_1073, %get3A_1081 : vector<16xf32>
        %swap3A_1083 = arith.constant 0 : i32
        %swap3A_1084 = arith.constant 0 : i32
        %swap3A_1085 = tpu.memref_slice %arg10[%scan3A_175, %swap3A_1083, %swap3A_1084] : memref<2x16x768xf32, #tpu.memory_space<vmem>> -> memref<1x16x768xf32, #tpu.memory_space<vmem>>
        %swap3A_1086 = tpu.memref_squeeze %swap3A_1085 : memref<1x16x768xf32, #tpu.memory_space<vmem>> -> memref<16x768xf32, #tpu.memory_space<vmem>>
        %swap3A_1087 = arith.index_cast %scan3A_288 : i32 to index
        %swap3A_1088 = arith.constant 352 : index
        %swap3A_1089 = tpu.vector_load %swap3A_1086[%swap3A_1087, %swap3A_1088] {strides = array<i32>} : memref<16x768xf32, #tpu.memory_space<vmem>>, vector<1x16xf32>,
        %swap3A_1090 = vector.shape_cast %swap3A_1089 : vector<1x16xf32> to vector<16xf32>
        %swap3A_1091 = vector.shape_cast %add3A_1082 : vector<16xf32> to vector<1x16xf32>
        tpu.vector_store %swap3A_1086[%swap3A_1087, %swap3A_1088], %swap3A_1091 {strides = array<i32>} : memref<16x768xf32, #tpu.memory_space<vmem>>, vector<1x16xf32>,
        %get3A_1092 = arith.constant 0 : i32
        %get3A_1093 = arith.constant 0 : i32
        %get3A_1094 = tpu.memref_slice %arg7[%scan3A_172, %get3A_1092, %get3A_1093] : memref<2x16x768xf32, #tpu.memory_space<vmem>> -> memref<1x16x768xf32, #tpu.memory_space<vmem>>
        %get3A_1095 = tpu.memref_squeeze %get3A_1094 : memref<1x16x768xf32, #tpu.memory_space<vmem>> -> memref<16x768xf32, #tpu.memory_space<vmem>>
        %get3A_1096 = arith.index_cast %scan3A_288 : i32 to index
        %get3A_1097 = arith.constant 368 : index
        %get3A_1098 = tpu.vector_load %get3A_1095[%get3A_1096, %get3A_1097] {strides = array<i32>} : memref<16x768xf32, #tpu.memory_space<vmem>>, vector<1x16xf32>,
        %get3A_1099 = vector.shape_cast %get3A_1098 : vector<1x16xf32> to vector<16xf32>
        %get3A_1100 = arith.constant 0 : i32
        %get3A_1101 = arith.constant 0 : i32
        %get3A_1102 = tpu.memref_slice %arg8[%scan3A_173, %get3A_1100, %get3A_1101] : memref<2x16x768xf32, #tpu.memory_space<vmem>> -> memref<1x16x768xf32, #tpu.memory_space<vmem>>
        %get3A_1103 = tpu.memref_squeeze %get3A_1102 : memref<1x16x768xf32, #tpu.memory_space<vmem>> -> memref<16x768xf32, #tpu.memory_space<vmem>>
        %get3A_1104 = arith.index_cast %scan3A_288 : i32 to index
        %get3A_1105 = arith.constant 368 : index
        %get3A_1106 = tpu.vector_load %get3A_1103[%get3A_1104, %get3A_1105] {strides = array<i32>} : memref<16x768xf32, #tpu.memory_space<vmem>>, vector<1x16xf32>,
        %get3A_1107 = vector.shape_cast %get3A_1106 : vector<1x16xf32> to vector<16xf32>
        %add3A_1108 = arith.addf %get3A_1099, %get3A_1107 : vector<16xf32>
        %get3A_1109 = arith.constant 0 : i32
        %get3A_1110 = arith.constant 0 : i32
        %get3A_1111 = tpu.memref_slice %arg9[%scan3A_174, %get3A_1109, %get3A_1110] : memref<2x16x768xf32, #tpu.memory_space<vmem>> -> memref<1x16x768xf32, #tpu.memory_space<vmem>>
        %get3A_1112 = tpu.memref_squeeze %get3A_1111 : memref<1x16x768xf32, #tpu.memory_space<vmem>> -> memref<16x768xf32, #tpu.memory_space<vmem>>
        %get3A_1113 = arith.index_cast %scan3A_288 : i32 to index
        %get3A_1114 = arith.constant 368 : index
        %get3A_1115 = tpu.vector_load %get3A_1112[%get3A_1113, %get3A_1114] {strides = array<i32>} : memref<16x768xf32, #tpu.memory_space<vmem>>, vector<1x16xf32>,
        %get3A_1116 = vector.shape_cast %get3A_1115 : vector<1x16xf32> to vector<16xf32>
        %add3A_1117 = arith.addf %add3A_1108, %get3A_1116 : vector<16xf32>
        %swap3A_1118 = arith.constant 0 : i32
        %swap3A_1119 = arith.constant 0 : i32
        %swap3A_1120 = tpu.memref_slice %arg10[%scan3A_175, %swap3A_1118, %swap3A_1119] : memref<2x16x768xf32, #tpu.memory_space<vmem>> -> memref<1x16x768xf32, #tpu.memory_space<vmem>>
        %swap3A_1121 = tpu.memref_squeeze %swap3A_1120 : memref<1x16x768xf32, #tpu.memory_space<vmem>> -> memref<16x768xf32, #tpu.memory_space<vmem>>
        %swap3A_1122 = arith.index_cast %scan3A_288 : i32 to index
        %swap3A_1123 = arith.constant 368 : index
        %swap3A_1124 = tpu.vector_load %swap3A_1121[%swap3A_1122, %swap3A_1123] {strides = array<i32>} : memref<16x768xf32, #tpu.memory_space<vmem>>, vector<1x16xf32>,
        %swap3A_1125 = vector.shape_cast %swap3A_1124 : vector<1x16xf32> to vector<16xf32>
        %swap3A_1126 = vector.shape_cast %add3A_1117 : vector<16xf32> to vector<1x16xf32>
        tpu.vector_store %swap3A_1121[%swap3A_1122, %swap3A_1123], %swap3A_1126 {strides = array<i32>} : memref<16x768xf32, #tpu.memory_space<vmem>>, vector<1x16xf32>,
        %get3A_1127 = arith.constant 0 : i32
        %get3A_1128 = arith.constant 0 : i32
        %get3A_1129 = tpu.memref_slice %arg7[%scan3A_172, %get3A_1127, %get3A_1128] : memref<2x16x768xf32, #tpu.memory_space<vmem>> -> memref<1x16x768xf32, #tpu.memory_space<vmem>>
        %get3A_1130 = tpu.memref_squeeze %get3A_1129 : memref<1x16x768xf32, #tpu.memory_space<vmem>> -> memref<16x768xf32, #tpu.memory_space<vmem>>
        %get3A_1131 = arith.index_cast %scan3A_288 : i32 to index
        %get3A_1132 = arith.constant 384 : index
        %get3A_1133 = tpu.vector_load %get3A_1130[%get3A_1131, %get3A_1132] {strides = array<i32>} : memref<16x768xf32, #tpu.memory_space<vmem>>, vector<1x16xf32>,
        %get3A_1134 = vector.shape_cast %get3A_1133 : vector<1x16xf32> to vector<16xf32>
        %get3A_1135 = arith.constant 0 : i32
        %get3A_1136 = arith.constant 0 : i32
        %get3A_1137 = tpu.memref_slice %arg8[%scan3A_173, %get3A_1135, %get3A_1136] : memref<2x16x768xf32, #tpu.memory_space<vmem>> -> memref<1x16x768xf32, #tpu.memory_space<vmem>>
        %get3A_1138 = tpu.memref_squeeze %get3A_1137 : memref<1x16x768xf32, #tpu.memory_space<vmem>> -> memref<16x768xf32, #tpu.memory_space<vmem>>
        %get3A_1139 = arith.index_cast %scan3A_288 : i32 to index
        %get3A_1140 = arith.constant 384 : index
        %get3A_1141 = tpu.vector_load %get3A_1138[%get3A_1139, %get3A_1140] {strides = array<i32>} : memref<16x768xf32, #tpu.memory_space<vmem>>, vector<1x16xf32>,
        %get3A_1142 = vector.shape_cast %get3A_1141 : vector<1x16xf32> to vector<16xf32>
        %add3A_1143 = arith.addf %get3A_1134, %get3A_1142 : vector<16xf32>
        %get3A_1144 = arith.constant 0 : i32
        %get3A_1145 = arith.constant 0 : i32
        %get3A_1146 = tpu.memref_slice %arg9[%scan3A_174, %get3A_1144, %get3A_1145] : memref<2x16x768xf32, #tpu.memory_space<vmem>> -> memref<1x16x768xf32, #tpu.memory_space<vmem>>
        %get3A_1147 = tpu.memref_squeeze %get3A_1146 : memref<1x16x768xf32, #tpu.memory_space<vmem>> -> memref<16x768xf32, #tpu.memory_space<vmem>>
        %get3A_1148 = arith.index_cast %scan3A_288 : i32 to index
        %get3A_1149 = arith.constant 384 : index
        %get3A_1150 = tpu.vector_load %get3A_1147[%get3A_1148, %get3A_1149] {strides = array<i32>} : memref<16x768xf32, #tpu.memory_space<vmem>>, vector<1x16xf32>,
        %get3A_1151 = vector.shape_cast %get3A_1150 : vector<1x16xf32> to vector<16xf32>
        %add3A_1152 = arith.addf %add3A_1143, %get3A_1151 : vector<16xf32>
        %swap3A_1153 = arith.constant 0 : i32
        %swap3A_1154 = arith.constant 0 : i32
        %swap3A_1155 = tpu.memref_slice %arg10[%scan3A_175, %swap3A_1153, %swap3A_1154] : memref<2x16x768xf32, #tpu.memory_space<vmem>> -> memref<1x16x768xf32, #tpu.memory_space<vmem>>
        %swap3A_1156 = tpu.memref_squeeze %swap3A_1155 : memref<1x16x768xf32, #tpu.memory_space<vmem>> -> memref<16x768xf32, #tpu.memory_space<vmem>>
        %swap3A_1157 = arith.index_cast %scan3A_288 : i32 to index
        %swap3A_1158 = arith.constant 384 : index
        %swap3A_1159 = tpu.vector_load %swap3A_1156[%swap3A_1157, %swap3A_1158] {strides = array<i32>} : memref<16x768xf32, #tpu.memory_space<vmem>>, vector<1x16xf32>,
        %swap3A_1160 = vector.shape_cast %swap3A_1159 : vector<1x16xf32> to vector<16xf32>
        %swap3A_1161 = vector.shape_cast %add3A_1152 : vector<16xf32> to vector<1x16xf32>
        tpu.vector_store %swap3A_1156[%swap3A_1157, %swap3A_1158], %swap3A_1161 {strides = array<i32>} : memref<16x768xf32, #tpu.memory_space<vmem>>, vector<1x16xf32>,
        %get3A_1162 = arith.constant 0 : i32
        %get3A_1163 = arith.constant 0 : i32
        %get3A_1164 = tpu.memref_slice %arg7[%scan3A_172, %get3A_1162, %get3A_1163] : memref<2x16x768xf32, #tpu.memory_space<vmem>> -> memref<1x16x768xf32, #tpu.memory_space<vmem>>
        %get3A_1165 = tpu.memref_squeeze %get3A_1164 : memref<1x16x768xf32, #tpu.memory_space<vmem>> -> memref<16x768xf32, #tpu.memory_space<vmem>>
        %get3A_1166 = arith.index_cast %scan3A_288 : i32 to index
        %get3A_1167 = arith.constant 400 : index
        %get3A_1168 = tpu.vector_load %get3A_1165[%get3A_1166, %get3A_1167] {strides = array<i32>} : memref<16x768xf32, #tpu.memory_space<vmem>>, vector<1x16xf32>,
        %get3A_1169 = vector.shape_cast %get3A_1168 : vector<1x16xf32> to vector<16xf32>
        %get3A_1170 = arith.constant 0 : i32
        %get3A_1171 = arith.constant 0 : i32
        %get3A_1172 = tpu.memref_slice %arg8[%scan3A_173, %get3A_1170, %get3A_1171] : memref<2x16x768xf32, #tpu.memory_space<vmem>> -> memref<1x16x768xf32, #tpu.memory_space<vmem>>
        %get3A_1173 = tpu.memref_squeeze %get3A_1172 : memref<1x16x768xf32, #tpu.memory_space<vmem>> -> memref<16x768xf32, #tpu.memory_space<vmem>>
        %get3A_1174 = arith.index_cast %scan3A_288 : i32 to index
        %get3A_1175 = arith.constant 400 : index
        %get3A_1176 = tpu.vector_load %get3A_1173[%get3A_1174, %get3A_1175] {strides = array<i32>} : memref<16x768xf32, #tpu.memory_space<vmem>>, vector<1x16xf32>,
        %get3A_1177 = vector.shape_cast %get3A_1176 : vector<1x16xf32> to vector<16xf32>
        %add3A_1178 = arith.addf %get3A_1169, %get3A_1177 : vector<16xf32>
        %get3A_1179 = arith.constant 0 : i32
        %get3A_1180 = arith.constant 0 : i32
        %get3A_1181 = tpu.memref_slice %arg9[%scan3A_174, %get3A_1179, %get3A_1180] : memref<2x16x768xf32, #tpu.memory_space<vmem>> -> memref<1x16x768xf32, #tpu.memory_space<vmem>>
        %get3A_1182 = tpu.memref_squeeze %get3A_1181 : memref<1x16x768xf32, #tpu.memory_space<vmem>> -> memref<16x768xf32, #tpu.memory_space<vmem>>
        %get3A_1183 = arith.index_cast %scan3A_288 : i32 to index
        %get3A_1184 = arith.constant 400 : index
        %get3A_1185 = tpu.vector_load %get3A_1182[%get3A_1183, %get3A_1184] {strides = array<i32>} : memref<16x768xf32, #tpu.memory_space<vmem>>, vector<1x16xf32>,
        %get3A_1186 = vector.shape_cast %get3A_1185 : vector<1x16xf32> to vector<16xf32>
        %add3A_1187 = arith.addf %add3A_1178, %get3A_1186 : vector<16xf32>
        %swap3A_1188 = arith.constant 0 : i32
        %swap3A_1189 = arith.constant 0 : i32
        %swap3A_1190 = tpu.memref_slice %arg10[%scan3A_175, %swap3A_1188, %swap3A_1189] : memref<2x16x768xf32, #tpu.memory_space<vmem>> -> memref<1x16x768xf32, #tpu.memory_space<vmem>>
        %swap3A_1191 = tpu.memref_squeeze %swap3A_1190 : memref<1x16x768xf32, #tpu.memory_space<vmem>> -> memref<16x768xf32, #tpu.memory_space<vmem>>
        %swap3A_1192 = arith.index_cast %scan3A_288 : i32 to index
        %swap3A_1193 = arith.constant 400 : index
        %swap3A_1194 = tpu.vector_load %swap3A_1191[%swap3A_1192, %swap3A_1193] {strides = array<i32>} : memref<16x768xf32, #tpu.memory_space<vmem>>, vector<1x16xf32>,
        %swap3A_1195 = vector.shape_cast %swap3A_1194 : vector<1x16xf32> to vector<16xf32>
        %swap3A_1196 = vector.shape_cast %add3A_1187 : vector<16xf32> to vector<1x16xf32>
        tpu.vector_store %swap3A_1191[%swap3A_1192, %swap3A_1193], %swap3A_1196 {strides = array<i32>} : memref<16x768xf32, #tpu.memory_space<vmem>>, vector<1x16xf32>,
        %get3A_1197 = arith.constant 0 : i32
        %get3A_1198 = arith.constant 0 : i32
        %get3A_1199 = tpu.memref_slice %arg7[%scan3A_172, %get3A_1197, %get3A_1198] : memref<2x16x768xf32, #tpu.memory_space<vmem>> -> memref<1x16x768xf32, #tpu.memory_space<vmem>>
        %get3A_1200 = tpu.memref_squeeze %get3A_1199 : memref<1x16x768xf32, #tpu.memory_space<vmem>> -> memref<16x768xf32, #tpu.memory_space<vmem>>
        %get3A_1201 = arith.index_cast %scan3A_288 : i32 to index
        %get3A_1202 = arith.constant 416 : index
        %get3A_1203 = tpu.vector_load %get3A_1200[%get3A_1201, %get3A_1202] {strides = array<i32>} : memref<16x768xf32, #tpu.memory_space<vmem>>, vector<1x16xf32>,
        %get3A_1204 = vector.shape_cast %get3A_1203 : vector<1x16xf32> to vector<16xf32>
        %get3A_1205 = arith.constant 0 : i32
        %get3A_1206 = arith.constant 0 : i32
        %get3A_1207 = tpu.memref_slice %arg8[%scan3A_173, %get3A_1205, %get3A_1206] : memref<2x16x768xf32, #tpu.memory_space<vmem>> -> memref<1x16x768xf32, #tpu.memory_space<vmem>>
        %get3A_1208 = tpu.memref_squeeze %get3A_1207 : memref<1x16x768xf32, #tpu.memory_space<vmem>> -> memref<16x768xf32, #tpu.memory_space<vmem>>
        %get3A_1209 = arith.index_cast %scan3A_288 : i32 to index
        %get3A_1210 = arith.constant 416 : index
        %get3A_1211 = tpu.vector_load %get3A_1208[%get3A_1209, %get3A_1210] {strides = array<i32>} : memref<16x768xf32, #tpu.memory_space<vmem>>, vector<1x16xf32>,
        %get3A_1212 = vector.shape_cast %get3A_1211 : vector<1x16xf32> to vector<16xf32>
        %add3A_1213 = arith.addf %get3A_1204, %get3A_1212 : vector<16xf32>
        %get3A_1214 = arith.constant 0 : i32
        %get3A_1215 = arith.constant 0 : i32
        %get3A_1216 = tpu.memref_slice %arg9[%scan3A_174, %get3A_1214, %get3A_1215] : memref<2x16x768xf32, #tpu.memory_space<vmem>> -> memref<1x16x768xf32, #tpu.memory_space<vmem>>
        %get3A_1217 = tpu.memref_squeeze %get3A_1216 : memref<1x16x768xf32, #tpu.memory_space<vmem>> -> memref<16x768xf32, #tpu.memory_space<vmem>>
        %get3A_1218 = arith.index_cast %scan3A_288 : i32 to index
        %get3A_1219 = arith.constant 416 : index
        %get3A_1220 = tpu.vector_load %get3A_1217[%get3A_1218, %get3A_1219] {strides = array<i32>} : memref<16x768xf32, #tpu.memory_space<vmem>>, vector<1x16xf32>,
        %get3A_1221 = vector.shape_cast %get3A_1220 : vector<1x16xf32> to vector<16xf32>
        %add3A_1222 = arith.addf %add3A_1213, %get3A_1221 : vector<16xf32>
        %swap3A_1223 = arith.constant 0 : i32
        %swap3A_1224 = arith.constant 0 : i32
        %swap3A_1225 = tpu.memref_slice %arg10[%scan3A_175, %swap3A_1223, %swap3A_1224] : memref<2x16x768xf32, #tpu.memory_space<vmem>> -> memref<1x16x768xf32, #tpu.memory_space<vmem>>
        %swap3A_1226 = tpu.memref_squeeze %swap3A_1225 : memref<1x16x768xf32, #tpu.memory_space<vmem>> -> memref<16x768xf32, #tpu.memory_space<vmem>>
        %swap3A_1227 = arith.index_cast %scan3A_288 : i32 to index
        %swap3A_1228 = arith.constant 416 : index
        %swap3A_1229 = tpu.vector_load %swap3A_1226[%swap3A_1227, %swap3A_1228] {strides = array<i32>} : memref<16x768xf32, #tpu.memory_space<vmem>>, vector<1x16xf32>,
        %swap3A_1230 = vector.shape_cast %swap3A_1229 : vector<1x16xf32> to vector<16xf32>
        %swap3A_1231 = vector.shape_cast %add3A_1222 : vector<16xf32> to vector<1x16xf32>
        tpu.vector_store %swap3A_1226[%swap3A_1227, %swap3A_1228], %swap3A_1231 {strides = array<i32>} : memref<16x768xf32, #tpu.memory_space<vmem>>, vector<1x16xf32>,
        %get3A_1232 = arith.constant 0 : i32
        %get3A_1233 = arith.constant 0 : i32
        %get3A_1234 = tpu.memref_slice %arg7[%scan3A_172, %get3A_1232, %get3A_1233] : memref<2x16x768xf32, #tpu.memory_space<vmem>> -> memref<1x16x768xf32, #tpu.memory_space<vmem>>
        %get3A_1235 = tpu.memref_squeeze %get3A_1234 : memref<1x16x768xf32, #tpu.memory_space<vmem>> -> memref<16x768xf32, #tpu.memory_space<vmem>>
        %get3A_1236 = arith.index_cast %scan3A_288 : i32 to index
        %get3A_1237 = arith.constant 432 : index
        %get3A_1238 = tpu.vector_load %get3A_1235[%get3A_1236, %get3A_1237] {strides = array<i32>} : memref<16x768xf32, #tpu.memory_space<vmem>>, vector<1x16xf32>,
        %get3A_1239 = vector.shape_cast %get3A_1238 : vector<1x16xf32> to vector<16xf32>
        %get3A_1240 = arith.constant 0 : i32
        %get3A_1241 = arith.constant 0 : i32
        %get3A_1242 = tpu.memref_slice %arg8[%scan3A_173, %get3A_1240, %get3A_1241] : memref<2x16x768xf32, #tpu.memory_space<vmem>> -> memref<1x16x768xf32, #tpu.memory_space<vmem>>
        %get3A_1243 = tpu.memref_squeeze %get3A_1242 : memref<1x16x768xf32, #tpu.memory_space<vmem>> -> memref<16x768xf32, #tpu.memory_space<vmem>>
        %get3A_1244 = arith.index_cast %scan3A_288 : i32 to index
        %get3A_1245 = arith.constant 432 : index
        %get3A_1246 = tpu.vector_load %get3A_1243[%get3A_1244, %get3A_1245] {strides = array<i32>} : memref<16x768xf32, #tpu.memory_space<vmem>>, vector<1x16xf32>,
        %get3A_1247 = vector.shape_cast %get3A_1246 : vector<1x16xf32> to vector<16xf32>
        %add3A_1248 = arith.addf %get3A_1239, %get3A_1247 : vector<16xf32>
        %get3A_1249 = arith.constant 0 : i32
        %get3A_1250 = arith.constant 0 : i32
        %get3A_1251 = tpu.memref_slice %arg9[%scan3A_174, %get3A_1249, %get3A_1250] : memref<2x16x768xf32, #tpu.memory_space<vmem>> -> memref<1x16x768xf32, #tpu.memory_space<vmem>>
        %get3A_1252 = tpu.memref_squeeze %get3A_1251 : memref<1x16x768xf32, #tpu.memory_space<vmem>> -> memref<16x768xf32, #tpu.memory_space<vmem>>
        %get3A_1253 = arith.index_cast %scan3A_288 : i32 to index
        %get3A_1254 = arith.constant 432 : index
        %get3A_1255 = tpu.vector_load %get3A_1252[%get3A_1253, %get3A_1254] {strides = array<i32>} : memref<16x768xf32, #tpu.memory_space<vmem>>, vector<1x16xf32>,
        %get3A_1256 = vector.shape_cast %get3A_1255 : vector<1x16xf32> to vector<16xf32>
        %add3A_1257 = arith.addf %add3A_1248, %get3A_1256 : vector<16xf32>
        %swap3A_1258 = arith.constant 0 : i32
        %swap3A_1259 = arith.constant 0 : i32
        %swap3A_1260 = tpu.memref_slice %arg10[%scan3A_175, %swap3A_1258, %swap3A_1259] : memref<2x16x768xf32, #tpu.memory_space<vmem>> -> memref<1x16x768xf32, #tpu.memory_space<vmem>>
        %swap3A_1261 = tpu.memref_squeeze %swap3A_1260 : memref<1x16x768xf32, #tpu.memory_space<vmem>> -> memref<16x768xf32, #tpu.memory_space<vmem>>
        %swap3A_1262 = arith.index_cast %scan3A_288 : i32 to index
        %swap3A_1263 = arith.constant 432 : index
        %swap3A_1264 = tpu.vector_load %swap3A_1261[%swap3A_1262, %swap3A_1263] {strides = array<i32>} : memref<16x768xf32, #tpu.memory_space<vmem>>, vector<1x16xf32>,
        %swap3A_1265 = vector.shape_cast %swap3A_1264 : vector<1x16xf32> to vector<16xf32>
        %swap3A_1266 = vector.shape_cast %add3A_1257 : vector<16xf32> to vector<1x16xf32>
        tpu.vector_store %swap3A_1261[%swap3A_1262, %swap3A_1263], %swap3A_1266 {strides = array<i32>} : memref<16x768xf32, #tpu.memory_space<vmem>>, vector<1x16xf32>,
        %get3A_1267 = arith.constant 0 : i32
        %get3A_1268 = arith.constant 0 : i32
        %get3A_1269 = tpu.memref_slice %arg7[%scan3A_172, %get3A_1267, %get3A_1268] : memref<2x16x768xf32, #tpu.memory_space<vmem>> -> memref<1x16x768xf32, #tpu.memory_space<vmem>>
        %get3A_1270 = tpu.memref_squeeze %get3A_1269 : memref<1x16x768xf32, #tpu.memory_space<vmem>> -> memref<16x768xf32, #tpu.memory_space<vmem>>
        %get3A_1271 = arith.index_cast %scan3A_288 : i32 to index
        %get3A_1272 = arith.constant 448 : index
        %get3A_1273 = tpu.vector_load %get3A_1270[%get3A_1271, %get3A_1272] {strides = array<i32>} : memref<16x768xf32, #tpu.memory_space<vmem>>, vector<1x16xf32>,
        %get3A_1274 = vector.shape_cast %get3A_1273 : vector<1x16xf32> to vector<16xf32>
        %get3A_1275 = arith.constant 0 : i32
        %get3A_1276 = arith.constant 0 : i32
        %get3A_1277 = tpu.memref_slice %arg8[%scan3A_173, %get3A_1275, %get3A_1276] : memref<2x16x768xf32, #tpu.memory_space<vmem>> -> memref<1x16x768xf32, #tpu.memory_space<vmem>>
        %get3A_1278 = tpu.memref_squeeze %get3A_1277 : memref<1x16x768xf32, #tpu.memory_space<vmem>> -> memref<16x768xf32, #tpu.memory_space<vmem>>
        %get3A_1279 = arith.index_cast %scan3A_288 : i32 to index
        %get3A_1280 = arith.constant 448 : index
        %get3A_1281 = tpu.vector_load %get3A_1278[%get3A_1279, %get3A_1280] {strides = array<i32>} : memref<16x768xf32, #tpu.memory_space<vmem>>, vector<1x16xf32>,
        %get3A_1282 = vector.shape_cast %get3A_1281 : vector<1x16xf32> to vector<16xf32>
        %add3A_1283 = arith.addf %get3A_1274, %get3A_1282 : vector<16xf32>
        %get3A_1284 = arith.constant 0 : i32
        %get3A_1285 = arith.constant 0 : i32
        %get3A_1286 = tpu.memref_slice %arg9[%scan3A_174, %get3A_1284, %get3A_1285] : memref<2x16x768xf32, #tpu.memory_space<vmem>> -> memref<1x16x768xf32, #tpu.memory_space<vmem>>
        %get3A_1287 = tpu.memref_squeeze %get3A_1286 : memref<1x16x768xf32, #tpu.memory_space<vmem>> -> memref<16x768xf32, #tpu.memory_space<vmem>>
        %get3A_1288 = arith.index_cast %scan3A_288 : i32 to index
        %get3A_1289 = arith.constant 448 : index
        %get3A_1290 = tpu.vector_load %get3A_1287[%get3A_1288, %get3A_1289] {strides = array<i32>} : memref<16x768xf32, #tpu.memory_space<vmem>>, vector<1x16xf32>,
        %get3A_1291 = vector.shape_cast %get3A_1290 : vector<1x16xf32> to vector<16xf32>
        %add3A_1292 = arith.addf %add3A_1283, %get3A_1291 : vector<16xf32>
        %swap3A_1293 = arith.constant 0 : i32
        %swap3A_1294 = arith.constant 0 : i32
        %swap3A_1295 = tpu.memref_slice %arg10[%scan3A_175, %swap3A_1293, %swap3A_1294] : memref<2x16x768xf32, #tpu.memory_space<vmem>> -> memref<1x16x768xf32, #tpu.memory_space<vmem>>
        %swap3A_1296 = tpu.memref_squeeze %swap3A_1295 : memref<1x16x768xf32, #tpu.memory_space<vmem>> -> memref<16x768xf32, #tpu.memory_space<vmem>>
        %swap3A_1297 = arith.index_cast %scan3A_288 : i32 to index
        %swap3A_1298 = arith.constant 448 : index
        %swap3A_1299 = tpu.vector_load %swap3A_1296[%swap3A_1297, %swap3A_1298] {strides = array<i32>} : memref<16x768xf32, #tpu.memory_space<vmem>>, vector<1x16xf32>,
        %swap3A_1300 = vector.shape_cast %swap3A_1299 : vector<1x16xf32> to vector<16xf32>
        %swap3A_1301 = vector.shape_cast %add3A_1292 : vector<16xf32> to vector<1x16xf32>
        tpu.vector_store %swap3A_1296[%swap3A_1297, %swap3A_1298], %swap3A_1301 {strides = array<i32>} : memref<16x768xf32, #tpu.memory_space<vmem>>, vector<1x16xf32>,
        %get3A_1302 = arith.constant 0 : i32
        %get3A_1303 = arith.constant 0 : i32
        %get3A_1304 = tpu.memref_slice %arg7[%scan3A_172, %get3A_1302, %get3A_1303] : memref<2x16x768xf32, #tpu.memory_space<vmem>> -> memref<1x16x768xf32, #tpu.memory_space<vmem>>
        %get3A_1305 = tpu.memref_squeeze %get3A_1304 : memref<1x16x768xf32, #tpu.memory_space<vmem>> -> memref<16x768xf32, #tpu.memory_space<vmem>>
        %get3A_1306 = arith.index_cast %scan3A_288 : i32 to index
        %get3A_1307 = arith.constant 464 : index
        %get3A_1308 = tpu.vector_load %get3A_1305[%get3A_1306, %get3A_1307] {strides = array<i32>} : memref<16x768xf32, #tpu.memory_space<vmem>>, vector<1x16xf32>,
        %get3A_1309 = vector.shape_cast %get3A_1308 : vector<1x16xf32> to vector<16xf32>
        %get3A_1310 = arith.constant 0 : i32
        %get3A_1311 = arith.constant 0 : i32
        %get3A_1312 = tpu.memref_slice %arg8[%scan3A_173, %get3A_1310, %get3A_1311] : memref<2x16x768xf32, #tpu.memory_space<vmem>> -> memref<1x16x768xf32, #tpu.memory_space<vmem>>
        %get3A_1313 = tpu.memref_squeeze %get3A_1312 : memref<1x16x768xf32, #tpu.memory_space<vmem>> -> memref<16x768xf32, #tpu.memory_space<vmem>>
        %get3A_1314 = arith.index_cast %scan3A_288 : i32 to index
        %get3A_1315 = arith.constant 464 : index
        %get3A_1316 = tpu.vector_load %get3A_1313[%get3A_1314, %get3A_1315] {strides = array<i32>} : memref<16x768xf32, #tpu.memory_space<vmem>>, vector<1x16xf32>,
        %get3A_1317 = vector.shape_cast %get3A_1316 : vector<1x16xf32> to vector<16xf32>
        %add3A_1318 = arith.addf %get3A_1309, %get3A_1317 : vector<16xf32>
        %get3A_1319 = arith.constant 0 : i32
        %get3A_1320 = arith.constant 0 : i32
        %get3A_1321 = tpu.memref_slice %arg9[%scan3A_174, %get3A_1319, %get3A_1320] : memref<2x16x768xf32, #tpu.memory_space<vmem>> -> memref<1x16x768xf32, #tpu.memory_space<vmem>>
        %get3A_1322 = tpu.memref_squeeze %get3A_1321 : memref<1x16x768xf32, #tpu.memory_space<vmem>> -> memref<16x768xf32, #tpu.memory_space<vmem>>
        %get3A_1323 = arith.index_cast %scan3A_288 : i32 to index
        %get3A_1324 = arith.constant 464 : index
        %get3A_1325 = tpu.vector_load %get3A_1322[%get3A_1323, %get3A_1324] {strides = array<i32>} : memref<16x768xf32, #tpu.memory_space<vmem>>, vector<1x16xf32>,
        %get3A_1326 = vector.shape_cast %get3A_1325 : vector<1x16xf32> to vector<16xf32>
        %add3A_1327 = arith.addf %add3A_1318, %get3A_1326 : vector<16xf32>
        %swap3A_1328 = arith.constant 0 : i32
        %swap3A_1329 = arith.constant 0 : i32
        %swap3A_1330 = tpu.memref_slice %arg10[%scan3A_175, %swap3A_1328, %swap3A_1329] : memref<2x16x768xf32, #tpu.memory_space<vmem>> -> memref<1x16x768xf32, #tpu.memory_space<vmem>>
        %swap3A_1331 = tpu.memref_squeeze %swap3A_1330 : memref<1x16x768xf32, #tpu.memory_space<vmem>> -> memref<16x768xf32, #tpu.memory_space<vmem>>
        %swap3A_1332 = arith.index_cast %scan3A_288 : i32 to index
        %swap3A_1333 = arith.constant 464 : index
        %swap3A_1334 = tpu.vector_load %swap3A_1331[%swap3A_1332, %swap3A_1333] {strides = array<i32>} : memref<16x768xf32, #tpu.memory_space<vmem>>, vector<1x16xf32>,
        %swap3A_1335 = vector.shape_cast %swap3A_1334 : vector<1x16xf32> to vector<16xf32>
        %swap3A_1336 = vector.shape_cast %add3A_1327 : vector<16xf32> to vector<1x16xf32>
        tpu.vector_store %swap3A_1331[%swap3A_1332, %swap3A_1333], %swap3A_1336 {strides = array<i32>} : memref<16x768xf32, #tpu.memory_space<vmem>>, vector<1x16xf32>,
        %get3A_1337 = arith.constant 0 : i32
        %get3A_1338 = arith.constant 0 : i32
        %get3A_1339 = tpu.memref_slice %arg7[%scan3A_172, %get3A_1337, %get3A_1338] : memref<2x16x768xf32, #tpu.memory_space<vmem>> -> memref<1x16x768xf32, #tpu.memory_space<vmem>>
        %get3A_1340 = tpu.memref_squeeze %get3A_1339 : memref<1x16x768xf32, #tpu.memory_space<vmem>> -> memref<16x768xf32, #tpu.memory_space<vmem>>
        %get3A_1341 = arith.index_cast %scan3A_288 : i32 to index
        %get3A_1342 = arith.constant 480 : index
        %get3A_1343 = tpu.vector_load %get3A_1340[%get3A_1341, %get3A_1342] {strides = array<i32>} : memref<16x768xf32, #tpu.memory_space<vmem>>, vector<1x16xf32>,
        %get3A_1344 = vector.shape_cast %get3A_1343 : vector<1x16xf32> to vector<16xf32>
        %get3A_1345 = arith.constant 0 : i32
        %get3A_1346 = arith.constant 0 : i32
        %get3A_1347 = tpu.memref_slice %arg8[%scan3A_173, %get3A_1345, %get3A_1346] : memref<2x16x768xf32, #tpu.memory_space<vmem>> -> memref<1x16x768xf32, #tpu.memory_space<vmem>>
        %get3A_1348 = tpu.memref_squeeze %get3A_1347 : memref<1x16x768xf32, #tpu.memory_space<vmem>> -> memref<16x768xf32, #tpu.memory_space<vmem>>
        %get3A_1349 = arith.index_cast %scan3A_288 : i32 to index
        %get3A_1350 = arith.constant 480 : index
        %get3A_1351 = tpu.vector_load %get3A_1348[%get3A_1349, %get3A_1350] {strides = array<i32>} : memref<16x768xf32, #tpu.memory_space<vmem>>, vector<1x16xf32>,
        %get3A_1352 = vector.shape_cast %get3A_1351 : vector<1x16xf32> to vector<16xf32>
        %add3A_1353 = arith.addf %get3A_1344, %get3A_1352 : vector<16xf32>
        %get3A_1354 = arith.constant 0 : i32
        %get3A_1355 = arith.constant 0 : i32
        %get3A_1356 = tpu.memref_slice %arg9[%scan3A_174, %get3A_1354, %get3A_1355] : memref<2x16x768xf32, #tpu.memory_space<vmem>> -> memref<1x16x768xf32, #tpu.memory_space<vmem>>
        %get3A_1357 = tpu.memref_squeeze %get3A_1356 : memref<1x16x768xf32, #tpu.memory_space<vmem>> -> memref<16x768xf32, #tpu.memory_space<vmem>>
        %get3A_1358 = arith.index_cast %scan3A_288 : i32 to index
        %get3A_1359 = arith.constant 480 : index
        %get3A_1360 = tpu.vector_load %get3A_1357[%get3A_1358, %get3A_1359] {strides = array<i32>} : memref<16x768xf32, #tpu.memory_space<vmem>>, vector<1x16xf32>,
        %get3A_1361 = vector.shape_cast %get3A_1360 : vector<1x16xf32> to vector<16xf32>
        %add3A_1362 = arith.addf %add3A_1353, %get3A_1361 : vector<16xf32>
        %swap3A_1363 = arith.constant 0 : i32
        %swap3A_1364 = arith.constant 0 : i32
        %swap3A_1365 = tpu.memref_slice %arg10[%scan3A_175, %swap3A_1363, %swap3A_1364] : memref<2x16x768xf32, #tpu.memory_space<vmem>> -> memref<1x16x768xf32, #tpu.memory_space<vmem>>
        %swap3A_1366 = tpu.memref_squeeze %swap3A_1365 : memref<1x16x768xf32, #tpu.memory_space<vmem>> -> memref<16x768xf32, #tpu.memory_space<vmem>>
        %swap3A_1367 = arith.index_cast %scan3A_288 : i32 to index
        %swap3A_1368 = arith.constant 480 : index
        %swap3A_1369 = tpu.vector_load %swap3A_1366[%swap3A_1367, %swap3A_1368] {strides = array<i32>} : memref<16x768xf32, #tpu.memory_space<vmem>>, vector<1x16xf32>,
        %swap3A_1370 = vector.shape_cast %swap3A_1369 : vector<1x16xf32> to vector<16xf32>
        %swap3A_1371 = vector.shape_cast %add3A_1362 : vector<16xf32> to vector<1x16xf32>
        tpu.vector_store %swap3A_1366[%swap3A_1367, %swap3A_1368], %swap3A_1371 {strides = array<i32>} : memref<16x768xf32, #tpu.memory_space<vmem>>, vector<1x16xf32>,
        %get3A_1372 = arith.constant 0 : i32
        %get3A_1373 = arith.constant 0 : i32
        %get3A_1374 = tpu.memref_slice %arg7[%scan3A_172, %get3A_1372, %get3A_1373] : memref<2x16x768xf32, #tpu.memory_space<vmem>> -> memref<1x16x768xf32, #tpu.memory_space<vmem>>
        %get3A_1375 = tpu.memref_squeeze %get3A_1374 : memref<1x16x768xf32, #tpu.memory_space<vmem>> -> memref<16x768xf32, #tpu.memory_space<vmem>>
        %get3A_1376 = arith.index_cast %scan3A_288 : i32 to index
        %get3A_1377 = arith.constant 496 : index
        %get3A_1378 = tpu.vector_load %get3A_1375[%get3A_1376, %get3A_1377] {strides = array<i32>} : memref<16x768xf32, #tpu.memory_space<vmem>>, vector<1x16xf32>,
        %get3A_1379 = vector.shape_cast %get3A_1378 : vector<1x16xf32> to vector<16xf32>
        %get3A_1380 = arith.constant 0 : i32
        %get3A_1381 = arith.constant 0 : i32
        %get3A_1382 = tpu.memref_slice %arg8[%scan3A_173, %get3A_1380, %get3A_1381] : memref<2x16x768xf32, #tpu.memory_space<vmem>> -> memref<1x16x768xf32, #tpu.memory_space<vmem>>
        %get3A_1383 = tpu.memref_squeeze %get3A_1382 : memref<1x16x768xf32, #tpu.memory_space<vmem>> -> memref<16x768xf32, #tpu.memory_space<vmem>>
        %get3A_1384 = arith.index_cast %scan3A_288 : i32 to index
        %get3A_1385 = arith.constant 496 : index
        %get3A_1386 = tpu.vector_load %get3A_1383[%get3A_1384, %get3A_1385] {strides = array<i32>} : memref<16x768xf32, #tpu.memory_space<vmem>>, vector<1x16xf32>,
        %get3A_1387 = vector.shape_cast %get3A_1386 : vector<1x16xf32> to vector<16xf32>
        %add3A_1388 = arith.addf %get3A_1379, %get3A_1387 : vector<16xf32>
        %get3A_1389 = arith.constant 0 : i32
        %get3A_1390 = arith.constant 0 : i32
        %get3A_1391 = tpu.memref_slice %arg9[%scan3A_174, %get3A_1389, %get3A_1390] : memref<2x16x768xf32, #tpu.memory_space<vmem>> -> memref<1x16x768xf32, #tpu.memory_space<vmem>>
        %get3A_1392 = tpu.memref_squeeze %get3A_1391 : memref<1x16x768xf32, #tpu.memory_space<vmem>> -> memref<16x768xf32, #tpu.memory_space<vmem>>
        %get3A_1393 = arith.index_cast %scan3A_288 : i32 to index
        %get3A_1394 = arith.constant 496 : index
        %get3A_1395 = tpu.vector_load %get3A_1392[%get3A_1393, %get3A_1394] {strides = array<i32>} : memref<16x768xf32, #tpu.memory_space<vmem>>, vector<1x16xf32>,
        %get3A_1396 = vector.shape_cast %get3A_1395 : vector<1x16xf32> to vector<16xf32>
        %add3A_1397 = arith.addf %add3A_1388, %get3A_1396 : vector<16xf32>
        %swap3A_1398 = arith.constant 0 : i32
        %swap3A_1399 = arith.constant 0 : i32
        %swap3A_1400 = tpu.memref_slice %arg10[%scan3A_175, %swap3A_1398, %swap3A_1399] : memref<2x16x768xf32, #tpu.memory_space<vmem>> -> memref<1x16x768xf32, #tpu.memory_space<vmem>>
        %swap3A_1401 = tpu.memref_squeeze %swap3A_1400 : memref<1x16x768xf32, #tpu.memory_space<vmem>> -> memref<16x768xf32, #tpu.memory_space<vmem>>
        %swap3A_1402 = arith.index_cast %scan3A_288 : i32 to index
        %swap3A_1403 = arith.constant 496 : index
        %swap3A_1404 = tpu.vector_load %swap3A_1401[%swap3A_1402, %swap3A_1403] {strides = array<i32>} : memref<16x768xf32, #tpu.memory_space<vmem>>, vector<1x16xf32>,
        %swap3A_1405 = vector.shape_cast %swap3A_1404 : vector<1x16xf32> to vector<16xf32>
        %swap3A_1406 = vector.shape_cast %add3A_1397 : vector<16xf32> to vector<1x16xf32>
        tpu.vector_store %swap3A_1401[%swap3A_1402, %swap3A_1403], %swap3A_1406 {strides = array<i32>} : memref<16x768xf32, #tpu.memory_space<vmem>>, vector<1x16xf32>,
        %get3A_1407 = arith.constant 0 : i32
        %get3A_1408 = arith.constant 0 : i32
        %get3A_1409 = tpu.memref_slice %arg7[%scan3A_172, %get3A_1407, %get3A_1408] : memref<2x16x768xf32, #tpu.memory_space<vmem>> -> memref<1x16x768xf32, #tpu.memory_space<vmem>>
        %get3A_1410 = tpu.memref_squeeze %get3A_1409 : memref<1x16x768xf32, #tpu.memory_space<vmem>> -> memref<16x768xf32, #tpu.memory_space<vmem>>
        %get3A_1411 = arith.index_cast %scan3A_288 : i32 to index
        %get3A_1412 = arith.constant 512 : index
        %get3A_1413 = tpu.vector_load %get3A_1410[%get3A_1411, %get3A_1412] {strides = array<i32>} : memref<16x768xf32, #tpu.memory_space<vmem>>, vector<1x16xf32>,
        %get3A_1414 = vector.shape_cast %get3A_1413 : vector<1x16xf32> to vector<16xf32>
        %get3A_1415 = arith.constant 0 : i32
        %get3A_1416 = arith.constant 0 : i32
        %get3A_1417 = tpu.memref_slice %arg8[%scan3A_173, %get3A_1415, %get3A_1416] : memref<2x16x768xf32, #tpu.memory_space<vmem>> -> memref<1x16x768xf32, #tpu.memory_space<vmem>>
        %get3A_1418 = tpu.memref_squeeze %get3A_1417 : memref<1x16x768xf32, #tpu.memory_space<vmem>> -> memref<16x768xf32, #tpu.memory_space<vmem>>
        %get3A_1419 = arith.index_cast %scan3A_288 : i32 to index
        %get3A_1420 = arith.constant 512 : index
        %get3A_1421 = tpu.vector_load %get3A_1418[%get3A_1419, %get3A_1420] {strides = array<i32>} : memref<16x768xf32, #tpu.memory_space<vmem>>, vector<1x16xf32>,
        %get3A_1422 = vector.shape_cast %get3A_1421 : vector<1x16xf32> to vector<16xf32>
        %add3A_1423 = arith.addf %get3A_1414, %get3A_1422 : vector<16xf32>
        %get3A_1424 = arith.constant 0 : i32
        %get3A_1425 = arith.constant 0 : i32
        %get3A_1426 = tpu.memref_slice %arg9[%scan3A_174, %get3A_1424, %get3A_1425] : memref<2x16x768xf32, #tpu.memory_space<vmem>> -> memref<1x16x768xf32, #tpu.memory_space<vmem>>
        %get3A_1427 = tpu.memref_squeeze %get3A_1426 : memref<1x16x768xf32, #tpu.memory_space<vmem>> -> memref<16x768xf32, #tpu.memory_space<vmem>>
        %get3A_1428 = arith.index_cast %scan3A_288 : i32 to index
        %get3A_1429 = arith.constant 512 : index
        %get3A_1430 = tpu.vector_load %get3A_1427[%get3A_1428, %get3A_1429] {strides = array<i32>} : memref<16x768xf32, #tpu.memory_space<vmem>>, vector<1x16xf32>,
        %get3A_1431 = vector.shape_cast %get3A_1430 : vector<1x16xf32> to vector<16xf32>
        %add3A_1432 = arith.addf %add3A_1423, %get3A_1431 : vector<16xf32>
        %swap3A_1433 = arith.constant 0 : i32
        %swap3A_1434 = arith.constant 0 : i32
        %swap3A_1435 = tpu.memref_slice %arg10[%scan3A_175, %swap3A_1433, %swap3A_1434] : memref<2x16x768xf32, #tpu.memory_space<vmem>> -> memref<1x16x768xf32, #tpu.memory_space<vmem>>
        %swap3A_1436 = tpu.memref_squeeze %swap3A_1435 : memref<1x16x768xf32, #tpu.memory_space<vmem>> -> memref<16x768xf32, #tpu.memory_space<vmem>>
        %swap3A_1437 = arith.index_cast %scan3A_288 : i32 to index
        %swap3A_1438 = arith.constant 512 : index
        %swap3A_1439 = tpu.vector_load %swap3A_1436[%swap3A_1437, %swap3A_1438] {strides = array<i32>} : memref<16x768xf32, #tpu.memory_space<vmem>>, vector<1x16xf32>,
        %swap3A_1440 = vector.shape_cast %swap3A_1439 : vector<1x16xf32> to vector<16xf32>
        %swap3A_1441 = vector.shape_cast %add3A_1432 : vector<16xf32> to vector<1x16xf32>
        tpu.vector_store %swap3A_1436[%swap3A_1437, %swap3A_1438], %swap3A_1441 {strides = array<i32>} : memref<16x768xf32, #tpu.memory_space<vmem>>, vector<1x16xf32>,
        %get3A_1442 = arith.constant 0 : i32
        %get3A_1443 = arith.constant 0 : i32
        %get3A_1444 = tpu.memref_slice %arg7[%scan3A_172, %get3A_1442, %get3A_1443] : memref<2x16x768xf32, #tpu.memory_space<vmem>> -> memref<1x16x768xf32, #tpu.memory_space<vmem>>
        %get3A_1445 = tpu.memref_squeeze %get3A_1444 : memref<1x16x768xf32, #tpu.memory_space<vmem>> -> memref<16x768xf32, #tpu.memory_space<vmem>>
        %get3A_1446 = arith.index_cast %scan3A_288 : i32 to index
        %get3A_1447 = arith.constant 528 : index
        %get3A_1448 = tpu.vector_load %get3A_1445[%get3A_1446, %get3A_1447] {strides = array<i32>} : memref<16x768xf32, #tpu.memory_space<vmem>>, vector<1x16xf32>,
        %get3A_1449 = vector.shape_cast %get3A_1448 : vector<1x16xf32> to vector<16xf32>
        %get3A_1450 = arith.constant 0 : i32
        %get3A_1451 = arith.constant 0 : i32
        %get3A_1452 = tpu.memref_slice %arg8[%scan3A_173, %get3A_1450, %get3A_1451] : memref<2x16x768xf32, #tpu.memory_space<vmem>> -> memref<1x16x768xf32, #tpu.memory_space<vmem>>
        %get3A_1453 = tpu.memref_squeeze %get3A_1452 : memref<1x16x768xf32, #tpu.memory_space<vmem>> -> memref<16x768xf32, #tpu.memory_space<vmem>>
        %get3A_1454 = arith.index_cast %scan3A_288 : i32 to index
        %get3A_1455 = arith.constant 528 : index
        %get3A_1456 = tpu.vector_load %get3A_1453[%get3A_1454, %get3A_1455] {strides = array<i32>} : memref<16x768xf32, #tpu.memory_space<vmem>>, vector<1x16xf32>,
        %get3A_1457 = vector.shape_cast %get3A_1456 : vector<1x16xf32> to vector<16xf32>
        %add3A_1458 = arith.addf %get3A_1449, %get3A_1457 : vector<16xf32>
        %get3A_1459 = arith.constant 0 : i32
        %get3A_1460 = arith.constant 0 : i32
        %get3A_1461 = tpu.memref_slice %arg9[%scan3A_174, %get3A_1459, %get3A_1460] : memref<2x16x768xf32, #tpu.memory_space<vmem>> -> memref<1x16x768xf32, #tpu.memory_space<vmem>>
        %get3A_1462 = tpu.memref_squeeze %get3A_1461 : memref<1x16x768xf32, #tpu.memory_space<vmem>> -> memref<16x768xf32, #tpu.memory_space<vmem>>
        %get3A_1463 = arith.index_cast %scan3A_288 : i32 to index
        %get3A_1464 = arith.constant 528 : index
        %get3A_1465 = tpu.vector_load %get3A_1462[%get3A_1463, %get3A_1464] {strides = array<i32>} : memref<16x768xf32, #tpu.memory_space<vmem>>, vector<1x16xf32>,
        %get3A_1466 = vector.shape_cast %get3A_1465 : vector<1x16xf32> to vector<16xf32>
        %add3A_1467 = arith.addf %add3A_1458, %get3A_1466 : vector<16xf32>
        %swap3A_1468 = arith.constant 0 : i32
        %swap3A_1469 = arith.constant 0 : i32
        %swap3A_1470 = tpu.memref_slice %arg10[%scan3A_175, %swap3A_1468, %swap3A_1469] : memref<2x16x768xf32, #tpu.memory_space<vmem>> -> memref<1x16x768xf32, #tpu.memory_space<vmem>>
        %swap3A_1471 = tpu.memref_squeeze %swap3A_1470 : memref<1x16x768xf32, #tpu.memory_space<vmem>> -> memref<16x768xf32, #tpu.memory_space<vmem>>
        %swap3A_1472 = arith.index_cast %scan3A_288 : i32 to index
        %swap3A_1473 = arith.constant 528 : index
        %swap3A_1474 = tpu.vector_load %swap3A_1471[%swap3A_1472, %swap3A_1473] {strides = array<i32>} : memref<16x768xf32, #tpu.memory_space<vmem>>, vector<1x16xf32>,
        %swap3A_1475 = vector.shape_cast %swap3A_1474 : vector<1x16xf32> to vector<16xf32>
        %swap3A_1476 = vector.shape_cast %add3A_1467 : vector<16xf32> to vector<1x16xf32>
        tpu.vector_store %swap3A_1471[%swap3A_1472, %swap3A_1473], %swap3A_1476 {strides = array<i32>} : memref<16x768xf32, #tpu.memory_space<vmem>>, vector<1x16xf32>,
        %get3A_1477 = arith.constant 0 : i32
        %get3A_1478 = arith.constant 0 : i32
        %get3A_1479 = tpu.memref_slice %arg7[%scan3A_172, %get3A_1477, %get3A_1478] : memref<2x16x768xf32, #tpu.memory_space<vmem>> -> memref<1x16x768xf32, #tpu.memory_space<vmem>>
        %get3A_1480 = tpu.memref_squeeze %get3A_1479 : memref<1x16x768xf32, #tpu.memory_space<vmem>> -> memref<16x768xf32, #tpu.memory_space<vmem>>
        %get3A_1481 = arith.index_cast %scan3A_288 : i32 to index
        %get3A_1482 = arith.constant 544 : index
        %get3A_1483 = tpu.vector_load %get3A_1480[%get3A_1481, %get3A_1482] {strides = array<i32>} : memref<16x768xf32, #tpu.memory_space<vmem>>, vector<1x16xf32>,
        %get3A_1484 = vector.shape_cast %get3A_1483 : vector<1x16xf32> to vector<16xf32>
        %get3A_1485 = arith.constant 0 : i32
        %get3A_1486 = arith.constant 0 : i32
        %get3A_1487 = tpu.memref_slice %arg8[%scan3A_173, %get3A_1485, %get3A_1486] : memref<2x16x768xf32, #tpu.memory_space<vmem>> -> memref<1x16x768xf32, #tpu.memory_space<vmem>>
        %get3A_1488 = tpu.memref_squeeze %get3A_1487 : memref<1x16x768xf32, #tpu.memory_space<vmem>> -> memref<16x768xf32, #tpu.memory_space<vmem>>
        %get3A_1489 = arith.index_cast %scan3A_288 : i32 to index
        %get3A_1490 = arith.constant 544 : index
        %get3A_1491 = tpu.vector_load %get3A_1488[%get3A_1489, %get3A_1490] {strides = array<i32>} : memref<16x768xf32, #tpu.memory_space<vmem>>, vector<1x16xf32>,
        %get3A_1492 = vector.shape_cast %get3A_1491 : vector<1x16xf32> to vector<16xf32>
        %add3A_1493 = arith.addf %get3A_1484, %get3A_1492 : vector<16xf32>
        %get3A_1494 = arith.constant 0 : i32
        %get3A_1495 = arith.constant 0 : i32
        %get3A_1496 = tpu.memref_slice %arg9[%scan3A_174, %get3A_1494, %get3A_1495] : memref<2x16x768xf32, #tpu.memory_space<vmem>> -> memref<1x16x768xf32, #tpu.memory_space<vmem>>
        %get3A_1497 = tpu.memref_squeeze %get3A_1496 : memref<1x16x768xf32, #tpu.memory_space<vmem>> -> memref<16x768xf32, #tpu.memory_space<vmem>>
        %get3A_1498 = arith.index_cast %scan3A_288 : i32 to index
        %get3A_1499 = arith.constant 544 : index
        %get3A_1500 = tpu.vector_load %get3A_1497[%get3A_1498, %get3A_1499] {strides = array<i32>} : memref<16x768xf32, #tpu.memory_space<vmem>>, vector<1x16xf32>,
        %get3A_1501 = vector.shape_cast %get3A_1500 : vector<1x16xf32> to vector<16xf32>
        %add3A_1502 = arith.addf %add3A_1493, %get3A_1501 : vector<16xf32>
        %swap3A_1503 = arith.constant 0 : i32
        %swap3A_1504 = arith.constant 0 : i32
        %swap3A_1505 = tpu.memref_slice %arg10[%scan3A_175, %swap3A_1503, %swap3A_1504] : memref<2x16x768xf32, #tpu.memory_space<vmem>> -> memref<1x16x768xf32, #tpu.memory_space<vmem>>
        %swap3A_1506 = tpu.memref_squeeze %swap3A_1505 : memref<1x16x768xf32, #tpu.memory_space<vmem>> -> memref<16x768xf32, #tpu.memory_space<vmem>>
        %swap3A_1507 = arith.index_cast %scan3A_288 : i32 to index
        %swap3A_1508 = arith.constant 544 : index
        %swap3A_1509 = tpu.vector_load %swap3A_1506[%swap3A_1507, %swap3A_1508] {strides = array<i32>} : memref<16x768xf32, #tpu.memory_space<vmem>>, vector<1x16xf32>,
        %swap3A_1510 = vector.shape_cast %swap3A_1509 : vector<1x16xf32> to vector<16xf32>
        %swap3A_1511 = vector.shape_cast %add3A_1502 : vector<16xf32> to vector<1x16xf32>
        tpu.vector_store %swap3A_1506[%swap3A_1507, %swap3A_1508], %swap3A_1511 {strides = array<i32>} : memref<16x768xf32, #tpu.memory_space<vmem>>, vector<1x16xf32>,
        %get3A_1512 = arith.constant 0 : i32
        %get3A_1513 = arith.constant 0 : i32
        %get3A_1514 = tpu.memref_slice %arg7[%scan3A_172, %get3A_1512, %get3A_1513] : memref<2x16x768xf32, #tpu.memory_space<vmem>> -> memref<1x16x768xf32, #tpu.memory_space<vmem>>
        %get3A_1515 = tpu.memref_squeeze %get3A_1514 : memref<1x16x768xf32, #tpu.memory_space<vmem>> -> memref<16x768xf32, #tpu.memory_space<vmem>>
        %get3A_1516 = arith.index_cast %scan3A_288 : i32 to index
        %get3A_1517 = arith.constant 560 : index
        %get3A_1518 = tpu.vector_load %get3A_1515[%get3A_1516, %get3A_1517] {strides = array<i32>} : memref<16x768xf32, #tpu.memory_space<vmem>>, vector<1x16xf32>,
        %get3A_1519 = vector.shape_cast %get3A_1518 : vector<1x16xf32> to vector<16xf32>
        %get3A_1520 = arith.constant 0 : i32
        %get3A_1521 = arith.constant 0 : i32
        %get3A_1522 = tpu.memref_slice %arg8[%scan3A_173, %get3A_1520, %get3A_1521] : memref<2x16x768xf32, #tpu.memory_space<vmem>> -> memref<1x16x768xf32, #tpu.memory_space<vmem>>
        %get3A_1523 = tpu.memref_squeeze %get3A_1522 : memref<1x16x768xf32, #tpu.memory_space<vmem>> -> memref<16x768xf32, #tpu.memory_space<vmem>>
        %get3A_1524 = arith.index_cast %scan3A_288 : i32 to index
        %get3A_1525 = arith.constant 560 : index
        %get3A_1526 = tpu.vector_load %get3A_1523[%get3A_1524, %get3A_1525] {strides = array<i32>} : memref<16x768xf32, #tpu.memory_space<vmem>>, vector<1x16xf32>,
        %get3A_1527 = vector.shape_cast %get3A_1526 : vector<1x16xf32> to vector<16xf32>
        %add3A_1528 = arith.addf %get3A_1519, %get3A_1527 : vector<16xf32>
        %get3A_1529 = arith.constant 0 : i32
        %get3A_1530 = arith.constant 0 : i32
        %get3A_1531 = tpu.memref_slice %arg9[%scan3A_174, %get3A_1529, %get3A_1530] : memref<2x16x768xf32, #tpu.memory_space<vmem>> -> memref<1x16x768xf32, #tpu.memory_space<vmem>>
        %get3A_1532 = tpu.memref_squeeze %get3A_1531 : memref<1x16x768xf32, #tpu.memory_space<vmem>> -> memref<16x768xf32, #tpu.memory_space<vmem>>
        %get3A_1533 = arith.index_cast %scan3A_288 : i32 to index
        %get3A_1534 = arith.constant 560 : index
        %get3A_1535 = tpu.vector_load %get3A_1532[%get3A_1533, %get3A_1534] {strides = array<i32>} : memref<16x768xf32, #tpu.memory_space<vmem>>, vector<1x16xf32>,
        %get3A_1536 = vector.shape_cast %get3A_1535 : vector<1x16xf32> to vector<16xf32>
        %add3A_1537 = arith.addf %add3A_1528, %get3A_1536 : vector<16xf32>
        %swap3A_1538 = arith.constant 0 : i32
        %swap3A_1539 = arith.constant 0 : i32
        %swap3A_1540 = tpu.memref_slice %arg10[%scan3A_175, %swap3A_1538, %swap3A_1539] : memref<2x16x768xf32, #tpu.memory_space<vmem>> -> memref<1x16x768xf32, #tpu.memory_space<vmem>>
        %swap3A_1541 = tpu.memref_squeeze %swap3A_1540 : memref<1x16x768xf32, #tpu.memory_space<vmem>> -> memref<16x768xf32, #tpu.memory_space<vmem>>
        %swap3A_1542 = arith.index_cast %scan3A_288 : i32 to index
        %swap3A_1543 = arith.constant 560 : index
        %swap3A_1544 = tpu.vector_load %swap3A_1541[%swap3A_1542, %swap3A_1543] {strides = array<i32>} : memref<16x768xf32, #tpu.memory_space<vmem>>, vector<1x16xf32>,
        %swap3A_1545 = vector.shape_cast %swap3A_1544 : vector<1x16xf32> to vector<16xf32>
        %swap3A_1546 = vector.shape_cast %add3A_1537 : vector<16xf32> to vector<1x16xf32>
        tpu.vector_store %swap3A_1541[%swap3A_1542, %swap3A_1543], %swap3A_1546 {strides = array<i32>} : memref<16x768xf32, #tpu.memory_space<vmem>>, vector<1x16xf32>,
        %get3A_1547 = arith.constant 0 : i32
        %get3A_1548 = arith.constant 0 : i32
        %get3A_1549 = tpu.memref_slice %arg7[%scan3A_172, %get3A_1547, %get3A_1548] : memref<2x16x768xf32, #tpu.memory_space<vmem>> -> memref<1x16x768xf32, #tpu.memory_space<vmem>>
        %get3A_1550 = tpu.memref_squeeze %get3A_1549 : memref<1x16x768xf32, #tpu.memory_space<vmem>> -> memref<16x768xf32, #tpu.memory_space<vmem>>
        %get3A_1551 = arith.index_cast %scan3A_288 : i32 to index
        %get3A_1552 = arith.constant 576 : index
        %get3A_1553 = tpu.vector_load %get3A_1550[%get3A_1551, %get3A_1552] {strides = array<i32>} : memref<16x768xf32, #tpu.memory_space<vmem>>, vector<1x16xf32>,
        %get3A_1554 = vector.shape_cast %get3A_1553 : vector<1x16xf32> to vector<16xf32>
        %get3A_1555 = arith.constant 0 : i32
        %get3A_1556 = arith.constant 0 : i32
        %get3A_1557 = tpu.memref_slice %arg8[%scan3A_173, %get3A_1555, %get3A_1556] : memref<2x16x768xf32, #tpu.memory_space<vmem>> -> memref<1x16x768xf32, #tpu.memory_space<vmem>>
        %get3A_1558 = tpu.memref_squeeze %get3A_1557 : memref<1x16x768xf32, #tpu.memory_space<vmem>> -> memref<16x768xf32, #tpu.memory_space<vmem>>
        %get3A_1559 = arith.index_cast %scan3A_288 : i32 to index
        %get3A_1560 = arith.constant 576 : index
        %get3A_1561 = tpu.vector_load %get3A_1558[%get3A_1559, %get3A_1560] {strides = array<i32>} : memref<16x768xf32, #tpu.memory_space<vmem>>, vector<1x16xf32>,
        %get3A_1562 = vector.shape_cast %get3A_1561 : vector<1x16xf32> to vector<16xf32>
        %add3A_1563 = arith.addf %get3A_1554, %get3A_1562 : vector<16xf32>
        %get3A_1564 = arith.constant 0 : i32
        %get3A_1565 = arith.constant 0 : i32
        %get3A_1566 = tpu.memref_slice %arg9[%scan3A_174, %get3A_1564, %get3A_1565] : memref<2x16x768xf32, #tpu.memory_space<vmem>> -> memref<1x16x768xf32, #tpu.memory_space<vmem>>
        %get3A_1567 = tpu.memref_squeeze %get3A_1566 : memref<1x16x768xf32, #tpu.memory_space<vmem>> -> memref<16x768xf32, #tpu.memory_space<vmem>>
        %get3A_1568 = arith.index_cast %scan3A_288 : i32 to index
        %get3A_1569 = arith.constant 576 : index
        %get3A_1570 = tpu.vector_load %get3A_1567[%get3A_1568, %get3A_1569] {strides = array<i32>} : memref<16x768xf32, #tpu.memory_space<vmem>>, vector<1x16xf32>,
        %get3A_1571 = vector.shape_cast %get3A_1570 : vector<1x16xf32> to vector<16xf32>
        %add3A_1572 = arith.addf %add3A_1563, %get3A_1571 : vector<16xf32>
        %swap3A_1573 = arith.constant 0 : i32
        %swap3A_1574 = arith.constant 0 : i32
        %swap3A_1575 = tpu.memref_slice %arg10[%scan3A_175, %swap3A_1573, %swap3A_1574] : memref<2x16x768xf32, #tpu.memory_space<vmem>> -> memref<1x16x768xf32, #tpu.memory_space<vmem>>
        %swap3A_1576 = tpu.memref_squeeze %swap3A_1575 : memref<1x16x768xf32, #tpu.memory_space<vmem>> -> memref<16x768xf32, #tpu.memory_space<vmem>>
        %swap3A_1577 = arith.index_cast %scan3A_288 : i32 to index
        %swap3A_1578 = arith.constant 576 : index
        %swap3A_1579 = tpu.vector_load %swap3A_1576[%swap3A_1577, %swap3A_1578] {strides = array<i32>} : memref<16x768xf32, #tpu.memory_space<vmem>>, vector<1x16xf32>,
        %swap3A_1580 = vector.shape_cast %swap3A_1579 : vector<1x16xf32> to vector<16xf32>
        %swap3A_1581 = vector.shape_cast %add3A_1572 : vector<16xf32> to vector<1x16xf32>
        tpu.vector_store %swap3A_1576[%swap3A_1577, %swap3A_1578], %swap3A_1581 {strides = array<i32>} : memref<16x768xf32, #tpu.memory_space<vmem>>, vector<1x16xf32>,
        %get3A_1582 = arith.constant 0 : i32
        %get3A_1583 = arith.constant 0 : i32
        %get3A_1584 = tpu.memref_slice %arg7[%scan3A_172, %get3A_1582, %get3A_1583] : memref<2x16x768xf32, #tpu.memory_space<vmem>> -> memref<1x16x768xf32, #tpu.memory_space<vmem>>
        %get3A_1585 = tpu.memref_squeeze %get3A_1584 : memref<1x16x768xf32, #tpu.memory_space<vmem>> -> memref<16x768xf32, #tpu.memory_space<vmem>>
        %get3A_1586 = arith.index_cast %scan3A_288 : i32 to index
        %get3A_1587 = arith.constant 592 : index
        %get3A_1588 = tpu.vector_load %get3A_1585[%get3A_1586, %get3A_1587] {strides = array<i32>} : memref<16x768xf32, #tpu.memory_space<vmem>>, vector<1x16xf32>,
        %get3A_1589 = vector.shape_cast %get3A_1588 : vector<1x16xf32> to vector<16xf32>
        %get3A_1590 = arith.constant 0 : i32
        %get3A_1591 = arith.constant 0 : i32
        %get3A_1592 = tpu.memref_slice %arg8[%scan3A_173, %get3A_1590, %get3A_1591] : memref<2x16x768xf32, #tpu.memory_space<vmem>> -> memref<1x16x768xf32, #tpu.memory_space<vmem>>
        %get3A_1593 = tpu.memref_squeeze %get3A_1592 : memref<1x16x768xf32, #tpu.memory_space<vmem>> -> memref<16x768xf32, #tpu.memory_space<vmem>>
        %get3A_1594 = arith.index_cast %scan3A_288 : i32 to index
        %get3A_1595 = arith.constant 592 : index
        %get3A_1596 = tpu.vector_load %get3A_1593[%get3A_1594, %get3A_1595] {strides = array<i32>} : memref<16x768xf32, #tpu.memory_space<vmem>>, vector<1x16xf32>,
        %get3A_1597 = vector.shape_cast %get3A_1596 : vector<1x16xf32> to vector<16xf32>
        %add3A_1598 = arith.addf %get3A_1589, %get3A_1597 : vector<16xf32>
        %get3A_1599 = arith.constant 0 : i32
        %get3A_1600 = arith.constant 0 : i32
        %get3A_1601 = tpu.memref_slice %arg9[%scan3A_174, %get3A_1599, %get3A_1600] : memref<2x16x768xf32, #tpu.memory_space<vmem>> -> memref<1x16x768xf32, #tpu.memory_space<vmem>>
        %get3A_1602 = tpu.memref_squeeze %get3A_1601 : memref<1x16x768xf32, #tpu.memory_space<vmem>> -> memref<16x768xf32, #tpu.memory_space<vmem>>
        %get3A_1603 = arith.index_cast %scan3A_288 : i32 to index
        %get3A_1604 = arith.constant 592 : index
        %get3A_1605 = tpu.vector_load %get3A_1602[%get3A_1603, %get3A_1604] {strides = array<i32>} : memref<16x768xf32, #tpu.memory_space<vmem>>, vector<1x16xf32>,
        %get3A_1606 = vector.shape_cast %get3A_1605 : vector<1x16xf32> to vector<16xf32>
        %add3A_1607 = arith.addf %add3A_1598, %get3A_1606 : vector<16xf32>
        %swap3A_1608 = arith.constant 0 : i32
        %swap3A_1609 = arith.constant 0 : i32
        %swap3A_1610 = tpu.memref_slice %arg10[%scan3A_175, %swap3A_1608, %swap3A_1609] : memref<2x16x768xf32, #tpu.memory_space<vmem>> -> memref<1x16x768xf32, #tpu.memory_space<vmem>>
        %swap3A_1611 = tpu.memref_squeeze %swap3A_1610 : memref<1x16x768xf32, #tpu.memory_space<vmem>> -> memref<16x768xf32, #tpu.memory_space<vmem>>
        %swap3A_1612 = arith.index_cast %scan3A_288 : i32 to index
        %swap3A_1613 = arith.constant 592 : index
        %swap3A_1614 = tpu.vector_load %swap3A_1611[%swap3A_1612, %swap3A_1613] {strides = array<i32>} : memref<16x768xf32, #tpu.memory_space<vmem>>, vector<1x16xf32>,
        %swap3A_1615 = vector.shape_cast %swap3A_1614 : vector<1x16xf32> to vector<16xf32>
        %swap3A_1616 = vector.shape_cast %add3A_1607 : vector<16xf32> to vector<1x16xf32>
        tpu.vector_store %swap3A_1611[%swap3A_1612, %swap3A_1613], %swap3A_1616 {strides = array<i32>} : memref<16x768xf32, #tpu.memory_space<vmem>>, vector<1x16xf32>,
        %get3A_1617 = arith.constant 0 : i32
        %get3A_1618 = arith.constant 0 : i32
        %get3A_1619 = tpu.memref_slice %arg7[%scan3A_172, %get3A_1617, %get3A_1618] : memref<2x16x768xf32, #tpu.memory_space<vmem>> -> memref<1x16x768xf32, #tpu.memory_space<vmem>>
        %get3A_1620 = tpu.memref_squeeze %get3A_1619 : memref<1x16x768xf32, #tpu.memory_space<vmem>> -> memref<16x768xf32, #tpu.memory_space<vmem>>
        %get3A_1621 = arith.index_cast %scan3A_288 : i32 to index
        %get3A_1622 = arith.constant 608 : index
        %get3A_1623 = tpu.vector_load %get3A_1620[%get3A_1621, %get3A_1622] {strides = array<i32>} : memref<16x768xf32, #tpu.memory_space<vmem>>, vector<1x16xf32>,
        %get3A_1624 = vector.shape_cast %get3A_1623 : vector<1x16xf32> to vector<16xf32>
        %get3A_1625 = arith.constant 0 : i32
        %get3A_1626 = arith.constant 0 : i32
        %get3A_1627 = tpu.memref_slice %arg8[%scan3A_173, %get3A_1625, %get3A_1626] : memref<2x16x768xf32, #tpu.memory_space<vmem>> -> memref<1x16x768xf32, #tpu.memory_space<vmem>>
        %get3A_1628 = tpu.memref_squeeze %get3A_1627 : memref<1x16x768xf32, #tpu.memory_space<vmem>> -> memref<16x768xf32, #tpu.memory_space<vmem>>
        %get3A_1629 = arith.index_cast %scan3A_288 : i32 to index
        %get3A_1630 = arith.constant 608 : index
        %get3A_1631 = tpu.vector_load %get3A_1628[%get3A_1629, %get3A_1630] {strides = array<i32>} : memref<16x768xf32, #tpu.memory_space<vmem>>, vector<1x16xf32>,
        %get3A_1632 = vector.shape_cast %get3A_1631 : vector<1x16xf32> to vector<16xf32>
        %add3A_1633 = arith.addf %get3A_1624, %get3A_1632 : vector<16xf32>
        %get3A_1634 = arith.constant 0 : i32
        %get3A_1635 = arith.constant 0 : i32
        %get3A_1636 = tpu.memref_slice %arg9[%scan3A_174, %get3A_1634, %get3A_1635] : memref<2x16x768xf32, #tpu.memory_space<vmem>> -> memref<1x16x768xf32, #tpu.memory_space<vmem>>
        %get3A_1637 = tpu.memref_squeeze %get3A_1636 : memref<1x16x768xf32, #tpu.memory_space<vmem>> -> memref<16x768xf32, #tpu.memory_space<vmem>>
        %get3A_1638 = arith.index_cast %scan3A_288 : i32 to index
        %get3A_1639 = arith.constant 608 : index
        %get3A_1640 = tpu.vector_load %get3A_1637[%get3A_1638, %get3A_1639] {strides = array<i32>} : memref<16x768xf32, #tpu.memory_space<vmem>>, vector<1x16xf32>,
        %get3A_1641 = vector.shape_cast %get3A_1640 : vector<1x16xf32> to vector<16xf32>
        %add3A_1642 = arith.addf %add3A_1633, %get3A_1641 : vector<16xf32>
        %swap3A_1643 = arith.constant 0 : i32
        %swap3A_1644 = arith.constant 0 : i32
        %swap3A_1645 = tpu.memref_slice %arg10[%scan3A_175, %swap3A_1643, %swap3A_1644] : memref<2x16x768xf32, #tpu.memory_space<vmem>> -> memref<1x16x768xf32, #tpu.memory_space<vmem>>
        %swap3A_1646 = tpu.memref_squeeze %swap3A_1645 : memref<1x16x768xf32, #tpu.memory_space<vmem>> -> memref<16x768xf32, #tpu.memory_space<vmem>>
        %swap3A_1647 = arith.index_cast %scan3A_288 : i32 to index
        %swap3A_1648 = arith.constant 608 : index
        %swap3A_1649 = tpu.vector_load %swap3A_1646[%swap3A_1647, %swap3A_1648] {strides = array<i32>} : memref<16x768xf32, #tpu.memory_space<vmem>>, vector<1x16xf32>,
        %swap3A_1650 = vector.shape_cast %swap3A_1649 : vector<1x16xf32> to vector<16xf32>
        %swap3A_1651 = vector.shape_cast %add3A_1642 : vector<16xf32> to vector<1x16xf32>
        tpu.vector_store %swap3A_1646[%swap3A_1647, %swap3A_1648], %swap3A_1651 {strides = array<i32>} : memref<16x768xf32, #tpu.memory_space<vmem>>, vector<1x16xf32>,
        %get3A_1652 = arith.constant 0 : i32
        %get3A_1653 = arith.constant 0 : i32
        %get3A_1654 = tpu.memref_slice %arg7[%scan3A_172, %get3A_1652, %get3A_1653] : memref<2x16x768xf32, #tpu.memory_space<vmem>> -> memref<1x16x768xf32, #tpu.memory_space<vmem>>
        %get3A_1655 = tpu.memref_squeeze %get3A_1654 : memref<1x16x768xf32, #tpu.memory_space<vmem>> -> memref<16x768xf32, #tpu.memory_space<vmem>>
        %get3A_1656 = arith.index_cast %scan3A_288 : i32 to index
        %get3A_1657 = arith.constant 624 : index
        %get3A_1658 = tpu.vector_load %get3A_1655[%get3A_1656, %get3A_1657] {strides = array<i32>} : memref<16x768xf32, #tpu.memory_space<vmem>>, vector<1x16xf32>,
        %get3A_1659 = vector.shape_cast %get3A_1658 : vector<1x16xf32> to vector<16xf32>
        %get3A_1660 = arith.constant 0 : i32
        %get3A_1661 = arith.constant 0 : i32
        %get3A_1662 = tpu.memref_slice %arg8[%scan3A_173, %get3A_1660, %get3A_1661] : memref<2x16x768xf32, #tpu.memory_space<vmem>> -> memref<1x16x768xf32, #tpu.memory_space<vmem>>
        %get3A_1663 = tpu.memref_squeeze %get3A_1662 : memref<1x16x768xf32, #tpu.memory_space<vmem>> -> memref<16x768xf32, #tpu.memory_space<vmem>>
        %get3A_1664 = arith.index_cast %scan3A_288 : i32 to index
        %get3A_1665 = arith.constant 624 : index
        %get3A_1666 = tpu.vector_load %get3A_1663[%get3A_1664, %get3A_1665] {strides = array<i32>} : memref<16x768xf32, #tpu.memory_space<vmem>>, vector<1x16xf32>,
        %get3A_1667 = vector.shape_cast %get3A_1666 : vector<1x16xf32> to vector<16xf32>
        %add3A_1668 = arith.addf %get3A_1659, %get3A_1667 : vector<16xf32>
        %get3A_1669 = arith.constant 0 : i32
        %get3A_1670 = arith.constant 0 : i32
        %get3A_1671 = tpu.memref_slice %arg9[%scan3A_174, %get3A_1669, %get3A_1670] : memref<2x16x768xf32, #tpu.memory_space<vmem>> -> memref<1x16x768xf32, #tpu.memory_space<vmem>>
        %get3A_1672 = tpu.memref_squeeze %get3A_1671 : memref<1x16x768xf32, #tpu.memory_space<vmem>> -> memref<16x768xf32, #tpu.memory_space<vmem>>
        %get3A_1673 = arith.index_cast %scan3A_288 : i32 to index
        %get3A_1674 = arith.constant 624 : index
        %get3A_1675 = tpu.vector_load %get3A_1672[%get3A_1673, %get3A_1674] {strides = array<i32>} : memref<16x768xf32, #tpu.memory_space<vmem>>, vector<1x16xf32>,
        %get3A_1676 = vector.shape_cast %get3A_1675 : vector<1x16xf32> to vector<16xf32>
        %add3A_1677 = arith.addf %add3A_1668, %get3A_1676 : vector<16xf32>
        %swap3A_1678 = arith.constant 0 : i32
        %swap3A_1679 = arith.constant 0 : i32
        %swap3A_1680 = tpu.memref_slice %arg10[%scan3A_175, %swap3A_1678, %swap3A_1679] : memref<2x16x768xf32, #tpu.memory_space<vmem>> -> memref<1x16x768xf32, #tpu.memory_space<vmem>>
        %swap3A_1681 = tpu.memref_squeeze %swap3A_1680 : memref<1x16x768xf32, #tpu.memory_space<vmem>> -> memref<16x768xf32, #tpu.memory_space<vmem>>
        %swap3A_1682 = arith.index_cast %scan3A_288 : i32 to index
        %swap3A_1683 = arith.constant 624 : index
        %swap3A_1684 = tpu.vector_load %swap3A_1681[%swap3A_1682, %swap3A_1683] {strides = array<i32>} : memref<16x768xf32, #tpu.memory_space<vmem>>, vector<1x16xf32>,
        %swap3A_1685 = vector.shape_cast %swap3A_1684 : vector<1x16xf32> to vector<16xf32>
        %swap3A_1686 = vector.shape_cast %add3A_1677 : vector<16xf32> to vector<1x16xf32>
        tpu.vector_store %swap3A_1681[%swap3A_1682, %swap3A_1683], %swap3A_1686 {strides = array<i32>} : memref<16x768xf32, #tpu.memory_space<vmem>>, vector<1x16xf32>,
        %get3A_1687 = arith.constant 0 : i32
        %get3A_1688 = arith.constant 0 : i32
        %get3A_1689 = tpu.memref_slice %arg7[%scan3A_172, %get3A_1687, %get3A_1688] : memref<2x16x768xf32, #tpu.memory_space<vmem>> -> memref<1x16x768xf32, #tpu.memory_space<vmem>>
        %get3A_1690 = tpu.memref_squeeze %get3A_1689 : memref<1x16x768xf32, #tpu.memory_space<vmem>> -> memref<16x768xf32, #tpu.memory_space<vmem>>
        %get3A_1691 = arith.index_cast %scan3A_288 : i32 to index
        %get3A_1692 = arith.constant 640 : index
        %get3A_1693 = tpu.vector_load %get3A_1690[%get3A_1691, %get3A_1692] {strides = array<i32>} : memref<16x768xf32, #tpu.memory_space<vmem>>, vector<1x16xf32>,
        %get3A_1694 = vector.shape_cast %get3A_1693 : vector<1x16xf32> to vector<16xf32>
        %get3A_1695 = arith.constant 0 : i32
        %get3A_1696 = arith.constant 0 : i32
        %get3A_1697 = tpu.memref_slice %arg8[%scan3A_173, %get3A_1695, %get3A_1696] : memref<2x16x768xf32, #tpu.memory_space<vmem>> -> memref<1x16x768xf32, #tpu.memory_space<vmem>>
        %get3A_1698 = tpu.memref_squeeze %get3A_1697 : memref<1x16x768xf32, #tpu.memory_space<vmem>> -> memref<16x768xf32, #tpu.memory_space<vmem>>
        %get3A_1699 = arith.index_cast %scan3A_288 : i32 to index
        %get3A_1700 = arith.constant 640 : index
        %get3A_1701 = tpu.vector_load %get3A_1698[%get3A_1699, %get3A_1700] {strides = array<i32>} : memref<16x768xf32, #tpu.memory_space<vmem>>, vector<1x16xf32>,
        %get3A_1702 = vector.shape_cast %get3A_1701 : vector<1x16xf32> to vector<16xf32>
        %add3A_1703 = arith.addf %get3A_1694, %get3A_1702 : vector<16xf32>
        %get3A_1704 = arith.constant 0 : i32
        %get3A_1705 = arith.constant 0 : i32
        %get3A_1706 = tpu.memref_slice %arg9[%scan3A_174, %get3A_1704, %get3A_1705] : memref<2x16x768xf32, #tpu.memory_space<vmem>> -> memref<1x16x768xf32, #tpu.memory_space<vmem>>
        %get3A_1707 = tpu.memref_squeeze %get3A_1706 : memref<1x16x768xf32, #tpu.memory_space<vmem>> -> memref<16x768xf32, #tpu.memory_space<vmem>>
        %get3A_1708 = arith.index_cast %scan3A_288 : i32 to index
        %get3A_1709 = arith.constant 640 : index
        %get3A_1710 = tpu.vector_load %get3A_1707[%get3A_1708, %get3A_1709] {strides = array<i32>} : memref<16x768xf32, #tpu.memory_space<vmem>>, vector<1x16xf32>,
        %get3A_1711 = vector.shape_cast %get3A_1710 : vector<1x16xf32> to vector<16xf32>
        %add3A_1712 = arith.addf %add3A_1703, %get3A_1711 : vector<16xf32>
        %swap3A_1713 = arith.constant 0 : i32
        %swap3A_1714 = arith.constant 0 : i32
        %swap3A_1715 = tpu.memref_slice %arg10[%scan3A_175, %swap3A_1713, %swap3A_1714] : memref<2x16x768xf32, #tpu.memory_space<vmem>> -> memref<1x16x768xf32, #tpu.memory_space<vmem>>
        %swap3A_1716 = tpu.memref_squeeze %swap3A_1715 : memref<1x16x768xf32, #tpu.memory_space<vmem>> -> memref<16x768xf32, #tpu.memory_space<vmem>>
        %swap3A_1717 = arith.index_cast %scan3A_288 : i32 to index
        %swap3A_1718 = arith.constant 640 : index
        %swap3A_1719 = tpu.vector_load %swap3A_1716[%swap3A_1717, %swap3A_1718] {strides = array<i32>} : memref<16x768xf32, #tpu.memory_space<vmem>>, vector<1x16xf32>,
        %swap3A_1720 = vector.shape_cast %swap3A_1719 : vector<1x16xf32> to vector<16xf32>
        %swap3A_1721 = vector.shape_cast %add3A_1712 : vector<16xf32> to vector<1x16xf32>
        tpu.vector_store %swap3A_1716[%swap3A_1717, %swap3A_1718], %swap3A_1721 {strides = array<i32>} : memref<16x768xf32, #tpu.memory_space<vmem>>, vector<1x16xf32>,
        %get3A_1722 = arith.constant 0 : i32
        %get3A_1723 = arith.constant 0 : i32
        %get3A_1724 = tpu.memref_slice %arg7[%scan3A_172, %get3A_1722, %get3A_1723] : memref<2x16x768xf32, #tpu.memory_space<vmem>> -> memref<1x16x768xf32, #tpu.memory_space<vmem>>
        %get3A_1725 = tpu.memref_squeeze %get3A_1724 : memref<1x16x768xf32, #tpu.memory_space<vmem>> -> memref<16x768xf32, #tpu.memory_space<vmem>>
        %get3A_1726 = arith.index_cast %scan3A_288 : i32 to index
        %get3A_1727 = arith.constant 656 : index
        %get3A_1728 = tpu.vector_load %get3A_1725[%get3A_1726, %get3A_1727] {strides = array<i32>} : memref<16x768xf32, #tpu.memory_space<vmem>>, vector<1x16xf32>,
        %get3A_1729 = vector.shape_cast %get3A_1728 : vector<1x16xf32> to vector<16xf32>
        %get3A_1730 = arith.constant 0 : i32
        %get3A_1731 = arith.constant 0 : i32
        %get3A_1732 = tpu.memref_slice %arg8[%scan3A_173, %get3A_1730, %get3A_1731] : memref<2x16x768xf32, #tpu.memory_space<vmem>> -> memref<1x16x768xf32, #tpu.memory_space<vmem>>
        %get3A_1733 = tpu.memref_squeeze %get3A_1732 : memref<1x16x768xf32, #tpu.memory_space<vmem>> -> memref<16x768xf32, #tpu.memory_space<vmem>>
        %get3A_1734 = arith.index_cast %scan3A_288 : i32 to index
        %get3A_1735 = arith.constant 656 : index
        %get3A_1736 = tpu.vector_load %get3A_1733[%get3A_1734, %get3A_1735] {strides = array<i32>} : memref<16x768xf32, #tpu.memory_space<vmem>>, vector<1x16xf32>,
        %get3A_1737 = vector.shape_cast %get3A_1736 : vector<1x16xf32> to vector<16xf32>
        %add3A_1738 = arith.addf %get3A_1729, %get3A_1737 : vector<16xf32>
        %get3A_1739 = arith.constant 0 : i32
        %get3A_1740 = arith.constant 0 : i32
        %get3A_1741 = tpu.memref_slice %arg9[%scan3A_174, %get3A_1739, %get3A_1740] : memref<2x16x768xf32, #tpu.memory_space<vmem>> -> memref<1x16x768xf32, #tpu.memory_space<vmem>>
        %get3A_1742 = tpu.memref_squeeze %get3A_1741 : memref<1x16x768xf32, #tpu.memory_space<vmem>> -> memref<16x768xf32, #tpu.memory_space<vmem>>
        %get3A_1743 = arith.index_cast %scan3A_288 : i32 to index
        %get3A_1744 = arith.constant 656 : index
        %get3A_1745 = tpu.vector_load %get3A_1742[%get3A_1743, %get3A_1744] {strides = array<i32>} : memref<16x768xf32, #tpu.memory_space<vmem>>, vector<1x16xf32>,
        %get3A_1746 = vector.shape_cast %get3A_1745 : vector<1x16xf32> to vector<16xf32>
        %add3A_1747 = arith.addf %add3A_1738, %get3A_1746 : vector<16xf32>
        %swap3A_1748 = arith.constant 0 : i32
        %swap3A_1749 = arith.constant 0 : i32
        %swap3A_1750 = tpu.memref_slice %arg10[%scan3A_175, %swap3A_1748, %swap3A_1749] : memref<2x16x768xf32, #tpu.memory_space<vmem>> -> memref<1x16x768xf32, #tpu.memory_space<vmem>>
        %swap3A_1751 = tpu.memref_squeeze %swap3A_1750 : memref<1x16x768xf32, #tpu.memory_space<vmem>> -> memref<16x768xf32, #tpu.memory_space<vmem>>
        %swap3A_1752 = arith.index_cast %scan3A_288 : i32 to index
        %swap3A_1753 = arith.constant 656 : index
        %swap3A_1754 = tpu.vector_load %swap3A_1751[%swap3A_1752, %swap3A_1753] {strides = array<i32>} : memref<16x768xf32, #tpu.memory_space<vmem>>, vector<1x16xf32>,
        %swap3A_1755 = vector.shape_cast %swap3A_1754 : vector<1x16xf32> to vector<16xf32>
        %swap3A_1756 = vector.shape_cast %add3A_1747 : vector<16xf32> to vector<1x16xf32>
        tpu.vector_store %swap3A_1751[%swap3A_1752, %swap3A_1753], %swap3A_1756 {strides = array<i32>} : memref<16x768xf32, #tpu.memory_space<vmem>>, vector<1x16xf32>,
        %get3A_1757 = arith.constant 0 : i32
        %get3A_1758 = arith.constant 0 : i32
        %get3A_1759 = tpu.memref_slice %arg7[%scan3A_172, %get3A_1757, %get3A_1758] : memref<2x16x768xf32, #tpu.memory_space<vmem>> -> memref<1x16x768xf32, #tpu.memory_space<vmem>>
        %get3A_1760 = tpu.memref_squeeze %get3A_1759 : memref<1x16x768xf32, #tpu.memory_space<vmem>> -> memref<16x768xf32, #tpu.memory_space<vmem>>
        %get3A_1761 = arith.index_cast %scan3A_288 : i32 to index
        %get3A_1762 = arith.constant 672 : index
        %get3A_1763 = tpu.vector_load %get3A_1760[%get3A_1761, %get3A_1762] {strides = array<i32>} : memref<16x768xf32, #tpu.memory_space<vmem>>, vector<1x16xf32>,
        %get3A_1764 = vector.shape_cast %get3A_1763 : vector<1x16xf32> to vector<16xf32>
        %get3A_1765 = arith.constant 0 : i32
        %get3A_1766 = arith.constant 0 : i32
        %get3A_1767 = tpu.memref_slice %arg8[%scan3A_173, %get3A_1765, %get3A_1766] : memref<2x16x768xf32, #tpu.memory_space<vmem>> -> memref<1x16x768xf32, #tpu.memory_space<vmem>>
        %get3A_1768 = tpu.memref_squeeze %get3A_1767 : memref<1x16x768xf32, #tpu.memory_space<vmem>> -> memref<16x768xf32, #tpu.memory_space<vmem>>
        %get3A_1769 = arith.index_cast %scan3A_288 : i32 to index
        %get3A_1770 = arith.constant 672 : index
        %get3A_1771 = tpu.vector_load %get3A_1768[%get3A_1769, %get3A_1770] {strides = array<i32>} : memref<16x768xf32, #tpu.memory_space<vmem>>, vector<1x16xf32>,
        %get3A_1772 = vector.shape_cast %get3A_1771 : vector<1x16xf32> to vector<16xf32>
        %add3A_1773 = arith.addf %get3A_1764, %get3A_1772 : vector<16xf32>
        %get3A_1774 = arith.constant 0 : i32
        %get3A_1775 = arith.constant 0 : i32
        %get3A_1776 = tpu.memref_slice %arg9[%scan3A_174, %get3A_1774, %get3A_1775] : memref<2x16x768xf32, #tpu.memory_space<vmem>> -> memref<1x16x768xf32, #tpu.memory_space<vmem>>
        %get3A_1777 = tpu.memref_squeeze %get3A_1776 : memref<1x16x768xf32, #tpu.memory_space<vmem>> -> memref<16x768xf32, #tpu.memory_space<vmem>>
        %get3A_1778 = arith.index_cast %scan3A_288 : i32 to index
        %get3A_1779 = arith.constant 672 : index
        %get3A_1780 = tpu.vector_load %get3A_1777[%get3A_1778, %get3A_1779] {strides = array<i32>} : memref<16x768xf32, #tpu.memory_space<vmem>>, vector<1x16xf32>,
        %get3A_1781 = vector.shape_cast %get3A_1780 : vector<1x16xf32> to vector<16xf32>
        %add3A_1782 = arith.addf %add3A_1773, %get3A_1781 : vector<16xf32>
        %swap3A_1783 = arith.constant 0 : i32
        %swap3A_1784 = arith.constant 0 : i32
        %swap3A_1785 = tpu.memref_slice %arg10[%scan3A_175, %swap3A_1783, %swap3A_1784] : memref<2x16x768xf32, #tpu.memory_space<vmem>> -> memref<1x16x768xf32, #tpu.memory_space<vmem>>
        %swap3A_1786 = tpu.memref_squeeze %swap3A_1785 : memref<1x16x768xf32, #tpu.memory_space<vmem>> -> memref<16x768xf32, #tpu.memory_space<vmem>>
        %swap3A_1787 = arith.index_cast %scan3A_288 : i32 to index
        %swap3A_1788 = arith.constant 672 : index
        %swap3A_1789 = tpu.vector_load %swap3A_1786[%swap3A_1787, %swap3A_1788] {strides = array<i32>} : memref<16x768xf32, #tpu.memory_space<vmem>>, vector<1x16xf32>,
        %swap3A_1790 = vector.shape_cast %swap3A_1789 : vector<1x16xf32> to vector<16xf32>
        %swap3A_1791 = vector.shape_cast %add3A_1782 : vector<16xf32> to vector<1x16xf32>
        tpu.vector_store %swap3A_1786[%swap3A_1787, %swap3A_1788], %swap3A_1791 {strides = array<i32>} : memref<16x768xf32, #tpu.memory_space<vmem>>, vector<1x16xf32>,
        %get3A_1792 = arith.constant 0 : i32
        %get3A_1793 = arith.constant 0 : i32
        %get3A_1794 = tpu.memref_slice %arg7[%scan3A_172, %get3A_1792, %get3A_1793] : memref<2x16x768xf32, #tpu.memory_space<vmem>> -> memref<1x16x768xf32, #tpu.memory_space<vmem>>
        %get3A_1795 = tpu.memref_squeeze %get3A_1794 : memref<1x16x768xf32, #tpu.memory_space<vmem>> -> memref<16x768xf32, #tpu.memory_space<vmem>>
        %get3A_1796 = arith.index_cast %scan3A_288 : i32 to index
        %get3A_1797 = arith.constant 688 : index
        %get3A_1798 = tpu.vector_load %get3A_1795[%get3A_1796, %get3A_1797] {strides = array<i32>} : memref<16x768xf32, #tpu.memory_space<vmem>>, vector<1x16xf32>,
        %get3A_1799 = vector.shape_cast %get3A_1798 : vector<1x16xf32> to vector<16xf32>
        %get3A_1800 = arith.constant 0 : i32
        %get3A_1801 = arith.constant 0 : i32
        %get3A_1802 = tpu.memref_slice %arg8[%scan3A_173, %get3A_1800, %get3A_1801] : memref<2x16x768xf32, #tpu.memory_space<vmem>> -> memref<1x16x768xf32, #tpu.memory_space<vmem>>
        %get3A_1803 = tpu.memref_squeeze %get3A_1802 : memref<1x16x768xf32, #tpu.memory_space<vmem>> -> memref<16x768xf32, #tpu.memory_space<vmem>>
        %get3A_1804 = arith.index_cast %scan3A_288 : i32 to index
        %get3A_1805 = arith.constant 688 : index
        %get3A_1806 = tpu.vector_load %get3A_1803[%get3A_1804, %get3A_1805] {strides = array<i32>} : memref<16x768xf32, #tpu.memory_space<vmem>>, vector<1x16xf32>,
        %get3A_1807 = vector.shape_cast %get3A_1806 : vector<1x16xf32> to vector<16xf32>
        %add3A_1808 = arith.addf %get3A_1799, %get3A_1807 : vector<16xf32>
        %get3A_1809 = arith.constant 0 : i32
        %get3A_1810 = arith.constant 0 : i32
        %get3A_1811 = tpu.memref_slice %arg9[%scan3A_174, %get3A_1809, %get3A_1810] : memref<2x16x768xf32, #tpu.memory_space<vmem>> -> memref<1x16x768xf32, #tpu.memory_space<vmem>>
        %get3A_1812 = tpu.memref_squeeze %get3A_1811 : memref<1x16x768xf32, #tpu.memory_space<vmem>> -> memref<16x768xf32, #tpu.memory_space<vmem>>
        %get3A_1813 = arith.index_cast %scan3A_288 : i32 to index
        %get3A_1814 = arith.constant 688 : index
        %get3A_1815 = tpu.vector_load %get3A_1812[%get3A_1813, %get3A_1814] {strides = array<i32>} : memref<16x768xf32, #tpu.memory_space<vmem>>, vector<1x16xf32>,
        %get3A_1816 = vector.shape_cast %get3A_1815 : vector<1x16xf32> to vector<16xf32>
        %add3A_1817 = arith.addf %add3A_1808, %get3A_1816 : vector<16xf32>
        %swap3A_1818 = arith.constant 0 : i32
        %swap3A_1819 = arith.constant 0 : i32
        %swap3A_1820 = tpu.memref_slice %arg10[%scan3A_175, %swap3A_1818, %swap3A_1819] : memref<2x16x768xf32, #tpu.memory_space<vmem>> -> memref<1x16x768xf32, #tpu.memory_space<vmem>>
        %swap3A_1821 = tpu.memref_squeeze %swap3A_1820 : memref<1x16x768xf32, #tpu.memory_space<vmem>> -> memref<16x768xf32, #tpu.memory_space<vmem>>
        %swap3A_1822 = arith.index_cast %scan3A_288 : i32 to index
        %swap3A_1823 = arith.constant 688 : index
        %swap3A_1824 = tpu.vector_load %swap3A_1821[%swap3A_1822, %swap3A_1823] {strides = array<i32>} : memref<16x768xf32, #tpu.memory_space<vmem>>, vector<1x16xf32>,
        %swap3A_1825 = vector.shape_cast %swap3A_1824 : vector<1x16xf32> to vector<16xf32>
        %swap3A_1826 = vector.shape_cast %add3A_1817 : vector<16xf32> to vector<1x16xf32>
        tpu.vector_store %swap3A_1821[%swap3A_1822, %swap3A_1823], %swap3A_1826 {strides = array<i32>} : memref<16x768xf32, #tpu.memory_space<vmem>>, vector<1x16xf32>,
        %get3A_1827 = arith.constant 0 : i32
        %get3A_1828 = arith.constant 0 : i32
        %get3A_1829 = tpu.memref_slice %arg7[%scan3A_172, %get3A_1827, %get3A_1828] : memref<2x16x768xf32, #tpu.memory_space<vmem>> -> memref<1x16x768xf32, #tpu.memory_space<vmem>>
        %get3A_1830 = tpu.memref_squeeze %get3A_1829 : memref<1x16x768xf32, #tpu.memory_space<vmem>> -> memref<16x768xf32, #tpu.memory_space<vmem>>
        %get3A_1831 = arith.index_cast %scan3A_288 : i32 to index
        %get3A_1832 = arith.constant 704 : index
        %get3A_1833 = tpu.vector_load %get3A_1830[%get3A_1831, %get3A_1832] {strides = array<i32>} : memref<16x768xf32, #tpu.memory_space<vmem>>, vector<1x16xf32>,
        %get3A_1834 = vector.shape_cast %get3A_1833 : vector<1x16xf32> to vector<16xf32>
        %get3A_1835 = arith.constant 0 : i32
        %get3A_1836 = arith.constant 0 : i32
        %get3A_1837 = tpu.memref_slice %arg8[%scan3A_173, %get3A_1835, %get3A_1836] : memref<2x16x768xf32, #tpu.memory_space<vmem>> -> memref<1x16x768xf32, #tpu.memory_space<vmem>>
        %get3A_1838 = tpu.memref_squeeze %get3A_1837 : memref<1x16x768xf32, #tpu.memory_space<vmem>> -> memref<16x768xf32, #tpu.memory_space<vmem>>
        %get3A_1839 = arith.index_cast %scan3A_288 : i32 to index
        %get3A_1840 = arith.constant 704 : index
        %get3A_1841 = tpu.vector_load %get3A_1838[%get3A_1839, %get3A_1840] {strides = array<i32>} : memref<16x768xf32, #tpu.memory_space<vmem>>, vector<1x16xf32>,
        %get3A_1842 = vector.shape_cast %get3A_1841 : vector<1x16xf32> to vector<16xf32>
        %add3A_1843 = arith.addf %get3A_1834, %get3A_1842 : vector<16xf32>
        %get3A_1844 = arith.constant 0 : i32
        %get3A_1845 = arith.constant 0 : i32
        %get3A_1846 = tpu.memref_slice %arg9[%scan3A_174, %get3A_1844, %get3A_1845] : memref<2x16x768xf32, #tpu.memory_space<vmem>> -> memref<1x16x768xf32, #tpu.memory_space<vmem>>
        %get3A_1847 = tpu.memref_squeeze %get3A_1846 : memref<1x16x768xf32, #tpu.memory_space<vmem>> -> memref<16x768xf32, #tpu.memory_space<vmem>>
        %get3A_1848 = arith.index_cast %scan3A_288 : i32 to index
        %get3A_1849 = arith.constant 704 : index
        %get3A_1850 = tpu.vector_load %get3A_1847[%get3A_1848, %get3A_1849] {strides = array<i32>} : memref<16x768xf32, #tpu.memory_space<vmem>>, vector<1x16xf32>,
        %get3A_1851 = vector.shape_cast %get3A_1850 : vector<1x16xf32> to vector<16xf32>
        %add3A_1852 = arith.addf %add3A_1843, %get3A_1851 : vector<16xf32>
        %swap3A_1853 = arith.constant 0 : i32
        %swap3A_1854 = arith.constant 0 : i32
        %swap3A_1855 = tpu.memref_slice %arg10[%scan3A_175, %swap3A_1853, %swap3A_1854] : memref<2x16x768xf32, #tpu.memory_space<vmem>> -> memref<1x16x768xf32, #tpu.memory_space<vmem>>
        %swap3A_1856 = tpu.memref_squeeze %swap3A_1855 : memref<1x16x768xf32, #tpu.memory_space<vmem>> -> memref<16x768xf32, #tpu.memory_space<vmem>>
        %swap3A_1857 = arith.index_cast %scan3A_288 : i32 to index
        %swap3A_1858 = arith.constant 704 : index
        %swap3A_1859 = tpu.vector_load %swap3A_1856[%swap3A_1857, %swap3A_1858] {strides = array<i32>} : memref<16x768xf32, #tpu.memory_space<vmem>>, vector<1x16xf32>,
        %swap3A_1860 = vector.shape_cast %swap3A_1859 : vector<1x16xf32> to vector<16xf32>
        %swap3A_1861 = vector.shape_cast %add3A_1852 : vector<16xf32> to vector<1x16xf32>
        tpu.vector_store %swap3A_1856[%swap3A_1857, %swap3A_1858], %swap3A_1861 {strides = array<i32>} : memref<16x768xf32, #tpu.memory_space<vmem>>, vector<1x16xf32>,
        %get3A_1862 = arith.constant 0 : i32
        %get3A_1863 = arith.constant 0 : i32
        %get3A_1864 = tpu.memref_slice %arg7[%scan3A_172, %get3A_1862, %get3A_1863] : memref<2x16x768xf32, #tpu.memory_space<vmem>> -> memref<1x16x768xf32, #tpu.memory_space<vmem>>
        %get3A_1865 = tpu.memref_squeeze %get3A_1864 : memref<1x16x768xf32, #tpu.memory_space<vmem>> -> memref<16x768xf32, #tpu.memory_space<vmem>>
        %get3A_1866 = arith.index_cast %scan3A_288 : i32 to index
        %get3A_1867 = arith.constant 720 : index
        %get3A_1868 = tpu.vector_load %get3A_1865[%get3A_1866, %get3A_1867] {strides = array<i32>} : memref<16x768xf32, #tpu.memory_space<vmem>>, vector<1x16xf32>,
        %get3A_1869 = vector.shape_cast %get3A_1868 : vector<1x16xf32> to vector<16xf32>
        %get3A_1870 = arith.constant 0 : i32
        %get3A_1871 = arith.constant 0 : i32
        %get3A_1872 = tpu.memref_slice %arg8[%scan3A_173, %get3A_1870, %get3A_1871] : memref<2x16x768xf32, #tpu.memory_space<vmem>> -> memref<1x16x768xf32, #tpu.memory_space<vmem>>
        %get3A_1873 = tpu.memref_squeeze %get3A_1872 : memref<1x16x768xf32, #tpu.memory_space<vmem>> -> memref<16x768xf32, #tpu.memory_space<vmem>>
        %get3A_1874 = arith.index_cast %scan3A_288 : i32 to index
        %get3A_1875 = arith.constant 720 : index
        %get3A_1876 = tpu.vector_load %get3A_1873[%get3A_1874, %get3A_1875] {strides = array<i32>} : memref<16x768xf32, #tpu.memory_space<vmem>>, vector<1x16xf32>,
        %get3A_1877 = vector.shape_cast %get3A_1876 : vector<1x16xf32> to vector<16xf32>
        %add3A_1878 = arith.addf %get3A_1869, %get3A_1877 : vector<16xf32>
        %get3A_1879 = arith.constant 0 : i32
        %get3A_1880 = arith.constant 0 : i32
        %get3A_1881 = tpu.memref_slice %arg9[%scan3A_174, %get3A_1879, %get3A_1880] : memref<2x16x768xf32, #tpu.memory_space<vmem>> -> memref<1x16x768xf32, #tpu.memory_space<vmem>>
        %get3A_1882 = tpu.memref_squeeze %get3A_1881 : memref<1x16x768xf32, #tpu.memory_space<vmem>> -> memref<16x768xf32, #tpu.memory_space<vmem>>
        %get3A_1883 = arith.index_cast %scan3A_288 : i32 to index
        %get3A_1884 = arith.constant 720 : index
        %get3A_1885 = tpu.vector_load %get3A_1882[%get3A_1883, %get3A_1884] {strides = array<i32>} : memref<16x768xf32, #tpu.memory_space<vmem>>, vector<1x16xf32>,
        %get3A_1886 = vector.shape_cast %get3A_1885 : vector<1x16xf32> to vector<16xf32>
        %add3A_1887 = arith.addf %add3A_1878, %get3A_1886 : vector<16xf32>
        %swap3A_1888 = arith.constant 0 : i32
        %swap3A_1889 = arith.constant 0 : i32
        %swap3A_1890 = tpu.memref_slice %arg10[%scan3A_175, %swap3A_1888, %swap3A_1889] : memref<2x16x768xf32, #tpu.memory_space<vmem>> -> memref<1x16x768xf32, #tpu.memory_space<vmem>>
        %swap3A_1891 = tpu.memref_squeeze %swap3A_1890 : memref<1x16x768xf32, #tpu.memory_space<vmem>> -> memref<16x768xf32, #tpu.memory_space<vmem>>
        %swap3A_1892 = arith.index_cast %scan3A_288 : i32 to index
        %swap3A_1893 = arith.constant 720 : index
        %swap3A_1894 = tpu.vector_load %swap3A_1891[%swap3A_1892, %swap3A_1893] {strides = array<i32>} : memref<16x768xf32, #tpu.memory_space<vmem>>, vector<1x16xf32>,
        %swap3A_1895 = vector.shape_cast %swap3A_1894 : vector<1x16xf32> to vector<16xf32>
        %swap3A_1896 = vector.shape_cast %add3A_1887 : vector<16xf32> to vector<1x16xf32>
        tpu.vector_store %swap3A_1891[%swap3A_1892, %swap3A_1893], %swap3A_1896 {strides = array<i32>} : memref<16x768xf32, #tpu.memory_space<vmem>>, vector<1x16xf32>,
        %get3A_1897 = arith.constant 0 : i32
        %get3A_1898 = arith.constant 0 : i32
        %get3A_1899 = tpu.memref_slice %arg7[%scan3A_172, %get3A_1897, %get3A_1898] : memref<2x16x768xf32, #tpu.memory_space<vmem>> -> memref<1x16x768xf32, #tpu.memory_space<vmem>>
        %get3A_1900 = tpu.memref_squeeze %get3A_1899 : memref<1x16x768xf32, #tpu.memory_space<vmem>> -> memref<16x768xf32, #tpu.memory_space<vmem>>
        %get3A_1901 = arith.index_cast %scan3A_288 : i32 to index
        %get3A_1902 = arith.constant 736 : index
        %get3A_1903 = tpu.vector_load %get3A_1900[%get3A_1901, %get3A_1902] {strides = array<i32>} : memref<16x768xf32, #tpu.memory_space<vmem>>, vector<1x16xf32>,
        %get3A_1904 = vector.shape_cast %get3A_1903 : vector<1x16xf32> to vector<16xf32>
        %get3A_1905 = arith.constant 0 : i32
        %get3A_1906 = arith.constant 0 : i32
        %get3A_1907 = tpu.memref_slice %arg8[%scan3A_173, %get3A_1905, %get3A_1906] : memref<2x16x768xf32, #tpu.memory_space<vmem>> -> memref<1x16x768xf32, #tpu.memory_space<vmem>>
        %get3A_1908 = tpu.memref_squeeze %get3A_1907 : memref<1x16x768xf32, #tpu.memory_space<vmem>> -> memref<16x768xf32, #tpu.memory_space<vmem>>
        %get3A_1909 = arith.index_cast %scan3A_288 : i32 to index
        %get3A_1910 = arith.constant 736 : index
        %get3A_1911 = tpu.vector_load %get3A_1908[%get3A_1909, %get3A_1910] {strides = array<i32>} : memref<16x768xf32, #tpu.memory_space<vmem>>, vector<1x16xf32>,
        %get3A_1912 = vector.shape_cast %get3A_1911 : vector<1x16xf32> to vector<16xf32>
        %add3A_1913 = arith.addf %get3A_1904, %get3A_1912 : vector<16xf32>
        %get3A_1914 = arith.constant 0 : i32
        %get3A_1915 = arith.constant 0 : i32
        %get3A_1916 = tpu.memref_slice %arg9[%scan3A_174, %get3A_1914, %get3A_1915] : memref<2x16x768xf32, #tpu.memory_space<vmem>> -> memref<1x16x768xf32, #tpu.memory_space<vmem>>
        %get3A_1917 = tpu.memref_squeeze %get3A_1916 : memref<1x16x768xf32, #tpu.memory_space<vmem>> -> memref<16x768xf32, #tpu.memory_space<vmem>>
        %get3A_1918 = arith.index_cast %scan3A_288 : i32 to index
        %get3A_1919 = arith.constant 736 : index
        %get3A_1920 = tpu.vector_load %get3A_1917[%get3A_1918, %get3A_1919] {strides = array<i32>} : memref<16x768xf32, #tpu.memory_space<vmem>>, vector<1x16xf32>,
        %get3A_1921 = vector.shape_cast %get3A_1920 : vector<1x16xf32> to vector<16xf32>
        %add3A_1922 = arith.addf %add3A_1913, %get3A_1921 : vector<16xf32>
        %swap3A_1923 = arith.constant 0 : i32
        %swap3A_1924 = arith.constant 0 : i32
        %swap3A_1925 = tpu.memref_slice %arg10[%scan3A_175, %swap3A_1923, %swap3A_1924] : memref<2x16x768xf32, #tpu.memory_space<vmem>> -> memref<1x16x768xf32, #tpu.memory_space<vmem>>
        %swap3A_1926 = tpu.memref_squeeze %swap3A_1925 : memref<1x16x768xf32, #tpu.memory_space<vmem>> -> memref<16x768xf32, #tpu.memory_space<vmem>>
        %swap3A_1927 = arith.index_cast %scan3A_288 : i32 to index
        %swap3A_1928 = arith.constant 736 : index
        %swap3A_1929 = tpu.vector_load %swap3A_1926[%swap3A_1927, %swap3A_1928] {strides = array<i32>} : memref<16x768xf32, #tpu.memory_space<vmem>>, vector<1x16xf32>,
        %swap3A_1930 = vector.shape_cast %swap3A_1929 : vector<1x16xf32> to vector<16xf32>
        %swap3A_1931 = vector.shape_cast %add3A_1922 : vector<16xf32> to vector<1x16xf32>
        tpu.vector_store %swap3A_1926[%swap3A_1927, %swap3A_1928], %swap3A_1931 {strides = array<i32>} : memref<16x768xf32, #tpu.memory_space<vmem>>, vector<1x16xf32>,
        %get3A_1932 = arith.constant 0 : i32
        %get3A_1933 = arith.constant 0 : i32
        %get3A_1934 = tpu.memref_slice %arg7[%scan3A_172, %get3A_1932, %get3A_1933] : memref<2x16x768xf32, #tpu.memory_space<vmem>> -> memref<1x16x768xf32, #tpu.memory_space<vmem>>
        %get3A_1935 = tpu.memref_squeeze %get3A_1934 : memref<1x16x768xf32, #tpu.memory_space<vmem>> -> memref<16x768xf32, #tpu.memory_space<vmem>>
        %get3A_1936 = arith.index_cast %scan3A_288 : i32 to index
        %get3A_1937 = arith.constant 752 : index
        %get3A_1938 = tpu.vector_load %get3A_1935[%get3A_1936, %get3A_1937] {strides = array<i32>} : memref<16x768xf32, #tpu.memory_space<vmem>>, vector<1x16xf32>,
        %get3A_1939 = vector.shape_cast %get3A_1938 : vector<1x16xf32> to vector<16xf32>
        %get3A_1940 = arith.constant 0 : i32
        %get3A_1941 = arith.constant 0 : i32
        %get3A_1942 = tpu.memref_slice %arg8[%scan3A_173, %get3A_1940, %get3A_1941] : memref<2x16x768xf32, #tpu.memory_space<vmem>> -> memref<1x16x768xf32, #tpu.memory_space<vmem>>
        %get3A_1943 = tpu.memref_squeeze %get3A_1942 : memref<1x16x768xf32, #tpu.memory_space<vmem>> -> memref<16x768xf32, #tpu.memory_space<vmem>>
        %get3A_1944 = arith.index_cast %scan3A_288 : i32 to index
        %get3A_1945 = arith.constant 752 : index
        %get3A_1946 = tpu.vector_load %get3A_1943[%get3A_1944, %get3A_1945] {strides = array<i32>} : memref<16x768xf32, #tpu.memory_space<vmem>>, vector<1x16xf32>,
        %get3A_1947 = vector.shape_cast %get3A_1946 : vector<1x16xf32> to vector<16xf32>
        %add3A_1948 = arith.addf %get3A_1939, %get3A_1947 : vector<16xf32>
        %get3A_1949 = arith.constant 0 : i32
        %get3A_1950 = arith.constant 0 : i32
        %get3A_1951 = tpu.memref_slice %arg9[%scan3A_174, %get3A_1949, %get3A_1950] : memref<2x16x768xf32, #tpu.memory_space<vmem>> -> memref<1x16x768xf32, #tpu.memory_space<vmem>>
        %get3A_1952 = tpu.memref_squeeze %get3A_1951 : memref<1x16x768xf32, #tpu.memory_space<vmem>> -> memref<16x768xf32, #tpu.memory_space<vmem>>
        %get3A_1953 = arith.index_cast %scan3A_288 : i32 to index
        %get3A_1954 = arith.constant 752 : index
        %get3A_1955 = tpu.vector_load %get3A_1952[%get3A_1953, %get3A_1954] {strides = array<i32>} : memref<16x768xf32, #tpu.memory_space<vmem>>, vector<1x16xf32>,
        %get3A_1956 = vector.shape_cast %get3A_1955 : vector<1x16xf32> to vector<16xf32>
        %add3A_1957 = arith.addf %add3A_1948, %get3A_1956 : vector<16xf32>
        %swap3A_1958 = arith.constant 0 : i32
        %swap3A_1959 = arith.constant 0 : i32
        %swap3A_1960 = tpu.memref_slice %arg10[%scan3A_175, %swap3A_1958, %swap3A_1959] : memref<2x16x768xf32, #tpu.memory_space<vmem>> -> memref<1x16x768xf32, #tpu.memory_space<vmem>>
        %swap3A_1961 = tpu.memref_squeeze %swap3A_1960 : memref<1x16x768xf32, #tpu.memory_space<vmem>> -> memref<16x768xf32, #tpu.memory_space<vmem>>
        %swap3A_1962 = arith.index_cast %scan3A_288 : i32 to index
        %swap3A_1963 = arith.constant 752 : index
        %swap3A_1964 = tpu.vector_load %swap3A_1961[%swap3A_1962, %swap3A_1963] {strides = array<i32>} : memref<16x768xf32, #tpu.memory_space<vmem>>, vector<1x16xf32>,
        %swap3A_1965 = vector.shape_cast %swap3A_1964 : vector<1x16xf32> to vector<16xf32>
        %swap3A_1966 = vector.shape_cast %add3A_1957 : vector<16xf32> to vector<1x16xf32>
        tpu.vector_store %swap3A_1961[%swap3A_1962, %swap3A_1963], %swap3A_1966 {strides = array<i32>} : memref<16x768xf32, #tpu.memory_space<vmem>>, vector<1x16xf32>,
      }
      %scan3A_180 = arith.constant 16 : i32
      %mul3A_181 = arith.constant 16 : i32
      %mul3A_182 = arith.muli %mul3A_126, %mul3A_181 : i32
      %add3A_183 = arith.addi %mul3A_2, %mul3A_182 : i32
      %dma_start3A_184 = arith.constant 0 : i32
      %dma_start3A_185 = arith.constant 0 : i32
      %dma_start3A_186 = arith.constant 0 : i32
      %dma_start3A_187 = tpu.memref_slice %arg10[%dma_start3A_184, %dma_start3A_185, %dma_start3A_186] : memref<2x16x768xf32, #tpu.memory_space<vmem>> -> memref<1x16x768xf32, #tpu.memory_space<vmem>>
      %dma_start3A_188 = tpu.memref_squeeze %dma_start3A_187 : memref<1x16x768xf32, #tpu.memory_space<vmem>> -> memref<16x768xf32, #tpu.memory_space<vmem>>
      %dma_start3A_189 = arith.constant 0 : i32
      %dma_start3A_190 = tpu.memref_slice %arg6[%add3A_183, %dma_start3A_189] : memref<32768x768xf32, #tpu.memory_space<hbm>> -> memref<16x768xf32, #tpu.memory_space<hbm>>
      %dma_start3A_191 = arith.constant 0 : i32
      %dma_start3A_192 = tpu.memref_slice %arg6[%add3A_183, %dma_start3A_191] : memref<32768x768xf32, #tpu.memory_space<hbm>> -> memref<16x768xf32, #tpu.memory_space<hbm>>
      %dma_start3A_193 = arith.constant 0 : i32
      %dma_start3A_194 = arith.constant 0 : i32
      %dma_start3A_195 = tpu.memref_slice %arg10[%dma_start3A_184, %dma_start3A_193, %dma_start3A_194] : memref<2x16x768xf32, #tpu.memory_space<vmem>> -> memref<1x16x768xf32, #tpu.memory_space<vmem>>
      %dma_start3A_196 = tpu.memref_squeeze %dma_start3A_195 : memref<1x16x768xf32, #tpu.memory_space<vmem>> -> memref<16x768xf32, #tpu.memory_space<vmem>>
      tpu.enqueue_dma source(%dma_start3A_196 : memref<16x768xf32, #tpu.memory_space<vmem>>) target(%dma_start3A_192 : memref<16x768xf32, #tpu.memory_space<hbm>>) target_semaphore(%arg14 : memref<!tpu.dma_semaphore, #tpu.memory_space<semaphore_mem>>)
      %add3A_197 = arith.constant 2 : i32
      %add3A_198 = arith.addi %mul3A_126, %add3A_197 : i32
      %lt3A_199 = arith.constant 32 : i32
      %lt3A_200 = arith.cmpi slt, %add3A_198, %lt3A_199 : i32
      %convert_element_type3A_201 = arith.extui %lt3A_200 : i1 to i32
      %cond3A_202 = arith.constant 0 : i32
      %cond3A_203 = arith.cmpi ne, %convert_element_type3A_201, %cond3A_202 : i32
      scf.if %cond3A_203 {
        %add3A_288 = arith.constant 2 : i32
        %add3A_289 = arith.addi %mul3A_126, %add3A_288 : i32
        %mul3A_290 = arith.constant 16 : i32
        %mul3A_291 = arith.muli %add3A_289, %mul3A_290 : i32
        %add3A_292 = arith.addi %mul3A_2, %mul3A_291 : i32
        %mul3A_293 = arith.constant 16 : i32
        %mul3A_294 = arith.muli %add3A_289, %mul3A_293 : i32
        %add3A_295 = arith.addi %select_n3A_11, %mul3A_294 : i32
        %mul3A_296 = arith.constant 16 : i32
        %mul3A_297 = arith.muli %add3A_289, %mul3A_296 : i32
        %dma_start3A_298 = arith.constant 0 : i32
        %dma_start3A_299 = arith.constant 0 : i32
        %dma_start3A_300 = arith.constant 0 : i32
        %dma_start3A_301 = tpu.memref_slice %arg7[%dma_start3A_298, %dma_start3A_299, %dma_start3A_300] : memref<2x16x768xf32, #tpu.memory_space<vmem>> -> memref<1x16x768xf32, #tpu.memory_space<vmem>>
        %dma_start3A_302 = tpu.memref_squeeze %dma_start3A_301 : memref<1x16x768xf32, #tpu.memory_space<vmem>> -> memref<16x768xf32, #tpu.memory_space<vmem>>
        %dma_start3A_303 = arith.constant 0 : i32
        %dma_start3A_304 = tpu.memref_slice %arg2[%add3A_292, %dma_start3A_303] : memref<32768x768xf32, #tpu.memory_space<hbm>> -> memref<16x768xf32, #tpu.memory_space<hbm>>
        %dma_start3A_305 = arith.constant 0 : i32
        %dma_start3A_306 = arith.constant 0 : i32
        %dma_start3A_307 = tpu.memref_slice %arg7[%dma_start3A_298, %dma_start3A_305, %dma_start3A_306] : memref<2x16x768xf32, #tpu.memory_space<vmem>> -> memref<1x16x768xf32, #tpu.memory_space<vmem>>
        %dma_start3A_308 = tpu.memref_squeeze %dma_start3A_307 : memref<1x16x768xf32, #tpu.memory_space<vmem>> -> memref<16x768xf32, #tpu.memory_space<vmem>>
        %dma_start3A_309 = arith.constant 0 : i32
        %dma_start3A_310 = tpu.memref_slice %arg2[%add3A_292, %dma_start3A_309] : memref<32768x768xf32, #tpu.memory_space<hbm>> -> memref<16x768xf32, #tpu.memory_space<hbm>>
        tpu.enqueue_dma source(%dma_start3A_310 : memref<16x768xf32, #tpu.memory_space<hbm>>) target(%dma_start3A_308 : memref<16x768xf32, #tpu.memory_space<vmem>>) target_semaphore(%arg12 : memref<!tpu.dma_semaphore, #tpu.memory_space<semaphore_mem>>)
        %dma_start3A_311 = arith.constant 0 : i32
        %dma_start3A_312 = arith.constant 0 : i32
        %dma_start3A_313 = arith.constant 0 : i32
        %dma_start3A_314 = tpu.memref_slice %arg9[%dma_start3A_311, %dma_start3A_312, %dma_start3A_313] : memref<2x16x768xf32, #tpu.memory_space<vmem>> -> memref<1x16x768xf32, #tpu.memory_space<vmem>>
        %dma_start3A_315 = tpu.memref_squeeze %dma_start3A_314 : memref<1x16x768xf32, #tpu.memory_space<vmem>> -> memref<16x768xf32, #tpu.memory_space<vmem>>
        %dma_start3A_316 = arith.constant 0 : i32
        %dma_start3A_317 = tpu.memref_slice %arg4[%add3A_295, %dma_start3A_316] : memref<8192x768xf32, #tpu.memory_space<hbm>> -> memref<16x768xf32, #tpu.memory_space<hbm>>
        %dma_start3A_318 = arith.constant 0 : i32
        %dma_start3A_319 = arith.constant 0 : i32
        %dma_start3A_320 = tpu.memref_slice %arg9[%dma_start3A_311, %dma_start3A_318, %dma_start3A_319] : memref<2x16x768xf32, #tpu.memory_space<vmem>> -> memref<1x16x768xf32, #tpu.memory_space<vmem>>
        %dma_start3A_321 = tpu.memref_squeeze %dma_start3A_320 : memref<1x16x768xf32, #tpu.memory_space<vmem>> -> memref<16x768xf32, #tpu.memory_space<vmem>>
        %dma_start3A_322 = arith.constant 0 : i32
        %dma_start3A_323 = tpu.memref_slice %arg4[%add3A_295, %dma_start3A_322] : memref<8192x768xf32, #tpu.memory_space<hbm>> -> memref<16x768xf32, #tpu.memory_space<hbm>>
        tpu.enqueue_dma source(%dma_start3A_323 : memref<16x768xf32, #tpu.memory_space<hbm>>) target(%dma_start3A_321 : memref<16x768xf32, #tpu.memory_space<vmem>>) target_semaphore(%arg12 : memref<!tpu.dma_semaphore, #tpu.memory_space<semaphore_mem>>)
        %dma_start3A_324 = arith.constant 0 : i32
        %dma_start3A_325 = arith.constant 0 : i32
        %dma_start3A_326 = arith.constant 0 : i32
        %dma_start3A_327 = tpu.memref_slice %arg8[%dma_start3A_324, %dma_start3A_325, %dma_start3A_326] : memref<2x16x768xf32, #tpu.memory_space<vmem>> -> memref<1x16x768xf32, #tpu.memory_space<vmem>>
        %dma_start3A_328 = tpu.memref_squeeze %dma_start3A_327 : memref<1x16x768xf32, #tpu.memory_space<vmem>> -> memref<16x768xf32, #tpu.memory_space<vmem>>
        %dma_start3A_329 = tpu.memref_slice %arg11[%mul3A_297] : memref<512xi32, #tpu.memory_space<vmem>> -> memref<16xi32, #tpu.memory_space<vmem>>
        %dma_start3A_330 = arith.constant 0 : i32
        %dma_start3A_331 = arith.constant 0 : i32
        %dma_start3A_332 = tpu.memref_slice %arg5[%dma_start3A_330, %dma_start3A_331] : memref<288x768xf32, #tpu.memory_space<hbm>> -> memref<288x768xf32, #tpu.memory_space<hbm>>
        tpu.enqueue_indirect_dma source(%dma_start3A_332 : memref<288x768xf32, #tpu.memory_space<hbm>>) target(%dma_start3A_328 : memref<16x768xf32, #tpu.memory_space<vmem>>) offsets(%dma_start3A_329 : memref<16xi32, #tpu.memory_space<vmem>>) semaphore(%arg12 : memref<!tpu.dma_semaphore, #tpu.memory_space<semaphore_mem>>)
      } else {
      }
      %mul3A_204 = arith.constant 2 : i32
      %mul3A_205 = arith.muli %mul3A_204, %scan3A_124 : i32
      %add3A_206 = arith.constant 1 : i32
      %add3A_207 = arith.addi %mul3A_205, %add3A_206 : i32
      %mul3A_208 = arith.constant 16 : i32
      %mul3A_209 = arith.muli %add3A_207, %mul3A_208 : i32
      %add3A_210 = arith.addi %mul3A_2, %mul3A_209 : i32
      %mul3A_211 = arith.constant 16 : i32
      %mul3A_212 = arith.muli %add3A_207, %mul3A_211 : i32
      %add3A_213 = arith.addi %select_n3A_11, %mul3A_212 : i32
      %mul3A_214 = arith.constant 16 : i32
      %mul3A_215 = arith.muli %add3A_207, %mul3A_214 : i32
      %dma_wait3A_216 = arith.constant 1 : i32
      %dma_wait3A_217 = arith.constant 0 : i32
      %dma_wait3A_218 = arith.constant 0 : i32
      %dma_wait3A_219 = tpu.memref_slice %arg7[%dma_wait3A_216, %dma_wait3A_217, %dma_wait3A_218] : memref<2x16x768xf32, #tpu.memory_space<vmem>> -> memref<1x16x768xf32, #tpu.memory_space<vmem>>
      %dma_wait3A_220 = tpu.memref_squeeze %dma_wait3A_219 : memref<1x16x768xf32, #tpu.memory_space<vmem>> -> memref<16x768xf32, #tpu.memory_space<vmem>>
      %dma_wait3A_221 = arith.constant 0 : i32
      %dma_wait3A_222 = tpu.memref_slice %arg2[%add3A_210, %dma_wait3A_221] : memref<32768x768xf32, #tpu.memory_space<hbm>> -> memref<16x768xf32, #tpu.memory_space<hbm>>
      %dma_wait3A_223 = arith.constant 0 : i32
      %dma_wait3A_224 = arith.constant 0 : i32
      %dma_wait3A_225 = tpu.memref_slice %arg7[%dma_wait3A_216, %dma_wait3A_223, %dma_wait3A_224] : memref<2x16x768xf32, #tpu.memory_space<vmem>> -> memref<1x16x768xf32, #tpu.memory_space<vmem>>
      %dma_wait3A_226 = tpu.memref_squeeze %dma_wait3A_225 : memref<1x16x768xf32, #tpu.memory_space<vmem>> -> memref<16x768xf32, #tpu.memory_space<vmem>>
      %dma_wait3A_227 = arith.constant 0 : i32
      %dma_wait3A_228 = tpu.memref_slice %arg2[%add3A_210, %dma_wait3A_227] : memref<32768x768xf32, #tpu.memory_space<hbm>> -> memref<16x768xf32, #tpu.memory_space<hbm>>
      tpu.wait_dma2 semaphore(%arg13 : memref<!tpu.dma_semaphore, #tpu.memory_space<semaphore_mem>>) src(%dma_wait3A_228 : memref<16x768xf32, #tpu.memory_space<hbm>>) dst(%dma_wait3A_226 : memref<16x768xf32, #tpu.memory_space<vmem>>)
      %dma_wait3A_229 = arith.constant 1 : i32
      %dma_wait3A_230 = arith.constant 0 : i32
      %dma_wait3A_231 = arith.constant 0 : i32
      %dma_wait3A_232 = tpu.memref_slice %arg9[%dma_wait3A_229, %dma_wait3A_230, %dma_wait3A_231] : memref<2x16x768xf32, #tpu.memory_space<vmem>> -> memref<1x16x768xf32, #tpu.memory_space<vmem>>
      %dma_wait3A_233 = tpu.memref_squeeze %dma_wait3A_232 : memref<1x16x768xf32, #tpu.memory_space<vmem>> -> memref<16x768xf32, #tpu.memory_space<vmem>>
      %dma_wait3A_234 = arith.constant 0 : i32
      %dma_wait3A_235 = tpu.memref_slice %arg4[%add3A_213, %dma_wait3A_234] : memref<8192x768xf32, #tpu.memory_space<hbm>> -> memref<16x768xf32, #tpu.memory_space<hbm>>
      %dma_wait3A_236 = arith.constant 0 : i32
      %dma_wait3A_237 = arith.constant 0 : i32
      %dma_wait3A_238 = tpu.memref_slice %arg9[%dma_wait3A_229, %dma_wait3A_236, %dma_wait3A_237] : memref<2x16x768xf32, #tpu.memory_space<vmem>> -> memref<1x16x768xf32, #tpu.memory_space<vmem>>
      %dma_wait3A_239 = tpu.memref_squeeze %dma_wait3A_238 : memref<1x16x768xf32, #tpu.memory_space<vmem>> -> memref<16x768xf32, #tpu.memory_space<vmem>>
      %dma_wait3A_240 = arith.constant 0 : i32
      %dma_wait3A_241 = tpu.memref_slice %arg4[%add3A_213, %dma_wait3A_240] : memref<8192x768xf32, #tpu.memory_space<hbm>> -> memref<16x768xf32, #tpu.memory_space<hbm>>
      tpu.wait_dma2 semaphore(%arg13 : memref<!tpu.dma_semaphore, #tpu.memory_space<semaphore_mem>>) src(%dma_wait3A_241 : memref<16x768xf32, #tpu.memory_space<hbm>>) dst(%dma_wait3A_239 : memref<16x768xf32, #tpu.memory_space<vmem>>)
      %dma_wait3A_242 = arith.constant 1 : i32
      %dma_wait3A_243 = arith.constant 0 : i32
      %dma_wait3A_244 = arith.constant 0 : i32
      %dma_wait3A_245 = tpu.memref_slice %arg8[%dma_wait3A_242, %dma_wait3A_243, %dma_wait3A_244] : memref<2x16x768xf32, #tpu.memory_space<vmem>> -> memref<1x16x768xf32, #tpu.memory_space<vmem>>
      %dma_wait3A_246 = tpu.memref_squeeze %dma_wait3A_245 : memref<1x16x768xf32, #tpu.memory_space<vmem>> -> memref<16x768xf32, #tpu.memory_space<vmem>>
      %dma_wait3A_247 = tpu.memref_slice %arg11[%mul3A_215] : memref<512xi32, #tpu.memory_space<vmem>> -> memref<16xi32, #tpu.memory_space<vmem>>
      %dma_wait3A_248 = arith.constant 0 : i32
      %dma_wait3A_249 = arith.constant 0 : i32
      %dma_wait3A_250 = tpu.memref_slice %arg5[%dma_wait3A_248, %dma_wait3A_249] : memref<288x768xf32, #tpu.memory_space<hbm>> -> memref<288x768xf32, #tpu.memory_space<hbm>>
      tpu.wait_indirect_dma semaphore(%arg13 : memref<!tpu.dma_semaphore, #tpu.memory_space<semaphore_mem>>) src(%dma_wait3A_250 : memref<288x768xf32, #tpu.memory_space<hbm>>) dst(%dma_wait3A_246 : memref<16x768xf32, #tpu.memory_space<vmem>>)
      %ge3A_251 = arith.constant 2 : i32
      %ge3A_252 = arith.cmpi sge, %add3A_207, %ge3A_251 : i32
      %convert_element_type3A_253 = arith.extui %ge3A_252 : i1 to i32
      %cond3A_254 = arith.constant 0 : i32
      %cond3A_255 = arith.cmpi ne, %convert_element_type3A_253, %cond3A_254 : i32
      scf.if %cond3A_255 {
        %sub3A = arith.constant 2 : i32
        %sub3A_288 = arith.subi %add3A_207, %sub3A : i32
        %mul3A_289 = arith.constant 16 : i32
        %mul3A_290 = arith.muli %sub3A_288, %mul3A_289 : i32
        %add3A_291 = arith.addi %mul3A_2, %mul3A_290 : i32
        %dma_wait3A_292 = arith.constant 1 : i32
        %dma_wait3A_293 = arith.constant 0 : i32
        %dma_wait3A_294 = arith.constant 0 : i32
        %dma_wait3A_295 = tpu.memref_slice %arg10[%dma_wait3A_292, %dma_wait3A_293, %dma_wait3A_294] : memref<2x16x768xf32, #tpu.memory_space<vmem>> -> memref<1x16x768xf32, #tpu.memory_space<vmem>>
        %dma_wait3A_296 = tpu.memref_squeeze %dma_wait3A_295 : memref<1x16x768xf32, #tpu.memory_space<vmem>> -> memref<16x768xf32, #tpu.memory_space<vmem>>
        %dma_wait3A_297 = arith.constant 0 : i32
        %dma_wait3A_298 = tpu.memref_slice %arg6[%add3A_291, %dma_wait3A_297] : memref<32768x768xf32, #tpu.memory_space<hbm>> -> memref<16x768xf32, #tpu.memory_space<hbm>>
        %dma_wait3A_299 = arith.constant 0 : i32
        %dma_wait3A_300 = tpu.memref_slice %arg6[%add3A_291, %dma_wait3A_299] : memref<32768x768xf32, #tpu.memory_space<hbm>> -> memref<16x768xf32, #tpu.memory_space<hbm>>
        %dma_wait3A_301 = arith.constant 0 : i32
        %dma_wait3A_302 = arith.constant 0 : i32
        %dma_wait3A_303 = tpu.memref_slice %arg10[%dma_wait3A_292, %dma_wait3A_301, %dma_wait3A_302] : memref<2x16x768xf32, #tpu.memory_space<vmem>> -> memref<1x16x768xf32, #tpu.memory_space<vmem>>
        %dma_wait3A_304 = tpu.memref_squeeze %dma_wait3A_303 : memref<1x16x768xf32, #tpu.memory_space<vmem>> -> memref<16x768xf32, #tpu.memory_space<vmem>>
        tpu.wait_dma2 semaphore(%arg15 : memref<!tpu.dma_semaphore, #tpu.memory_space<semaphore_mem>>) src(%dma_wait3A_304 : memref<16x768xf32, #tpu.memory_space<vmem>>) dst(%dma_wait3A_300 : memref<16x768xf32, #tpu.memory_space<hbm>>)
      } else {
      }
      %scan3A_256 = arith.constant 1 : i32
      %scan3A_257 = arith.constant 1 : i32
      %scan3A_258 = arith.constant 1 : i32
      %scan3A_259 = arith.constant 1 : i32
      %scan3A_260 = arith.constant 0 : i32
      %scan3A_261 = arith.constant 16 : i32
      %scan3A_262 = arith.addi %scan3A_260, %scan3A_261 : i32
      %scan3A_263 = arith.constant 1 : i32
      scf.for %scan3A_288 = %scan3A_260 to %scan3A_262 step %scan3A_263  : i32 {
        %get3A = arith.constant 0 : i32
        %get3A_289 = arith.constant 0 : i32
        %get3A_290 = tpu.memref_slice %arg7[%scan3A_256, %get3A, %get3A_289] : memref<2x16x768xf32, #tpu.memory_space<vmem>> -> memref<1x16x768xf32, #tpu.memory_space<vmem>>
        %get3A_291 = tpu.memref_squeeze %get3A_290 : memref<1x16x768xf32, #tpu.memory_space<vmem>> -> memref<16x768xf32, #tpu.memory_space<vmem>>
        %get3A_292 = arith.index_cast %scan3A_288 : i32 to index
        %get3A_293 = arith.constant 0 : index
        %get3A_294 = tpu.vector_load %get3A_291[%get3A_292, %get3A_293] {strides = array<i32>} : memref<16x768xf32, #tpu.memory_space<vmem>>, vector<1x16xf32>,
        %get3A_295 = vector.shape_cast %get3A_294 : vector<1x16xf32> to vector<16xf32>
        %get3A_296 = arith.constant 0 : i32
        %get3A_297 = arith.constant 0 : i32
        %get3A_298 = tpu.memref_slice %arg8[%scan3A_257, %get3A_296, %get3A_297] : memref<2x16x768xf32, #tpu.memory_space<vmem>> -> memref<1x16x768xf32, #tpu.memory_space<vmem>>
        %get3A_299 = tpu.memref_squeeze %get3A_298 : memref<1x16x768xf32, #tpu.memory_space<vmem>> -> memref<16x768xf32, #tpu.memory_space<vmem>>
        %get3A_300 = arith.index_cast %scan3A_288 : i32 to index
        %get3A_301 = arith.constant 0 : index
        %get3A_302 = tpu.vector_load %get3A_299[%get3A_300, %get3A_301] {strides = array<i32>} : memref<16x768xf32, #tpu.memory_space<vmem>>, vector<1x16xf32>,
        %get3A_303 = vector.shape_cast %get3A_302 : vector<1x16xf32> to vector<16xf32>
        %add3A_304 = arith.addf %get3A_295, %get3A_303 : vector<16xf32>
        %get3A_305 = arith.constant 0 : i32
        %get3A_306 = arith.constant 0 : i32
        %get3A_307 = tpu.memref_slice %arg9[%scan3A_258, %get3A_305, %get3A_306] : memref<2x16x768xf32, #tpu.memory_space<vmem>> -> memref<1x16x768xf32, #tpu.memory_space<vmem>>
        %get3A_308 = tpu.memref_squeeze %get3A_307 : memref<1x16x768xf32, #tpu.memory_space<vmem>> -> memref<16x768xf32, #tpu.memory_space<vmem>>
        %get3A_309 = arith.index_cast %scan3A_288 : i32 to index
        %get3A_310 = arith.constant 0 : index
        %get3A_311 = tpu.vector_load %get3A_308[%get3A_309, %get3A_310] {strides = array<i32>} : memref<16x768xf32, #tpu.memory_space<vmem>>, vector<1x16xf32>,
        %get3A_312 = vector.shape_cast %get3A_311 : vector<1x16xf32> to vector<16xf32>
        %add3A_313 = arith.addf %add3A_304, %get3A_312 : vector<16xf32>
        %swap3A = arith.constant 0 : i32
        %swap3A_314 = arith.constant 0 : i32
        %swap3A_315 = tpu.memref_slice %arg10[%scan3A_259, %swap3A, %swap3A_314] : memref<2x16x768xf32, #tpu.memory_space<vmem>> -> memref<1x16x768xf32, #tpu.memory_space<vmem>>
        %swap3A_316 = tpu.memref_squeeze %swap3A_315 : memref<1x16x768xf32, #tpu.memory_space<vmem>> -> memref<16x768xf32, #tpu.memory_space<vmem>>
        %swap3A_317 = arith.index_cast %scan3A_288 : i32 to index
        %swap3A_318 = arith.constant 0 : index
        %swap3A_319 = tpu.vector_load %swap3A_316[%swap3A_317, %swap3A_318] {strides = array<i32>} : memref<16x768xf32, #tpu.memory_space<vmem>>, vector<1x16xf32>,
        %swap3A_320 = vector.shape_cast %swap3A_319 : vector<1x16xf32> to vector<16xf32>
        %swap3A_321 = vector.shape_cast %add3A_313 : vector<16xf32> to vector<1x16xf32>
        tpu.vector_store %swap3A_316[%swap3A_317, %swap3A_318], %swap3A_321 {strides = array<i32>} : memref<16x768xf32, #tpu.memory_space<vmem>>, vector<1x16xf32>,
        %get3A_322 = arith.constant 0 : i32
        %get3A_323 = arith.constant 0 : i32
        %get3A_324 = tpu.memref_slice %arg7[%scan3A_256, %get3A_322, %get3A_323] : memref<2x16x768xf32, #tpu.memory_space<vmem>> -> memref<1x16x768xf32, #tpu.memory_space<vmem>>
        %get3A_325 = tpu.memref_squeeze %get3A_324 : memref<1x16x768xf32, #tpu.memory_space<vmem>> -> memref<16x768xf32, #tpu.memory_space<vmem>>
        %get3A_326 = arith.index_cast %scan3A_288 : i32 to index
        %get3A_327 = arith.constant 16 : index
        %get3A_328 = tpu.vector_load %get3A_325[%get3A_326, %get3A_327] {strides = array<i32>} : memref<16x768xf32, #tpu.memory_space<vmem>>, vector<1x16xf32>,
        %get3A_329 = vector.shape_cast %get3A_328 : vector<1x16xf32> to vector<16xf32>
        %get3A_330 = arith.constant 0 : i32
        %get3A_331 = arith.constant 0 : i32
        %get3A_332 = tpu.memref_slice %arg8[%scan3A_257, %get3A_330, %get3A_331] : memref<2x16x768xf32, #tpu.memory_space<vmem>> -> memref<1x16x768xf32, #tpu.memory_space<vmem>>
        %get3A_333 = tpu.memref_squeeze %get3A_332 : memref<1x16x768xf32, #tpu.memory_space<vmem>> -> memref<16x768xf32, #tpu.memory_space<vmem>>
        %get3A_334 = arith.index_cast %scan3A_288 : i32 to index
        %get3A_335 = arith.constant 16 : index
        %get3A_336 = tpu.vector_load %get3A_333[%get3A_334, %get3A_335] {strides = array<i32>} : memref<16x768xf32, #tpu.memory_space<vmem>>, vector<1x16xf32>,
        %get3A_337 = vector.shape_cast %get3A_336 : vector<1x16xf32> to vector<16xf32>
        %add3A_338 = arith.addf %get3A_329, %get3A_337 : vector<16xf32>
        %get3A_339 = arith.constant 0 : i32
        %get3A_340 = arith.constant 0 : i32
        %get3A_341 = tpu.memref_slice %arg9[%scan3A_258, %get3A_339, %get3A_340] : memref<2x16x768xf32, #tpu.memory_space<vmem>> -> memref<1x16x768xf32, #tpu.memory_space<vmem>>
        %get3A_342 = tpu.memref_squeeze %get3A_341 : memref<1x16x768xf32, #tpu.memory_space<vmem>> -> memref<16x768xf32, #tpu.memory_space<vmem>>
        %get3A_343 = arith.index_cast %scan3A_288 : i32 to index
        %get3A_344 = arith.constant 16 : index
        %get3A_345 = tpu.vector_load %get3A_342[%get3A_343, %get3A_344] {strides = array<i32>} : memref<16x768xf32, #tpu.memory_space<vmem>>, vector<1x16xf32>,
        %get3A_346 = vector.shape_cast %get3A_345 : vector<1x16xf32> to vector<16xf32>
        %add3A_347 = arith.addf %add3A_338, %get3A_346 : vector<16xf32>
        %swap3A_348 = arith.constant 0 : i32
        %swap3A_349 = arith.constant 0 : i32
        %swap3A_350 = tpu.memref_slice %arg10[%scan3A_259, %swap3A_348, %swap3A_349] : memref<2x16x768xf32, #tpu.memory_space<vmem>> -> memref<1x16x768xf32, #tpu.memory_space<vmem>>
        %swap3A_351 = tpu.memref_squeeze %swap3A_350 : memref<1x16x768xf32, #tpu.memory_space<vmem>> -> memref<16x768xf32, #tpu.memory_space<vmem>>
        %swap3A_352 = arith.index_cast %scan3A_288 : i32 to index
        %swap3A_353 = arith.constant 16 : index
        %swap3A_354 = tpu.vector_load %swap3A_351[%swap3A_352, %swap3A_353] {strides = array<i32>} : memref<16x768xf32, #tpu.memory_space<vmem>>, vector<1x16xf32>,
        %swap3A_355 = vector.shape_cast %swap3A_354 : vector<1x16xf32> to vector<16xf32>
        %swap3A_356 = vector.shape_cast %add3A_347 : vector<16xf32> to vector<1x16xf32>
        tpu.vector_store %swap3A_351[%swap3A_352, %swap3A_353], %swap3A_356 {strides = array<i32>} : memref<16x768xf32, #tpu.memory_space<vmem>>, vector<1x16xf32>,
        %get3A_357 = arith.constant 0 : i32
        %get3A_358 = arith.constant 0 : i32
        %get3A_359 = tpu.memref_slice %arg7[%scan3A_256, %get3A_357, %get3A_358] : memref<2x16x768xf32, #tpu.memory_space<vmem>> -> memref<1x16x768xf32, #tpu.memory_space<vmem>>
        %get3A_360 = tpu.memref_squeeze %get3A_359 : memref<1x16x768xf32, #tpu.memory_space<vmem>> -> memref<16x768xf32, #tpu.memory_space<vmem>>
        %get3A_361 = arith.index_cast %scan3A_288 : i32 to index
        %get3A_362 = arith.constant 32 : index
        %get3A_363 = tpu.vector_load %get3A_360[%get3A_361, %get3A_362] {strides = array<i32>} : memref<16x768xf32, #tpu.memory_space<vmem>>, vector<1x16xf32>,
        %get3A_364 = vector.shape_cast %get3A_363 : vector<1x16xf32> to vector<16xf32>
        %get3A_365 = arith.constant 0 : i32
        %get3A_366 = arith.constant 0 : i32
        %get3A_367 = tpu.memref_slice %arg8[%scan3A_257, %get3A_365, %get3A_366] : memref<2x16x768xf32, #tpu.memory_space<vmem>> -> memref<1x16x768xf32, #tpu.memory_space<vmem>>
        %get3A_368 = tpu.memref_squeeze %get3A_367 : memref<1x16x768xf32, #tpu.memory_space<vmem>> -> memref<16x768xf32, #tpu.memory_space<vmem>>
        %get3A_369 = arith.index_cast %scan3A_288 : i32 to index
        %get3A_370 = arith.constant 32 : index
        %get3A_371 = tpu.vector_load %get3A_368[%get3A_369, %get3A_370] {strides = array<i32>} : memref<16x768xf32, #tpu.memory_space<vmem>>, vector<1x16xf32>,
        %get3A_372 = vector.shape_cast %get3A_371 : vector<1x16xf32> to vector<16xf32>
        %add3A_373 = arith.addf %get3A_364, %get3A_372 : vector<16xf32>
        %get3A_374 = arith.constant 0 : i32
        %get3A_375 = arith.constant 0 : i32
        %get3A_376 = tpu.memref_slice %arg9[%scan3A_258, %get3A_374, %get3A_375] : memref<2x16x768xf32, #tpu.memory_space<vmem>> -> memref<1x16x768xf32, #tpu.memory_space<vmem>>
        %get3A_377 = tpu.memref_squeeze %get3A_376 : memref<1x16x768xf32, #tpu.memory_space<vmem>> -> memref<16x768xf32, #tpu.memory_space<vmem>>
        %get3A_378 = arith.index_cast %scan3A_288 : i32 to index
        %get3A_379 = arith.constant 32 : index
        %get3A_380 = tpu.vector_load %get3A_377[%get3A_378, %get3A_379] {strides = array<i32>} : memref<16x768xf32, #tpu.memory_space<vmem>>, vector<1x16xf32>,
        %get3A_381 = vector.shape_cast %get3A_380 : vector<1x16xf32> to vector<16xf32>
        %add3A_382 = arith.addf %add3A_373, %get3A_381 : vector<16xf32>
        %swap3A_383 = arith.constant 0 : i32
        %swap3A_384 = arith.constant 0 : i32
        %swap3A_385 = tpu.memref_slice %arg10[%scan3A_259, %swap3A_383, %swap3A_384] : memref<2x16x768xf32, #tpu.memory_space<vmem>> -> memref<1x16x768xf32, #tpu.memory_space<vmem>>
        %swap3A_386 = tpu.memref_squeeze %swap3A_385 : memref<1x16x768xf32, #tpu.memory_space<vmem>> -> memref<16x768xf32, #tpu.memory_space<vmem>>
        %swap3A_387 = arith.index_cast %scan3A_288 : i32 to index
        %swap3A_388 = arith.constant 32 : index
        %swap3A_389 = tpu.vector_load %swap3A_386[%swap3A_387, %swap3A_388] {strides = array<i32>} : memref<16x768xf32, #tpu.memory_space<vmem>>, vector<1x16xf32>,
        %swap3A_390 = vector.shape_cast %swap3A_389 : vector<1x16xf32> to vector<16xf32>
        %swap3A_391 = vector.shape_cast %add3A_382 : vector<16xf32> to vector<1x16xf32>
        tpu.vector_store %swap3A_386[%swap3A_387, %swap3A_388], %swap3A_391 {strides = array<i32>} : memref<16x768xf32, #tpu.memory_space<vmem>>, vector<1x16xf32>,
        %get3A_392 = arith.constant 0 : i32
        %get3A_393 = arith.constant 0 : i32
        %get3A_394 = tpu.memref_slice %arg7[%scan3A_256, %get3A_392, %get3A_393] : memref<2x16x768xf32, #tpu.memory_space<vmem>> -> memref<1x16x768xf32, #tpu.memory_space<vmem>>
        %get3A_395 = tpu.memref_squeeze %get3A_394 : memref<1x16x768xf32, #tpu.memory_space<vmem>> -> memref<16x768xf32, #tpu.memory_space<vmem>>
        %get3A_396 = arith.index_cast %scan3A_288 : i32 to index
        %get3A_397 = arith.constant 48 : index
        %get3A_398 = tpu.vector_load %get3A_395[%get3A_396, %get3A_397] {strides = array<i32>} : memref<16x768xf32, #tpu.memory_space<vmem>>, vector<1x16xf32>,
        %get3A_399 = vector.shape_cast %get3A_398 : vector<1x16xf32> to vector<16xf32>
        %get3A_400 = arith.constant 0 : i32
        %get3A_401 = arith.constant 0 : i32
        %get3A_402 = tpu.memref_slice %arg8[%scan3A_257, %get3A_400, %get3A_401] : memref<2x16x768xf32, #tpu.memory_space<vmem>> -> memref<1x16x768xf32, #tpu.memory_space<vmem>>
        %get3A_403 = tpu.memref_squeeze %get3A_402 : memref<1x16x768xf32, #tpu.memory_space<vmem>> -> memref<16x768xf32, #tpu.memory_space<vmem>>
        %get3A_404 = arith.index_cast %scan3A_288 : i32 to index
        %get3A_405 = arith.constant 48 : index
        %get3A_406 = tpu.vector_load %get3A_403[%get3A_404, %get3A_405] {strides = array<i32>} : memref<16x768xf32, #tpu.memory_space<vmem>>, vector<1x16xf32>,
        %get3A_407 = vector.shape_cast %get3A_406 : vector<1x16xf32> to vector<16xf32>
        %add3A_408 = arith.addf %get3A_399, %get3A_407 : vector<16xf32>
        %get3A_409 = arith.constant 0 : i32
        %get3A_410 = arith.constant 0 : i32
        %get3A_411 = tpu.memref_slice %arg9[%scan3A_258, %get3A_409, %get3A_410] : memref<2x16x768xf32, #tpu.memory_space<vmem>> -> memref<1x16x768xf32, #tpu.memory_space<vmem>>
        %get3A_412 = tpu.memref_squeeze %get3A_411 : memref<1x16x768xf32, #tpu.memory_space<vmem>> -> memref<16x768xf32, #tpu.memory_space<vmem>>
        %get3A_413 = arith.index_cast %scan3A_288 : i32 to index
        %get3A_414 = arith.constant 48 : index
        %get3A_415 = tpu.vector_load %get3A_412[%get3A_413, %get3A_414] {strides = array<i32>} : memref<16x768xf32, #tpu.memory_space<vmem>>, vector<1x16xf32>,
        %get3A_416 = vector.shape_cast %get3A_415 : vector<1x16xf32> to vector<16xf32>
        %add3A_417 = arith.addf %add3A_408, %get3A_416 : vector<16xf32>
        %swap3A_418 = arith.constant 0 : i32
        %swap3A_419 = arith.constant 0 : i32
        %swap3A_420 = tpu.memref_slice %arg10[%scan3A_259, %swap3A_418, %swap3A_419] : memref<2x16x768xf32, #tpu.memory_space<vmem>> -> memref<1x16x768xf32, #tpu.memory_space<vmem>>
        %swap3A_421 = tpu.memref_squeeze %swap3A_420 : memref<1x16x768xf32, #tpu.memory_space<vmem>> -> memref<16x768xf32, #tpu.memory_space<vmem>>
        %swap3A_422 = arith.index_cast %scan3A_288 : i32 to index
        %swap3A_423 = arith.constant 48 : index
        %swap3A_424 = tpu.vector_load %swap3A_421[%swap3A_422, %swap3A_423] {strides = array<i32>} : memref<16x768xf32, #tpu.memory_space<vmem>>, vector<1x16xf32>,
        %swap3A_425 = vector.shape_cast %swap3A_424 : vector<1x16xf32> to vector<16xf32>
        %swap3A_426 = vector.shape_cast %add3A_417 : vector<16xf32> to vector<1x16xf32>
        tpu.vector_store %swap3A_421[%swap3A_422, %swap3A_423], %swap3A_426 {strides = array<i32>} : memref<16x768xf32, #tpu.memory_space<vmem>>, vector<1x16xf32>,
        %get3A_427 = arith.constant 0 : i32
        %get3A_428 = arith.constant 0 : i32
        %get3A_429 = tpu.memref_slice %arg7[%scan3A_256, %get3A_427, %get3A_428] : memref<2x16x768xf32, #tpu.memory_space<vmem>> -> memref<1x16x768xf32, #tpu.memory_space<vmem>>
        %get3A_430 = tpu.memref_squeeze %get3A_429 : memref<1x16x768xf32, #tpu.memory_space<vmem>> -> memref<16x768xf32, #tpu.memory_space<vmem>>
        %get3A_431 = arith.index_cast %scan3A_288 : i32 to index
        %get3A_432 = arith.constant 64 : index
        %get3A_433 = tpu.vector_load %get3A_430[%get3A_431, %get3A_432] {strides = array<i32>} : memref<16x768xf32, #tpu.memory_space<vmem>>, vector<1x16xf32>,
        %get3A_434 = vector.shape_cast %get3A_433 : vector<1x16xf32> to vector<16xf32>
        %get3A_435 = arith.constant 0 : i32
        %get3A_436 = arith.constant 0 : i32
        %get3A_437 = tpu.memref_slice %arg8[%scan3A_257, %get3A_435, %get3A_436] : memref<2x16x768xf32, #tpu.memory_space<vmem>> -> memref<1x16x768xf32, #tpu.memory_space<vmem>>
        %get3A_438 = tpu.memref_squeeze %get3A_437 : memref<1x16x768xf32, #tpu.memory_space<vmem>> -> memref<16x768xf32, #tpu.memory_space<vmem>>
        %get3A_439 = arith.index_cast %scan3A_288 : i32 to index
        %get3A_440 = arith.constant 64 : index
        %get3A_441 = tpu.vector_load %get3A_438[%get3A_439, %get3A_440] {strides = array<i32>} : memref<16x768xf32, #tpu.memory_space<vmem>>, vector<1x16xf32>,
        %get3A_442 = vector.shape_cast %get3A_441 : vector<1x16xf32> to vector<16xf32>
        %add3A_443 = arith.addf %get3A_434, %get3A_442 : vector<16xf32>
        %get3A_444 = arith.constant 0 : i32
        %get3A_445 = arith.constant 0 : i32
        %get3A_446 = tpu.memref_slice %arg9[%scan3A_258, %get3A_444, %get3A_445] : memref<2x16x768xf32, #tpu.memory_space<vmem>> -> memref<1x16x768xf32, #tpu.memory_space<vmem>>
        %get3A_447 = tpu.memref_squeeze %get3A_446 : memref<1x16x768xf32, #tpu.memory_space<vmem>> -> memref<16x768xf32, #tpu.memory_space<vmem>>
        %get3A_448 = arith.index_cast %scan3A_288 : i32 to index
        %get3A_449 = arith.constant 64 : index
        %get3A_450 = tpu.vector_load %get3A_447[%get3A_448, %get3A_449] {strides = array<i32>} : memref<16x768xf32, #tpu.memory_space<vmem>>, vector<1x16xf32>,
        %get3A_451 = vector.shape_cast %get3A_450 : vector<1x16xf32> to vector<16xf32>
        %add3A_452 = arith.addf %add3A_443, %get3A_451 : vector<16xf32>
        %swap3A_453 = arith.constant 0 : i32
        %swap3A_454 = arith.constant 0 : i32
        %swap3A_455 = tpu.memref_slice %arg10[%scan3A_259, %swap3A_453, %swap3A_454] : memref<2x16x768xf32, #tpu.memory_space<vmem>> -> memref<1x16x768xf32, #tpu.memory_space<vmem>>
        %swap3A_456 = tpu.memref_squeeze %swap3A_455 : memref<1x16x768xf32, #tpu.memory_space<vmem>> -> memref<16x768xf32, #tpu.memory_space<vmem>>
        %swap3A_457 = arith.index_cast %scan3A_288 : i32 to index
        %swap3A_458 = arith.constant 64 : index
        %swap3A_459 = tpu.vector_load %swap3A_456[%swap3A_457, %swap3A_458] {strides = array<i32>} : memref<16x768xf32, #tpu.memory_space<vmem>>, vector<1x16xf32>,
        %swap3A_460 = vector.shape_cast %swap3A_459 : vector<1x16xf32> to vector<16xf32>
        %swap3A_461 = vector.shape_cast %add3A_452 : vector<16xf32> to vector<1x16xf32>
        tpu.vector_store %swap3A_456[%swap3A_457, %swap3A_458], %swap3A_461 {strides = array<i32>} : memref<16x768xf32, #tpu.memory_space<vmem>>, vector<1x16xf32>,
        %get3A_462 = arith.constant 0 : i32
        %get3A_463 = arith.constant 0 : i32
        %get3A_464 = tpu.memref_slice %arg7[%scan3A_256, %get3A_462, %get3A_463] : memref<2x16x768xf32, #tpu.memory_space<vmem>> -> memref<1x16x768xf32, #tpu.memory_space<vmem>>
        %get3A_465 = tpu.memref_squeeze %get3A_464 : memref<1x16x768xf32, #tpu.memory_space<vmem>> -> memref<16x768xf32, #tpu.memory_space<vmem>>
        %get3A_466 = arith.index_cast %scan3A_288 : i32 to index
        %get3A_467 = arith.constant 80 : index
        %get3A_468 = tpu.vector_load %get3A_465[%get3A_466, %get3A_467] {strides = array<i32>} : memref<16x768xf32, #tpu.memory_space<vmem>>, vector<1x16xf32>,
        %get3A_469 = vector.shape_cast %get3A_468 : vector<1x16xf32> to vector<16xf32>
        %get3A_470 = arith.constant 0 : i32
        %get3A_471 = arith.constant 0 : i32
        %get3A_472 = tpu.memref_slice %arg8[%scan3A_257, %get3A_470, %get3A_471] : memref<2x16x768xf32, #tpu.memory_space<vmem>> -> memref<1x16x768xf32, #tpu.memory_space<vmem>>
        %get3A_473 = tpu.memref_squeeze %get3A_472 : memref<1x16x768xf32, #tpu.memory_space<vmem>> -> memref<16x768xf32, #tpu.memory_space<vmem>>
        %get3A_474 = arith.index_cast %scan3A_288 : i32 to index
        %get3A_475 = arith.constant 80 : index
        %get3A_476 = tpu.vector_load %get3A_473[%get3A_474, %get3A_475] {strides = array<i32>} : memref<16x768xf32, #tpu.memory_space<vmem>>, vector<1x16xf32>,
        %get3A_477 = vector.shape_cast %get3A_476 : vector<1x16xf32> to vector<16xf32>
        %add3A_478 = arith.addf %get3A_469, %get3A_477 : vector<16xf32>
        %get3A_479 = arith.constant 0 : i32
        %get3A_480 = arith.constant 0 : i32
        %get3A_481 = tpu.memref_slice %arg9[%scan3A_258, %get3A_479, %get3A_480] : memref<2x16x768xf32, #tpu.memory_space<vmem>> -> memref<1x16x768xf32, #tpu.memory_space<vmem>>
        %get3A_482 = tpu.memref_squeeze %get3A_481 : memref<1x16x768xf32, #tpu.memory_space<vmem>> -> memref<16x768xf32, #tpu.memory_space<vmem>>
        %get3A_483 = arith.index_cast %scan3A_288 : i32 to index
        %get3A_484 = arith.constant 80 : index
        %get3A_485 = tpu.vector_load %get3A_482[%get3A_483, %get3A_484] {strides = array<i32>} : memref<16x768xf32, #tpu.memory_space<vmem>>, vector<1x16xf32>,
        %get3A_486 = vector.shape_cast %get3A_485 : vector<1x16xf32> to vector<16xf32>
        %add3A_487 = arith.addf %add3A_478, %get3A_486 : vector<16xf32>
        %swap3A_488 = arith.constant 0 : i32
        %swap3A_489 = arith.constant 0 : i32
        %swap3A_490 = tpu.memref_slice %arg10[%scan3A_259, %swap3A_488, %swap3A_489] : memref<2x16x768xf32, #tpu.memory_space<vmem>> -> memref<1x16x768xf32, #tpu.memory_space<vmem>>
        %swap3A_491 = tpu.memref_squeeze %swap3A_490 : memref<1x16x768xf32, #tpu.memory_space<vmem>> -> memref<16x768xf32, #tpu.memory_space<vmem>>
        %swap3A_492 = arith.index_cast %scan3A_288 : i32 to index
        %swap3A_493 = arith.constant 80 : index
        %swap3A_494 = tpu.vector_load %swap3A_491[%swap3A_492, %swap3A_493] {strides = array<i32>} : memref<16x768xf32, #tpu.memory_space<vmem>>, vector<1x16xf32>,
        %swap3A_495 = vector.shape_cast %swap3A_494 : vector<1x16xf32> to vector<16xf32>
        %swap3A_496 = vector.shape_cast %add3A_487 : vector<16xf32> to vector<1x16xf32>
        tpu.vector_store %swap3A_491[%swap3A_492, %swap3A_493], %swap3A_496 {strides = array<i32>} : memref<16x768xf32, #tpu.memory_space<vmem>>, vector<1x16xf32>,
        %get3A_497 = arith.constant 0 : i32
        %get3A_498 = arith.constant 0 : i32
        %get3A_499 = tpu.memref_slice %arg7[%scan3A_256, %get3A_497, %get3A_498] : memref<2x16x768xf32, #tpu.memory_space<vmem>> -> memref<1x16x768xf32, #tpu.memory_space<vmem>>
        %get3A_500 = tpu.memref_squeeze %get3A_499 : memref<1x16x768xf32, #tpu.memory_space<vmem>> -> memref<16x768xf32, #tpu.memory_space<vmem>>
        %get3A_501 = arith.index_cast %scan3A_288 : i32 to index
        %get3A_502 = arith.constant 96 : index
        %get3A_503 = tpu.vector_load %get3A_500[%get3A_501, %get3A_502] {strides = array<i32>} : memref<16x768xf32, #tpu.memory_space<vmem>>, vector<1x16xf32>,
        %get3A_504 = vector.shape_cast %get3A_503 : vector<1x16xf32> to vector<16xf32>
        %get3A_505 = arith.constant 0 : i32
        %get3A_506 = arith.constant 0 : i32
        %get3A_507 = tpu.memref_slice %arg8[%scan3A_257, %get3A_505, %get3A_506] : memref<2x16x768xf32, #tpu.memory_space<vmem>> -> memref<1x16x768xf32, #tpu.memory_space<vmem>>
        %get3A_508 = tpu.memref_squeeze %get3A_507 : memref<1x16x768xf32, #tpu.memory_space<vmem>> -> memref<16x768xf32, #tpu.memory_space<vmem>>
        %get3A_509 = arith.index_cast %scan3A_288 : i32 to index
        %get3A_510 = arith.constant 96 : index
        %get3A_511 = tpu.vector_load %get3A_508[%get3A_509, %get3A_510] {strides = array<i32>} : memref<16x768xf32, #tpu.memory_space<vmem>>, vector<1x16xf32>,
        %get3A_512 = vector.shape_cast %get3A_511 : vector<1x16xf32> to vector<16xf32>
        %add3A_513 = arith.addf %get3A_504, %get3A_512 : vector<16xf32>
        %get3A_514 = arith.constant 0 : i32
        %get3A_515 = arith.constant 0 : i32
        %get3A_516 = tpu.memref_slice %arg9[%scan3A_258, %get3A_514, %get3A_515] : memref<2x16x768xf32, #tpu.memory_space<vmem>> -> memref<1x16x768xf32, #tpu.memory_space<vmem>>
        %get3A_517 = tpu.memref_squeeze %get3A_516 : memref<1x16x768xf32, #tpu.memory_space<vmem>> -> memref<16x768xf32, #tpu.memory_space<vmem>>
        %get3A_518 = arith.index_cast %scan3A_288 : i32 to index
        %get3A_519 = arith.constant 96 : index
        %get3A_520 = tpu.vector_load %get3A_517[%get3A_518, %get3A_519] {strides = array<i32>} : memref<16x768xf32, #tpu.memory_space<vmem>>, vector<1x16xf32>,
        %get3A_521 = vector.shape_cast %get3A_520 : vector<1x16xf32> to vector<16xf32>
        %add3A_522 = arith.addf %add3A_513, %get3A_521 : vector<16xf32>
        %swap3A_523 = arith.constant 0 : i32
        %swap3A_524 = arith.constant 0 : i32
        %swap3A_525 = tpu.memref_slice %arg10[%scan3A_259, %swap3A_523, %swap3A_524] : memref<2x16x768xf32, #tpu.memory_space<vmem>> -> memref<1x16x768xf32, #tpu.memory_space<vmem>>
        %swap3A_526 = tpu.memref_squeeze %swap3A_525 : memref<1x16x768xf32, #tpu.memory_space<vmem>> -> memref<16x768xf32, #tpu.memory_space<vmem>>
        %swap3A_527 = arith.index_cast %scan3A_288 : i32 to index
        %swap3A_528 = arith.constant 96 : index
        %swap3A_529 = tpu.vector_load %swap3A_526[%swap3A_527, %swap3A_528] {strides = array<i32>} : memref<16x768xf32, #tpu.memory_space<vmem>>, vector<1x16xf32>,
        %swap3A_530 = vector.shape_cast %swap3A_529 : vector<1x16xf32> to vector<16xf32>
        %swap3A_531 = vector.shape_cast %add3A_522 : vector<16xf32> to vector<1x16xf32>
        tpu.vector_store %swap3A_526[%swap3A_527, %swap3A_528], %swap3A_531 {strides = array<i32>} : memref<16x768xf32, #tpu.memory_space<vmem>>, vector<1x16xf32>,
        %get3A_532 = arith.constant 0 : i32
        %get3A_533 = arith.constant 0 : i32
        %get3A_534 = tpu.memref_slice %arg7[%scan3A_256, %get3A_532, %get3A_533] : memref<2x16x768xf32, #tpu.memory_space<vmem>> -> memref<1x16x768xf32, #tpu.memory_space<vmem>>
        %get3A_535 = tpu.memref_squeeze %get3A_534 : memref<1x16x768xf32, #tpu.memory_space<vmem>> -> memref<16x768xf32, #tpu.memory_space<vmem>>
        %get3A_536 = arith.index_cast %scan3A_288 : i32 to index
        %get3A_537 = arith.constant 112 : index
        %get3A_538 = tpu.vector_load %get3A_535[%get3A_536, %get3A_537] {strides = array<i32>} : memref<16x768xf32, #tpu.memory_space<vmem>>, vector<1x16xf32>,
        %get3A_539 = vector.shape_cast %get3A_538 : vector<1x16xf32> to vector<16xf32>
        %get3A_540 = arith.constant 0 : i32
        %get3A_541 = arith.constant 0 : i32
        %get3A_542 = tpu.memref_slice %arg8[%scan3A_257, %get3A_540, %get3A_541] : memref<2x16x768xf32, #tpu.memory_space<vmem>> -> memref<1x16x768xf32, #tpu.memory_space<vmem>>
        %get3A_543 = tpu.memref_squeeze %get3A_542 : memref<1x16x768xf32, #tpu.memory_space<vmem>> -> memref<16x768xf32, #tpu.memory_space<vmem>>
        %get3A_544 = arith.index_cast %scan3A_288 : i32 to index
        %get3A_545 = arith.constant 112 : index
        %get3A_546 = tpu.vector_load %get3A_543[%get3A_544, %get3A_545] {strides = array<i32>} : memref<16x768xf32, #tpu.memory_space<vmem>>, vector<1x16xf32>,
        %get3A_547 = vector.shape_cast %get3A_546 : vector<1x16xf32> to vector<16xf32>
        %add3A_548 = arith.addf %get3A_539, %get3A_547 : vector<16xf32>
        %get3A_549 = arith.constant 0 : i32
        %get3A_550 = arith.constant 0 : i32
        %get3A_551 = tpu.memref_slice %arg9[%scan3A_258, %get3A_549, %get3A_550] : memref<2x16x768xf32, #tpu.memory_space<vmem>> -> memref<1x16x768xf32, #tpu.memory_space<vmem>>
        %get3A_552 = tpu.memref_squeeze %get3A_551 : memref<1x16x768xf32, #tpu.memory_space<vmem>> -> memref<16x768xf32, #tpu.memory_space<vmem>>
        %get3A_553 = arith.index_cast %scan3A_288 : i32 to index
        %get3A_554 = arith.constant 112 : index
        %get3A_555 = tpu.vector_load %get3A_552[%get3A_553, %get3A_554] {strides = array<i32>} : memref<16x768xf32, #tpu.memory_space<vmem>>, vector<1x16xf32>,
        %get3A_556 = vector.shape_cast %get3A_555 : vector<1x16xf32> to vector<16xf32>
        %add3A_557 = arith.addf %add3A_548, %get3A_556 : vector<16xf32>
        %swap3A_558 = arith.constant 0 : i32
        %swap3A_559 = arith.constant 0 : i32
        %swap3A_560 = tpu.memref_slice %arg10[%scan3A_259, %swap3A_558, %swap3A_559] : memref<2x16x768xf32, #tpu.memory_space<vmem>> -> memref<1x16x768xf32, #tpu.memory_space<vmem>>
        %swap3A_561 = tpu.memref_squeeze %swap3A_560 : memref<1x16x768xf32, #tpu.memory_space<vmem>> -> memref<16x768xf32, #tpu.memory_space<vmem>>
        %swap3A_562 = arith.index_cast %scan3A_288 : i32 to index
        %swap3A_563 = arith.constant 112 : index
        %swap3A_564 = tpu.vector_load %swap3A_561[%swap3A_562, %swap3A_563] {strides = array<i32>} : memref<16x768xf32, #tpu.memory_space<vmem>>, vector<1x16xf32>,
        %swap3A_565 = vector.shape_cast %swap3A_564 : vector<1x16xf32> to vector<16xf32>
        %swap3A_566 = vector.shape_cast %add3A_557 : vector<16xf32> to vector<1x16xf32>
        tpu.vector_store %swap3A_561[%swap3A_562, %swap3A_563], %swap3A_566 {strides = array<i32>} : memref<16x768xf32, #tpu.memory_space<vmem>>, vector<1x16xf32>,
        %get3A_567 = arith.constant 0 : i32
        %get3A_568 = arith.constant 0 : i32
        %get3A_569 = tpu.memref_slice %arg7[%scan3A_256, %get3A_567, %get3A_568] : memref<2x16x768xf32, #tpu.memory_space<vmem>> -> memref<1x16x768xf32, #tpu.memory_space<vmem>>
        %get3A_570 = tpu.memref_squeeze %get3A_569 : memref<1x16x768xf32, #tpu.memory_space<vmem>> -> memref<16x768xf32, #tpu.memory_space<vmem>>
        %get3A_571 = arith.index_cast %scan3A_288 : i32 to index
        %get3A_572 = arith.constant 128 : index
        %get3A_573 = tpu.vector_load %get3A_570[%get3A_571, %get3A_572] {strides = array<i32>} : memref<16x768xf32, #tpu.memory_space<vmem>>, vector<1x16xf32>,
        %get3A_574 = vector.shape_cast %get3A_573 : vector<1x16xf32> to vector<16xf32>
        %get3A_575 = arith.constant 0 : i32
        %get3A_576 = arith.constant 0 : i32
        %get3A_577 = tpu.memref_slice %arg8[%scan3A_257, %get3A_575, %get3A_576] : memref<2x16x768xf32, #tpu.memory_space<vmem>> -> memref<1x16x768xf32, #tpu.memory_space<vmem>>
        %get3A_578 = tpu.memref_squeeze %get3A_577 : memref<1x16x768xf32, #tpu.memory_space<vmem>> -> memref<16x768xf32, #tpu.memory_space<vmem>>
        %get3A_579 = arith.index_cast %scan3A_288 : i32 to index
        %get3A_580 = arith.constant 128 : index
        %get3A_581 = tpu.vector_load %get3A_578[%get3A_579, %get3A_580] {strides = array<i32>} : memref<16x768xf32, #tpu.memory_space<vmem>>, vector<1x16xf32>,
        %get3A_582 = vector.shape_cast %get3A_581 : vector<1x16xf32> to vector<16xf32>
        %add3A_583 = arith.addf %get3A_574, %get3A_582 : vector<16xf32>
        %get3A_584 = arith.constant 0 : i32
        %get3A_585 = arith.constant 0 : i32
        %get3A_586 = tpu.memref_slice %arg9[%scan3A_258, %get3A_584, %get3A_585] : memref<2x16x768xf32, #tpu.memory_space<vmem>> -> memref<1x16x768xf32, #tpu.memory_space<vmem>>
        %get3A_587 = tpu.memref_squeeze %get3A_586 : memref<1x16x768xf32, #tpu.memory_space<vmem>> -> memref<16x768xf32, #tpu.memory_space<vmem>>
        %get3A_588 = arith.index_cast %scan3A_288 : i32 to index
        %get3A_589 = arith.constant 128 : index
        %get3A_590 = tpu.vector_load %get3A_587[%get3A_588, %get3A_589] {strides = array<i32>} : memref<16x768xf32, #tpu.memory_space<vmem>>, vector<1x16xf32>,
        %get3A_591 = vector.shape_cast %get3A_590 : vector<1x16xf32> to vector<16xf32>
        %add3A_592 = arith.addf %add3A_583, %get3A_591 : vector<16xf32>
        %swap3A_593 = arith.constant 0 : i32
        %swap3A_594 = arith.constant 0 : i32
        %swap3A_595 = tpu.memref_slice %arg10[%scan3A_259, %swap3A_593, %swap3A_594] : memref<2x16x768xf32, #tpu.memory_space<vmem>> -> memref<1x16x768xf32, #tpu.memory_space<vmem>>
        %swap3A_596 = tpu.memref_squeeze %swap3A_595 : memref<1x16x768xf32, #tpu.memory_space<vmem>> -> memref<16x768xf32, #tpu.memory_space<vmem>>
        %swap3A_597 = arith.index_cast %scan3A_288 : i32 to index
        %swap3A_598 = arith.constant 128 : index
        %swap3A_599 = tpu.vector_load %swap3A_596[%swap3A_597, %swap3A_598] {strides = array<i32>} : memref<16x768xf32, #tpu.memory_space<vmem>>, vector<1x16xf32>,
        %swap3A_600 = vector.shape_cast %swap3A_599 : vector<1x16xf32> to vector<16xf32>
        %swap3A_601 = vector.shape_cast %add3A_592 : vector<16xf32> to vector<1x16xf32>
        tpu.vector_store %swap3A_596[%swap3A_597, %swap3A_598], %swap3A_601 {strides = array<i32>} : memref<16x768xf32, #tpu.memory_space<vmem>>, vector<1x16xf32>,
        %get3A_602 = arith.constant 0 : i32
        %get3A_603 = arith.constant 0 : i32
        %get3A_604 = tpu.memref_slice %arg7[%scan3A_256, %get3A_602, %get3A_603] : memref<2x16x768xf32, #tpu.memory_space<vmem>> -> memref<1x16x768xf32, #tpu.memory_space<vmem>>
        %get3A_605 = tpu.memref_squeeze %get3A_604 : memref<1x16x768xf32, #tpu.memory_space<vmem>> -> memref<16x768xf32, #tpu.memory_space<vmem>>
        %get3A_606 = arith.index_cast %scan3A_288 : i32 to index
        %get3A_607 = arith.constant 144 : index
        %get3A_608 = tpu.vector_load %get3A_605[%get3A_606, %get3A_607] {strides = array<i32>} : memref<16x768xf32, #tpu.memory_space<vmem>>, vector<1x16xf32>,
        %get3A_609 = vector.shape_cast %get3A_608 : vector<1x16xf32> to vector<16xf32>
        %get3A_610 = arith.constant 0 : i32
        %get3A_611 = arith.constant 0 : i32
        %get3A_612 = tpu.memref_slice %arg8[%scan3A_257, %get3A_610, %get3A_611] : memref<2x16x768xf32, #tpu.memory_space<vmem>> -> memref<1x16x768xf32, #tpu.memory_space<vmem>>
        %get3A_613 = tpu.memref_squeeze %get3A_612 : memref<1x16x768xf32, #tpu.memory_space<vmem>> -> memref<16x768xf32, #tpu.memory_space<vmem>>
        %get3A_614 = arith.index_cast %scan3A_288 : i32 to index
        %get3A_615 = arith.constant 144 : index
        %get3A_616 = tpu.vector_load %get3A_613[%get3A_614, %get3A_615] {strides = array<i32>} : memref<16x768xf32, #tpu.memory_space<vmem>>, vector<1x16xf32>,
        %get3A_617 = vector.shape_cast %get3A_616 : vector<1x16xf32> to vector<16xf32>
        %add3A_618 = arith.addf %get3A_609, %get3A_617 : vector<16xf32>
        %get3A_619 = arith.constant 0 : i32
        %get3A_620 = arith.constant 0 : i32
        %get3A_621 = tpu.memref_slice %arg9[%scan3A_258, %get3A_619, %get3A_620] : memref<2x16x768xf32, #tpu.memory_space<vmem>> -> memref<1x16x768xf32, #tpu.memory_space<vmem>>
        %get3A_622 = tpu.memref_squeeze %get3A_621 : memref<1x16x768xf32, #tpu.memory_space<vmem>> -> memref<16x768xf32, #tpu.memory_space<vmem>>
        %get3A_623 = arith.index_cast %scan3A_288 : i32 to index
        %get3A_624 = arith.constant 144 : index
        %get3A_625 = tpu.vector_load %get3A_622[%get3A_623, %get3A_624] {strides = array<i32>} : memref<16x768xf32, #tpu.memory_space<vmem>>, vector<1x16xf32>,
        %get3A_626 = vector.shape_cast %get3A_625 : vector<1x16xf32> to vector<16xf32>
        %add3A_627 = arith.addf %add3A_618, %get3A_626 : vector<16xf32>
        %swap3A_628 = arith.constant 0 : i32
        %swap3A_629 = arith.constant 0 : i32
        %swap3A_630 = tpu.memref_slice %arg10[%scan3A_259, %swap3A_628, %swap3A_629] : memref<2x16x768xf32, #tpu.memory_space<vmem>> -> memref<1x16x768xf32, #tpu.memory_space<vmem>>
        %swap3A_631 = tpu.memref_squeeze %swap3A_630 : memref<1x16x768xf32, #tpu.memory_space<vmem>> -> memref<16x768xf32, #tpu.memory_space<vmem>>
        %swap3A_632 = arith.index_cast %scan3A_288 : i32 to index
        %swap3A_633 = arith.constant 144 : index
        %swap3A_634 = tpu.vector_load %swap3A_631[%swap3A_632, %swap3A_633] {strides = array<i32>} : memref<16x768xf32, #tpu.memory_space<vmem>>, vector<1x16xf32>,
        %swap3A_635 = vector.shape_cast %swap3A_634 : vector<1x16xf32> to vector<16xf32>
        %swap3A_636 = vector.shape_cast %add3A_627 : vector<16xf32> to vector<1x16xf32>
        tpu.vector_store %swap3A_631[%swap3A_632, %swap3A_633], %swap3A_636 {strides = array<i32>} : memref<16x768xf32, #tpu.memory_space<vmem>>, vector<1x16xf32>,
        %get3A_637 = arith.constant 0 : i32
        %get3A_638 = arith.constant 0 : i32
        %get3A_639 = tpu.memref_slice %arg7[%scan3A_256, %get3A_637, %get3A_638] : memref<2x16x768xf32, #tpu.memory_space<vmem>> -> memref<1x16x768xf32, #tpu.memory_space<vmem>>
        %get3A_640 = tpu.memref_squeeze %get3A_639 : memref<1x16x768xf32, #tpu.memory_space<vmem>> -> memref<16x768xf32, #tpu.memory_space<vmem>>
        %get3A_641 = arith.index_cast %scan3A_288 : i32 to index
        %get3A_642 = arith.constant 160 : index
        %get3A_643 = tpu.vector_load %get3A_640[%get3A_641, %get3A_642] {strides = array<i32>} : memref<16x768xf32, #tpu.memory_space<vmem>>, vector<1x16xf32>,
        %get3A_644 = vector.shape_cast %get3A_643 : vector<1x16xf32> to vector<16xf32>
        %get3A_645 = arith.constant 0 : i32
        %get3A_646 = arith.constant 0 : i32
        %get3A_647 = tpu.memref_slice %arg8[%scan3A_257, %get3A_645, %get3A_646] : memref<2x16x768xf32, #tpu.memory_space<vmem>> -> memref<1x16x768xf32, #tpu.memory_space<vmem>>
        %get3A_648 = tpu.memref_squeeze %get3A_647 : memref<1x16x768xf32, #tpu.memory_space<vmem>> -> memref<16x768xf32, #tpu.memory_space<vmem>>
        %get3A_649 = arith.index_cast %scan3A_288 : i32 to index
        %get3A_650 = arith.constant 160 : index
        %get3A_651 = tpu.vector_load %get3A_648[%get3A_649, %get3A_650] {strides = array<i32>} : memref<16x768xf32, #tpu.memory_space<vmem>>, vector<1x16xf32>,
        %get3A_652 = vector.shape_cast %get3A_651 : vector<1x16xf32> to vector<16xf32>
        %add3A_653 = arith.addf %get3A_644, %get3A_652 : vector<16xf32>
        %get3A_654 = arith.constant 0 : i32
        %get3A_655 = arith.constant 0 : i32
        %get3A_656 = tpu.memref_slice %arg9[%scan3A_258, %get3A_654, %get3A_655] : memref<2x16x768xf32, #tpu.memory_space<vmem>> -> memref<1x16x768xf32, #tpu.memory_space<vmem>>
        %get3A_657 = tpu.memref_squeeze %get3A_656 : memref<1x16x768xf32, #tpu.memory_space<vmem>> -> memref<16x768xf32, #tpu.memory_space<vmem>>
        %get3A_658 = arith.index_cast %scan3A_288 : i32 to index
        %get3A_659 = arith.constant 160 : index
        %get3A_660 = tpu.vector_load %get3A_657[%get3A_658, %get3A_659] {strides = array<i32>} : memref<16x768xf32, #tpu.memory_space<vmem>>, vector<1x16xf32>,
        %get3A_661 = vector.shape_cast %get3A_660 : vector<1x16xf32> to vector<16xf32>
        %add3A_662 = arith.addf %add3A_653, %get3A_661 : vector<16xf32>
        %swap3A_663 = arith.constant 0 : i32
        %swap3A_664 = arith.constant 0 : i32
        %swap3A_665 = tpu.memref_slice %arg10[%scan3A_259, %swap3A_663, %swap3A_664] : memref<2x16x768xf32, #tpu.memory_space<vmem>> -> memref<1x16x768xf32, #tpu.memory_space<vmem>>
        %swap3A_666 = tpu.memref_squeeze %swap3A_665 : memref<1x16x768xf32, #tpu.memory_space<vmem>> -> memref<16x768xf32, #tpu.memory_space<vmem>>
        %swap3A_667 = arith.index_cast %scan3A_288 : i32 to index
        %swap3A_668 = arith.constant 160 : index
        %swap3A_669 = tpu.vector_load %swap3A_666[%swap3A_667, %swap3A_668] {strides = array<i32>} : memref<16x768xf32, #tpu.memory_space<vmem>>, vector<1x16xf32>,
        %swap3A_670 = vector.shape_cast %swap3A_669 : vector<1x16xf32> to vector<16xf32>
        %swap3A_671 = vector.shape_cast %add3A_662 : vector<16xf32> to vector<1x16xf32>
        tpu.vector_store %swap3A_666[%swap3A_667, %swap3A_668], %swap3A_671 {strides = array<i32>} : memref<16x768xf32, #tpu.memory_space<vmem>>, vector<1x16xf32>,
        %get3A_672 = arith.constant 0 : i32
        %get3A_673 = arith.constant 0 : i32
        %get3A_674 = tpu.memref_slice %arg7[%scan3A_256, %get3A_672, %get3A_673] : memref<2x16x768xf32, #tpu.memory_space<vmem>> -> memref<1x16x768xf32, #tpu.memory_space<vmem>>
        %get3A_675 = tpu.memref_squeeze %get3A_674 : memref<1x16x768xf32, #tpu.memory_space<vmem>> -> memref<16x768xf32, #tpu.memory_space<vmem>>
        %get3A_676 = arith.index_cast %scan3A_288 : i32 to index
        %get3A_677 = arith.constant 176 : index
        %get3A_678 = tpu.vector_load %get3A_675[%get3A_676, %get3A_677] {strides = array<i32>} : memref<16x768xf32, #tpu.memory_space<vmem>>, vector<1x16xf32>,
        %get3A_679 = vector.shape_cast %get3A_678 : vector<1x16xf32> to vector<16xf32>
        %get3A_680 = arith.constant 0 : i32
        %get3A_681 = arith.constant 0 : i32
        %get3A_682 = tpu.memref_slice %arg8[%scan3A_257, %get3A_680, %get3A_681] : memref<2x16x768xf32, #tpu.memory_space<vmem>> -> memref<1x16x768xf32, #tpu.memory_space<vmem>>
        %get3A_683 = tpu.memref_squeeze %get3A_682 : memref<1x16x768xf32, #tpu.memory_space<vmem>> -> memref<16x768xf32, #tpu.memory_space<vmem>>
        %get3A_684 = arith.index_cast %scan3A_288 : i32 to index
        %get3A_685 = arith.constant 176 : index
        %get3A_686 = tpu.vector_load %get3A_683[%get3A_684, %get3A_685] {strides = array<i32>} : memref<16x768xf32, #tpu.memory_space<vmem>>, vector<1x16xf32>,
        %get3A_687 = vector.shape_cast %get3A_686 : vector<1x16xf32> to vector<16xf32>
        %add3A_688 = arith.addf %get3A_679, %get3A_687 : vector<16xf32>
        %get3A_689 = arith.constant 0 : i32
        %get3A_690 = arith.constant 0 : i32
        %get3A_691 = tpu.memref_slice %arg9[%scan3A_258, %get3A_689, %get3A_690] : memref<2x16x768xf32, #tpu.memory_space<vmem>> -> memref<1x16x768xf32, #tpu.memory_space<vmem>>
        %get3A_692 = tpu.memref_squeeze %get3A_691 : memref<1x16x768xf32, #tpu.memory_space<vmem>> -> memref<16x768xf32, #tpu.memory_space<vmem>>
        %get3A_693 = arith.index_cast %scan3A_288 : i32 to index
        %get3A_694 = arith.constant 176 : index
        %get3A_695 = tpu.vector_load %get3A_692[%get3A_693, %get3A_694] {strides = array<i32>} : memref<16x768xf32, #tpu.memory_space<vmem>>, vector<1x16xf32>,
        %get3A_696 = vector.shape_cast %get3A_695 : vector<1x16xf32> to vector<16xf32>
        %add3A_697 = arith.addf %add3A_688, %get3A_696 : vector<16xf32>
        %swap3A_698 = arith.constant 0 : i32
        %swap3A_699 = arith.constant 0 : i32
        %swap3A_700 = tpu.memref_slice %arg10[%scan3A_259, %swap3A_698, %swap3A_699] : memref<2x16x768xf32, #tpu.memory_space<vmem>> -> memref<1x16x768xf32, #tpu.memory_space<vmem>>
        %swap3A_701 = tpu.memref_squeeze %swap3A_700 : memref<1x16x768xf32, #tpu.memory_space<vmem>> -> memref<16x768xf32, #tpu.memory_space<vmem>>
        %swap3A_702 = arith.index_cast %scan3A_288 : i32 to index
        %swap3A_703 = arith.constant 176 : index
        %swap3A_704 = tpu.vector_load %swap3A_701[%swap3A_702, %swap3A_703] {strides = array<i32>} : memref<16x768xf32, #tpu.memory_space<vmem>>, vector<1x16xf32>,
        %swap3A_705 = vector.shape_cast %swap3A_704 : vector<1x16xf32> to vector<16xf32>
        %swap3A_706 = vector.shape_cast %add3A_697 : vector<16xf32> to vector<1x16xf32>
        tpu.vector_store %swap3A_701[%swap3A_702, %swap3A_703], %swap3A_706 {strides = array<i32>} : memref<16x768xf32, #tpu.memory_space<vmem>>, vector<1x16xf32>,
        %get3A_707 = arith.constant 0 : i32
        %get3A_708 = arith.constant 0 : i32
        %get3A_709 = tpu.memref_slice %arg7[%scan3A_256, %get3A_707, %get3A_708] : memref<2x16x768xf32, #tpu.memory_space<vmem>> -> memref<1x16x768xf32, #tpu.memory_space<vmem>>
        %get3A_710 = tpu.memref_squeeze %get3A_709 : memref<1x16x768xf32, #tpu.memory_space<vmem>> -> memref<16x768xf32, #tpu.memory_space<vmem>>
        %get3A_711 = arith.index_cast %scan3A_288 : i32 to index
        %get3A_712 = arith.constant 192 : index
        %get3A_713 = tpu.vector_load %get3A_710[%get3A_711, %get3A_712] {strides = array<i32>} : memref<16x768xf32, #tpu.memory_space<vmem>>, vector<1x16xf32>,
        %get3A_714 = vector.shape_cast %get3A_713 : vector<1x16xf32> to vector<16xf32>
        %get3A_715 = arith.constant 0 : i32
        %get3A_716 = arith.constant 0 : i32
        %get3A_717 = tpu.memref_slice %arg8[%scan3A_257, %get3A_715, %get3A_716] : memref<2x16x768xf32, #tpu.memory_space<vmem>> -> memref<1x16x768xf32, #tpu.memory_space<vmem>>
        %get3A_718 = tpu.memref_squeeze %get3A_717 : memref<1x16x768xf32, #tpu.memory_space<vmem>> -> memref<16x768xf32, #tpu.memory_space<vmem>>
        %get3A_719 = arith.index_cast %scan3A_288 : i32 to index
        %get3A_720 = arith.constant 192 : index
        %get3A_721 = tpu.vector_load %get3A_718[%get3A_719, %get3A_720] {strides = array<i32>} : memref<16x768xf32, #tpu.memory_space<vmem>>, vector<1x16xf32>,
        %get3A_722 = vector.shape_cast %get3A_721 : vector<1x16xf32> to vector<16xf32>
        %add3A_723 = arith.addf %get3A_714, %get3A_722 : vector<16xf32>
        %get3A_724 = arith.constant 0 : i32
        %get3A_725 = arith.constant 0 : i32
        %get3A_726 = tpu.memref_slice %arg9[%scan3A_258, %get3A_724, %get3A_725] : memref<2x16x768xf32, #tpu.memory_space<vmem>> -> memref<1x16x768xf32, #tpu.memory_space<vmem>>
        %get3A_727 = tpu.memref_squeeze %get3A_726 : memref<1x16x768xf32, #tpu.memory_space<vmem>> -> memref<16x768xf32, #tpu.memory_space<vmem>>
        %get3A_728 = arith.index_cast %scan3A_288 : i32 to index
        %get3A_729 = arith.constant 192 : index
        %get3A_730 = tpu.vector_load %get3A_727[%get3A_728, %get3A_729] {strides = array<i32>} : memref<16x768xf32, #tpu.memory_space<vmem>>, vector<1x16xf32>,
        %get3A_731 = vector.shape_cast %get3A_730 : vector<1x16xf32> to vector<16xf32>
        %add3A_732 = arith.addf %add3A_723, %get3A_731 : vector<16xf32>
        %swap3A_733 = arith.constant 0 : i32
        %swap3A_734 = arith.constant 0 : i32
        %swap3A_735 = tpu.memref_slice %arg10[%scan3A_259, %swap3A_733, %swap3A_734] : memref<2x16x768xf32, #tpu.memory_space<vmem>> -> memref<1x16x768xf32, #tpu.memory_space<vmem>>
        %swap3A_736 = tpu.memref_squeeze %swap3A_735 : memref<1x16x768xf32, #tpu.memory_space<vmem>> -> memref<16x768xf32, #tpu.memory_space<vmem>>
        %swap3A_737 = arith.index_cast %scan3A_288 : i32 to index
        %swap3A_738 = arith.constant 192 : index
        %swap3A_739 = tpu.vector_load %swap3A_736[%swap3A_737, %swap3A_738] {strides = array<i32>} : memref<16x768xf32, #tpu.memory_space<vmem>>, vector<1x16xf32>,
        %swap3A_740 = vector.shape_cast %swap3A_739 : vector<1x16xf32> to vector<16xf32>
        %swap3A_741 = vector.shape_cast %add3A_732 : vector<16xf32> to vector<1x16xf32>
        tpu.vector_store %swap3A_736[%swap3A_737, %swap3A_738], %swap3A_741 {strides = array<i32>} : memref<16x768xf32, #tpu.memory_space<vmem>>, vector<1x16xf32>,
        %get3A_742 = arith.constant 0 : i32
        %get3A_743 = arith.constant 0 : i32
        %get3A_744 = tpu.memref_slice %arg7[%scan3A_256, %get3A_742, %get3A_743] : memref<2x16x768xf32, #tpu.memory_space<vmem>> -> memref<1x16x768xf32, #tpu.memory_space<vmem>>
        %get3A_745 = tpu.memref_squeeze %get3A_744 : memref<1x16x768xf32, #tpu.memory_space<vmem>> -> memref<16x768xf32, #tpu.memory_space<vmem>>
        %get3A_746 = arith.index_cast %scan3A_288 : i32 to index
        %get3A_747 = arith.constant 208 : index
        %get3A_748 = tpu.vector_load %get3A_745[%get3A_746, %get3A_747] {strides = array<i32>} : memref<16x768xf32, #tpu.memory_space<vmem>>, vector<1x16xf32>,
        %get3A_749 = vector.shape_cast %get3A_748 : vector<1x16xf32> to vector<16xf32>
        %get3A_750 = arith.constant 0 : i32
        %get3A_751 = arith.constant 0 : i32
        %get3A_752 = tpu.memref_slice %arg8[%scan3A_257, %get3A_750, %get3A_751] : memref<2x16x768xf32, #tpu.memory_space<vmem>> -> memref<1x16x768xf32, #tpu.memory_space<vmem>>
        %get3A_753 = tpu.memref_squeeze %get3A_752 : memref<1x16x768xf32, #tpu.memory_space<vmem>> -> memref<16x768xf32, #tpu.memory_space<vmem>>
        %get3A_754 = arith.index_cast %scan3A_288 : i32 to index
        %get3A_755 = arith.constant 208 : index
        %get3A_756 = tpu.vector_load %get3A_753[%get3A_754, %get3A_755] {strides = array<i32>} : memref<16x768xf32, #tpu.memory_space<vmem>>, vector<1x16xf32>,
        %get3A_757 = vector.shape_cast %get3A_756 : vector<1x16xf32> to vector<16xf32>
        %add3A_758 = arith.addf %get3A_749, %get3A_757 : vector<16xf32>
        %get3A_759 = arith.constant 0 : i32
        %get3A_760 = arith.constant 0 : i32
        %get3A_761 = tpu.memref_slice %arg9[%scan3A_258, %get3A_759, %get3A_760] : memref<2x16x768xf32, #tpu.memory_space<vmem>> -> memref<1x16x768xf32, #tpu.memory_space<vmem>>
        %get3A_762 = tpu.memref_squeeze %get3A_761 : memref<1x16x768xf32, #tpu.memory_space<vmem>> -> memref<16x768xf32, #tpu.memory_space<vmem>>
        %get3A_763 = arith.index_cast %scan3A_288 : i32 to index
        %get3A_764 = arith.constant 208 : index
        %get3A_765 = tpu.vector_load %get3A_762[%get3A_763, %get3A_764] {strides = array<i32>} : memref<16x768xf32, #tpu.memory_space<vmem>>, vector<1x16xf32>,
        %get3A_766 = vector.shape_cast %get3A_765 : vector<1x16xf32> to vector<16xf32>
        %add3A_767 = arith.addf %add3A_758, %get3A_766 : vector<16xf32>
        %swap3A_768 = arith.constant 0 : i32
        %swap3A_769 = arith.constant 0 : i32
        %swap3A_770 = tpu.memref_slice %arg10[%scan3A_259, %swap3A_768, %swap3A_769] : memref<2x16x768xf32, #tpu.memory_space<vmem>> -> memref<1x16x768xf32, #tpu.memory_space<vmem>>
        %swap3A_771 = tpu.memref_squeeze %swap3A_770 : memref<1x16x768xf32, #tpu.memory_space<vmem>> -> memref<16x768xf32, #tpu.memory_space<vmem>>
        %swap3A_772 = arith.index_cast %scan3A_288 : i32 to index
        %swap3A_773 = arith.constant 208 : index
        %swap3A_774 = tpu.vector_load %swap3A_771[%swap3A_772, %swap3A_773] {strides = array<i32>} : memref<16x768xf32, #tpu.memory_space<vmem>>, vector<1x16xf32>,
        %swap3A_775 = vector.shape_cast %swap3A_774 : vector<1x16xf32> to vector<16xf32>
        %swap3A_776 = vector.shape_cast %add3A_767 : vector<16xf32> to vector<1x16xf32>
        tpu.vector_store %swap3A_771[%swap3A_772, %swap3A_773], %swap3A_776 {strides = array<i32>} : memref<16x768xf32, #tpu.memory_space<vmem>>, vector<1x16xf32>,
        %get3A_777 = arith.constant 0 : i32
        %get3A_778 = arith.constant 0 : i32
        %get3A_779 = tpu.memref_slice %arg7[%scan3A_256, %get3A_777, %get3A_778] : memref<2x16x768xf32, #tpu.memory_space<vmem>> -> memref<1x16x768xf32, #tpu.memory_space<vmem>>
        %get3A_780 = tpu.memref_squeeze %get3A_779 : memref<1x16x768xf32, #tpu.memory_space<vmem>> -> memref<16x768xf32, #tpu.memory_space<vmem>>
        %get3A_781 = arith.index_cast %scan3A_288 : i32 to index
        %get3A_782 = arith.constant 224 : index
        %get3A_783 = tpu.vector_load %get3A_780[%get3A_781, %get3A_782] {strides = array<i32>} : memref<16x768xf32, #tpu.memory_space<vmem>>, vector<1x16xf32>,
        %get3A_784 = vector.shape_cast %get3A_783 : vector<1x16xf32> to vector<16xf32>
        %get3A_785 = arith.constant 0 : i32
        %get3A_786 = arith.constant 0 : i32
        %get3A_787 = tpu.memref_slice %arg8[%scan3A_257, %get3A_785, %get3A_786] : memref<2x16x768xf32, #tpu.memory_space<vmem>> -> memref<1x16x768xf32, #tpu.memory_space<vmem>>
        %get3A_788 = tpu.memref_squeeze %get3A_787 : memref<1x16x768xf32, #tpu.memory_space<vmem>> -> memref<16x768xf32, #tpu.memory_space<vmem>>
        %get3A_789 = arith.index_cast %scan3A_288 : i32 to index
        %get3A_790 = arith.constant 224 : index
        %get3A_791 = tpu.vector_load %get3A_788[%get3A_789, %get3A_790] {strides = array<i32>} : memref<16x768xf32, #tpu.memory_space<vmem>>, vector<1x16xf32>,
        %get3A_792 = vector.shape_cast %get3A_791 : vector<1x16xf32> to vector<16xf32>
        %add3A_793 = arith.addf %get3A_784, %get3A_792 : vector<16xf32>
        %get3A_794 = arith.constant 0 : i32
        %get3A_795 = arith.constant 0 : i32
        %get3A_796 = tpu.memref_slice %arg9[%scan3A_258, %get3A_794, %get3A_795] : memref<2x16x768xf32, #tpu.memory_space<vmem>> -> memref<1x16x768xf32, #tpu.memory_space<vmem>>
        %get3A_797 = tpu.memref_squeeze %get3A_796 : memref<1x16x768xf32, #tpu.memory_space<vmem>> -> memref<16x768xf32, #tpu.memory_space<vmem>>
        %get3A_798 = arith.index_cast %scan3A_288 : i32 to index
        %get3A_799 = arith.constant 224 : index
        %get3A_800 = tpu.vector_load %get3A_797[%get3A_798, %get3A_799] {strides = array<i32>} : memref<16x768xf32, #tpu.memory_space<vmem>>, vector<1x16xf32>,
        %get3A_801 = vector.shape_cast %get3A_800 : vector<1x16xf32> to vector<16xf32>
        %add3A_802 = arith.addf %add3A_793, %get3A_801 : vector<16xf32>
        %swap3A_803 = arith.constant 0 : i32
        %swap3A_804 = arith.constant 0 : i32
        %swap3A_805 = tpu.memref_slice %arg10[%scan3A_259, %swap3A_803, %swap3A_804] : memref<2x16x768xf32, #tpu.memory_space<vmem>> -> memref<1x16x768xf32, #tpu.memory_space<vmem>>
        %swap3A_806 = tpu.memref_squeeze %swap3A_805 : memref<1x16x768xf32, #tpu.memory_space<vmem>> -> memref<16x768xf32, #tpu.memory_space<vmem>>
        %swap3A_807 = arith.index_cast %scan3A_288 : i32 to index
        %swap3A_808 = arith.constant 224 : index
        %swap3A_809 = tpu.vector_load %swap3A_806[%swap3A_807, %swap3A_808] {strides = array<i32>} : memref<16x768xf32, #tpu.memory_space<vmem>>, vector<1x16xf32>,
        %swap3A_810 = vector.shape_cast %swap3A_809 : vector<1x16xf32> to vector<16xf32>
        %swap3A_811 = vector.shape_cast %add3A_802 : vector<16xf32> to vector<1x16xf32>
        tpu.vector_store %swap3A_806[%swap3A_807, %swap3A_808], %swap3A_811 {strides = array<i32>} : memref<16x768xf32, #tpu.memory_space<vmem>>, vector<1x16xf32>,
        %get3A_812 = arith.constant 0 : i32
        %get3A_813 = arith.constant 0 : i32
        %get3A_814 = tpu.memref_slice %arg7[%scan3A_256, %get3A_812, %get3A_813] : memref<2x16x768xf32, #tpu.memory_space<vmem>> -> memref<1x16x768xf32, #tpu.memory_space<vmem>>
        %get3A_815 = tpu.memref_squeeze %get3A_814 : memref<1x16x768xf32, #tpu.memory_space<vmem>> -> memref<16x768xf32, #tpu.memory_space<vmem>>
        %get3A_816 = arith.index_cast %scan3A_288 : i32 to index
        %get3A_817 = arith.constant 240 : index
        %get3A_818 = tpu.vector_load %get3A_815[%get3A_816, %get3A_817] {strides = array<i32>} : memref<16x768xf32, #tpu.memory_space<vmem>>, vector<1x16xf32>,
        %get3A_819 = vector.shape_cast %get3A_818 : vector<1x16xf32> to vector<16xf32>
        %get3A_820 = arith.constant 0 : i32
        %get3A_821 = arith.constant 0 : i32
        %get3A_822 = tpu.memref_slice %arg8[%scan3A_257, %get3A_820, %get3A_821] : memref<2x16x768xf32, #tpu.memory_space<vmem>> -> memref<1x16x768xf32, #tpu.memory_space<vmem>>
        %get3A_823 = tpu.memref_squeeze %get3A_822 : memref<1x16x768xf32, #tpu.memory_space<vmem>> -> memref<16x768xf32, #tpu.memory_space<vmem>>
        %get3A_824 = arith.index_cast %scan3A_288 : i32 to index
        %get3A_825 = arith.constant 240 : index
        %get3A_826 = tpu.vector_load %get3A_823[%get3A_824, %get3A_825] {strides = array<i32>} : memref<16x768xf32, #tpu.memory_space<vmem>>, vector<1x16xf32>,
        %get3A_827 = vector.shape_cast %get3A_826 : vector<1x16xf32> to vector<16xf32>
        %add3A_828 = arith.addf %get3A_819, %get3A_827 : vector<16xf32>
        %get3A_829 = arith.constant 0 : i32
        %get3A_830 = arith.constant 0 : i32
        %get3A_831 = tpu.memref_slice %arg9[%scan3A_258, %get3A_829, %get3A_830] : memref<2x16x768xf32, #tpu.memory_space<vmem>> -> memref<1x16x768xf32, #tpu.memory_space<vmem>>
        %get3A_832 = tpu.memref_squeeze %get3A_831 : memref<1x16x768xf32, #tpu.memory_space<vmem>> -> memref<16x768xf32, #tpu.memory_space<vmem>>
        %get3A_833 = arith.index_cast %scan3A_288 : i32 to index
        %get3A_834 = arith.constant 240 : index
        %get3A_835 = tpu.vector_load %get3A_832[%get3A_833, %get3A_834] {strides = array<i32>} : memref<16x768xf32, #tpu.memory_space<vmem>>, vector<1x16xf32>,
        %get3A_836 = vector.shape_cast %get3A_835 : vector<1x16xf32> to vector<16xf32>
        %add3A_837 = arith.addf %add3A_828, %get3A_836 : vector<16xf32>
        %swap3A_838 = arith.constant 0 : i32
        %swap3A_839 = arith.constant 0 : i32
        %swap3A_840 = tpu.memref_slice %arg10[%scan3A_259, %swap3A_838, %swap3A_839] : memref<2x16x768xf32, #tpu.memory_space<vmem>> -> memref<1x16x768xf32, #tpu.memory_space<vmem>>
        %swap3A_841 = tpu.memref_squeeze %swap3A_840 : memref<1x16x768xf32, #tpu.memory_space<vmem>> -> memref<16x768xf32, #tpu.memory_space<vmem>>
        %swap3A_842 = arith.index_cast %scan3A_288 : i32 to index
        %swap3A_843 = arith.constant 240 : index
        %swap3A_844 = tpu.vector_load %swap3A_841[%swap3A_842, %swap3A_843] {strides = array<i32>} : memref<16x768xf32, #tpu.memory_space<vmem>>, vector<1x16xf32>,
        %swap3A_845 = vector.shape_cast %swap3A_844 : vector<1x16xf32> to vector<16xf32>
        %swap3A_846 = vector.shape_cast %add3A_837 : vector<16xf32> to vector<1x16xf32>
        tpu.vector_store %swap3A_841[%swap3A_842, %swap3A_843], %swap3A_846 {strides = array<i32>} : memref<16x768xf32, #tpu.memory_space<vmem>>, vector<1x16xf32>,
        %get3A_847 = arith.constant 0 : i32
        %get3A_848 = arith.constant 0 : i32
        %get3A_849 = tpu.memref_slice %arg7[%scan3A_256, %get3A_847, %get3A_848] : memref<2x16x768xf32, #tpu.memory_space<vmem>> -> memref<1x16x768xf32, #tpu.memory_space<vmem>>
        %get3A_850 = tpu.memref_squeeze %get3A_849 : memref<1x16x768xf32, #tpu.memory_space<vmem>> -> memref<16x768xf32, #tpu.memory_space<vmem>>
        %get3A_851 = arith.index_cast %scan3A_288 : i32 to index
        %get3A_852 = arith.constant 256 : index
        %get3A_853 = tpu.vector_load %get3A_850[%get3A_851, %get3A_852] {strides = array<i32>} : memref<16x768xf32, #tpu.memory_space<vmem>>, vector<1x16xf32>,
        %get3A_854 = vector.shape_cast %get3A_853 : vector<1x16xf32> to vector<16xf32>
        %get3A_855 = arith.constant 0 : i32
        %get3A_856 = arith.constant 0 : i32
        %get3A_857 = tpu.memref_slice %arg8[%scan3A_257, %get3A_855, %get3A_856] : memref<2x16x768xf32, #tpu.memory_space<vmem>> -> memref<1x16x768xf32, #tpu.memory_space<vmem>>
        %get3A_858 = tpu.memref_squeeze %get3A_857 : memref<1x16x768xf32, #tpu.memory_space<vmem>> -> memref<16x768xf32, #tpu.memory_space<vmem>>
        %get3A_859 = arith.index_cast %scan3A_288 : i32 to index
        %get3A_860 = arith.constant 256 : index
        %get3A_861 = tpu.vector_load %get3A_858[%get3A_859, %get3A_860] {strides = array<i32>} : memref<16x768xf32, #tpu.memory_space<vmem>>, vector<1x16xf32>,
        %get3A_862 = vector.shape_cast %get3A_861 : vector<1x16xf32> to vector<16xf32>
        %add3A_863 = arith.addf %get3A_854, %get3A_862 : vector<16xf32>
        %get3A_864 = arith.constant 0 : i32
        %get3A_865 = arith.constant 0 : i32
        %get3A_866 = tpu.memref_slice %arg9[%scan3A_258, %get3A_864, %get3A_865] : memref<2x16x768xf32, #tpu.memory_space<vmem>> -> memref<1x16x768xf32, #tpu.memory_space<vmem>>
        %get3A_867 = tpu.memref_squeeze %get3A_866 : memref<1x16x768xf32, #tpu.memory_space<vmem>> -> memref<16x768xf32, #tpu.memory_space<vmem>>
        %get3A_868 = arith.index_cast %scan3A_288 : i32 to index
        %get3A_869 = arith.constant 256 : index
        %get3A_870 = tpu.vector_load %get3A_867[%get3A_868, %get3A_869] {strides = array<i32>} : memref<16x768xf32, #tpu.memory_space<vmem>>, vector<1x16xf32>,
        %get3A_871 = vector.shape_cast %get3A_870 : vector<1x16xf32> to vector<16xf32>
        %add3A_872 = arith.addf %add3A_863, %get3A_871 : vector<16xf32>
        %swap3A_873 = arith.constant 0 : i32
        %swap3A_874 = arith.constant 0 : i32
        %swap3A_875 = tpu.memref_slice %arg10[%scan3A_259, %swap3A_873, %swap3A_874] : memref<2x16x768xf32, #tpu.memory_space<vmem>> -> memref<1x16x768xf32, #tpu.memory_space<vmem>>
        %swap3A_876 = tpu.memref_squeeze %swap3A_875 : memref<1x16x768xf32, #tpu.memory_space<vmem>> -> memref<16x768xf32, #tpu.memory_space<vmem>>
        %swap3A_877 = arith.index_cast %scan3A_288 : i32 to index
        %swap3A_878 = arith.constant 256 : index
        %swap3A_879 = tpu.vector_load %swap3A_876[%swap3A_877, %swap3A_878] {strides = array<i32>} : memref<16x768xf32, #tpu.memory_space<vmem>>, vector<1x16xf32>,
        %swap3A_880 = vector.shape_cast %swap3A_879 : vector<1x16xf32> to vector<16xf32>
        %swap3A_881 = vector.shape_cast %add3A_872 : vector<16xf32> to vector<1x16xf32>
        tpu.vector_store %swap3A_876[%swap3A_877, %swap3A_878], %swap3A_881 {strides = array<i32>} : memref<16x768xf32, #tpu.memory_space<vmem>>, vector<1x16xf32>,
        %get3A_882 = arith.constant 0 : i32
        %get3A_883 = arith.constant 0 : i32
        %get3A_884 = tpu.memref_slice %arg7[%scan3A_256, %get3A_882, %get3A_883] : memref<2x16x768xf32, #tpu.memory_space<vmem>> -> memref<1x16x768xf32, #tpu.memory_space<vmem>>
        %get3A_885 = tpu.memref_squeeze %get3A_884 : memref<1x16x768xf32, #tpu.memory_space<vmem>> -> memref<16x768xf32, #tpu.memory_space<vmem>>
        %get3A_886 = arith.index_cast %scan3A_288 : i32 to index
        %get3A_887 = arith.constant 272 : index
        %get3A_888 = tpu.vector_load %get3A_885[%get3A_886, %get3A_887] {strides = array<i32>} : memref<16x768xf32, #tpu.memory_space<vmem>>, vector<1x16xf32>,
        %get3A_889 = vector.shape_cast %get3A_888 : vector<1x16xf32> to vector<16xf32>
        %get3A_890 = arith.constant 0 : i32
        %get3A_891 = arith.constant 0 : i32
        %get3A_892 = tpu.memref_slice %arg8[%scan3A_257, %get3A_890, %get3A_891] : memref<2x16x768xf32, #tpu.memory_space<vmem>> -> memref<1x16x768xf32, #tpu.memory_space<vmem>>
        %get3A_893 = tpu.memref_squeeze %get3A_892 : memref<1x16x768xf32, #tpu.memory_space<vmem>> -> memref<16x768xf32, #tpu.memory_space<vmem>>
        %get3A_894 = arith.index_cast %scan3A_288 : i32 to index
        %get3A_895 = arith.constant 272 : index
        %get3A_896 = tpu.vector_load %get3A_893[%get3A_894, %get3A_895] {strides = array<i32>} : memref<16x768xf32, #tpu.memory_space<vmem>>, vector<1x16xf32>,
        %get3A_897 = vector.shape_cast %get3A_896 : vector<1x16xf32> to vector<16xf32>
        %add3A_898 = arith.addf %get3A_889, %get3A_897 : vector<16xf32>
        %get3A_899 = arith.constant 0 : i32
        %get3A_900 = arith.constant 0 : i32
        %get3A_901 = tpu.memref_slice %arg9[%scan3A_258, %get3A_899, %get3A_900] : memref<2x16x768xf32, #tpu.memory_space<vmem>> -> memref<1x16x768xf32, #tpu.memory_space<vmem>>
        %get3A_902 = tpu.memref_squeeze %get3A_901 : memref<1x16x768xf32, #tpu.memory_space<vmem>> -> memref<16x768xf32, #tpu.memory_space<vmem>>
        %get3A_903 = arith.index_cast %scan3A_288 : i32 to index
        %get3A_904 = arith.constant 272 : index
        %get3A_905 = tpu.vector_load %get3A_902[%get3A_903, %get3A_904] {strides = array<i32>} : memref<16x768xf32, #tpu.memory_space<vmem>>, vector<1x16xf32>,
        %get3A_906 = vector.shape_cast %get3A_905 : vector<1x16xf32> to vector<16xf32>
        %add3A_907 = arith.addf %add3A_898, %get3A_906 : vector<16xf32>
        %swap3A_908 = arith.constant 0 : i32
        %swap3A_909 = arith.constant 0 : i32
        %swap3A_910 = tpu.memref_slice %arg10[%scan3A_259, %swap3A_908, %swap3A_909] : memref<2x16x768xf32, #tpu.memory_space<vmem>> -> memref<1x16x768xf32, #tpu.memory_space<vmem>>
        %swap3A_911 = tpu.memref_squeeze %swap3A_910 : memref<1x16x768xf32, #tpu.memory_space<vmem>> -> memref<16x768xf32, #tpu.memory_space<vmem>>
        %swap3A_912 = arith.index_cast %scan3A_288 : i32 to index
        %swap3A_913 = arith.constant 272 : index
        %swap3A_914 = tpu.vector_load %swap3A_911[%swap3A_912, %swap3A_913] {strides = array<i32>} : memref<16x768xf32, #tpu.memory_space<vmem>>, vector<1x16xf32>,
        %swap3A_915 = vector.shape_cast %swap3A_914 : vector<1x16xf32> to vector<16xf32>
        %swap3A_916 = vector.shape_cast %add3A_907 : vector<16xf32> to vector<1x16xf32>
        tpu.vector_store %swap3A_911[%swap3A_912, %swap3A_913], %swap3A_916 {strides = array<i32>} : memref<16x768xf32, #tpu.memory_space<vmem>>, vector<1x16xf32>,
        %get3A_917 = arith.constant 0 : i32
        %get3A_918 = arith.constant 0 : i32
        %get3A_919 = tpu.memref_slice %arg7[%scan3A_256, %get3A_917, %get3A_918] : memref<2x16x768xf32, #tpu.memory_space<vmem>> -> memref<1x16x768xf32, #tpu.memory_space<vmem>>
        %get3A_920 = tpu.memref_squeeze %get3A_919 : memref<1x16x768xf32, #tpu.memory_space<vmem>> -> memref<16x768xf32, #tpu.memory_space<vmem>>
        %get3A_921 = arith.index_cast %scan3A_288 : i32 to index
        %get3A_922 = arith.constant 288 : index
        %get3A_923 = tpu.vector_load %get3A_920[%get3A_921, %get3A_922] {strides = array<i32>} : memref<16x768xf32, #tpu.memory_space<vmem>>, vector<1x16xf32>,
        %get3A_924 = vector.shape_cast %get3A_923 : vector<1x16xf32> to vector<16xf32>
        %get3A_925 = arith.constant 0 : i32
        %get3A_926 = arith.constant 0 : i32
        %get3A_927 = tpu.memref_slice %arg8[%scan3A_257, %get3A_925, %get3A_926] : memref<2x16x768xf32, #tpu.memory_space<vmem>> -> memref<1x16x768xf32, #tpu.memory_space<vmem>>
        %get3A_928 = tpu.memref_squeeze %get3A_927 : memref<1x16x768xf32, #tpu.memory_space<vmem>> -> memref<16x768xf32, #tpu.memory_space<vmem>>
        %get3A_929 = arith.index_cast %scan3A_288 : i32 to index
        %get3A_930 = arith.constant 288 : index
        %get3A_931 = tpu.vector_load %get3A_928[%get3A_929, %get3A_930] {strides = array<i32>} : memref<16x768xf32, #tpu.memory_space<vmem>>, vector<1x16xf32>,
        %get3A_932 = vector.shape_cast %get3A_931 : vector<1x16xf32> to vector<16xf32>
        %add3A_933 = arith.addf %get3A_924, %get3A_932 : vector<16xf32>
        %get3A_934 = arith.constant 0 : i32
        %get3A_935 = arith.constant 0 : i32
        %get3A_936 = tpu.memref_slice %arg9[%scan3A_258, %get3A_934, %get3A_935] : memref<2x16x768xf32, #tpu.memory_space<vmem>> -> memref<1x16x768xf32, #tpu.memory_space<vmem>>
        %get3A_937 = tpu.memref_squeeze %get3A_936 : memref<1x16x768xf32, #tpu.memory_space<vmem>> -> memref<16x768xf32, #tpu.memory_space<vmem>>
        %get3A_938 = arith.index_cast %scan3A_288 : i32 to index
        %get3A_939 = arith.constant 288 : index
        %get3A_940 = tpu.vector_load %get3A_937[%get3A_938, %get3A_939] {strides = array<i32>} : memref<16x768xf32, #tpu.memory_space<vmem>>, vector<1x16xf32>,
        %get3A_941 = vector.shape_cast %get3A_940 : vector<1x16xf32> to vector<16xf32>
        %add3A_942 = arith.addf %add3A_933, %get3A_941 : vector<16xf32>
        %swap3A_943 = arith.constant 0 : i32
        %swap3A_944 = arith.constant 0 : i32
        %swap3A_945 = tpu.memref_slice %arg10[%scan3A_259, %swap3A_943, %swap3A_944] : memref<2x16x768xf32, #tpu.memory_space<vmem>> -> memref<1x16x768xf32, #tpu.memory_space<vmem>>
        %swap3A_946 = tpu.memref_squeeze %swap3A_945 : memref<1x16x768xf32, #tpu.memory_space<vmem>> -> memref<16x768xf32, #tpu.memory_space<vmem>>
        %swap3A_947 = arith.index_cast %scan3A_288 : i32 to index
        %swap3A_948 = arith.constant 288 : index
        %swap3A_949 = tpu.vector_load %swap3A_946[%swap3A_947, %swap3A_948] {strides = array<i32>} : memref<16x768xf32, #tpu.memory_space<vmem>>, vector<1x16xf32>,
        %swap3A_950 = vector.shape_cast %swap3A_949 : vector<1x16xf32> to vector<16xf32>
        %swap3A_951 = vector.shape_cast %add3A_942 : vector<16xf32> to vector<1x16xf32>
        tpu.vector_store %swap3A_946[%swap3A_947, %swap3A_948], %swap3A_951 {strides = array<i32>} : memref<16x768xf32, #tpu.memory_space<vmem>>, vector<1x16xf32>,
        %get3A_952 = arith.constant 0 : i32
        %get3A_953 = arith.constant 0 : i32
        %get3A_954 = tpu.memref_slice %arg7[%scan3A_256, %get3A_952, %get3A_953] : memref<2x16x768xf32, #tpu.memory_space<vmem>> -> memref<1x16x768xf32, #tpu.memory_space<vmem>>
        %get3A_955 = tpu.memref_squeeze %get3A_954 : memref<1x16x768xf32, #tpu.memory_space<vmem>> -> memref<16x768xf32, #tpu.memory_space<vmem>>
        %get3A_956 = arith.index_cast %scan3A_288 : i32 to index
        %get3A_957 = arith.constant 304 : index
        %get3A_958 = tpu.vector_load %get3A_955[%get3A_956, %get3A_957] {strides = array<i32>} : memref<16x768xf32, #tpu.memory_space<vmem>>, vector<1x16xf32>,
        %get3A_959 = vector.shape_cast %get3A_958 : vector<1x16xf32> to vector<16xf32>
        %get3A_960 = arith.constant 0 : i32
        %get3A_961 = arith.constant 0 : i32
        %get3A_962 = tpu.memref_slice %arg8[%scan3A_257, %get3A_960, %get3A_961] : memref<2x16x768xf32, #tpu.memory_space<vmem>> -> memref<1x16x768xf32, #tpu.memory_space<vmem>>
        %get3A_963 = tpu.memref_squeeze %get3A_962 : memref<1x16x768xf32, #tpu.memory_space<vmem>> -> memref<16x768xf32, #tpu.memory_space<vmem>>
        %get3A_964 = arith.index_cast %scan3A_288 : i32 to index
        %get3A_965 = arith.constant 304 : index
        %get3A_966 = tpu.vector_load %get3A_963[%get3A_964, %get3A_965] {strides = array<i32>} : memref<16x768xf32, #tpu.memory_space<vmem>>, vector<1x16xf32>,
        %get3A_967 = vector.shape_cast %get3A_966 : vector<1x16xf32> to vector<16xf32>
        %add3A_968 = arith.addf %get3A_959, %get3A_967 : vector<16xf32>
        %get3A_969 = arith.constant 0 : i32
        %get3A_970 = arith.constant 0 : i32
        %get3A_971 = tpu.memref_slice %arg9[%scan3A_258, %get3A_969, %get3A_970] : memref<2x16x768xf32, #tpu.memory_space<vmem>> -> memref<1x16x768xf32, #tpu.memory_space<vmem>>
        %get3A_972 = tpu.memref_squeeze %get3A_971 : memref<1x16x768xf32, #tpu.memory_space<vmem>> -> memref<16x768xf32, #tpu.memory_space<vmem>>
        %get3A_973 = arith.index_cast %scan3A_288 : i32 to index
        %get3A_974 = arith.constant 304 : index
        %get3A_975 = tpu.vector_load %get3A_972[%get3A_973, %get3A_974] {strides = array<i32>} : memref<16x768xf32, #tpu.memory_space<vmem>>, vector<1x16xf32>,
        %get3A_976 = vector.shape_cast %get3A_975 : vector<1x16xf32> to vector<16xf32>
        %add3A_977 = arith.addf %add3A_968, %get3A_976 : vector<16xf32>
        %swap3A_978 = arith.constant 0 : i32
        %swap3A_979 = arith.constant 0 : i32
        %swap3A_980 = tpu.memref_slice %arg10[%scan3A_259, %swap3A_978, %swap3A_979] : memref<2x16x768xf32, #tpu.memory_space<vmem>> -> memref<1x16x768xf32, #tpu.memory_space<vmem>>
        %swap3A_981 = tpu.memref_squeeze %swap3A_980 : memref<1x16x768xf32, #tpu.memory_space<vmem>> -> memref<16x768xf32, #tpu.memory_space<vmem>>
        %swap3A_982 = arith.index_cast %scan3A_288 : i32 to index
        %swap3A_983 = arith.constant 304 : index
        %swap3A_984 = tpu.vector_load %swap3A_981[%swap3A_982, %swap3A_983] {strides = array<i32>} : memref<16x768xf32, #tpu.memory_space<vmem>>, vector<1x16xf32>,
        %swap3A_985 = vector.shape_cast %swap3A_984 : vector<1x16xf32> to vector<16xf32>
        %swap3A_986 = vector.shape_cast %add3A_977 : vector<16xf32> to vector<1x16xf32>
        tpu.vector_store %swap3A_981[%swap3A_982, %swap3A_983], %swap3A_986 {strides = array<i32>} : memref<16x768xf32, #tpu.memory_space<vmem>>, vector<1x16xf32>,
        %get3A_987 = arith.constant 0 : i32
        %get3A_988 = arith.constant 0 : i32
        %get3A_989 = tpu.memref_slice %arg7[%scan3A_256, %get3A_987, %get3A_988] : memref<2x16x768xf32, #tpu.memory_space<vmem>> -> memref<1x16x768xf32, #tpu.memory_space<vmem>>
        %get3A_990 = tpu.memref_squeeze %get3A_989 : memref<1x16x768xf32, #tpu.memory_space<vmem>> -> memref<16x768xf32, #tpu.memory_space<vmem>>
        %get3A_991 = arith.index_cast %scan3A_288 : i32 to index
        %get3A_992 = arith.constant 320 : index
        %get3A_993 = tpu.vector_load %get3A_990[%get3A_991, %get3A_992] {strides = array<i32>} : memref<16x768xf32, #tpu.memory_space<vmem>>, vector<1x16xf32>,
        %get3A_994 = vector.shape_cast %get3A_993 : vector<1x16xf32> to vector<16xf32>
        %get3A_995 = arith.constant 0 : i32
        %get3A_996 = arith.constant 0 : i32
        %get3A_997 = tpu.memref_slice %arg8[%scan3A_257, %get3A_995, %get3A_996] : memref<2x16x768xf32, #tpu.memory_space<vmem>> -> memref<1x16x768xf32, #tpu.memory_space<vmem>>
        %get3A_998 = tpu.memref_squeeze %get3A_997 : memref<1x16x768xf32, #tpu.memory_space<vmem>> -> memref<16x768xf32, #tpu.memory_space<vmem>>
        %get3A_999 = arith.index_cast %scan3A_288 : i32 to index
        %get3A_1000 = arith.constant 320 : index
        %get3A_1001 = tpu.vector_load %get3A_998[%get3A_999, %get3A_1000] {strides = array<i32>} : memref<16x768xf32, #tpu.memory_space<vmem>>, vector<1x16xf32>,
        %get3A_1002 = vector.shape_cast %get3A_1001 : vector<1x16xf32> to vector<16xf32>
        %add3A_1003 = arith.addf %get3A_994, %get3A_1002 : vector<16xf32>
        %get3A_1004 = arith.constant 0 : i32
        %get3A_1005 = arith.constant 0 : i32
        %get3A_1006 = tpu.memref_slice %arg9[%scan3A_258, %get3A_1004, %get3A_1005] : memref<2x16x768xf32, #tpu.memory_space<vmem>> -> memref<1x16x768xf32, #tpu.memory_space<vmem>>
        %get3A_1007 = tpu.memref_squeeze %get3A_1006 : memref<1x16x768xf32, #tpu.memory_space<vmem>> -> memref<16x768xf32, #tpu.memory_space<vmem>>
        %get3A_1008 = arith.index_cast %scan3A_288 : i32 to index
        %get3A_1009 = arith.constant 320 : index
        %get3A_1010 = tpu.vector_load %get3A_1007[%get3A_1008, %get3A_1009] {strides = array<i32>} : memref<16x768xf32, #tpu.memory_space<vmem>>, vector<1x16xf32>,
        %get3A_1011 = vector.shape_cast %get3A_1010 : vector<1x16xf32> to vector<16xf32>
        %add3A_1012 = arith.addf %add3A_1003, %get3A_1011 : vector<16xf32>
        %swap3A_1013 = arith.constant 0 : i32
        %swap3A_1014 = arith.constant 0 : i32
        %swap3A_1015 = tpu.memref_slice %arg10[%scan3A_259, %swap3A_1013, %swap3A_1014] : memref<2x16x768xf32, #tpu.memory_space<vmem>> -> memref<1x16x768xf32, #tpu.memory_space<vmem>>
        %swap3A_1016 = tpu.memref_squeeze %swap3A_1015 : memref<1x16x768xf32, #tpu.memory_space<vmem>> -> memref<16x768xf32, #tpu.memory_space<vmem>>
        %swap3A_1017 = arith.index_cast %scan3A_288 : i32 to index
        %swap3A_1018 = arith.constant 320 : index
        %swap3A_1019 = tpu.vector_load %swap3A_1016[%swap3A_1017, %swap3A_1018] {strides = array<i32>} : memref<16x768xf32, #tpu.memory_space<vmem>>, vector<1x16xf32>,
        %swap3A_1020 = vector.shape_cast %swap3A_1019 : vector<1x16xf32> to vector<16xf32>
        %swap3A_1021 = vector.shape_cast %add3A_1012 : vector<16xf32> to vector<1x16xf32>
        tpu.vector_store %swap3A_1016[%swap3A_1017, %swap3A_1018], %swap3A_1021 {strides = array<i32>} : memref<16x768xf32, #tpu.memory_space<vmem>>, vector<1x16xf32>,
        %get3A_1022 = arith.constant 0 : i32
        %get3A_1023 = arith.constant 0 : i32
        %get3A_1024 = tpu.memref_slice %arg7[%scan3A_256, %get3A_1022, %get3A_1023] : memref<2x16x768xf32, #tpu.memory_space<vmem>> -> memref<1x16x768xf32, #tpu.memory_space<vmem>>
        %get3A_1025 = tpu.memref_squeeze %get3A_1024 : memref<1x16x768xf32, #tpu.memory_space<vmem>> -> memref<16x768xf32, #tpu.memory_space<vmem>>
        %get3A_1026 = arith.index_cast %scan3A_288 : i32 to index
        %get3A_1027 = arith.constant 336 : index
        %get3A_1028 = tpu.vector_load %get3A_1025[%get3A_1026, %get3A_1027] {strides = array<i32>} : memref<16x768xf32, #tpu.memory_space<vmem>>, vector<1x16xf32>,
        %get3A_1029 = vector.shape_cast %get3A_1028 : vector<1x16xf32> to vector<16xf32>
        %get3A_1030 = arith.constant 0 : i32
        %get3A_1031 = arith.constant 0 : i32
        %get3A_1032 = tpu.memref_slice %arg8[%scan3A_257, %get3A_1030, %get3A_1031] : memref<2x16x768xf32, #tpu.memory_space<vmem>> -> memref<1x16x768xf32, #tpu.memory_space<vmem>>
        %get3A_1033 = tpu.memref_squeeze %get3A_1032 : memref<1x16x768xf32, #tpu.memory_space<vmem>> -> memref<16x768xf32, #tpu.memory_space<vmem>>
        %get3A_1034 = arith.index_cast %scan3A_288 : i32 to index
        %get3A_1035 = arith.constant 336 : index
        %get3A_1036 = tpu.vector_load %get3A_1033[%get3A_1034, %get3A_1035] {strides = array<i32>} : memref<16x768xf32, #tpu.memory_space<vmem>>, vector<1x16xf32>,
        %get3A_1037 = vector.shape_cast %get3A_1036 : vector<1x16xf32> to vector<16xf32>
        %add3A_1038 = arith.addf %get3A_1029, %get3A_1037 : vector<16xf32>
        %get3A_1039 = arith.constant 0 : i32
        %get3A_1040 = arith.constant 0 : i32
        %get3A_1041 = tpu.memref_slice %arg9[%scan3A_258, %get3A_1039, %get3A_1040] : memref<2x16x768xf32, #tpu.memory_space<vmem>> -> memref<1x16x768xf32, #tpu.memory_space<vmem>>
        %get3A_1042 = tpu.memref_squeeze %get3A_1041 : memref<1x16x768xf32, #tpu.memory_space<vmem>> -> memref<16x768xf32, #tpu.memory_space<vmem>>
        %get3A_1043 = arith.index_cast %scan3A_288 : i32 to index
        %get3A_1044 = arith.constant 336 : index
        %get3A_1045 = tpu.vector_load %get3A_1042[%get3A_1043, %get3A_1044] {strides = array<i32>} : memref<16x768xf32, #tpu.memory_space<vmem>>, vector<1x16xf32>,
        %get3A_1046 = vector.shape_cast %get3A_1045 : vector<1x16xf32> to vector<16xf32>
        %add3A_1047 = arith.addf %add3A_1038, %get3A_1046 : vector<16xf32>
        %swap3A_1048 = arith.constant 0 : i32
        %swap3A_1049 = arith.constant 0 : i32
        %swap3A_1050 = tpu.memref_slice %arg10[%scan3A_259, %swap3A_1048, %swap3A_1049] : memref<2x16x768xf32, #tpu.memory_space<vmem>> -> memref<1x16x768xf32, #tpu.memory_space<vmem>>
        %swap3A_1051 = tpu.memref_squeeze %swap3A_1050 : memref<1x16x768xf32, #tpu.memory_space<vmem>> -> memref<16x768xf32, #tpu.memory_space<vmem>>
        %swap3A_1052 = arith.index_cast %scan3A_288 : i32 to index
        %swap3A_1053 = arith.constant 336 : index
        %swap3A_1054 = tpu.vector_load %swap3A_1051[%swap3A_1052, %swap3A_1053] {strides = array<i32>} : memref<16x768xf32, #tpu.memory_space<vmem>>, vector<1x16xf32>,
        %swap3A_1055 = vector.shape_cast %swap3A_1054 : vector<1x16xf32> to vector<16xf32>
        %swap3A_1056 = vector.shape_cast %add3A_1047 : vector<16xf32> to vector<1x16xf32>
        tpu.vector_store %swap3A_1051[%swap3A_1052, %swap3A_1053], %swap3A_1056 {strides = array<i32>} : memref<16x768xf32, #tpu.memory_space<vmem>>, vector<1x16xf32>,
        %get3A_1057 = arith.constant 0 : i32
        %get3A_1058 = arith.constant 0 : i32
        %get3A_1059 = tpu.memref_slice %arg7[%scan3A_256, %get3A_1057, %get3A_1058] : memref<2x16x768xf32, #tpu.memory_space<vmem>> -> memref<1x16x768xf32, #tpu.memory_space<vmem>>
        %get3A_1060 = tpu.memref_squeeze %get3A_1059 : memref<1x16x768xf32, #tpu.memory_space<vmem>> -> memref<16x768xf32, #tpu.memory_space<vmem>>
        %get3A_1061 = arith.index_cast %scan3A_288 : i32 to index
        %get3A_1062 = arith.constant 352 : index
        %get3A_1063 = tpu.vector_load %get3A_1060[%get3A_1061, %get3A_1062] {strides = array<i32>} : memref<16x768xf32, #tpu.memory_space<vmem>>, vector<1x16xf32>,
        %get3A_1064 = vector.shape_cast %get3A_1063 : vector<1x16xf32> to vector<16xf32>
        %get3A_1065 = arith.constant 0 : i32
        %get3A_1066 = arith.constant 0 : i32
        %get3A_1067 = tpu.memref_slice %arg8[%scan3A_257, %get3A_1065, %get3A_1066] : memref<2x16x768xf32, #tpu.memory_space<vmem>> -> memref<1x16x768xf32, #tpu.memory_space<vmem>>
        %get3A_1068 = tpu.memref_squeeze %get3A_1067 : memref<1x16x768xf32, #tpu.memory_space<vmem>> -> memref<16x768xf32, #tpu.memory_space<vmem>>
        %get3A_1069 = arith.index_cast %scan3A_288 : i32 to index
        %get3A_1070 = arith.constant 352 : index
        %get3A_1071 = tpu.vector_load %get3A_1068[%get3A_1069, %get3A_1070] {strides = array<i32>} : memref<16x768xf32, #tpu.memory_space<vmem>>, vector<1x16xf32>,
        %get3A_1072 = vector.shape_cast %get3A_1071 : vector<1x16xf32> to vector<16xf32>
        %add3A_1073 = arith.addf %get3A_1064, %get3A_1072 : vector<16xf32>
        %get3A_1074 = arith.constant 0 : i32
        %get3A_1075 = arith.constant 0 : i32
        %get3A_1076 = tpu.memref_slice %arg9[%scan3A_258, %get3A_1074, %get3A_1075] : memref<2x16x768xf32, #tpu.memory_space<vmem>> -> memref<1x16x768xf32, #tpu.memory_space<vmem>>
        %get3A_1077 = tpu.memref_squeeze %get3A_1076 : memref<1x16x768xf32, #tpu.memory_space<vmem>> -> memref<16x768xf32, #tpu.memory_space<vmem>>
        %get3A_1078 = arith.index_cast %scan3A_288 : i32 to index
        %get3A_1079 = arith.constant 352 : index
        %get3A_1080 = tpu.vector_load %get3A_1077[%get3A_1078, %get3A_1079] {strides = array<i32>} : memref<16x768xf32, #tpu.memory_space<vmem>>, vector<1x16xf32>,
        %get3A_1081 = vector.shape_cast %get3A_1080 : vector<1x16xf32> to vector<16xf32>
        %add3A_1082 = arith.addf %add3A_1073, %get3A_1081 : vector<16xf32>
        %swap3A_1083 = arith.constant 0 : i32
        %swap3A_1084 = arith.constant 0 : i32
        %swap3A_1085 = tpu.memref_slice %arg10[%scan3A_259, %swap3A_1083, %swap3A_1084] : memref<2x16x768xf32, #tpu.memory_space<vmem>> -> memref<1x16x768xf32, #tpu.memory_space<vmem>>
        %swap3A_1086 = tpu.memref_squeeze %swap3A_1085 : memref<1x16x768xf32, #tpu.memory_space<vmem>> -> memref<16x768xf32, #tpu.memory_space<vmem>>
        %swap3A_1087 = arith.index_cast %scan3A_288 : i32 to index
        %swap3A_1088 = arith.constant 352 : index
        %swap3A_1089 = tpu.vector_load %swap3A_1086[%swap3A_1087, %swap3A_1088] {strides = array<i32>} : memref<16x768xf32, #tpu.memory_space<vmem>>, vector<1x16xf32>,
        %swap3A_1090 = vector.shape_cast %swap3A_1089 : vector<1x16xf32> to vector<16xf32>
        %swap3A_1091 = vector.shape_cast %add3A_1082 : vector<16xf32> to vector<1x16xf32>
        tpu.vector_store %swap3A_1086[%swap3A_1087, %swap3A_1088], %swap3A_1091 {strides = array<i32>} : memref<16x768xf32, #tpu.memory_space<vmem>>, vector<1x16xf32>,
        %get3A_1092 = arith.constant 0 : i32
        %get3A_1093 = arith.constant 0 : i32
        %get3A_1094 = tpu.memref_slice %arg7[%scan3A_256, %get3A_1092, %get3A_1093] : memref<2x16x768xf32, #tpu.memory_space<vmem>> -> memref<1x16x768xf32, #tpu.memory_space<vmem>>
        %get3A_1095 = tpu.memref_squeeze %get3A_1094 : memref<1x16x768xf32, #tpu.memory_space<vmem>> -> memref<16x768xf32, #tpu.memory_space<vmem>>
        %get3A_1096 = arith.index_cast %scan3A_288 : i32 to index
        %get3A_1097 = arith.constant 368 : index
        %get3A_1098 = tpu.vector_load %get3A_1095[%get3A_1096, %get3A_1097] {strides = array<i32>} : memref<16x768xf32, #tpu.memory_space<vmem>>, vector<1x16xf32>,
        %get3A_1099 = vector.shape_cast %get3A_1098 : vector<1x16xf32> to vector<16xf32>
        %get3A_1100 = arith.constant 0 : i32
        %get3A_1101 = arith.constant 0 : i32
        %get3A_1102 = tpu.memref_slice %arg8[%scan3A_257, %get3A_1100, %get3A_1101] : memref<2x16x768xf32, #tpu.memory_space<vmem>> -> memref<1x16x768xf32, #tpu.memory_space<vmem>>
        %get3A_1103 = tpu.memref_squeeze %get3A_1102 : memref<1x16x768xf32, #tpu.memory_space<vmem>> -> memref<16x768xf32, #tpu.memory_space<vmem>>
        %get3A_1104 = arith.index_cast %scan3A_288 : i32 to index
        %get3A_1105 = arith.constant 368 : index
        %get3A_1106 = tpu.vector_load %get3A_1103[%get3A_1104, %get3A_1105] {strides = array<i32>} : memref<16x768xf32, #tpu.memory_space<vmem>>, vector<1x16xf32>,
        %get3A_1107 = vector.shape_cast %get3A_1106 : vector<1x16xf32> to vector<16xf32>
        %add3A_1108 = arith.addf %get3A_1099, %get3A_1107 : vector<16xf32>
        %get3A_1109 = arith.constant 0 : i32
        %get3A_1110 = arith.constant 0 : i32
        %get3A_1111 = tpu.memref_slice %arg9[%scan3A_258, %get3A_1109, %get3A_1110] : memref<2x16x768xf32, #tpu.memory_space<vmem>> -> memref<1x16x768xf32, #tpu.memory_space<vmem>>
        %get3A_1112 = tpu.memref_squeeze %get3A_1111 : memref<1x16x768xf32, #tpu.memory_space<vmem>> -> memref<16x768xf32, #tpu.memory_space<vmem>>
        %get3A_1113 = arith.index_cast %scan3A_288 : i32 to index
        %get3A_1114 = arith.constant 368 : index
        %get3A_1115 = tpu.vector_load %get3A_1112[%get3A_1113, %get3A_1114] {strides = array<i32>} : memref<16x768xf32, #tpu.memory_space<vmem>>, vector<1x16xf32>,
        %get3A_1116 = vector.shape_cast %get3A_1115 : vector<1x16xf32> to vector<16xf32>
        %add3A_1117 = arith.addf %add3A_1108, %get3A_1116 : vector<16xf32>
        %swap3A_1118 = arith.constant 0 : i32
        %swap3A_1119 = arith.constant 0 : i32
        %swap3A_1120 = tpu.memref_slice %arg10[%scan3A_259, %swap3A_1118, %swap3A_1119] : memref<2x16x768xf32, #tpu.memory_space<vmem>> -> memref<1x16x768xf32, #tpu.memory_space<vmem>>
        %swap3A_1121 = tpu.memref_squeeze %swap3A_1120 : memref<1x16x768xf32, #tpu.memory_space<vmem>> -> memref<16x768xf32, #tpu.memory_space<vmem>>
        %swap3A_1122 = arith.index_cast %scan3A_288 : i32 to index
        %swap3A_1123 = arith.constant 368 : index
        %swap3A_1124 = tpu.vector_load %swap3A_1121[%swap3A_1122, %swap3A_1123] {strides = array<i32>} : memref<16x768xf32, #tpu.memory_space<vmem>>, vector<1x16xf32>,
        %swap3A_1125 = vector.shape_cast %swap3A_1124 : vector<1x16xf32> to vector<16xf32>
        %swap3A_1126 = vector.shape_cast %add3A_1117 : vector<16xf32> to vector<1x16xf32>
        tpu.vector_store %swap3A_1121[%swap3A_1122, %swap3A_1123], %swap3A_1126 {strides = array<i32>} : memref<16x768xf32, #tpu.memory_space<vmem>>, vector<1x16xf32>,
        %get3A_1127 = arith.constant 0 : i32
        %get3A_1128 = arith.constant 0 : i32
        %get3A_1129 = tpu.memref_slice %arg7[%scan3A_256, %get3A_1127, %get3A_1128] : memref<2x16x768xf32, #tpu.memory_space<vmem>> -> memref<1x16x768xf32, #tpu.memory_space<vmem>>
        %get3A_1130 = tpu.memref_squeeze %get3A_1129 : memref<1x16x768xf32, #tpu.memory_space<vmem>> -> memref<16x768xf32, #tpu.memory_space<vmem>>
        %get3A_1131 = arith.index_cast %scan3A_288 : i32 to index
        %get3A_1132 = arith.constant 384 : index
        %get3A_1133 = tpu.vector_load %get3A_1130[%get3A_1131, %get3A_1132] {strides = array<i32>} : memref<16x768xf32, #tpu.memory_space<vmem>>, vector<1x16xf32>,
        %get3A_1134 = vector.shape_cast %get3A_1133 : vector<1x16xf32> to vector<16xf32>
        %get3A_1135 = arith.constant 0 : i32
        %get3A_1136 = arith.constant 0 : i32
        %get3A_1137 = tpu.memref_slice %arg8[%scan3A_257, %get3A_1135, %get3A_1136] : memref<2x16x768xf32, #tpu.memory_space<vmem>> -> memref<1x16x768xf32, #tpu.memory_space<vmem>>
        %get3A_1138 = tpu.memref_squeeze %get3A_1137 : memref<1x16x768xf32, #tpu.memory_space<vmem>> -> memref<16x768xf32, #tpu.memory_space<vmem>>
        %get3A_1139 = arith.index_cast %scan3A_288 : i32 to index
        %get3A_1140 = arith.constant 384 : index
        %get3A_1141 = tpu.vector_load %get3A_1138[%get3A_1139, %get3A_1140] {strides = array<i32>} : memref<16x768xf32, #tpu.memory_space<vmem>>, vector<1x16xf32>,
        %get3A_1142 = vector.shape_cast %get3A_1141 : vector<1x16xf32> to vector<16xf32>
        %add3A_1143 = arith.addf %get3A_1134, %get3A_1142 : vector<16xf32>
        %get3A_1144 = arith.constant 0 : i32
        %get3A_1145 = arith.constant 0 : i32
        %get3A_1146 = tpu.memref_slice %arg9[%scan3A_258, %get3A_1144, %get3A_1145] : memref<2x16x768xf32, #tpu.memory_space<vmem>> -> memref<1x16x768xf32, #tpu.memory_space<vmem>>
        %get3A_1147 = tpu.memref_squeeze %get3A_1146 : memref<1x16x768xf32, #tpu.memory_space<vmem>> -> memref<16x768xf32, #tpu.memory_space<vmem>>
        %get3A_1148 = arith.index_cast %scan3A_288 : i32 to index
        %get3A_1149 = arith.constant 384 : index
        %get3A_1150 = tpu.vector_load %get3A_1147[%get3A_1148, %get3A_1149] {strides = array<i32>} : memref<16x768xf32, #tpu.memory_space<vmem>>, vector<1x16xf32>,
        %get3A_1151 = vector.shape_cast %get3A_1150 : vector<1x16xf32> to vector<16xf32>
        %add3A_1152 = arith.addf %add3A_1143, %get3A_1151 : vector<16xf32>
        %swap3A_1153 = arith.constant 0 : i32
        %swap3A_1154 = arith.constant 0 : i32
        %swap3A_1155 = tpu.memref_slice %arg10[%scan3A_259, %swap3A_1153, %swap3A_1154] : memref<2x16x768xf32, #tpu.memory_space<vmem>> -> memref<1x16x768xf32, #tpu.memory_space<vmem>>
        %swap3A_1156 = tpu.memref_squeeze %swap3A_1155 : memref<1x16x768xf32, #tpu.memory_space<vmem>> -> memref<16x768xf32, #tpu.memory_space<vmem>>
        %swap3A_1157 = arith.index_cast %scan3A_288 : i32 to index
        %swap3A_1158 = arith.constant 384 : index
        %swap3A_1159 = tpu.vector_load %swap3A_1156[%swap3A_1157, %swap3A_1158] {strides = array<i32>} : memref<16x768xf32, #tpu.memory_space<vmem>>, vector<1x16xf32>,
        %swap3A_1160 = vector.shape_cast %swap3A_1159 : vector<1x16xf32> to vector<16xf32>
        %swap3A_1161 = vector.shape_cast %add3A_1152 : vector<16xf32> to vector<1x16xf32>
        tpu.vector_store %swap3A_1156[%swap3A_1157, %swap3A_1158], %swap3A_1161 {strides = array<i32>} : memref<16x768xf32, #tpu.memory_space<vmem>>, vector<1x16xf32>,
        %get3A_1162 = arith.constant 0 : i32
        %get3A_1163 = arith.constant 0 : i32
        %get3A_1164 = tpu.memref_slice %arg7[%scan3A_256, %get3A_1162, %get3A_1163] : memref<2x16x768xf32, #tpu.memory_space<vmem>> -> memref<1x16x768xf32, #tpu.memory_space<vmem>>
        %get3A_1165 = tpu.memref_squeeze %get3A_1164 : memref<1x16x768xf32, #tpu.memory_space<vmem>> -> memref<16x768xf32, #tpu.memory_space<vmem>>
        %get3A_1166 = arith.index_cast %scan3A_288 : i32 to index
        %get3A_1167 = arith.constant 400 : index
        %get3A_1168 = tpu.vector_load %get3A_1165[%get3A_1166, %get3A_1167] {strides = array<i32>} : memref<16x768xf32, #tpu.memory_space<vmem>>, vector<1x16xf32>,
        %get3A_1169 = vector.shape_cast %get3A_1168 : vector<1x16xf32> to vector<16xf32>
        %get3A_1170 = arith.constant 0 : i32
        %get3A_1171 = arith.constant 0 : i32
        %get3A_1172 = tpu.memref_slice %arg8[%scan3A_257, %get3A_1170, %get3A_1171] : memref<2x16x768xf32, #tpu.memory_space<vmem>> -> memref<1x16x768xf32, #tpu.memory_space<vmem>>
        %get3A_1173 = tpu.memref_squeeze %get3A_1172 : memref<1x16x768xf32, #tpu.memory_space<vmem>> -> memref<16x768xf32, #tpu.memory_space<vmem>>
        %get3A_1174 = arith.index_cast %scan3A_288 : i32 to index
        %get3A_1175 = arith.constant 400 : index
        %get3A_1176 = tpu.vector_load %get3A_1173[%get3A_1174, %get3A_1175] {strides = array<i32>} : memref<16x768xf32, #tpu.memory_space<vmem>>, vector<1x16xf32>,
        %get3A_1177 = vector.shape_cast %get3A_1176 : vector<1x16xf32> to vector<16xf32>
        %add3A_1178 = arith.addf %get3A_1169, %get3A_1177 : vector<16xf32>
        %get3A_1179 = arith.constant 0 : i32
        %get3A_1180 = arith.constant 0 : i32
        %get3A_1181 = tpu.memref_slice %arg9[%scan3A_258, %get3A_1179, %get3A_1180] : memref<2x16x768xf32, #tpu.memory_space<vmem>> -> memref<1x16x768xf32, #tpu.memory_space<vmem>>
        %get3A_1182 = tpu.memref_squeeze %get3A_1181 : memref<1x16x768xf32, #tpu.memory_space<vmem>> -> memref<16x768xf32, #tpu.memory_space<vmem>>
        %get3A_1183 = arith.index_cast %scan3A_288 : i32 to index
        %get3A_1184 = arith.constant 400 : index
        %get3A_1185 = tpu.vector_load %get3A_1182[%get3A_1183, %get3A_1184] {strides = array<i32>} : memref<16x768xf32, #tpu.memory_space<vmem>>, vector<1x16xf32>,
        %get3A_1186 = vector.shape_cast %get3A_1185 : vector<1x16xf32> to vector<16xf32>
        %add3A_1187 = arith.addf %add3A_1178, %get3A_1186 : vector<16xf32>
        %swap3A_1188 = arith.constant 0 : i32
        %swap3A_1189 = arith.constant 0 : i32
        %swap3A_1190 = tpu.memref_slice %arg10[%scan3A_259, %swap3A_1188, %swap3A_1189] : memref<2x16x768xf32, #tpu.memory_space<vmem>> -> memref<1x16x768xf32, #tpu.memory_space<vmem>>
        %swap3A_1191 = tpu.memref_squeeze %swap3A_1190 : memref<1x16x768xf32, #tpu.memory_space<vmem>> -> memref<16x768xf32, #tpu.memory_space<vmem>>
        %swap3A_1192 = arith.index_cast %scan3A_288 : i32 to index
        %swap3A_1193 = arith.constant 400 : index
        %swap3A_1194 = tpu.vector_load %swap3A_1191[%swap3A_1192, %swap3A_1193] {strides = array<i32>} : memref<16x768xf32, #tpu.memory_space<vmem>>, vector<1x16xf32>,
        %swap3A_1195 = vector.shape_cast %swap3A_1194 : vector<1x16xf32> to vector<16xf32>
        %swap3A_1196 = vector.shape_cast %add3A_1187 : vector<16xf32> to vector<1x16xf32>
        tpu.vector_store %swap3A_1191[%swap3A_1192, %swap3A_1193], %swap3A_1196 {strides = array<i32>} : memref<16x768xf32, #tpu.memory_space<vmem>>, vector<1x16xf32>,
        %get3A_1197 = arith.constant 0 : i32
        %get3A_1198 = arith.constant 0 : i32
        %get3A_1199 = tpu.memref_slice %arg7[%scan3A_256, %get3A_1197, %get3A_1198] : memref<2x16x768xf32, #tpu.memory_space<vmem>> -> memref<1x16x768xf32, #tpu.memory_space<vmem>>
        %get3A_1200 = tpu.memref_squeeze %get3A_1199 : memref<1x16x768xf32, #tpu.memory_space<vmem>> -> memref<16x768xf32, #tpu.memory_space<vmem>>
        %get3A_1201 = arith.index_cast %scan3A_288 : i32 to index
        %get3A_1202 = arith.constant 416 : index
        %get3A_1203 = tpu.vector_load %get3A_1200[%get3A_1201, %get3A_1202] {strides = array<i32>} : memref<16x768xf32, #tpu.memory_space<vmem>>, vector<1x16xf32>,
        %get3A_1204 = vector.shape_cast %get3A_1203 : vector<1x16xf32> to vector<16xf32>
        %get3A_1205 = arith.constant 0 : i32
        %get3A_1206 = arith.constant 0 : i32
        %get3A_1207 = tpu.memref_slice %arg8[%scan3A_257, %get3A_1205, %get3A_1206] : memref<2x16x768xf32, #tpu.memory_space<vmem>> -> memref<1x16x768xf32, #tpu.memory_space<vmem>>
        %get3A_1208 = tpu.memref_squeeze %get3A_1207 : memref<1x16x768xf32, #tpu.memory_space<vmem>> -> memref<16x768xf32, #tpu.memory_space<vmem>>
        %get3A_1209 = arith.index_cast %scan3A_288 : i32 to index
        %get3A_1210 = arith.constant 416 : index
        %get3A_1211 = tpu.vector_load %get3A_1208[%get3A_1209, %get3A_1210] {strides = array<i32>} : memref<16x768xf32, #tpu.memory_space<vmem>>, vector<1x16xf32>,
        %get3A_1212 = vector.shape_cast %get3A_1211 : vector<1x16xf32> to vector<16xf32>
        %add3A_1213 = arith.addf %get3A_1204, %get3A_1212 : vector<16xf32>
        %get3A_1214 = arith.constant 0 : i32
        %get3A_1215 = arith.constant 0 : i32
        %get3A_1216 = tpu.memref_slice %arg9[%scan3A_258, %get3A_1214, %get3A_1215] : memref<2x16x768xf32, #tpu.memory_space<vmem>> -> memref<1x16x768xf32, #tpu.memory_space<vmem>>
        %get3A_1217 = tpu.memref_squeeze %get3A_1216 : memref<1x16x768xf32, #tpu.memory_space<vmem>> -> memref<16x768xf32, #tpu.memory_space<vmem>>
        %get3A_1218 = arith.index_cast %scan3A_288 : i32 to index
        %get3A_1219 = arith.constant 416 : index
        %get3A_1220 = tpu.vector_load %get3A_1217[%get3A_1218, %get3A_1219] {strides = array<i32>} : memref<16x768xf32, #tpu.memory_space<vmem>>, vector<1x16xf32>,
        %get3A_1221 = vector.shape_cast %get3A_1220 : vector<1x16xf32> to vector<16xf32>
        %add3A_1222 = arith.addf %add3A_1213, %get3A_1221 : vector<16xf32>
        %swap3A_1223 = arith.constant 0 : i32
        %swap3A_1224 = arith.constant 0 : i32
        %swap3A_1225 = tpu.memref_slice %arg10[%scan3A_259, %swap3A_1223, %swap3A_1224] : memref<2x16x768xf32, #tpu.memory_space<vmem>> -> memref<1x16x768xf32, #tpu.memory_space<vmem>>
        %swap3A_1226 = tpu.memref_squeeze %swap3A_1225 : memref<1x16x768xf32, #tpu.memory_space<vmem>> -> memref<16x768xf32, #tpu.memory_space<vmem>>
        %swap3A_1227 = arith.index_cast %scan3A_288 : i32 to index
        %swap3A_1228 = arith.constant 416 : index
        %swap3A_1229 = tpu.vector_load %swap3A_1226[%swap3A_1227, %swap3A_1228] {strides = array<i32>} : memref<16x768xf32, #tpu.memory_space<vmem>>, vector<1x16xf32>,
        %swap3A_1230 = vector.shape_cast %swap3A_1229 : vector<1x16xf32> to vector<16xf32>
        %swap3A_1231 = vector.shape_cast %add3A_1222 : vector<16xf32> to vector<1x16xf32>
        tpu.vector_store %swap3A_1226[%swap3A_1227, %swap3A_1228], %swap3A_1231 {strides = array<i32>} : memref<16x768xf32, #tpu.memory_space<vmem>>, vector<1x16xf32>,
        %get3A_1232 = arith.constant 0 : i32
        %get3A_1233 = arith.constant 0 : i32
        %get3A_1234 = tpu.memref_slice %arg7[%scan3A_256, %get3A_1232, %get3A_1233] : memref<2x16x768xf32, #tpu.memory_space<vmem>> -> memref<1x16x768xf32, #tpu.memory_space<vmem>>
        %get3A_1235 = tpu.memref_squeeze %get3A_1234 : memref<1x16x768xf32, #tpu.memory_space<vmem>> -> memref<16x768xf32, #tpu.memory_space<vmem>>
        %get3A_1236 = arith.index_cast %scan3A_288 : i32 to index
        %get3A_1237 = arith.constant 432 : index
        %get3A_1238 = tpu.vector_load %get3A_1235[%get3A_1236, %get3A_1237] {strides = array<i32>} : memref<16x768xf32, #tpu.memory_space<vmem>>, vector<1x16xf32>,
        %get3A_1239 = vector.shape_cast %get3A_1238 : vector<1x16xf32> to vector<16xf32>
        %get3A_1240 = arith.constant 0 : i32
        %get3A_1241 = arith.constant 0 : i32
        %get3A_1242 = tpu.memref_slice %arg8[%scan3A_257, %get3A_1240, %get3A_1241] : memref<2x16x768xf32, #tpu.memory_space<vmem>> -> memref<1x16x768xf32, #tpu.memory_space<vmem>>
        %get3A_1243 = tpu.memref_squeeze %get3A_1242 : memref<1x16x768xf32, #tpu.memory_space<vmem>> -> memref<16x768xf32, #tpu.memory_space<vmem>>
        %get3A_1244 = arith.index_cast %scan3A_288 : i32 to index
        %get3A_1245 = arith.constant 432 : index
        %get3A_1246 = tpu.vector_load %get3A_1243[%get3A_1244, %get3A_1245] {strides = array<i32>} : memref<16x768xf32, #tpu.memory_space<vmem>>, vector<1x16xf32>,
        %get3A_1247 = vector.shape_cast %get3A_1246 : vector<1x16xf32> to vector<16xf32>
        %add3A_1248 = arith.addf %get3A_1239, %get3A_1247 : vector<16xf32>
        %get3A_1249 = arith.constant 0 : i32
        %get3A_1250 = arith.constant 0 : i32
        %get3A_1251 = tpu.memref_slice %arg9[%scan3A_258, %get3A_1249, %get3A_1250] : memref<2x16x768xf32, #tpu.memory_space<vmem>> -> memref<1x16x768xf32, #tpu.memory_space<vmem>>
        %get3A_1252 = tpu.memref_squeeze %get3A_1251 : memref<1x16x768xf32, #tpu.memory_space<vmem>> -> memref<16x768xf32, #tpu.memory_space<vmem>>
        %get3A_1253 = arith.index_cast %scan3A_288 : i32 to index
        %get3A_1254 = arith.constant 432 : index
        %get3A_1255 = tpu.vector_load %get3A_1252[%get3A_1253, %get3A_1254] {strides = array<i32>} : memref<16x768xf32, #tpu.memory_space<vmem>>, vector<1x16xf32>,
        %get3A_1256 = vector.shape_cast %get3A_1255 : vector<1x16xf32> to vector<16xf32>
        %add3A_1257 = arith.addf %add3A_1248, %get3A_1256 : vector<16xf32>
        %swap3A_1258 = arith.constant 0 : i32
        %swap3A_1259 = arith.constant 0 : i32
        %swap3A_1260 = tpu.memref_slice %arg10[%scan3A_259, %swap3A_1258, %swap3A_1259] : memref<2x16x768xf32, #tpu.memory_space<vmem>> -> memref<1x16x768xf32, #tpu.memory_space<vmem>>
        %swap3A_1261 = tpu.memref_squeeze %swap3A_1260 : memref<1x16x768xf32, #tpu.memory_space<vmem>> -> memref<16x768xf32, #tpu.memory_space<vmem>>
        %swap3A_1262 = arith.index_cast %scan3A_288 : i32 to index
        %swap3A_1263 = arith.constant 432 : index
        %swap3A_1264 = tpu.vector_load %swap3A_1261[%swap3A_1262, %swap3A_1263] {strides = array<i32>} : memref<16x768xf32, #tpu.memory_space<vmem>>, vector<1x16xf32>,
        %swap3A_1265 = vector.shape_cast %swap3A_1264 : vector<1x16xf32> to vector<16xf32>
        %swap3A_1266 = vector.shape_cast %add3A_1257 : vector<16xf32> to vector<1x16xf32>
        tpu.vector_store %swap3A_1261[%swap3A_1262, %swap3A_1263], %swap3A_1266 {strides = array<i32>} : memref<16x768xf32, #tpu.memory_space<vmem>>, vector<1x16xf32>,
        %get3A_1267 = arith.constant 0 : i32
        %get3A_1268 = arith.constant 0 : i32
        %get3A_1269 = tpu.memref_slice %arg7[%scan3A_256, %get3A_1267, %get3A_1268] : memref<2x16x768xf32, #tpu.memory_space<vmem>> -> memref<1x16x768xf32, #tpu.memory_space<vmem>>
        %get3A_1270 = tpu.memref_squeeze %get3A_1269 : memref<1x16x768xf32, #tpu.memory_space<vmem>> -> memref<16x768xf32, #tpu.memory_space<vmem>>
        %get3A_1271 = arith.index_cast %scan3A_288 : i32 to index
        %get3A_1272 = arith.constant 448 : index
        %get3A_1273 = tpu.vector_load %get3A_1270[%get3A_1271, %get3A_1272] {strides = array<i32>} : memref<16x768xf32, #tpu.memory_space<vmem>>, vector<1x16xf32>,
        %get3A_1274 = vector.shape_cast %get3A_1273 : vector<1x16xf32> to vector<16xf32>
        %get3A_1275 = arith.constant 0 : i32
        %get3A_1276 = arith.constant 0 : i32
        %get3A_1277 = tpu.memref_slice %arg8[%scan3A_257, %get3A_1275, %get3A_1276] : memref<2x16x768xf32, #tpu.memory_space<vmem>> -> memref<1x16x768xf32, #tpu.memory_space<vmem>>
        %get3A_1278 = tpu.memref_squeeze %get3A_1277 : memref<1x16x768xf32, #tpu.memory_space<vmem>> -> memref<16x768xf32, #tpu.memory_space<vmem>>
        %get3A_1279 = arith.index_cast %scan3A_288 : i32 to index
        %get3A_1280 = arith.constant 448 : index
        %get3A_1281 = tpu.vector_load %get3A_1278[%get3A_1279, %get3A_1280] {strides = array<i32>} : memref<16x768xf32, #tpu.memory_space<vmem>>, vector<1x16xf32>,
        %get3A_1282 = vector.shape_cast %get3A_1281 : vector<1x16xf32> to vector<16xf32>
        %add3A_1283 = arith.addf %get3A_1274, %get3A_1282 : vector<16xf32>
        %get3A_1284 = arith.constant 0 : i32
        %get3A_1285 = arith.constant 0 : i32
        %get3A_1286 = tpu.memref_slice %arg9[%scan3A_258, %get3A_1284, %get3A_1285] : memref<2x16x768xf32, #tpu.memory_space<vmem>> -> memref<1x16x768xf32, #tpu.memory_space<vmem>>
        %get3A_1287 = tpu.memref_squeeze %get3A_1286 : memref<1x16x768xf32, #tpu.memory_space<vmem>> -> memref<16x768xf32, #tpu.memory_space<vmem>>
        %get3A_1288 = arith.index_cast %scan3A_288 : i32 to index
        %get3A_1289 = arith.constant 448 : index
        %get3A_1290 = tpu.vector_load %get3A_1287[%get3A_1288, %get3A_1289] {strides = array<i32>} : memref<16x768xf32, #tpu.memory_space<vmem>>, vector<1x16xf32>,
        %get3A_1291 = vector.shape_cast %get3A_1290 : vector<1x16xf32> to vector<16xf32>
        %add3A_1292 = arith.addf %add3A_1283, %get3A_1291 : vector<16xf32>
        %swap3A_1293 = arith.constant 0 : i32
        %swap3A_1294 = arith.constant 0 : i32
        %swap3A_1295 = tpu.memref_slice %arg10[%scan3A_259, %swap3A_1293, %swap3A_1294] : memref<2x16x768xf32, #tpu.memory_space<vmem>> -> memref<1x16x768xf32, #tpu.memory_space<vmem>>
        %swap3A_1296 = tpu.memref_squeeze %swap3A_1295 : memref<1x16x768xf32, #tpu.memory_space<vmem>> -> memref<16x768xf32, #tpu.memory_space<vmem>>
        %swap3A_1297 = arith.index_cast %scan3A_288 : i32 to index
        %swap3A_1298 = arith.constant 448 : index
        %swap3A_1299 = tpu.vector_load %swap3A_1296[%swap3A_1297, %swap3A_1298] {strides = array<i32>} : memref<16x768xf32, #tpu.memory_space<vmem>>, vector<1x16xf32>,
        %swap3A_1300 = vector.shape_cast %swap3A_1299 : vector<1x16xf32> to vector<16xf32>
        %swap3A_1301 = vector.shape_cast %add3A_1292 : vector<16xf32> to vector<1x16xf32>
        tpu.vector_store %swap3A_1296[%swap3A_1297, %swap3A_1298], %swap3A_1301 {strides = array<i32>} : memref<16x768xf32, #tpu.memory_space<vmem>>, vector<1x16xf32>,
        %get3A_1302 = arith.constant 0 : i32
        %get3A_1303 = arith.constant 0 : i32
        %get3A_1304 = tpu.memref_slice %arg7[%scan3A_256, %get3A_1302, %get3A_1303] : memref<2x16x768xf32, #tpu.memory_space<vmem>> -> memref<1x16x768xf32, #tpu.memory_space<vmem>>
        %get3A_1305 = tpu.memref_squeeze %get3A_1304 : memref<1x16x768xf32, #tpu.memory_space<vmem>> -> memref<16x768xf32, #tpu.memory_space<vmem>>
        %get3A_1306 = arith.index_cast %scan3A_288 : i32 to index
        %get3A_1307 = arith.constant 464 : index
        %get3A_1308 = tpu.vector_load %get3A_1305[%get3A_1306, %get3A_1307] {strides = array<i32>} : memref<16x768xf32, #tpu.memory_space<vmem>>, vector<1x16xf32>,
        %get3A_1309 = vector.shape_cast %get3A_1308 : vector<1x16xf32> to vector<16xf32>
        %get3A_1310 = arith.constant 0 : i32
        %get3A_1311 = arith.constant 0 : i32
        %get3A_1312 = tpu.memref_slice %arg8[%scan3A_257, %get3A_1310, %get3A_1311] : memref<2x16x768xf32, #tpu.memory_space<vmem>> -> memref<1x16x768xf32, #tpu.memory_space<vmem>>
        %get3A_1313 = tpu.memref_squeeze %get3A_1312 : memref<1x16x768xf32, #tpu.memory_space<vmem>> -> memref<16x768xf32, #tpu.memory_space<vmem>>
        %get3A_1314 = arith.index_cast %scan3A_288 : i32 to index
        %get3A_1315 = arith.constant 464 : index
        %get3A_1316 = tpu.vector_load %get3A_1313[%get3A_1314, %get3A_1315] {strides = array<i32>} : memref<16x768xf32, #tpu.memory_space<vmem>>, vector<1x16xf32>,
        %get3A_1317 = vector.shape_cast %get3A_1316 : vector<1x16xf32> to vector<16xf32>
        %add3A_1318 = arith.addf %get3A_1309, %get3A_1317 : vector<16xf32>
        %get3A_1319 = arith.constant 0 : i32
        %get3A_1320 = arith.constant 0 : i32
        %get3A_1321 = tpu.memref_slice %arg9[%scan3A_258, %get3A_1319, %get3A_1320] : memref<2x16x768xf32, #tpu.memory_space<vmem>> -> memref<1x16x768xf32, #tpu.memory_space<vmem>>
        %get3A_1322 = tpu.memref_squeeze %get3A_1321 : memref<1x16x768xf32, #tpu.memory_space<vmem>> -> memref<16x768xf32, #tpu.memory_space<vmem>>
        %get3A_1323 = arith.index_cast %scan3A_288 : i32 to index
        %get3A_1324 = arith.constant 464 : index
        %get3A_1325 = tpu.vector_load %get3A_1322[%get3A_1323, %get3A_1324] {strides = array<i32>} : memref<16x768xf32, #tpu.memory_space<vmem>>, vector<1x16xf32>,
        %get3A_1326 = vector.shape_cast %get3A_1325 : vector<1x16xf32> to vector<16xf32>
        %add3A_1327 = arith.addf %add3A_1318, %get3A_1326 : vector<16xf32>
        %swap3A_1328 = arith.constant 0 : i32
        %swap3A_1329 = arith.constant 0 : i32
        %swap3A_1330 = tpu.memref_slice %arg10[%scan3A_259, %swap3A_1328, %swap3A_1329] : memref<2x16x768xf32, #tpu.memory_space<vmem>> -> memref<1x16x768xf32, #tpu.memory_space<vmem>>
        %swap3A_1331 = tpu.memref_squeeze %swap3A_1330 : memref<1x16x768xf32, #tpu.memory_space<vmem>> -> memref<16x768xf32, #tpu.memory_space<vmem>>
        %swap3A_1332 = arith.index_cast %scan3A_288 : i32 to index
        %swap3A_1333 = arith.constant 464 : index
        %swap3A_1334 = tpu.vector_load %swap3A_1331[%swap3A_1332, %swap3A_1333] {strides = array<i32>} : memref<16x768xf32, #tpu.memory_space<vmem>>, vector<1x16xf32>,
        %swap3A_1335 = vector.shape_cast %swap3A_1334 : vector<1x16xf32> to vector<16xf32>
        %swap3A_1336 = vector.shape_cast %add3A_1327 : vector<16xf32> to vector<1x16xf32>
        tpu.vector_store %swap3A_1331[%swap3A_1332, %swap3A_1333], %swap3A_1336 {strides = array<i32>} : memref<16x768xf32, #tpu.memory_space<vmem>>, vector<1x16xf32>,
        %get3A_1337 = arith.constant 0 : i32
        %get3A_1338 = arith.constant 0 : i32
        %get3A_1339 = tpu.memref_slice %arg7[%scan3A_256, %get3A_1337, %get3A_1338] : memref<2x16x768xf32, #tpu.memory_space<vmem>> -> memref<1x16x768xf32, #tpu.memory_space<vmem>>
        %get3A_1340 = tpu.memref_squeeze %get3A_1339 : memref<1x16x768xf32, #tpu.memory_space<vmem>> -> memref<16x768xf32, #tpu.memory_space<vmem>>
        %get3A_1341 = arith.index_cast %scan3A_288 : i32 to index
        %get3A_1342 = arith.constant 480 : index
        %get3A_1343 = tpu.vector_load %get3A_1340[%get3A_1341, %get3A_1342] {strides = array<i32>} : memref<16x768xf32, #tpu.memory_space<vmem>>, vector<1x16xf32>,
        %get3A_1344 = vector.shape_cast %get3A_1343 : vector<1x16xf32> to vector<16xf32>
        %get3A_1345 = arith.constant 0 : i32
        %get3A_1346 = arith.constant 0 : i32
        %get3A_1347 = tpu.memref_slice %arg8[%scan3A_257, %get3A_1345, %get3A_1346] : memref<2x16x768xf32, #tpu.memory_space<vmem>> -> memref<1x16x768xf32, #tpu.memory_space<vmem>>
        %get3A_1348 = tpu.memref_squeeze %get3A_1347 : memref<1x16x768xf32, #tpu.memory_space<vmem>> -> memref<16x768xf32, #tpu.memory_space<vmem>>
        %get3A_1349 = arith.index_cast %scan3A_288 : i32 to index
        %get3A_1350 = arith.constant 480 : index
        %get3A_1351 = tpu.vector_load %get3A_1348[%get3A_1349, %get3A_1350] {strides = array<i32>} : memref<16x768xf32, #tpu.memory_space<vmem>>, vector<1x16xf32>,
        %get3A_1352 = vector.shape_cast %get3A_1351 : vector<1x16xf32> to vector<16xf32>
        %add3A_1353 = arith.addf %get3A_1344, %get3A_1352 : vector<16xf32>
        %get3A_1354 = arith.constant 0 : i32
        %get3A_1355 = arith.constant 0 : i32
        %get3A_1356 = tpu.memref_slice %arg9[%scan3A_258, %get3A_1354, %get3A_1355] : memref<2x16x768xf32, #tpu.memory_space<vmem>> -> memref<1x16x768xf32, #tpu.memory_space<vmem>>
        %get3A_1357 = tpu.memref_squeeze %get3A_1356 : memref<1x16x768xf32, #tpu.memory_space<vmem>> -> memref<16x768xf32, #tpu.memory_space<vmem>>
        %get3A_1358 = arith.index_cast %scan3A_288 : i32 to index
        %get3A_1359 = arith.constant 480 : index
        %get3A_1360 = tpu.vector_load %get3A_1357[%get3A_1358, %get3A_1359] {strides = array<i32>} : memref<16x768xf32, #tpu.memory_space<vmem>>, vector<1x16xf32>,
        %get3A_1361 = vector.shape_cast %get3A_1360 : vector<1x16xf32> to vector<16xf32>
        %add3A_1362 = arith.addf %add3A_1353, %get3A_1361 : vector<16xf32>
        %swap3A_1363 = arith.constant 0 : i32
        %swap3A_1364 = arith.constant 0 : i32
        %swap3A_1365 = tpu.memref_slice %arg10[%scan3A_259, %swap3A_1363, %swap3A_1364] : memref<2x16x768xf32, #tpu.memory_space<vmem>> -> memref<1x16x768xf32, #tpu.memory_space<vmem>>
        %swap3A_1366 = tpu.memref_squeeze %swap3A_1365 : memref<1x16x768xf32, #tpu.memory_space<vmem>> -> memref<16x768xf32, #tpu.memory_space<vmem>>
        %swap3A_1367 = arith.index_cast %scan3A_288 : i32 to index
        %swap3A_1368 = arith.constant 480 : index
        %swap3A_1369 = tpu.vector_load %swap3A_1366[%swap3A_1367, %swap3A_1368] {strides = array<i32>} : memref<16x768xf32, #tpu.memory_space<vmem>>, vector<1x16xf32>,
        %swap3A_1370 = vector.shape_cast %swap3A_1369 : vector<1x16xf32> to vector<16xf32>
        %swap3A_1371 = vector.shape_cast %add3A_1362 : vector<16xf32> to vector<1x16xf32>
        tpu.vector_store %swap3A_1366[%swap3A_1367, %swap3A_1368], %swap3A_1371 {strides = array<i32>} : memref<16x768xf32, #tpu.memory_space<vmem>>, vector<1x16xf32>,
        %get3A_1372 = arith.constant 0 : i32
        %get3A_1373 = arith.constant 0 : i32
        %get3A_1374 = tpu.memref_slice %arg7[%scan3A_256, %get3A_1372, %get3A_1373] : memref<2x16x768xf32, #tpu.memory_space<vmem>> -> memref<1x16x768xf32, #tpu.memory_space<vmem>>
        %get3A_1375 = tpu.memref_squeeze %get3A_1374 : memref<1x16x768xf32, #tpu.memory_space<vmem>> -> memref<16x768xf32, #tpu.memory_space<vmem>>
        %get3A_1376 = arith.index_cast %scan3A_288 : i32 to index
        %get3A_1377 = arith.constant 496 : index
        %get3A_1378 = tpu.vector_load %get3A_1375[%get3A_1376, %get3A_1377] {strides = array<i32>} : memref<16x768xf32, #tpu.memory_space<vmem>>, vector<1x16xf32>,
        %get3A_1379 = vector.shape_cast %get3A_1378 : vector<1x16xf32> to vector<16xf32>
        %get3A_1380 = arith.constant 0 : i32
        %get3A_1381 = arith.constant 0 : i32
        %get3A_1382 = tpu.memref_slice %arg8[%scan3A_257, %get3A_1380, %get3A_1381] : memref<2x16x768xf32, #tpu.memory_space<vmem>> -> memref<1x16x768xf32, #tpu.memory_space<vmem>>
        %get3A_1383 = tpu.memref_squeeze %get3A_1382 : memref<1x16x768xf32, #tpu.memory_space<vmem>> -> memref<16x768xf32, #tpu.memory_space<vmem>>
        %get3A_1384 = arith.index_cast %scan3A_288 : i32 to index
        %get3A_1385 = arith.constant 496 : index
        %get3A_1386 = tpu.vector_load %get3A_1383[%get3A_1384, %get3A_1385] {strides = array<i32>} : memref<16x768xf32, #tpu.memory_space<vmem>>, vector<1x16xf32>,
        %get3A_1387 = vector.shape_cast %get3A_1386 : vector<1x16xf32> to vector<16xf32>
        %add3A_1388 = arith.addf %get3A_1379, %get3A_1387 : vector<16xf32>
        %get3A_1389 = arith.constant 0 : i32
        %get3A_1390 = arith.constant 0 : i32
        %get3A_1391 = tpu.memref_slice %arg9[%scan3A_258, %get3A_1389, %get3A_1390] : memref<2x16x768xf32, #tpu.memory_space<vmem>> -> memref<1x16x768xf32, #tpu.memory_space<vmem>>
        %get3A_1392 = tpu.memref_squeeze %get3A_1391 : memref<1x16x768xf32, #tpu.memory_space<vmem>> -> memref<16x768xf32, #tpu.memory_space<vmem>>
        %get3A_1393 = arith.index_cast %scan3A_288 : i32 to index
        %get3A_1394 = arith.constant 496 : index
        %get3A_1395 = tpu.vector_load %get3A_1392[%get3A_1393, %get3A_1394] {strides = array<i32>} : memref<16x768xf32, #tpu.memory_space<vmem>>, vector<1x16xf32>,
        %get3A_1396 = vector.shape_cast %get3A_1395 : vector<1x16xf32> to vector<16xf32>
        %add3A_1397 = arith.addf %add3A_1388, %get3A_1396 : vector<16xf32>
        %swap3A_1398 = arith.constant 0 : i32
        %swap3A_1399 = arith.constant 0 : i32
        %swap3A_1400 = tpu.memref_slice %arg10[%scan3A_259, %swap3A_1398, %swap3A_1399] : memref<2x16x768xf32, #tpu.memory_space<vmem>> -> memref<1x16x768xf32, #tpu.memory_space<vmem>>
        %swap3A_1401 = tpu.memref_squeeze %swap3A_1400 : memref<1x16x768xf32, #tpu.memory_space<vmem>> -> memref<16x768xf32, #tpu.memory_space<vmem>>
        %swap3A_1402 = arith.index_cast %scan3A_288 : i32 to index
        %swap3A_1403 = arith.constant 496 : index
        %swap3A_1404 = tpu.vector_load %swap3A_1401[%swap3A_1402, %swap3A_1403] {strides = array<i32>} : memref<16x768xf32, #tpu.memory_space<vmem>>, vector<1x16xf32>,
        %swap3A_1405 = vector.shape_cast %swap3A_1404 : vector<1x16xf32> to vector<16xf32>
        %swap3A_1406 = vector.shape_cast %add3A_1397 : vector<16xf32> to vector<1x16xf32>
        tpu.vector_store %swap3A_1401[%swap3A_1402, %swap3A_1403], %swap3A_1406 {strides = array<i32>} : memref<16x768xf32, #tpu.memory_space<vmem>>, vector<1x16xf32>,
        %get3A_1407 = arith.constant 0 : i32
        %get3A_1408 = arith.constant 0 : i32
        %get3A_1409 = tpu.memref_slice %arg7[%scan3A_256, %get3A_1407, %get3A_1408] : memref<2x16x768xf32, #tpu.memory_space<vmem>> -> memref<1x16x768xf32, #tpu.memory_space<vmem>>
        %get3A_1410 = tpu.memref_squeeze %get3A_1409 : memref<1x16x768xf32, #tpu.memory_space<vmem>> -> memref<16x768xf32, #tpu.memory_space<vmem>>
        %get3A_1411 = arith.index_cast %scan3A_288 : i32 to index
        %get3A_1412 = arith.constant 512 : index
        %get3A_1413 = tpu.vector_load %get3A_1410[%get3A_1411, %get3A_1412] {strides = array<i32>} : memref<16x768xf32, #tpu.memory_space<vmem>>, vector<1x16xf32>,
        %get3A_1414 = vector.shape_cast %get3A_1413 : vector<1x16xf32> to vector<16xf32>
        %get3A_1415 = arith.constant 0 : i32
        %get3A_1416 = arith.constant 0 : i32
        %get3A_1417 = tpu.memref_slice %arg8[%scan3A_257, %get3A_1415, %get3A_1416] : memref<2x16x768xf32, #tpu.memory_space<vmem>> -> memref<1x16x768xf32, #tpu.memory_space<vmem>>
        %get3A_1418 = tpu.memref_squeeze %get3A_1417 : memref<1x16x768xf32, #tpu.memory_space<vmem>> -> memref<16x768xf32, #tpu.memory_space<vmem>>
        %get3A_1419 = arith.index_cast %scan3A_288 : i32 to index
        %get3A_1420 = arith.constant 512 : index
        %get3A_1421 = tpu.vector_load %get3A_1418[%get3A_1419, %get3A_1420] {strides = array<i32>} : memref<16x768xf32, #tpu.memory_space<vmem>>, vector<1x16xf32>,
        %get3A_1422 = vector.shape_cast %get3A_1421 : vector<1x16xf32> to vector<16xf32>
        %add3A_1423 = arith.addf %get3A_1414, %get3A_1422 : vector<16xf32>
        %get3A_1424 = arith.constant 0 : i32
        %get3A_1425 = arith.constant 0 : i32
        %get3A_1426 = tpu.memref_slice %arg9[%scan3A_258, %get3A_1424, %get3A_1425] : memref<2x16x768xf32, #tpu.memory_space<vmem>> -> memref<1x16x768xf32, #tpu.memory_space<vmem>>
        %get3A_1427 = tpu.memref_squeeze %get3A_1426 : memref<1x16x768xf32, #tpu.memory_space<vmem>> -> memref<16x768xf32, #tpu.memory_space<vmem>>
        %get3A_1428 = arith.index_cast %scan3A_288 : i32 to index
        %get3A_1429 = arith.constant 512 : index
        %get3A_1430 = tpu.vector_load %get3A_1427[%get3A_1428, %get3A_1429] {strides = array<i32>} : memref<16x768xf32, #tpu.memory_space<vmem>>, vector<1x16xf32>,
        %get3A_1431 = vector.shape_cast %get3A_1430 : vector<1x16xf32> to vector<16xf32>
        %add3A_1432 = arith.addf %add3A_1423, %get3A_1431 : vector<16xf32>
        %swap3A_1433 = arith.constant 0 : i32
        %swap3A_1434 = arith.constant 0 : i32
        %swap3A_1435 = tpu.memref_slice %arg10[%scan3A_259, %swap3A_1433, %swap3A_1434] : memref<2x16x768xf32, #tpu.memory_space<vmem>> -> memref<1x16x768xf32, #tpu.memory_space<vmem>>
        %swap3A_1436 = tpu.memref_squeeze %swap3A_1435 : memref<1x16x768xf32, #tpu.memory_space<vmem>> -> memref<16x768xf32, #tpu.memory_space<vmem>>
        %swap3A_1437 = arith.index_cast %scan3A_288 : i32 to index
        %swap3A_1438 = arith.constant 512 : index
        %swap3A_1439 = tpu.vector_load %swap3A_1436[%swap3A_1437, %swap3A_1438] {strides = array<i32>} : memref<16x768xf32, #tpu.memory_space<vmem>>, vector<1x16xf32>,
        %swap3A_1440 = vector.shape_cast %swap3A_1439 : vector<1x16xf32> to vector<16xf32>
        %swap3A_1441 = vector.shape_cast %add3A_1432 : vector<16xf32> to vector<1x16xf32>
        tpu.vector_store %swap3A_1436[%swap3A_1437, %swap3A_1438], %swap3A_1441 {strides = array<i32>} : memref<16x768xf32, #tpu.memory_space<vmem>>, vector<1x16xf32>,
        %get3A_1442 = arith.constant 0 : i32
        %get3A_1443 = arith.constant 0 : i32
        %get3A_1444 = tpu.memref_slice %arg7[%scan3A_256, %get3A_1442, %get3A_1443] : memref<2x16x768xf32, #tpu.memory_space<vmem>> -> memref<1x16x768xf32, #tpu.memory_space<vmem>>
        %get3A_1445 = tpu.memref_squeeze %get3A_1444 : memref<1x16x768xf32, #tpu.memory_space<vmem>> -> memref<16x768xf32, #tpu.memory_space<vmem>>
        %get3A_1446 = arith.index_cast %scan3A_288 : i32 to index
        %get3A_1447 = arith.constant 528 : index
        %get3A_1448 = tpu.vector_load %get3A_1445[%get3A_1446, %get3A_1447] {strides = array<i32>} : memref<16x768xf32, #tpu.memory_space<vmem>>, vector<1x16xf32>,
        %get3A_1449 = vector.shape_cast %get3A_1448 : vector<1x16xf32> to vector<16xf32>
        %get3A_1450 = arith.constant 0 : i32
        %get3A_1451 = arith.constant 0 : i32
        %get3A_1452 = tpu.memref_slice %arg8[%scan3A_257, %get3A_1450, %get3A_1451] : memref<2x16x768xf32, #tpu.memory_space<vmem>> -> memref<1x16x768xf32, #tpu.memory_space<vmem>>
        %get3A_1453 = tpu.memref_squeeze %get3A_1452 : memref<1x16x768xf32, #tpu.memory_space<vmem>> -> memref<16x768xf32, #tpu.memory_space<vmem>>
        %get3A_1454 = arith.index_cast %scan3A_288 : i32 to index
        %get3A_1455 = arith.constant 528 : index
        %get3A_1456 = tpu.vector_load %get3A_1453[%get3A_1454, %get3A_1455] {strides = array<i32>} : memref<16x768xf32, #tpu.memory_space<vmem>>, vector<1x16xf32>,
        %get3A_1457 = vector.shape_cast %get3A_1456 : vector<1x16xf32> to vector<16xf32>
        %add3A_1458 = arith.addf %get3A_1449, %get3A_1457 : vector<16xf32>
        %get3A_1459 = arith.constant 0 : i32
        %get3A_1460 = arith.constant 0 : i32
        %get3A_1461 = tpu.memref_slice %arg9[%scan3A_258, %get3A_1459, %get3A_1460] : memref<2x16x768xf32, #tpu.memory_space<vmem>> -> memref<1x16x768xf32, #tpu.memory_space<vmem>>
        %get3A_1462 = tpu.memref_squeeze %get3A_1461 : memref<1x16x768xf32, #tpu.memory_space<vmem>> -> memref<16x768xf32, #tpu.memory_space<vmem>>
        %get3A_1463 = arith.index_cast %scan3A_288 : i32 to index
        %get3A_1464 = arith.constant 528 : index
        %get3A_1465 = tpu.vector_load %get3A_1462[%get3A_1463, %get3A_1464] {strides = array<i32>} : memref<16x768xf32, #tpu.memory_space<vmem>>, vector<1x16xf32>,
        %get3A_1466 = vector.shape_cast %get3A_1465 : vector<1x16xf32> to vector<16xf32>
        %add3A_1467 = arith.addf %add3A_1458, %get3A_1466 : vector<16xf32>
        %swap3A_1468 = arith.constant 0 : i32
        %swap3A_1469 = arith.constant 0 : i32
        %swap3A_1470 = tpu.memref_slice %arg10[%scan3A_259, %swap3A_1468, %swap3A_1469] : memref<2x16x768xf32, #tpu.memory_space<vmem>> -> memref<1x16x768xf32, #tpu.memory_space<vmem>>
        %swap3A_1471 = tpu.memref_squeeze %swap3A_1470 : memref<1x16x768xf32, #tpu.memory_space<vmem>> -> memref<16x768xf32, #tpu.memory_space<vmem>>
        %swap3A_1472 = arith.index_cast %scan3A_288 : i32 to index
        %swap3A_1473 = arith.constant 528 : index
        %swap3A_1474 = tpu.vector_load %swap3A_1471[%swap3A_1472, %swap3A_1473] {strides = array<i32>} : memref<16x768xf32, #tpu.memory_space<vmem>>, vector<1x16xf32>,
        %swap3A_1475 = vector.shape_cast %swap3A_1474 : vector<1x16xf32> to vector<16xf32>
        %swap3A_1476 = vector.shape_cast %add3A_1467 : vector<16xf32> to vector<1x16xf32>
        tpu.vector_store %swap3A_1471[%swap3A_1472, %swap3A_1473], %swap3A_1476 {strides = array<i32>} : memref<16x768xf32, #tpu.memory_space<vmem>>, vector<1x16xf32>,
        %get3A_1477 = arith.constant 0 : i32
        %get3A_1478 = arith.constant 0 : i32
        %get3A_1479 = tpu.memref_slice %arg7[%scan3A_256, %get3A_1477, %get3A_1478] : memref<2x16x768xf32, #tpu.memory_space<vmem>> -> memref<1x16x768xf32, #tpu.memory_space<vmem>>
        %get3A_1480 = tpu.memref_squeeze %get3A_1479 : memref<1x16x768xf32, #tpu.memory_space<vmem>> -> memref<16x768xf32, #tpu.memory_space<vmem>>
        %get3A_1481 = arith.index_cast %scan3A_288 : i32 to index
        %get3A_1482 = arith.constant 544 : index
        %get3A_1483 = tpu.vector_load %get3A_1480[%get3A_1481, %get3A_1482] {strides = array<i32>} : memref<16x768xf32, #tpu.memory_space<vmem>>, vector<1x16xf32>,
        %get3A_1484 = vector.shape_cast %get3A_1483 : vector<1x16xf32> to vector<16xf32>
        %get3A_1485 = arith.constant 0 : i32
        %get3A_1486 = arith.constant 0 : i32
        %get3A_1487 = tpu.memref_slice %arg8[%scan3A_257, %get3A_1485, %get3A_1486] : memref<2x16x768xf32, #tpu.memory_space<vmem>> -> memref<1x16x768xf32, #tpu.memory_space<vmem>>
        %get3A_1488 = tpu.memref_squeeze %get3A_1487 : memref<1x16x768xf32, #tpu.memory_space<vmem>> -> memref<16x768xf32, #tpu.memory_space<vmem>>
        %get3A_1489 = arith.index_cast %scan3A_288 : i32 to index
        %get3A_1490 = arith.constant 544 : index
        %get3A_1491 = tpu.vector_load %get3A_1488[%get3A_1489, %get3A_1490] {strides = array<i32>} : memref<16x768xf32, #tpu.memory_space<vmem>>, vector<1x16xf32>,
        %get3A_1492 = vector.shape_cast %get3A_1491 : vector<1x16xf32> to vector<16xf32>
        %add3A_1493 = arith.addf %get3A_1484, %get3A_1492 : vector<16xf32>
        %get3A_1494 = arith.constant 0 : i32
        %get3A_1495 = arith.constant 0 : i32
        %get3A_1496 = tpu.memref_slice %arg9[%scan3A_258, %get3A_1494, %get3A_1495] : memref<2x16x768xf32, #tpu.memory_space<vmem>> -> memref<1x16x768xf32, #tpu.memory_space<vmem>>
        %get3A_1497 = tpu.memref_squeeze %get3A_1496 : memref<1x16x768xf32, #tpu.memory_space<vmem>> -> memref<16x768xf32, #tpu.memory_space<vmem>>
        %get3A_1498 = arith.index_cast %scan3A_288 : i32 to index
        %get3A_1499 = arith.constant 544 : index
        %get3A_1500 = tpu.vector_load %get3A_1497[%get3A_1498, %get3A_1499] {strides = array<i32>} : memref<16x768xf32, #tpu.memory_space<vmem>>, vector<1x16xf32>,
        %get3A_1501 = vector.shape_cast %get3A_1500 : vector<1x16xf32> to vector<16xf32>
        %add3A_1502 = arith.addf %add3A_1493, %get3A_1501 : vector<16xf32>
        %swap3A_1503 = arith.constant 0 : i32
        %swap3A_1504 = arith.constant 0 : i32
        %swap3A_1505 = tpu.memref_slice %arg10[%scan3A_259, %swap3A_1503, %swap3A_1504] : memref<2x16x768xf32, #tpu.memory_space<vmem>> -> memref<1x16x768xf32, #tpu.memory_space<vmem>>
        %swap3A_1506 = tpu.memref_squeeze %swap3A_1505 : memref<1x16x768xf32, #tpu.memory_space<vmem>> -> memref<16x768xf32, #tpu.memory_space<vmem>>
        %swap3A_1507 = arith.index_cast %scan3A_288 : i32 to index
        %swap3A_1508 = arith.constant 544 : index
        %swap3A_1509 = tpu.vector_load %swap3A_1506[%swap3A_1507, %swap3A_1508] {strides = array<i32>} : memref<16x768xf32, #tpu.memory_space<vmem>>, vector<1x16xf32>,
        %swap3A_1510 = vector.shape_cast %swap3A_1509 : vector<1x16xf32> to vector<16xf32>
        %swap3A_1511 = vector.shape_cast %add3A_1502 : vector<16xf32> to vector<1x16xf32>
        tpu.vector_store %swap3A_1506[%swap3A_1507, %swap3A_1508], %swap3A_1511 {strides = array<i32>} : memref<16x768xf32, #tpu.memory_space<vmem>>, vector<1x16xf32>,
        %get3A_1512 = arith.constant 0 : i32
        %get3A_1513 = arith.constant 0 : i32
        %get3A_1514 = tpu.memref_slice %arg7[%scan3A_256, %get3A_1512, %get3A_1513] : memref<2x16x768xf32, #tpu.memory_space<vmem>> -> memref<1x16x768xf32, #tpu.memory_space<vmem>>
        %get3A_1515 = tpu.memref_squeeze %get3A_1514 : memref<1x16x768xf32, #tpu.memory_space<vmem>> -> memref<16x768xf32, #tpu.memory_space<vmem>>
        %get3A_1516 = arith.index_cast %scan3A_288 : i32 to index
        %get3A_1517 = arith.constant 560 : index
        %get3A_1518 = tpu.vector_load %get3A_1515[%get3A_1516, %get3A_1517] {strides = array<i32>} : memref<16x768xf32, #tpu.memory_space<vmem>>, vector<1x16xf32>,
        %get3A_1519 = vector.shape_cast %get3A_1518 : vector<1x16xf32> to vector<16xf32>
        %get3A_1520 = arith.constant 0 : i32
        %get3A_1521 = arith.constant 0 : i32
        %get3A_1522 = tpu.memref_slice %arg8[%scan3A_257, %get3A_1520, %get3A_1521] : memref<2x16x768xf32, #tpu.memory_space<vmem>> -> memref<1x16x768xf32, #tpu.memory_space<vmem>>
        %get3A_1523 = tpu.memref_squeeze %get3A_1522 : memref<1x16x768xf32, #tpu.memory_space<vmem>> -> memref<16x768xf32, #tpu.memory_space<vmem>>
        %get3A_1524 = arith.index_cast %scan3A_288 : i32 to index
        %get3A_1525 = arith.constant 560 : index
        %get3A_1526 = tpu.vector_load %get3A_1523[%get3A_1524, %get3A_1525] {strides = array<i32>} : memref<16x768xf32, #tpu.memory_space<vmem>>, vector<1x16xf32>,
        %get3A_1527 = vector.shape_cast %get3A_1526 : vector<1x16xf32> to vector<16xf32>
        %add3A_1528 = arith.addf %get3A_1519, %get3A_1527 : vector<16xf32>
        %get3A_1529 = arith.constant 0 : i32
        %get3A_1530 = arith.constant 0 : i32
        %get3A_1531 = tpu.memref_slice %arg9[%scan3A_258, %get3A_1529, %get3A_1530] : memref<2x16x768xf32, #tpu.memory_space<vmem>> -> memref<1x16x768xf32, #tpu.memory_space<vmem>>
        %get3A_1532 = tpu.memref_squeeze %get3A_1531 : memref<1x16x768xf32, #tpu.memory_space<vmem>> -> memref<16x768xf32, #tpu.memory_space<vmem>>
        %get3A_1533 = arith.index_cast %scan3A_288 : i32 to index
        %get3A_1534 = arith.constant 560 : index
        %get3A_1535 = tpu.vector_load %get3A_1532[%get3A_1533, %get3A_1534] {strides = array<i32>} : memref<16x768xf32, #tpu.memory_space<vmem>>, vector<1x16xf32>,
        %get3A_1536 = vector.shape_cast %get3A_1535 : vector<1x16xf32> to vector<16xf32>
        %add3A_1537 = arith.addf %add3A_1528, %get3A_1536 : vector<16xf32>
        %swap3A_1538 = arith.constant 0 : i32
        %swap3A_1539 = arith.constant 0 : i32
        %swap3A_1540 = tpu.memref_slice %arg10[%scan3A_259, %swap3A_1538, %swap3A_1539] : memref<2x16x768xf32, #tpu.memory_space<vmem>> -> memref<1x16x768xf32, #tpu.memory_space<vmem>>
        %swap3A_1541 = tpu.memref_squeeze %swap3A_1540 : memref<1x16x768xf32, #tpu.memory_space<vmem>> -> memref<16x768xf32, #tpu.memory_space<vmem>>
        %swap3A_1542 = arith.index_cast %scan3A_288 : i32 to index
        %swap3A_1543 = arith.constant 560 : index
        %swap3A_1544 = tpu.vector_load %swap3A_1541[%swap3A_1542, %swap3A_1543] {strides = array<i32>} : memref<16x768xf32, #tpu.memory_space<vmem>>, vector<1x16xf32>,
        %swap3A_1545 = vector.shape_cast %swap3A_1544 : vector<1x16xf32> to vector<16xf32>
        %swap3A_1546 = vector.shape_cast %add3A_1537 : vector<16xf32> to vector<1x16xf32>
        tpu.vector_store %swap3A_1541[%swap3A_1542, %swap3A_1543], %swap3A_1546 {strides = array<i32>} : memref<16x768xf32, #tpu.memory_space<vmem>>, vector<1x16xf32>,
        %get3A_1547 = arith.constant 0 : i32
        %get3A_1548 = arith.constant 0 : i32
        %get3A_1549 = tpu.memref_slice %arg7[%scan3A_256, %get3A_1547, %get3A_1548] : memref<2x16x768xf32, #tpu.memory_space<vmem>> -> memref<1x16x768xf32, #tpu.memory_space<vmem>>
        %get3A_1550 = tpu.memref_squeeze %get3A_1549 : memref<1x16x768xf32, #tpu.memory_space<vmem>> -> memref<16x768xf32, #tpu.memory_space<vmem>>
        %get3A_1551 = arith.index_cast %scan3A_288 : i32 to index
        %get3A_1552 = arith.constant 576 : index
        %get3A_1553 = tpu.vector_load %get3A_1550[%get3A_1551, %get3A_1552] {strides = array<i32>} : memref<16x768xf32, #tpu.memory_space<vmem>>, vector<1x16xf32>,
        %get3A_1554 = vector.shape_cast %get3A_1553 : vector<1x16xf32> to vector<16xf32>
        %get3A_1555 = arith.constant 0 : i32
        %get3A_1556 = arith.constant 0 : i32
        %get3A_1557 = tpu.memref_slice %arg8[%scan3A_257, %get3A_1555, %get3A_1556] : memref<2x16x768xf32, #tpu.memory_space<vmem>> -> memref<1x16x768xf32, #tpu.memory_space<vmem>>
        %get3A_1558 = tpu.memref_squeeze %get3A_1557 : memref<1x16x768xf32, #tpu.memory_space<vmem>> -> memref<16x768xf32, #tpu.memory_space<vmem>>
        %get3A_1559 = arith.index_cast %scan3A_288 : i32 to index
        %get3A_1560 = arith.constant 576 : index
        %get3A_1561 = tpu.vector_load %get3A_1558[%get3A_1559, %get3A_1560] {strides = array<i32>} : memref<16x768xf32, #tpu.memory_space<vmem>>, vector<1x16xf32>,
        %get3A_1562 = vector.shape_cast %get3A_1561 : vector<1x16xf32> to vector<16xf32>
        %add3A_1563 = arith.addf %get3A_1554, %get3A_1562 : vector<16xf32>
        %get3A_1564 = arith.constant 0 : i32
        %get3A_1565 = arith.constant 0 : i32
        %get3A_1566 = tpu.memref_slice %arg9[%scan3A_258, %get3A_1564, %get3A_1565] : memref<2x16x768xf32, #tpu.memory_space<vmem>> -> memref<1x16x768xf32, #tpu.memory_space<vmem>>
        %get3A_1567 = tpu.memref_squeeze %get3A_1566 : memref<1x16x768xf32, #tpu.memory_space<vmem>> -> memref<16x768xf32, #tpu.memory_space<vmem>>
        %get3A_1568 = arith.index_cast %scan3A_288 : i32 to index
        %get3A_1569 = arith.constant 576 : index
        %get3A_1570 = tpu.vector_load %get3A_1567[%get3A_1568, %get3A_1569] {strides = array<i32>} : memref<16x768xf32, #tpu.memory_space<vmem>>, vector<1x16xf32>,
        %get3A_1571 = vector.shape_cast %get3A_1570 : vector<1x16xf32> to vector<16xf32>
        %add3A_1572 = arith.addf %add3A_1563, %get3A_1571 : vector<16xf32>
        %swap3A_1573 = arith.constant 0 : i32
        %swap3A_1574 = arith.constant 0 : i32
        %swap3A_1575 = tpu.memref_slice %arg10[%scan3A_259, %swap3A_1573, %swap3A_1574] : memref<2x16x768xf32, #tpu.memory_space<vmem>> -> memref<1x16x768xf32, #tpu.memory_space<vmem>>
        %swap3A_1576 = tpu.memref_squeeze %swap3A_1575 : memref<1x16x768xf32, #tpu.memory_space<vmem>> -> memref<16x768xf32, #tpu.memory_space<vmem>>
        %swap3A_1577 = arith.index_cast %scan3A_288 : i32 to index
        %swap3A_1578 = arith.constant 576 : index
        %swap3A_1579 = tpu.vector_load %swap3A_1576[%swap3A_1577, %swap3A_1578] {strides = array<i32>} : memref<16x768xf32, #tpu.memory_space<vmem>>, vector<1x16xf32>,
        %swap3A_1580 = vector.shape_cast %swap3A_1579 : vector<1x16xf32> to vector<16xf32>
        %swap3A_1581 = vector.shape_cast %add3A_1572 : vector<16xf32> to vector<1x16xf32>
        tpu.vector_store %swap3A_1576[%swap3A_1577, %swap3A_1578], %swap3A_1581 {strides = array<i32>} : memref<16x768xf32, #tpu.memory_space<vmem>>, vector<1x16xf32>,
        %get3A_1582 = arith.constant 0 : i32
        %get3A_1583 = arith.constant 0 : i32
        %get3A_1584 = tpu.memref_slice %arg7[%scan3A_256, %get3A_1582, %get3A_1583] : memref<2x16x768xf32, #tpu.memory_space<vmem>> -> memref<1x16x768xf32, #tpu.memory_space<vmem>>
        %get3A_1585 = tpu.memref_squeeze %get3A_1584 : memref<1x16x768xf32, #tpu.memory_space<vmem>> -> memref<16x768xf32, #tpu.memory_space<vmem>>
        %get3A_1586 = arith.index_cast %scan3A_288 : i32 to index
        %get3A_1587 = arith.constant 592 : index
        %get3A_1588 = tpu.vector_load %get3A_1585[%get3A_1586, %get3A_1587] {strides = array<i32>} : memref<16x768xf32, #tpu.memory_space<vmem>>, vector<1x16xf32>,
        %get3A_1589 = vector.shape_cast %get3A_1588 : vector<1x16xf32> to vector<16xf32>
        %get3A_1590 = arith.constant 0 : i32
        %get3A_1591 = arith.constant 0 : i32
        %get3A_1592 = tpu.memref_slice %arg8[%scan3A_257, %get3A_1590, %get3A_1591] : memref<2x16x768xf32, #tpu.memory_space<vmem>> -> memref<1x16x768xf32, #tpu.memory_space<vmem>>
        %get3A_1593 = tpu.memref_squeeze %get3A_1592 : memref<1x16x768xf32, #tpu.memory_space<vmem>> -> memref<16x768xf32, #tpu.memory_space<vmem>>
        %get3A_1594 = arith.index_cast %scan3A_288 : i32 to index
        %get3A_1595 = arith.constant 592 : index
        %get3A_1596 = tpu.vector_load %get3A_1593[%get3A_1594, %get3A_1595] {strides = array<i32>} : memref<16x768xf32, #tpu.memory_space<vmem>>, vector<1x16xf32>,
        %get3A_1597 = vector.shape_cast %get3A_1596 : vector<1x16xf32> to vector<16xf32>
        %add3A_1598 = arith.addf %get3A_1589, %get3A_1597 : vector<16xf32>
        %get3A_1599 = arith.constant 0 : i32
        %get3A_1600 = arith.constant 0 : i32
        %get3A_1601 = tpu.memref_slice %arg9[%scan3A_258, %get3A_1599, %get3A_1600] : memref<2x16x768xf32, #tpu.memory_space<vmem>> -> memref<1x16x768xf32, #tpu.memory_space<vmem>>
        %get3A_1602 = tpu.memref_squeeze %get3A_1601 : memref<1x16x768xf32, #tpu.memory_space<vmem>> -> memref<16x768xf32, #tpu.memory_space<vmem>>
        %get3A_1603 = arith.index_cast %scan3A_288 : i32 to index
        %get3A_1604 = arith.constant 592 : index
        %get3A_1605 = tpu.vector_load %get3A_1602[%get3A_1603, %get3A_1604] {strides = array<i32>} : memref<16x768xf32, #tpu.memory_space<vmem>>, vector<1x16xf32>,
        %get3A_1606 = vector.shape_cast %get3A_1605 : vector<1x16xf32> to vector<16xf32>
        %add3A_1607 = arith.addf %add3A_1598, %get3A_1606 : vector<16xf32>
        %swap3A_1608 = arith.constant 0 : i32
        %swap3A_1609 = arith.constant 0 : i32
        %swap3A_1610 = tpu.memref_slice %arg10[%scan3A_259, %swap3A_1608, %swap3A_1609] : memref<2x16x768xf32, #tpu.memory_space<vmem>> -> memref<1x16x768xf32, #tpu.memory_space<vmem>>
        %swap3A_1611 = tpu.memref_squeeze %swap3A_1610 : memref<1x16x768xf32, #tpu.memory_space<vmem>> -> memref<16x768xf32, #tpu.memory_space<vmem>>
        %swap3A_1612 = arith.index_cast %scan3A_288 : i32 to index
        %swap3A_1613 = arith.constant 592 : index
        %swap3A_1614 = tpu.vector_load %swap3A_1611[%swap3A_1612, %swap3A_1613] {strides = array<i32>} : memref<16x768xf32, #tpu.memory_space<vmem>>, vector<1x16xf32>,
        %swap3A_1615 = vector.shape_cast %swap3A_1614 : vector<1x16xf32> to vector<16xf32>
        %swap3A_1616 = vector.shape_cast %add3A_1607 : vector<16xf32> to vector<1x16xf32>
        tpu.vector_store %swap3A_1611[%swap3A_1612, %swap3A_1613], %swap3A_1616 {strides = array<i32>} : memref<16x768xf32, #tpu.memory_space<vmem>>, vector<1x16xf32>,
        %get3A_1617 = arith.constant 0 : i32
        %get3A_1618 = arith.constant 0 : i32
        %get3A_1619 = tpu.memref_slice %arg7[%scan3A_256, %get3A_1617, %get3A_1618] : memref<2x16x768xf32, #tpu.memory_space<vmem>> -> memref<1x16x768xf32, #tpu.memory_space<vmem>>
        %get3A_1620 = tpu.memref_squeeze %get3A_1619 : memref<1x16x768xf32, #tpu.memory_space<vmem>> -> memref<16x768xf32, #tpu.memory_space<vmem>>
        %get3A_1621 = arith.index_cast %scan3A_288 : i32 to index
        %get3A_1622 = arith.constant 608 : index
        %get3A_1623 = tpu.vector_load %get3A_1620[%get3A_1621, %get3A_1622] {strides = array<i32>} : memref<16x768xf32, #tpu.memory_space<vmem>>, vector<1x16xf32>,
        %get3A_1624 = vector.shape_cast %get3A_1623 : vector<1x16xf32> to vector<16xf32>
        %get3A_1625 = arith.constant 0 : i32
        %get3A_1626 = arith.constant 0 : i32
        %get3A_1627 = tpu.memref_slice %arg8[%scan3A_257, %get3A_1625, %get3A_1626] : memref<2x16x768xf32, #tpu.memory_space<vmem>> -> memref<1x16x768xf32, #tpu.memory_space<vmem>>
        %get3A_1628 = tpu.memref_squeeze %get3A_1627 : memref<1x16x768xf32, #tpu.memory_space<vmem>> -> memref<16x768xf32, #tpu.memory_space<vmem>>
        %get3A_1629 = arith.index_cast %scan3A_288 : i32 to index
        %get3A_1630 = arith.constant 608 : index
        %get3A_1631 = tpu.vector_load %get3A_1628[%get3A_1629, %get3A_1630] {strides = array<i32>} : memref<16x768xf32, #tpu.memory_space<vmem>>, vector<1x16xf32>,
        %get3A_1632 = vector.shape_cast %get3A_1631 : vector<1x16xf32> to vector<16xf32>
        %add3A_1633 = arith.addf %get3A_1624, %get3A_1632 : vector<16xf32>
        %get3A_1634 = arith.constant 0 : i32
        %get3A_1635 = arith.constant 0 : i32
        %get3A_1636 = tpu.memref_slice %arg9[%scan3A_258, %get3A_1634, %get3A_1635] : memref<2x16x768xf32, #tpu.memory_space<vmem>> -> memref<1x16x768xf32, #tpu.memory_space<vmem>>
        %get3A_1637 = tpu.memref_squeeze %get3A_1636 : memref<1x16x768xf32, #tpu.memory_space<vmem>> -> memref<16x768xf32, #tpu.memory_space<vmem>>
        %get3A_1638 = arith.index_cast %scan3A_288 : i32 to index
        %get3A_1639 = arith.constant 608 : index
        %get3A_1640 = tpu.vector_load %get3A_1637[%get3A_1638, %get3A_1639] {strides = array<i32>} : memref<16x768xf32, #tpu.memory_space<vmem>>, vector<1x16xf32>,
        %get3A_1641 = vector.shape_cast %get3A_1640 : vector<1x16xf32> to vector<16xf32>
        %add3A_1642 = arith.addf %add3A_1633, %get3A_1641 : vector<16xf32>
        %swap3A_1643 = arith.constant 0 : i32
        %swap3A_1644 = arith.constant 0 : i32
        %swap3A_1645 = tpu.memref_slice %arg10[%scan3A_259, %swap3A_1643, %swap3A_1644] : memref<2x16x768xf32, #tpu.memory_space<vmem>> -> memref<1x16x768xf32, #tpu.memory_space<vmem>>
        %swap3A_1646 = tpu.memref_squeeze %swap3A_1645 : memref<1x16x768xf32, #tpu.memory_space<vmem>> -> memref<16x768xf32, #tpu.memory_space<vmem>>
        %swap3A_1647 = arith.index_cast %scan3A_288 : i32 to index
        %swap3A_1648 = arith.constant 608 : index
        %swap3A_1649 = tpu.vector_load %swap3A_1646[%swap3A_1647, %swap3A_1648] {strides = array<i32>} : memref<16x768xf32, #tpu.memory_space<vmem>>, vector<1x16xf32>,
        %swap3A_1650 = vector.shape_cast %swap3A_1649 : vector<1x16xf32> to vector<16xf32>
        %swap3A_1651 = vector.shape_cast %add3A_1642 : vector<16xf32> to vector<1x16xf32>
        tpu.vector_store %swap3A_1646[%swap3A_1647, %swap3A_1648], %swap3A_1651 {strides = array<i32>} : memref<16x768xf32, #tpu.memory_space<vmem>>, vector<1x16xf32>,
        %get3A_1652 = arith.constant 0 : i32
        %get3A_1653 = arith.constant 0 : i32
        %get3A_1654 = tpu.memref_slice %arg7[%scan3A_256, %get3A_1652, %get3A_1653] : memref<2x16x768xf32, #tpu.memory_space<vmem>> -> memref<1x16x768xf32, #tpu.memory_space<vmem>>
        %get3A_1655 = tpu.memref_squeeze %get3A_1654 : memref<1x16x768xf32, #tpu.memory_space<vmem>> -> memref<16x768xf32, #tpu.memory_space<vmem>>
        %get3A_1656 = arith.index_cast %scan3A_288 : i32 to index
        %get3A_1657 = arith.constant 624 : index
        %get3A_1658 = tpu.vector_load %get3A_1655[%get3A_1656, %get3A_1657] {strides = array<i32>} : memref<16x768xf32, #tpu.memory_space<vmem>>, vector<1x16xf32>,
        %get3A_1659 = vector.shape_cast %get3A_1658 : vector<1x16xf32> to vector<16xf32>
        %get3A_1660 = arith.constant 0 : i32
        %get3A_1661 = arith.constant 0 : i32
        %get3A_1662 = tpu.memref_slice %arg8[%scan3A_257, %get3A_1660, %get3A_1661] : memref<2x16x768xf32, #tpu.memory_space<vmem>> -> memref<1x16x768xf32, #tpu.memory_space<vmem>>
        %get3A_1663 = tpu.memref_squeeze %get3A_1662 : memref<1x16x768xf32, #tpu.memory_space<vmem>> -> memref<16x768xf32, #tpu.memory_space<vmem>>
        %get3A_1664 = arith.index_cast %scan3A_288 : i32 to index
        %get3A_1665 = arith.constant 624 : index
        %get3A_1666 = tpu.vector_load %get3A_1663[%get3A_1664, %get3A_1665] {strides = array<i32>} : memref<16x768xf32, #tpu.memory_space<vmem>>, vector<1x16xf32>,
        %get3A_1667 = vector.shape_cast %get3A_1666 : vector<1x16xf32> to vector<16xf32>
        %add3A_1668 = arith.addf %get3A_1659, %get3A_1667 : vector<16xf32>
        %get3A_1669 = arith.constant 0 : i32
        %get3A_1670 = arith.constant 0 : i32
        %get3A_1671 = tpu.memref_slice %arg9[%scan3A_258, %get3A_1669, %get3A_1670] : memref<2x16x768xf32, #tpu.memory_space<vmem>> -> memref<1x16x768xf32, #tpu.memory_space<vmem>>
        %get3A_1672 = tpu.memref_squeeze %get3A_1671 : memref<1x16x768xf32, #tpu.memory_space<vmem>> -> memref<16x768xf32, #tpu.memory_space<vmem>>
        %get3A_1673 = arith.index_cast %scan3A_288 : i32 to index
        %get3A_1674 = arith.constant 624 : index
        %get3A_1675 = tpu.vector_load %get3A_1672[%get3A_1673, %get3A_1674] {strides = array<i32>} : memref<16x768xf32, #tpu.memory_space<vmem>>, vector<1x16xf32>,
        %get3A_1676 = vector.shape_cast %get3A_1675 : vector<1x16xf32> to vector<16xf32>
        %add3A_1677 = arith.addf %add3A_1668, %get3A_1676 : vector<16xf32>
        %swap3A_1678 = arith.constant 0 : i32
        %swap3A_1679 = arith.constant 0 : i32
        %swap3A_1680 = tpu.memref_slice %arg10[%scan3A_259, %swap3A_1678, %swap3A_1679] : memref<2x16x768xf32, #tpu.memory_space<vmem>> -> memref<1x16x768xf32, #tpu.memory_space<vmem>>
        %swap3A_1681 = tpu.memref_squeeze %swap3A_1680 : memref<1x16x768xf32, #tpu.memory_space<vmem>> -> memref<16x768xf32, #tpu.memory_space<vmem>>
        %swap3A_1682 = arith.index_cast %scan3A_288 : i32 to index
        %swap3A_1683 = arith.constant 624 : index
        %swap3A_1684 = tpu.vector_load %swap3A_1681[%swap3A_1682, %swap3A_1683] {strides = array<i32>} : memref<16x768xf32, #tpu.memory_space<vmem>>, vector<1x16xf32>,
        %swap3A_1685 = vector.shape_cast %swap3A_1684 : vector<1x16xf32> to vector<16xf32>
        %swap3A_1686 = vector.shape_cast %add3A_1677 : vector<16xf32> to vector<1x16xf32>
        tpu.vector_store %swap3A_1681[%swap3A_1682, %swap3A_1683], %swap3A_1686 {strides = array<i32>} : memref<16x768xf32, #tpu.memory_space<vmem>>, vector<1x16xf32>,
        %get3A_1687 = arith.constant 0 : i32
        %get3A_1688 = arith.constant 0 : i32
        %get3A_1689 = tpu.memref_slice %arg7[%scan3A_256, %get3A_1687, %get3A_1688] : memref<2x16x768xf32, #tpu.memory_space<vmem>> -> memref<1x16x768xf32, #tpu.memory_space<vmem>>
        %get3A_1690 = tpu.memref_squeeze %get3A_1689 : memref<1x16x768xf32, #tpu.memory_space<vmem>> -> memref<16x768xf32, #tpu.memory_space<vmem>>
        %get3A_1691 = arith.index_cast %scan3A_288 : i32 to index
        %get3A_1692 = arith.constant 640 : index
        %get3A_1693 = tpu.vector_load %get3A_1690[%get3A_1691, %get3A_1692] {strides = array<i32>} : memref<16x768xf32, #tpu.memory_space<vmem>>, vector<1x16xf32>,
        %get3A_1694 = vector.shape_cast %get3A_1693 : vector<1x16xf32> to vector<16xf32>
        %get3A_1695 = arith.constant 0 : i32
        %get3A_1696 = arith.constant 0 : i32
        %get3A_1697 = tpu.memref_slice %arg8[%scan3A_257, %get3A_1695, %get3A_1696] : memref<2x16x768xf32, #tpu.memory_space<vmem>> -> memref<1x16x768xf32, #tpu.memory_space<vmem>>
        %get3A_1698 = tpu.memref_squeeze %get3A_1697 : memref<1x16x768xf32, #tpu.memory_space<vmem>> -> memref<16x768xf32, #tpu.memory_space<vmem>>
        %get3A_1699 = arith.index_cast %scan3A_288 : i32 to index
        %get3A_1700 = arith.constant 640 : index
        %get3A_1701 = tpu.vector_load %get3A_1698[%get3A_1699, %get3A_1700] {strides = array<i32>} : memref<16x768xf32, #tpu.memory_space<vmem>>, vector<1x16xf32>,
        %get3A_1702 = vector.shape_cast %get3A_1701 : vector<1x16xf32> to vector<16xf32>
        %add3A_1703 = arith.addf %get3A_1694, %get3A_1702 : vector<16xf32>
        %get3A_1704 = arith.constant 0 : i32
        %get3A_1705 = arith.constant 0 : i32
        %get3A_1706 = tpu.memref_slice %arg9[%scan3A_258, %get3A_1704, %get3A_1705] : memref<2x16x768xf32, #tpu.memory_space<vmem>> -> memref<1x16x768xf32, #tpu.memory_space<vmem>>
        %get3A_1707 = tpu.memref_squeeze %get3A_1706 : memref<1x16x768xf32, #tpu.memory_space<vmem>> -> memref<16x768xf32, #tpu.memory_space<vmem>>
        %get3A_1708 = arith.index_cast %scan3A_288 : i32 to index
        %get3A_1709 = arith.constant 640 : index
        %get3A_1710 = tpu.vector_load %get3A_1707[%get3A_1708, %get3A_1709] {strides = array<i32>} : memref<16x768xf32, #tpu.memory_space<vmem>>, vector<1x16xf32>,
        %get3A_1711 = vector.shape_cast %get3A_1710 : vector<1x16xf32> to vector<16xf32>
        %add3A_1712 = arith.addf %add3A_1703, %get3A_1711 : vector<16xf32>
        %swap3A_1713 = arith.constant 0 : i32
        %swap3A_1714 = arith.constant 0 : i32
        %swap3A_1715 = tpu.memref_slice %arg10[%scan3A_259, %swap3A_1713, %swap3A_1714] : memref<2x16x768xf32, #tpu.memory_space<vmem>> -> memref<1x16x768xf32, #tpu.memory_space<vmem>>
        %swap3A_1716 = tpu.memref_squeeze %swap3A_1715 : memref<1x16x768xf32, #tpu.memory_space<vmem>> -> memref<16x768xf32, #tpu.memory_space<vmem>>
        %swap3A_1717 = arith.index_cast %scan3A_288 : i32 to index
        %swap3A_1718 = arith.constant 640 : index
        %swap3A_1719 = tpu.vector_load %swap3A_1716[%swap3A_1717, %swap3A_1718] {strides = array<i32>} : memref<16x768xf32, #tpu.memory_space<vmem>>, vector<1x16xf32>,
        %swap3A_1720 = vector.shape_cast %swap3A_1719 : vector<1x16xf32> to vector<16xf32>
        %swap3A_1721 = vector.shape_cast %add3A_1712 : vector<16xf32> to vector<1x16xf32>
        tpu.vector_store %swap3A_1716[%swap3A_1717, %swap3A_1718], %swap3A_1721 {strides = array<i32>} : memref<16x768xf32, #tpu.memory_space<vmem>>, vector<1x16xf32>,
        %get3A_1722 = arith.constant 0 : i32
        %get3A_1723 = arith.constant 0 : i32
        %get3A_1724 = tpu.memref_slice %arg7[%scan3A_256, %get3A_1722, %get3A_1723] : memref<2x16x768xf32, #tpu.memory_space<vmem>> -> memref<1x16x768xf32, #tpu.memory_space<vmem>>
        %get3A_1725 = tpu.memref_squeeze %get3A_1724 : memref<1x16x768xf32, #tpu.memory_space<vmem>> -> memref<16x768xf32, #tpu.memory_space<vmem>>
        %get3A_1726 = arith.index_cast %scan3A_288 : i32 to index
        %get3A_1727 = arith.constant 656 : index
        %get3A_1728 = tpu.vector_load %get3A_1725[%get3A_1726, %get3A_1727] {strides = array<i32>} : memref<16x768xf32, #tpu.memory_space<vmem>>, vector<1x16xf32>,
        %get3A_1729 = vector.shape_cast %get3A_1728 : vector<1x16xf32> to vector<16xf32>
        %get3A_1730 = arith.constant 0 : i32
        %get3A_1731 = arith.constant 0 : i32
        %get3A_1732 = tpu.memref_slice %arg8[%scan3A_257, %get3A_1730, %get3A_1731] : memref<2x16x768xf32, #tpu.memory_space<vmem>> -> memref<1x16x768xf32, #tpu.memory_space<vmem>>
        %get3A_1733 = tpu.memref_squeeze %get3A_1732 : memref<1x16x768xf32, #tpu.memory_space<vmem>> -> memref<16x768xf32, #tpu.memory_space<vmem>>
        %get3A_1734 = arith.index_cast %scan3A_288 : i32 to index
        %get3A_1735 = arith.constant 656 : index
        %get3A_1736 = tpu.vector_load %get3A_1733[%get3A_1734, %get3A_1735] {strides = array<i32>} : memref<16x768xf32, #tpu.memory_space<vmem>>, vector<1x16xf32>,
        %get3A_1737 = vector.shape_cast %get3A_1736 : vector<1x16xf32> to vector<16xf32>
        %add3A_1738 = arith.addf %get3A_1729, %get3A_1737 : vector<16xf32>
        %get3A_1739 = arith.constant 0 : i32
        %get3A_1740 = arith.constant 0 : i32
        %get3A_1741 = tpu.memref_slice %arg9[%scan3A_258, %get3A_1739, %get3A_1740] : memref<2x16x768xf32, #tpu.memory_space<vmem>> -> memref<1x16x768xf32, #tpu.memory_space<vmem>>
        %get3A_1742 = tpu.memref_squeeze %get3A_1741 : memref<1x16x768xf32, #tpu.memory_space<vmem>> -> memref<16x768xf32, #tpu.memory_space<vmem>>
        %get3A_1743 = arith.index_cast %scan3A_288 : i32 to index
        %get3A_1744 = arith.constant 656 : index
        %get3A_1745 = tpu.vector_load %get3A_1742[%get3A_1743, %get3A_1744] {strides = array<i32>} : memref<16x768xf32, #tpu.memory_space<vmem>>, vector<1x16xf32>,
        %get3A_1746 = vector.shape_cast %get3A_1745 : vector<1x16xf32> to vector<16xf32>
        %add3A_1747 = arith.addf %add3A_1738, %get3A_1746 : vector<16xf32>
        %swap3A_1748 = arith.constant 0 : i32
        %swap3A_1749 = arith.constant 0 : i32
        %swap3A_1750 = tpu.memref_slice %arg10[%scan3A_259, %swap3A_1748, %swap3A_1749] : memref<2x16x768xf32, #tpu.memory_space<vmem>> -> memref<1x16x768xf32, #tpu.memory_space<vmem>>
        %swap3A_1751 = tpu.memref_squeeze %swap3A_1750 : memref<1x16x768xf32, #tpu.memory_space<vmem>> -> memref<16x768xf32, #tpu.memory_space<vmem>>
        %swap3A_1752 = arith.index_cast %scan3A_288 : i32 to index
        %swap3A_1753 = arith.constant 656 : index
        %swap3A_1754 = tpu.vector_load %swap3A_1751[%swap3A_1752, %swap3A_1753] {strides = array<i32>} : memref<16x768xf32, #tpu.memory_space<vmem>>, vector<1x16xf32>,
        %swap3A_1755 = vector.shape_cast %swap3A_1754 : vector<1x16xf32> to vector<16xf32>
        %swap3A_1756 = vector.shape_cast %add3A_1747 : vector<16xf32> to vector<1x16xf32>
        tpu.vector_store %swap3A_1751[%swap3A_1752, %swap3A_1753], %swap3A_1756 {strides = array<i32>} : memref<16x768xf32, #tpu.memory_space<vmem>>, vector<1x16xf32>,
        %get3A_1757 = arith.constant 0 : i32
        %get3A_1758 = arith.constant 0 : i32
        %get3A_1759 = tpu.memref_slice %arg7[%scan3A_256, %get3A_1757, %get3A_1758] : memref<2x16x768xf32, #tpu.memory_space<vmem>> -> memref<1x16x768xf32, #tpu.memory_space<vmem>>
        %get3A_1760 = tpu.memref_squeeze %get3A_1759 : memref<1x16x768xf32, #tpu.memory_space<vmem>> -> memref<16x768xf32, #tpu.memory_space<vmem>>
        %get3A_1761 = arith.index_cast %scan3A_288 : i32 to index
        %get3A_1762 = arith.constant 672 : index
        %get3A_1763 = tpu.vector_load %get3A_1760[%get3A_1761, %get3A_1762] {strides = array<i32>} : memref<16x768xf32, #tpu.memory_space<vmem>>, vector<1x16xf32>,
        %get3A_1764 = vector.shape_cast %get3A_1763 : vector<1x16xf32> to vector<16xf32>
        %get3A_1765 = arith.constant 0 : i32
        %get3A_1766 = arith.constant 0 : i32
        %get3A_1767 = tpu.memref_slice %arg8[%scan3A_257, %get3A_1765, %get3A_1766] : memref<2x16x768xf32, #tpu.memory_space<vmem>> -> memref<1x16x768xf32, #tpu.memory_space<vmem>>
        %get3A_1768 = tpu.memref_squeeze %get3A_1767 : memref<1x16x768xf32, #tpu.memory_space<vmem>> -> memref<16x768xf32, #tpu.memory_space<vmem>>
        %get3A_1769 = arith.index_cast %scan3A_288 : i32 to index
        %get3A_1770 = arith.constant 672 : index
        %get3A_1771 = tpu.vector_load %get3A_1768[%get3A_1769, %get3A_1770] {strides = array<i32>} : memref<16x768xf32, #tpu.memory_space<vmem>>, vector<1x16xf32>,
        %get3A_1772 = vector.shape_cast %get3A_1771 : vector<1x16xf32> to vector<16xf32>
        %add3A_1773 = arith.addf %get3A_1764, %get3A_1772 : vector<16xf32>
        %get3A_1774 = arith.constant 0 : i32
        %get3A_1775 = arith.constant 0 : i32
        %get3A_1776 = tpu.memref_slice %arg9[%scan3A_258, %get3A_1774, %get3A_1775] : memref<2x16x768xf32, #tpu.memory_space<vmem>> -> memref<1x16x768xf32, #tpu.memory_space<vmem>>
        %get3A_1777 = tpu.memref_squeeze %get3A_1776 : memref<1x16x768xf32, #tpu.memory_space<vmem>> -> memref<16x768xf32, #tpu.memory_space<vmem>>
        %get3A_1778 = arith.index_cast %scan3A_288 : i32 to index
        %get3A_1779 = arith.constant 672 : index
        %get3A_1780 = tpu.vector_load %get3A_1777[%get3A_1778, %get3A_1779] {strides = array<i32>} : memref<16x768xf32, #tpu.memory_space<vmem>>, vector<1x16xf32>,
        %get3A_1781 = vector.shape_cast %get3A_1780 : vector<1x16xf32> to vector<16xf32>
        %add3A_1782 = arith.addf %add3A_1773, %get3A_1781 : vector<16xf32>
        %swap3A_1783 = arith.constant 0 : i32
        %swap3A_1784 = arith.constant 0 : i32
        %swap3A_1785 = tpu.memref_slice %arg10[%scan3A_259, %swap3A_1783, %swap3A_1784] : memref<2x16x768xf32, #tpu.memory_space<vmem>> -> memref<1x16x768xf32, #tpu.memory_space<vmem>>
        %swap3A_1786 = tpu.memref_squeeze %swap3A_1785 : memref<1x16x768xf32, #tpu.memory_space<vmem>> -> memref<16x768xf32, #tpu.memory_space<vmem>>
        %swap3A_1787 = arith.index_cast %scan3A_288 : i32 to index
        %swap3A_1788 = arith.constant 672 : index
        %swap3A_1789 = tpu.vector_load %swap3A_1786[%swap3A_1787, %swap3A_1788] {strides = array<i32>} : memref<16x768xf32, #tpu.memory_space<vmem>>, vector<1x16xf32>,
        %swap3A_1790 = vector.shape_cast %swap3A_1789 : vector<1x16xf32> to vector<16xf32>
        %swap3A_1791 = vector.shape_cast %add3A_1782 : vector<16xf32> to vector<1x16xf32>
        tpu.vector_store %swap3A_1786[%swap3A_1787, %swap3A_1788], %swap3A_1791 {strides = array<i32>} : memref<16x768xf32, #tpu.memory_space<vmem>>, vector<1x16xf32>,
        %get3A_1792 = arith.constant 0 : i32
        %get3A_1793 = arith.constant 0 : i32
        %get3A_1794 = tpu.memref_slice %arg7[%scan3A_256, %get3A_1792, %get3A_1793] : memref<2x16x768xf32, #tpu.memory_space<vmem>> -> memref<1x16x768xf32, #tpu.memory_space<vmem>>
        %get3A_1795 = tpu.memref_squeeze %get3A_1794 : memref<1x16x768xf32, #tpu.memory_space<vmem>> -> memref<16x768xf32, #tpu.memory_space<vmem>>
        %get3A_1796 = arith.index_cast %scan3A_288 : i32 to index
        %get3A_1797 = arith.constant 688 : index
        %get3A_1798 = tpu.vector_load %get3A_1795[%get3A_1796, %get3A_1797] {strides = array<i32>} : memref<16x768xf32, #tpu.memory_space<vmem>>, vector<1x16xf32>,
        %get3A_1799 = vector.shape_cast %get3A_1798 : vector<1x16xf32> to vector<16xf32>
        %get3A_1800 = arith.constant 0 : i32
        %get3A_1801 = arith.constant 0 : i32
        %get3A_1802 = tpu.memref_slice %arg8[%scan3A_257, %get3A_1800, %get3A_1801] : memref<2x16x768xf32, #tpu.memory_space<vmem>> -> memref<1x16x768xf32, #tpu.memory_space<vmem>>
        %get3A_1803 = tpu.memref_squeeze %get3A_1802 : memref<1x16x768xf32, #tpu.memory_space<vmem>> -> memref<16x768xf32, #tpu.memory_space<vmem>>
        %get3A_1804 = arith.index_cast %scan3A_288 : i32 to index
        %get3A_1805 = arith.constant 688 : index
        %get3A_1806 = tpu.vector_load %get3A_1803[%get3A_1804, %get3A_1805] {strides = array<i32>} : memref<16x768xf32, #tpu.memory_space<vmem>>, vector<1x16xf32>,
        %get3A_1807 = vector.shape_cast %get3A_1806 : vector<1x16xf32> to vector<16xf32>
        %add3A_1808 = arith.addf %get3A_1799, %get3A_1807 : vector<16xf32>
        %get3A_1809 = arith.constant 0 : i32
        %get3A_1810 = arith.constant 0 : i32
        %get3A_1811 = tpu.memref_slice %arg9[%scan3A_258, %get3A_1809, %get3A_1810] : memref<2x16x768xf32, #tpu.memory_space<vmem>> -> memref<1x16x768xf32, #tpu.memory_space<vmem>>
        %get3A_1812 = tpu.memref_squeeze %get3A_1811 : memref<1x16x768xf32, #tpu.memory_space<vmem>> -> memref<16x768xf32, #tpu.memory_space<vmem>>
        %get3A_1813 = arith.index_cast %scan3A_288 : i32 to index
        %get3A_1814 = arith.constant 688 : index
        %get3A_1815 = tpu.vector_load %get3A_1812[%get3A_1813, %get3A_1814] {strides = array<i32>} : memref<16x768xf32, #tpu.memory_space<vmem>>, vector<1x16xf32>,
        %get3A_1816 = vector.shape_cast %get3A_1815 : vector<1x16xf32> to vector<16xf32>
        %add3A_1817 = arith.addf %add3A_1808, %get3A_1816 : vector<16xf32>
        %swap3A_1818 = arith.constant 0 : i32
        %swap3A_1819 = arith.constant 0 : i32
        %swap3A_1820 = tpu.memref_slice %arg10[%scan3A_259, %swap3A_1818, %swap3A_1819] : memref<2x16x768xf32, #tpu.memory_space<vmem>> -> memref<1x16x768xf32, #tpu.memory_space<vmem>>
        %swap3A_1821 = tpu.memref_squeeze %swap3A_1820 : memref<1x16x768xf32, #tpu.memory_space<vmem>> -> memref<16x768xf32, #tpu.memory_space<vmem>>
        %swap3A_1822 = arith.index_cast %scan3A_288 : i32 to index
        %swap3A_1823 = arith.constant 688 : index
        %swap3A_1824 = tpu.vector_load %swap3A_1821[%swap3A_1822, %swap3A_1823] {strides = array<i32>} : memref<16x768xf32, #tpu.memory_space<vmem>>, vector<1x16xf32>,
        %swap3A_1825 = vector.shape_cast %swap3A_1824 : vector<1x16xf32> to vector<16xf32>
        %swap3A_1826 = vector.shape_cast %add3A_1817 : vector<16xf32> to vector<1x16xf32>
        tpu.vector_store %swap3A_1821[%swap3A_1822, %swap3A_1823], %swap3A_1826 {strides = array<i32>} : memref<16x768xf32, #tpu.memory_space<vmem>>, vector<1x16xf32>,
        %get3A_1827 = arith.constant 0 : i32
        %get3A_1828 = arith.constant 0 : i32
        %get3A_1829 = tpu.memref_slice %arg7[%scan3A_256, %get3A_1827, %get3A_1828] : memref<2x16x768xf32, #tpu.memory_space<vmem>> -> memref<1x16x768xf32, #tpu.memory_space<vmem>>
        %get3A_1830 = tpu.memref_squeeze %get3A_1829 : memref<1x16x768xf32, #tpu.memory_space<vmem>> -> memref<16x768xf32, #tpu.memory_space<vmem>>
        %get3A_1831 = arith.index_cast %scan3A_288 : i32 to index
        %get3A_1832 = arith.constant 704 : index
        %get3A_1833 = tpu.vector_load %get3A_1830[%get3A_1831, %get3A_1832] {strides = array<i32>} : memref<16x768xf32, #tpu.memory_space<vmem>>, vector<1x16xf32>,
        %get3A_1834 = vector.shape_cast %get3A_1833 : vector<1x16xf32> to vector<16xf32>
        %get3A_1835 = arith.constant 0 : i32
        %get3A_1836 = arith.constant 0 : i32
        %get3A_1837 = tpu.memref_slice %arg8[%scan3A_257, %get3A_1835, %get3A_1836] : memref<2x16x768xf32, #tpu.memory_space<vmem>> -> memref<1x16x768xf32, #tpu.memory_space<vmem>>
        %get3A_1838 = tpu.memref_squeeze %get3A_1837 : memref<1x16x768xf32, #tpu.memory_space<vmem>> -> memref<16x768xf32, #tpu.memory_space<vmem>>
        %get3A_1839 = arith.index_cast %scan3A_288 : i32 to index
        %get3A_1840 = arith.constant 704 : index
        %get3A_1841 = tpu.vector_load %get3A_1838[%get3A_1839, %get3A_1840] {strides = array<i32>} : memref<16x768xf32, #tpu.memory_space<vmem>>, vector<1x16xf32>,
        %get3A_1842 = vector.shape_cast %get3A_1841 : vector<1x16xf32> to vector<16xf32>
        %add3A_1843 = arith.addf %get3A_1834, %get3A_1842 : vector<16xf32>
        %get3A_1844 = arith.constant 0 : i32
        %get3A_1845 = arith.constant 0 : i32
        %get3A_1846 = tpu.memref_slice %arg9[%scan3A_258, %get3A_1844, %get3A_1845] : memref<2x16x768xf32, #tpu.memory_space<vmem>> -> memref<1x16x768xf32, #tpu.memory_space<vmem>>
        %get3A_1847 = tpu.memref_squeeze %get3A_1846 : memref<1x16x768xf32, #tpu.memory_space<vmem>> -> memref<16x768xf32, #tpu.memory_space<vmem>>
        %get3A_1848 = arith.index_cast %scan3A_288 : i32 to index
        %get3A_1849 = arith.constant 704 : index
        %get3A_1850 = tpu.vector_load %get3A_1847[%get3A_1848, %get3A_1849] {strides = array<i32>} : memref<16x768xf32, #tpu.memory_space<vmem>>, vector<1x16xf32>,
        %get3A_1851 = vector.shape_cast %get3A_1850 : vector<1x16xf32> to vector<16xf32>
        %add3A_1852 = arith.addf %add3A_1843, %get3A_1851 : vector<16xf32>
        %swap3A_1853 = arith.constant 0 : i32
        %swap3A_1854 = arith.constant 0 : i32
        %swap3A_1855 = tpu.memref_slice %arg10[%scan3A_259, %swap3A_1853, %swap3A_1854] : memref<2x16x768xf32, #tpu.memory_space<vmem>> -> memref<1x16x768xf32, #tpu.memory_space<vmem>>
        %swap3A_1856 = tpu.memref_squeeze %swap3A_1855 : memref<1x16x768xf32, #tpu.memory_space<vmem>> -> memref<16x768xf32, #tpu.memory_space<vmem>>
        %swap3A_1857 = arith.index_cast %scan3A_288 : i32 to index
        %swap3A_1858 = arith.constant 704 : index
        %swap3A_1859 = tpu.vector_load %swap3A_1856[%swap3A_1857, %swap3A_1858] {strides = array<i32>} : memref<16x768xf32, #tpu.memory_space<vmem>>, vector<1x16xf32>,
        %swap3A_1860 = vector.shape_cast %swap3A_1859 : vector<1x16xf32> to vector<16xf32>
        %swap3A_1861 = vector.shape_cast %add3A_1852 : vector<16xf32> to vector<1x16xf32>
        tpu.vector_store %swap3A_1856[%swap3A_1857, %swap3A_1858], %swap3A_1861 {strides = array<i32>} : memref<16x768xf32, #tpu.memory_space<vmem>>, vector<1x16xf32>,
        %get3A_1862 = arith.constant 0 : i32
        %get3A_1863 = arith.constant 0 : i32
        %get3A_1864 = tpu.memref_slice %arg7[%scan3A_256, %get3A_1862, %get3A_1863] : memref<2x16x768xf32, #tpu.memory_space<vmem>> -> memref<1x16x768xf32, #tpu.memory_space<vmem>>
        %get3A_1865 = tpu.memref_squeeze %get3A_1864 : memref<1x16x768xf32, #tpu.memory_space<vmem>> -> memref<16x768xf32, #tpu.memory_space<vmem>>
        %get3A_1866 = arith.index_cast %scan3A_288 : i32 to index
        %get3A_1867 = arith.constant 720 : index
        %get3A_1868 = tpu.vector_load %get3A_1865[%get3A_1866, %get3A_1867] {strides = array<i32>} : memref<16x768xf32, #tpu.memory_space<vmem>>, vector<1x16xf32>,
        %get3A_1869 = vector.shape_cast %get3A_1868 : vector<1x16xf32> to vector<16xf32>
        %get3A_1870 = arith.constant 0 : i32
        %get3A_1871 = arith.constant 0 : i32
        %get3A_1872 = tpu.memref_slice %arg8[%scan3A_257, %get3A_1870, %get3A_1871] : memref<2x16x768xf32, #tpu.memory_space<vmem>> -> memref<1x16x768xf32, #tpu.memory_space<vmem>>
        %get3A_1873 = tpu.memref_squeeze %get3A_1872 : memref<1x16x768xf32, #tpu.memory_space<vmem>> -> memref<16x768xf32, #tpu.memory_space<vmem>>
        %get3A_1874 = arith.index_cast %scan3A_288 : i32 to index
        %get3A_1875 = arith.constant 720 : index
        %get3A_1876 = tpu.vector_load %get3A_1873[%get3A_1874, %get3A_1875] {strides = array<i32>} : memref<16x768xf32, #tpu.memory_space<vmem>>, vector<1x16xf32>,
        %get3A_1877 = vector.shape_cast %get3A_1876 : vector<1x16xf32> to vector<16xf32>
        %add3A_1878 = arith.addf %get3A_1869, %get3A_1877 : vector<16xf32>
        %get3A_1879 = arith.constant 0 : i32
        %get3A_1880 = arith.constant 0 : i32
        %get3A_1881 = tpu.memref_slice %arg9[%scan3A_258, %get3A_1879, %get3A_1880] : memref<2x16x768xf32, #tpu.memory_space<vmem>> -> memref<1x16x768xf32, #tpu.memory_space<vmem>>
        %get3A_1882 = tpu.memref_squeeze %get3A_1881 : memref<1x16x768xf32, #tpu.memory_space<vmem>> -> memref<16x768xf32, #tpu.memory_space<vmem>>
        %get3A_1883 = arith.index_cast %scan3A_288 : i32 to index
        %get3A_1884 = arith.constant 720 : index
        %get3A_1885 = tpu.vector_load %get3A_1882[%get3A_1883, %get3A_1884] {strides = array<i32>} : memref<16x768xf32, #tpu.memory_space<vmem>>, vector<1x16xf32>,
        %get3A_1886 = vector.shape_cast %get3A_1885 : vector<1x16xf32> to vector<16xf32>
        %add3A_1887 = arith.addf %add3A_1878, %get3A_1886 : vector<16xf32>
        %swap3A_1888 = arith.constant 0 : i32
        %swap3A_1889 = arith.constant 0 : i32
        %swap3A_1890 = tpu.memref_slice %arg10[%scan3A_259, %swap3A_1888, %swap3A_1889] : memref<2x16x768xf32, #tpu.memory_space<vmem>> -> memref<1x16x768xf32, #tpu.memory_space<vmem>>
        %swap3A_1891 = tpu.memref_squeeze %swap3A_1890 : memref<1x16x768xf32, #tpu.memory_space<vmem>> -> memref<16x768xf32, #tpu.memory_space<vmem>>
        %swap3A_1892 = arith.index_cast %scan3A_288 : i32 to index
        %swap3A_1893 = arith.constant 720 : index
        %swap3A_1894 = tpu.vector_load %swap3A_1891[%swap3A_1892, %swap3A_1893] {strides = array<i32>} : memref<16x768xf32, #tpu.memory_space<vmem>>, vector<1x16xf32>,
        %swap3A_1895 = vector.shape_cast %swap3A_1894 : vector<1x16xf32> to vector<16xf32>
        %swap3A_1896 = vector.shape_cast %add3A_1887 : vector<16xf32> to vector<1x16xf32>
        tpu.vector_store %swap3A_1891[%swap3A_1892, %swap3A_1893], %swap3A_1896 {strides = array<i32>} : memref<16x768xf32, #tpu.memory_space<vmem>>, vector<1x16xf32>,
        %get3A_1897 = arith.constant 0 : i32
        %get3A_1898 = arith.constant 0 : i32
        %get3A_1899 = tpu.memref_slice %arg7[%scan3A_256, %get3A_1897, %get3A_1898] : memref<2x16x768xf32, #tpu.memory_space<vmem>> -> memref<1x16x768xf32, #tpu.memory_space<vmem>>
        %get3A_1900 = tpu.memref_squeeze %get3A_1899 : memref<1x16x768xf32, #tpu.memory_space<vmem>> -> memref<16x768xf32, #tpu.memory_space<vmem>>
        %get3A_1901 = arith.index_cast %scan3A_288 : i32 to index
        %get3A_1902 = arith.constant 736 : index
        %get3A_1903 = tpu.vector_load %get3A_1900[%get3A_1901, %get3A_1902] {strides = array<i32>} : memref<16x768xf32, #tpu.memory_space<vmem>>, vector<1x16xf32>,
        %get3A_1904 = vector.shape_cast %get3A_1903 : vector<1x16xf32> to vector<16xf32>
        %get3A_1905 = arith.constant 0 : i32
        %get3A_1906 = arith.constant 0 : i32
        %get3A_1907 = tpu.memref_slice %arg8[%scan3A_257, %get3A_1905, %get3A_1906] : memref<2x16x768xf32, #tpu.memory_space<vmem>> -> memref<1x16x768xf32, #tpu.memory_space<vmem>>
        %get3A_1908 = tpu.memref_squeeze %get3A_1907 : memref<1x16x768xf32, #tpu.memory_space<vmem>> -> memref<16x768xf32, #tpu.memory_space<vmem>>
        %get3A_1909 = arith.index_cast %scan3A_288 : i32 to index
        %get3A_1910 = arith.constant 736 : index
        %get3A_1911 = tpu.vector_load %get3A_1908[%get3A_1909, %get3A_1910] {strides = array<i32>} : memref<16x768xf32, #tpu.memory_space<vmem>>, vector<1x16xf32>,
        %get3A_1912 = vector.shape_cast %get3A_1911 : vector<1x16xf32> to vector<16xf32>
        %add3A_1913 = arith.addf %get3A_1904, %get3A_1912 : vector<16xf32>
        %get3A_1914 = arith.constant 0 : i32
        %get3A_1915 = arith.constant 0 : i32
        %get3A_1916 = tpu.memref_slice %arg9[%scan3A_258, %get3A_1914, %get3A_1915] : memref<2x16x768xf32, #tpu.memory_space<vmem>> -> memref<1x16x768xf32, #tpu.memory_space<vmem>>
        %get3A_1917 = tpu.memref_squeeze %get3A_1916 : memref<1x16x768xf32, #tpu.memory_space<vmem>> -> memref<16x768xf32, #tpu.memory_space<vmem>>
        %get3A_1918 = arith.index_cast %scan3A_288 : i32 to index
        %get3A_1919 = arith.constant 736 : index
        %get3A_1920 = tpu.vector_load %get3A_1917[%get3A_1918, %get3A_1919] {strides = array<i32>} : memref<16x768xf32, #tpu.memory_space<vmem>>, vector<1x16xf32>,
        %get3A_1921 = vector.shape_cast %get3A_1920 : vector<1x16xf32> to vector<16xf32>
        %add3A_1922 = arith.addf %add3A_1913, %get3A_1921 : vector<16xf32>
        %swap3A_1923 = arith.constant 0 : i32
        %swap3A_1924 = arith.constant 0 : i32
        %swap3A_1925 = tpu.memref_slice %arg10[%scan3A_259, %swap3A_1923, %swap3A_1924] : memref<2x16x768xf32, #tpu.memory_space<vmem>> -> memref<1x16x768xf32, #tpu.memory_space<vmem>>
        %swap3A_1926 = tpu.memref_squeeze %swap3A_1925 : memref<1x16x768xf32, #tpu.memory_space<vmem>> -> memref<16x768xf32, #tpu.memory_space<vmem>>
        %swap3A_1927 = arith.index_cast %scan3A_288 : i32 to index
        %swap3A_1928 = arith.constant 736 : index
        %swap3A_1929 = tpu.vector_load %swap3A_1926[%swap3A_1927, %swap3A_1928] {strides = array<i32>} : memref<16x768xf32, #tpu.memory_space<vmem>>, vector<1x16xf32>,
        %swap3A_1930 = vector.shape_cast %swap3A_1929 : vector<1x16xf32> to vector<16xf32>
        %swap3A_1931 = vector.shape_cast %add3A_1922 : vector<16xf32> to vector<1x16xf32>
        tpu.vector_store %swap3A_1926[%swap3A_1927, %swap3A_1928], %swap3A_1931 {strides = array<i32>} : memref<16x768xf32, #tpu.memory_space<vmem>>, vector<1x16xf32>,
        %get3A_1932 = arith.constant 0 : i32
        %get3A_1933 = arith.constant 0 : i32
        %get3A_1934 = tpu.memref_slice %arg7[%scan3A_256, %get3A_1932, %get3A_1933] : memref<2x16x768xf32, #tpu.memory_space<vmem>> -> memref<1x16x768xf32, #tpu.memory_space<vmem>>
        %get3A_1935 = tpu.memref_squeeze %get3A_1934 : memref<1x16x768xf32, #tpu.memory_space<vmem>> -> memref<16x768xf32, #tpu.memory_space<vmem>>
        %get3A_1936 = arith.index_cast %scan3A_288 : i32 to index
        %get3A_1937 = arith.constant 752 : index
        %get3A_1938 = tpu.vector_load %get3A_1935[%get3A_1936, %get3A_1937] {strides = array<i32>} : memref<16x768xf32, #tpu.memory_space<vmem>>, vector<1x16xf32>,
        %get3A_1939 = vector.shape_cast %get3A_1938 : vector<1x16xf32> to vector<16xf32>
        %get3A_1940 = arith.constant 0 : i32
        %get3A_1941 = arith.constant 0 : i32
        %get3A_1942 = tpu.memref_slice %arg8[%scan3A_257, %get3A_1940, %get3A_1941] : memref<2x16x768xf32, #tpu.memory_space<vmem>> -> memref<1x16x768xf32, #tpu.memory_space<vmem>>
        %get3A_1943 = tpu.memref_squeeze %get3A_1942 : memref<1x16x768xf32, #tpu.memory_space<vmem>> -> memref<16x768xf32, #tpu.memory_space<vmem>>
        %get3A_1944 = arith.index_cast %scan3A_288 : i32 to index
        %get3A_1945 = arith.constant 752 : index
        %get3A_1946 = tpu.vector_load %get3A_1943[%get3A_1944, %get3A_1945] {strides = array<i32>} : memref<16x768xf32, #tpu.memory_space<vmem>>, vector<1x16xf32>,
        %get3A_1947 = vector.shape_cast %get3A_1946 : vector<1x16xf32> to vector<16xf32>
        %add3A_1948 = arith.addf %get3A_1939, %get3A_1947 : vector<16xf32>
        %get3A_1949 = arith.constant 0 : i32
        %get3A_1950 = arith.constant 0 : i32
        %get3A_1951 = tpu.memref_slice %arg9[%scan3A_258, %get3A_1949, %get3A_1950] : memref<2x16x768xf32, #tpu.memory_space<vmem>> -> memref<1x16x768xf32, #tpu.memory_space<vmem>>
        %get3A_1952 = tpu.memref_squeeze %get3A_1951 : memref<1x16x768xf32, #tpu.memory_space<vmem>> -> memref<16x768xf32, #tpu.memory_space<vmem>>
        %get3A_1953 = arith.index_cast %scan3A_288 : i32 to index
        %get3A_1954 = arith.constant 752 : index
        %get3A_1955 = tpu.vector_load %get3A_1952[%get3A_1953, %get3A_1954] {strides = array<i32>} : memref<16x768xf32, #tpu.memory_space<vmem>>, vector<1x16xf32>,
        %get3A_1956 = vector.shape_cast %get3A_1955 : vector<1x16xf32> to vector<16xf32>
        %add3A_1957 = arith.addf %add3A_1948, %get3A_1956 : vector<16xf32>
        %swap3A_1958 = arith.constant 0 : i32
        %swap3A_1959 = arith.constant 0 : i32
        %swap3A_1960 = tpu.memref_slice %arg10[%scan3A_259, %swap3A_1958, %swap3A_1959] : memref<2x16x768xf32, #tpu.memory_space<vmem>> -> memref<1x16x768xf32, #tpu.memory_space<vmem>>
        %swap3A_1961 = tpu.memref_squeeze %swap3A_1960 : memref<1x16x768xf32, #tpu.memory_space<vmem>> -> memref<16x768xf32, #tpu.memory_space<vmem>>
        %swap3A_1962 = arith.index_cast %scan3A_288 : i32 to index
        %swap3A_1963 = arith.constant 752 : index
        %swap3A_1964 = tpu.vector_load %swap3A_1961[%swap3A_1962, %swap3A_1963] {strides = array<i32>} : memref<16x768xf32, #tpu.memory_space<vmem>>, vector<1x16xf32>,
        %swap3A_1965 = vector.shape_cast %swap3A_1964 : vector<1x16xf32> to vector<16xf32>
        %swap3A_1966 = vector.shape_cast %add3A_1957 : vector<16xf32> to vector<1x16xf32>
        tpu.vector_store %swap3A_1961[%swap3A_1962, %swap3A_1963], %swap3A_1966 {strides = array<i32>} : memref<16x768xf32, #tpu.memory_space<vmem>>, vector<1x16xf32>,
      }
      %scan3A_264 = arith.constant 16 : i32
      %mul3A_265 = arith.constant 16 : i32
      %mul3A_266 = arith.muli %add3A_207, %mul3A_265 : i32
      %add3A_267 = arith.addi %mul3A_2, %mul3A_266 : i32
      %dma_start3A_268 = arith.constant 1 : i32
      %dma_start3A_269 = arith.constant 0 : i32
      %dma_start3A_270 = arith.constant 0 : i32
      %dma_start3A_271 = tpu.memref_slice %arg10[%dma_start3A_268, %dma_start3A_269, %dma_start3A_270] : memref<2x16x768xf32, #tpu.memory_space<vmem>> -> memref<1x16x768xf32, #tpu.memory_space<vmem>>
      %dma_start3A_272 = tpu.memref_squeeze %dma_start3A_271 : memref<1x16x768xf32, #tpu.memory_space<vmem>> -> memref<16x768xf32, #tpu.memory_space<vmem>>
      %dma_start3A_273 = arith.constant 0 : i32
      %dma_start3A_274 = tpu.memref_slice %arg6[%add3A_267, %dma_start3A_273] : memref<32768x768xf32, #tpu.memory_space<hbm>> -> memref<16x768xf32, #tpu.memory_space<hbm>>
      %dma_start3A_275 = arith.constant 0 : i32
      %dma_start3A_276 = tpu.memref_slice %arg6[%add3A_267, %dma_start3A_275] : memref<32768x768xf32, #tpu.memory_space<hbm>> -> memref<16x768xf32, #tpu.memory_space<hbm>>
      %dma_start3A_277 = arith.constant 0 : i32
      %dma_start3A_278 = arith.constant 0 : i32
      %dma_start3A_279 = tpu.memref_slice %arg10[%dma_start3A_268, %dma_start3A_277, %dma_start3A_278] : memref<2x16x768xf32, #tpu.memory_space<vmem>> -> memref<1x16x768xf32, #tpu.memory_space<vmem>>
      %dma_start3A_280 = tpu.memref_squeeze %dma_start3A_279 : memref<1x16x768xf32, #tpu.memory_space<vmem>> -> memref<16x768xf32, #tpu.memory_space<vmem>>
      tpu.enqueue_dma source(%dma_start3A_280 : memref<16x768xf32, #tpu.memory_space<vmem>>) target(%dma_start3A_276 : memref<16x768xf32, #tpu.memory_space<hbm>>) target_semaphore(%arg15 : memref<!tpu.dma_semaphore, #tpu.memory_space<semaphore_mem>>)
      %add3A_281 = arith.constant 2 : i32
      %add3A_282 = arith.addi %add3A_207, %add3A_281 : i32
      %lt3A_283 = arith.constant 32 : i32
      %lt3A_284 = arith.cmpi slt, %add3A_282, %lt3A_283 : i32
      %convert_element_type3A_285 = arith.extui %lt3A_284 : i1 to i32
      %cond3A_286 = arith.constant 0 : i32
      %cond3A_287 = arith.cmpi ne, %convert_element_type3A_285, %cond3A_286 : i32
      scf.if %cond3A_287 {
        %add3A_288 = arith.constant 2 : i32
        %add3A_289 = arith.addi %add3A_207, %add3A_288 : i32
        %mul3A_290 = arith.constant 16 : i32
        %mul3A_291 = arith.muli %add3A_289, %mul3A_290 : i32
        %add3A_292 = arith.addi %mul3A_2, %mul3A_291 : i32
        %mul3A_293 = arith.constant 16 : i32
        %mul3A_294 = arith.muli %add3A_289, %mul3A_293 : i32
        %add3A_295 = arith.addi %select_n3A_11, %mul3A_294 : i32
        %mul3A_296 = arith.constant 16 : i32
        %mul3A_297 = arith.muli %add3A_289, %mul3A_296 : i32
        %dma_start3A_298 = arith.constant 1 : i32
        %dma_start3A_299 = arith.constant 0 : i32
        %dma_start3A_300 = arith.constant 0 : i32
        %dma_start3A_301 = tpu.memref_slice %arg7[%dma_start3A_298, %dma_start3A_299, %dma_start3A_300] : memref<2x16x768xf32, #tpu.memory_space<vmem>> -> memref<1x16x768xf32, #tpu.memory_space<vmem>>
        %dma_start3A_302 = tpu.memref_squeeze %dma_start3A_301 : memref<1x16x768xf32, #tpu.memory_space<vmem>> -> memref<16x768xf32, #tpu.memory_space<vmem>>
        %dma_start3A_303 = arith.constant 0 : i32
        %dma_start3A_304 = tpu.memref_slice %arg2[%add3A_292, %dma_start3A_303] : memref<32768x768xf32, #tpu.memory_space<hbm>> -> memref<16x768xf32, #tpu.memory_space<hbm>>
        %dma_start3A_305 = arith.constant 0 : i32
        %dma_start3A_306 = arith.constant 0 : i32
        %dma_start3A_307 = tpu.memref_slice %arg7[%dma_start3A_298, %dma_start3A_305, %dma_start3A_306] : memref<2x16x768xf32, #tpu.memory_space<vmem>> -> memref<1x16x768xf32, #tpu.memory_space<vmem>>
        %dma_start3A_308 = tpu.memref_squeeze %dma_start3A_307 : memref<1x16x768xf32, #tpu.memory_space<vmem>> -> memref<16x768xf32, #tpu.memory_space<vmem>>
        %dma_start3A_309 = arith.constant 0 : i32
        %dma_start3A_310 = tpu.memref_slice %arg2[%add3A_292, %dma_start3A_309] : memref<32768x768xf32, #tpu.memory_space<hbm>> -> memref<16x768xf32, #tpu.memory_space<hbm>>
        tpu.enqueue_dma source(%dma_start3A_310 : memref<16x768xf32, #tpu.memory_space<hbm>>) target(%dma_start3A_308 : memref<16x768xf32, #tpu.memory_space<vmem>>) target_semaphore(%arg13 : memref<!tpu.dma_semaphore, #tpu.memory_space<semaphore_mem>>)
        %dma_start3A_311 = arith.constant 1 : i32
        %dma_start3A_312 = arith.constant 0 : i32
        %dma_start3A_313 = arith.constant 0 : i32
        %dma_start3A_314 = tpu.memref_slice %arg9[%dma_start3A_311, %dma_start3A_312, %dma_start3A_313] : memref<2x16x768xf32, #tpu.memory_space<vmem>> -> memref<1x16x768xf32, #tpu.memory_space<vmem>>
        %dma_start3A_315 = tpu.memref_squeeze %dma_start3A_314 : memref<1x16x768xf32, #tpu.memory_space<vmem>> -> memref<16x768xf32, #tpu.memory_space<vmem>>
        %dma_start3A_316 = arith.constant 0 : i32
        %dma_start3A_317 = tpu.memref_slice %arg4[%add3A_295, %dma_start3A_316] : memref<8192x768xf32, #tpu.memory_space<hbm>> -> memref<16x768xf32, #tpu.memory_space<hbm>>
        %dma_start3A_318 = arith.constant 0 : i32
        %dma_start3A_319 = arith.constant 0 : i32
        %dma_start3A_320 = tpu.memref_slice %arg9[%dma_start3A_311, %dma_start3A_318, %dma_start3A_319] : memref<2x16x768xf32, #tpu.memory_space<vmem>> -> memref<1x16x768xf32, #tpu.memory_space<vmem>>
        %dma_start3A_321 = tpu.memref_squeeze %dma_start3A_320 : memref<1x16x768xf32, #tpu.memory_space<vmem>> -> memref<16x768xf32, #tpu.memory_space<vmem>>
        %dma_start3A_322 = arith.constant 0 : i32
        %dma_start3A_323 = tpu.memref_slice %arg4[%add3A_295, %dma_start3A_322] : memref<8192x768xf32, #tpu.memory_space<hbm>> -> memref<16x768xf32, #tpu.memory_space<hbm>>
        tpu.enqueue_dma source(%dma_start3A_323 : memref<16x768xf32, #tpu.memory_space<hbm>>) target(%dma_start3A_321 : memref<16x768xf32, #tpu.memory_space<vmem>>) target_semaphore(%arg13 : memref<!tpu.dma_semaphore, #tpu.memory_space<semaphore_mem>>)
        %dma_start3A_324 = arith.constant 1 : i32
        %dma_start3A_325 = arith.constant 0 : i32
        %dma_start3A_326 = arith.constant 0 : i32
        %dma_start3A_327 = tpu.memref_slice %arg8[%dma_start3A_324, %dma_start3A_325, %dma_start3A_326] : memref<2x16x768xf32, #tpu.memory_space<vmem>> -> memref<1x16x768xf32, #tpu.memory_space<vmem>>
        %dma_start3A_328 = tpu.memref_squeeze %dma_start3A_327 : memref<1x16x768xf32, #tpu.memory_space<vmem>> -> memref<16x768xf32, #tpu.memory_space<vmem>>
        %dma_start3A_329 = tpu.memref_slice %arg11[%mul3A_297] : memref<512xi32, #tpu.memory_space<vmem>> -> memref<16xi32, #tpu.memory_space<vmem>>
        %dma_start3A_330 = arith.constant 0 : i32
        %dma_start3A_331 = arith.constant 0 : i32
        %dma_start3A_332 = tpu.memref_slice %arg5[%dma_start3A_330, %dma_start3A_331] : memref<288x768xf32, #tpu.memory_space<hbm>> -> memref<288x768xf32, #tpu.memory_space<hbm>>
        tpu.enqueue_indirect_dma source(%dma_start3A_332 : memref<288x768xf32, #tpu.memory_space<hbm>>) target(%dma_start3A_328 : memref<16x768xf32, #tpu.memory_space<vmem>>) offsets(%dma_start3A_329 : memref<16xi32, #tpu.memory_space<vmem>>) semaphore(%arg13 : memref<!tpu.dma_semaphore, #tpu.memory_space<semaphore_mem>>)
      } else {
      }
    }
    %scan3A_94 = arith.constant 16 : i32
    %add3A_95 = arith.constant 480 : i32
    %add3A_96 = arith.addi %mul3A_2, %add3A_95 : i32
    %dma_wait3A = arith.constant 0 : i32
    %dma_wait3A_97 = arith.constant 0 : i32
    %dma_wait3A_98 = arith.constant 0 : i32
    %dma_wait3A_99 = tpu.memref_slice %arg10[%dma_wait3A, %dma_wait3A_97, %dma_wait3A_98] : memref<2x16x768xf32, #tpu.memory_space<vmem>> -> memref<1x16x768xf32, #tpu.memory_space<vmem>>
    %dma_wait3A_100 = tpu.memref_squeeze %dma_wait3A_99 : memref<1x16x768xf32, #tpu.memory_space<vmem>> -> memref<16x768xf32, #tpu.memory_space<vmem>>
    %dma_wait3A_101 = arith.constant 0 : i32
    %dma_wait3A_102 = tpu.memref_slice %arg6[%add3A_96, %dma_wait3A_101] : memref<32768x768xf32, #tpu.memory_space<hbm>> -> memref<16x768xf32, #tpu.memory_space<hbm>>
    %dma_wait3A_103 = arith.constant 0 : i32
    %dma_wait3A_104 = tpu.memref_slice %arg6[%add3A_96, %dma_wait3A_103] : memref<32768x768xf32, #tpu.memory_space<hbm>> -> memref<16x768xf32, #tpu.memory_space<hbm>>
    %dma_wait3A_105 = arith.constant 0 : i32
    %dma_wait3A_106 = arith.constant 0 : i32
    %dma_wait3A_107 = tpu.memref_slice %arg10[%dma_wait3A, %dma_wait3A_105, %dma_wait3A_106] : memref<2x16x768xf32, #tpu.memory_space<vmem>> -> memref<1x16x768xf32, #tpu.memory_space<vmem>>
    %dma_wait3A_108 = tpu.memref_squeeze %dma_wait3A_107 : memref<1x16x768xf32, #tpu.memory_space<vmem>> -> memref<16x768xf32, #tpu.memory_space<vmem>>
    tpu.wait_dma2 semaphore(%arg14 : memref<!tpu.dma_semaphore, #tpu.memory_space<semaphore_mem>>) src(%dma_wait3A_108 : memref<16x768xf32, #tpu.memory_space<vmem>>) dst(%dma_wait3A_104 : memref<16x768xf32, #tpu.memory_space<hbm>>)
    %add3A_109 = arith.constant 496 : i32
    %add3A_110 = arith.addi %mul3A_2, %add3A_109 : i32
    %dma_wait3A_111 = arith.constant 1 : i32
    %dma_wait3A_112 = arith.constant 0 : i32
    %dma_wait3A_113 = arith.constant 0 : i32
    %dma_wait3A_114 = tpu.memref_slice %arg10[%dma_wait3A_111, %dma_wait3A_112, %dma_wait3A_113] : memref<2x16x768xf32, #tpu.memory_space<vmem>> -> memref<1x16x768xf32, #tpu.memory_space<vmem>>
    %dma_wait3A_115 = tpu.memref_squeeze %dma_wait3A_114 : memref<1x16x768xf32, #tpu.memory_space<vmem>> -> memref<16x768xf32, #tpu.memory_space<vmem>>
    %dma_wait3A_116 = arith.constant 0 : i32
    %dma_wait3A_117 = tpu.memref_slice %arg6[%add3A_110, %dma_wait3A_116] : memref<32768x768xf32, #tpu.memory_space<hbm>> -> memref<16x768xf32, #tpu.memory_space<hbm>>
    %dma_wait3A_118 = arith.constant 0 : i32
    %dma_wait3A_119 = tpu.memref_slice %arg6[%add3A_110, %dma_wait3A_118] : memref<32768x768xf32, #tpu.memory_space<hbm>> -> memref<16x768xf32, #tpu.memory_space<hbm>>
    %dma_wait3A_120 = arith.constant 0 : i32
    %dma_wait3A_121 = arith.constant 0 : i32
    %dma_wait3A_122 = tpu.memref_slice %arg10[%dma_wait3A_111, %dma_wait3A_120, %dma_wait3A_121] : memref<2x16x768xf32, #tpu.memory_space<vmem>> -> memref<1x16x768xf32, #tpu.memory_space<vmem>>
    %dma_wait3A_123 = tpu.memref_squeeze %dma_wait3A_122 : memref<1x16x768xf32, #tpu.memory_space<vmem>> -> memref<16x768xf32, #tpu.memory_space<vmem>>
    tpu.wait_dma2 semaphore(%arg15 : memref<!tpu.dma_semaphore, #tpu.memory_space<semaphore_mem>>) src(%dma_wait3A_123 : memref<16x768xf32, #tpu.memory_space<vmem>>) dst(%dma_wait3A_119 : memref<16x768xf32, #tpu.memory_space<hbm>>)
    return
  }
}

</mosaic_0001>

<sc_bundles>
// kernel: _pe.3.cloned.1.call-start
scs
__scs_entry_jumppad:
0x0: {  	(pc) =	sbr.rel $0x88, $3  }
0x1: {  	(tag) =	ssettag $0x0;
	lr =	simm.s32 $0x1  }
0x2: {  	[smem:$0x3F9D] =	sst lr;
	_ =	strace $0xD0000000  }
0x3: {  	_ = 	snop  }
0x4: {  	_ = 	snop  }
0x5: {  	_ = 	snop  }
0x6: {  	_ = 	snop  }
0x7: {  	_ = 	snop  }
__scs_overlays_trampoline_lowered:
0x8: {  	[smem:$0x3FAC] =	sst s0  }
0x9: {  	[smem:$0x3FAD] =	sst s1  }
0xa: {  	[smem:$0x3FAE] =	sst s2  }
0xb: {  	[smem:$0x3FAF] =	sst s3  }
0xc: {  	[smem:$0x3FB0] =	sst s4  }
0xd: {  	[smem:$0x3FB1] =	sst s5  }
0xe: {  	[smem:$0x3FB2] =	sst s6  }
0xf: {  	[smem:$0x3FB3] =	sst s7  }
0x10: {  	[smem:$0x3FB4] =	sst s8  }
0x11: {  	[smem:$0x3FB5] =	sst s9;
	s0 =	simm.s32 @!p0 $0x0  }
0x12: {  	s1 =	sld [smem:$0x3F9B];
	s0 =	simm.s32 @p0 $0x1  }
0x13: {  	[smem:$0x3FB6] =	sst s0;
	s0 =	simm.s32 @!p1 $0x0  }
0x14: {  	s2 =	sld [smem:$0x3F9A];
	s0 =	simm.s32 @p1 $0x1  }
0x15: {  	[smem:$0x3FB7] =	sst s0;
	s0 =	simm.s32 @!p2 $0x0  }
0x16: {  	s3 =	sld [smem:$0x3FDB];
	s0 =	simm.s32 @p2 $0x1  }
0x17: {  	s4 =	simm.s32 $0x1BF5;
	[smem:$0x3FB9] =	sst s0  }
0x18: {  	s0 =	sld [smem:$0x3F9C];
	_ =	swait.ge [sflag:s4], $0x0  }
0x19: {  	s7 =	sld [smem:$0x3F9D]  }
0x1a: {  	s8 =	sadd.s32 $0xFFFFE003, lr  }
0x1b: {  	s9 =	sadd.s32 $0xFFFFFEF7, lr;
	s5 =	simm.s32 $0xFFFFFFFF;
	p2 =	slt.u32 s8, $0xFFFFF086  }
0x1c: {  	p1 =	slt.u32 s9, $0xF7A;
	s5 =	simm.s32 @!p2 $0x0  }
0x1d: {  	s5 =	simm.s32 @p1 $0x1;
	p0 =	seq.s32 s7, s2  }
0x1e: {  	s7 =	smul.u32 @!p0 $0xF7A, s2;
	p2 =	seq.s32 @!p0 s5, $0x0  }
0x1f: {  	s9 =	smul.u32 $0xF7A, s1;
	s8 =	simm.s32 @!p0 $0x1BF5;
	p2 =	por !p2, p0  }
0x20: {  	[sflag:s8] =	ssyncset.s32 @!p0 $0xFFFFF086;
	s6 =	sadd.s32 @!p0 s3, s7;
	s7 =	simm.s32 @!p0 $0x108  }
0x21: {  	s3 =	sadd.s32 s3, s9;
	s6 =	sadd.s32 @!p0 $0x88, s6;
	s7 =	simm.s32 @p2 $0x1082  }
0x22: {  	[simem:s7], [sflag:s8] =	dma.local @!p0 [hbm:s6], $0xF7A  }
0x23: {  	s9 =	sor.u32 $0xD0000000, s2;
	s6 =	simm.s32 $0x108;
	_ =	swait.ge @!p0 [sflag:s8], $0x0  }
0x24: {  	s3 =	sadd.s32 $0x88, s3;
	s6 =	simm.s32 @!p1 $0x1082;
	[sflag:s4] =	ssyncset.s32 $0xFFFFF086  }
0x25: {  	[simem:s6], [sflag:s4] =	dma.local [hbm:s3], $0xF7A  }
0x26: {  	[smem:$0x3F9D] =	sst s1;
	(tag) =	ssettag s2;
	_ =	strace s9  }
0x27: {  	s1 =	sld [smem:$0x3FAD]  }
0x28: {  	s2 =	sld [smem:$0x3FAE]  }
0x29: {  	s4 =	sld [smem:$0x3FB0]  }
0x2a: {  	p0 =	seq.s32 s5, $0x0;
	s5 =	sld [smem:$0x3FB1]  }
0x2b: {  	s6 =	sld [smem:$0x3FB2]  }
0x2c: {  	s7 =	sld [smem:$0x3FB3]  }
0x2d: {  	s3 =	simm.s32 $0x108;
	s8 =	sld [smem:$0x3FB4]  }
0x2e: {  	s3 =	simm.s32 @!p0 $0x1082;
	s9 =	sld [smem:$0x3FB5]  }
0x2f: {  	lr =	sadd.s32 s0, s3;
	s0 =	sld [smem:$0x3FAC]  }
0x30: {  	s3 =	sld [smem:$0x3FAF]  }
0x31: {  	[smem:$0x3FB8] =	sst s10  }
0x32: {  	s10 =	sld [smem:$0x3FB6];
	_ =	sdelay $0x3  }
0x33: {  	p0 =	seq.s32 s10, $0x1;
	s10 =	sld [smem:$0x3FB8];
	_ =	sdelay $0x3  }
0x34: {  	[smem:$0x3FB8] =	sst s10  }
0x35: {  	s10 =	sld [smem:$0x3FB7];
	_ =	sdelay $0x3  }
0x36: {  	p1 =	seq.s32 s10, $0x1;
	s10 =	sld [smem:$0x3FB8];
	_ =	sdelay $0x3  }
0x37: {  	[smem:$0x3FB8] =	sst s10  }
0x38: {  	s10 =	sld [smem:$0x3FB9]  }
0x39: {  	_ = 	snop;
	(pc) =	sbr.ind lr, $3  }
0x3a: {  	_ = 	snop  }
0x3b: {  	_ = 	snop  }
0x3c: {  	p2 =	seq.s32 s10, $0x1;
	s10 =	sld [smem:$0x3FB8]  }
0x3d: {  	_ =	shalt  }
0x3e: {  	_ =	shalt  }
0x3f: {  	_ =	shalt  }
0x40: {  	_ =	shalt  }
0x41: {  	_ =	shalt  }
0x42: {  	_ =	shalt  }
0x43: {  	_ =	shalt  }
0x44: {  	_ =	shalt  }
0x45: {  	_ =	shalt  }
0x46: {  	_ =	shalt  }
0x47: {  	_ =	shalt  }
0x48: {  	_ =	shalt  }
0x49: {  	_ =	shalt  }
0x4a: {  	_ =	shalt  }
0x4b: {  	_ =	shalt  }
0x4c: {  	_ =	shalt  }
0x4d: {  	_ =	shalt  }
0x4e: {  	_ =	shalt  }
0x4f: {  	_ =	shalt  }
0x50: {  	_ =	shalt  }
0x51: {  	_ =	shalt  }
0x52: {  	_ =	shalt  }
0x53: {  	_ =	shalt  }
0x54: {  	_ =	shalt  }
0x55: {  	_ =	shalt  }
0x56: {  	_ =	shalt  }
0x57: {  	_ =	shalt  }
0x58: {  	_ =	shalt  }
0x59: {  	_ =	shalt  }
0x5a: {  	_ =	shalt  }
0x5b: {  	_ =	shalt  }
0x5c: {  	_ =	shalt  }
0x5d: {  	_ =	shalt  }
0x5e: {  	_ =	shalt  }
0x5f: {  	_ =	shalt  }
0x60: {  	_ =	shalt  }
0x61: {  	_ =	shalt  }
0x62: {  	_ =	shalt  }
0x63: {  	_ =	shalt  }
0x64: {  	_ =	shalt  }
0x65: {  	_ =	shalt  }
0x66: {  	_ =	shalt  }
0x67: {  	_ =	shalt  }
0x68: {  	_ =	shalt  }
0x69: {  	_ =	shalt  }
0x6a: {  	_ =	shalt  }
0x6b: {  	_ =	shalt  }
0x6c: {  	_ =	shalt  }
0x6d: {  	_ =	shalt  }
0x6e: {  	_ =	shalt  }
0x6f: {  	_ =	shalt  }
0x70: {  	_ =	shalt  }
0x71: {  	_ =	shalt  }
0x72: {  	_ =	shalt  }
0x73: {  	_ =	shalt  }
0x74: {  	_ =	shalt  }
0x75: {  	_ =	shalt  }
0x76: {  	_ =	shalt  }
0x77: {  	_ =	shalt  }
0x78: {  	_ =	shalt  }
0x79: {  	_ =	shalt  }
0x7a: {  	_ =	shalt  }
0x7b: {  	_ =	shalt  }
0x7c: {  	_ =	shalt  }
0x7d: {  	_ =	shalt  }
0x7e: {  	_ =	shalt  }
0x7f: {  	_ =	shalt  }
0x80: {  	_ =	shalt  }
0x81: {  	_ =	shalt  }
0x82: {  	_ =	shalt  }
0x83: {  	_ =	shalt  }
0x84: {  	_ =	shalt  }
0x85: {  	_ =	shalt  }
0x86: {  	_ =	shalt  }
0x87: {  	_ =	shalt  }
.Lfunc_end0:
.L_simem_size_0:
called_computation_lowered:
.L_overlay_start_0:
0x88: {  	s2 =	sld [smem:$0x3FD9]  }
0x89: {  	s3 =	sld [smem:$0x3FFE];
	_ =	sdelay $0x1  }
0x8a: {  	s1 =	srdreg.scid  }
0x8b: {  	s0 =	sand.u32 $0x1, s1  }
0x8c: {  	s18 =	sshll.u32 s0, $0xA;
	s2 =	sadd.s32 s3, s2  }
0x8d: {  	s2 =	sadd.s32 s2, s18  }
0x8e: {  	[smem:$0x3FC4] =	sst s2  }
0x8f: {  	_ = 	snop  }
0x90: {  	s2 =	sld [smem:$0x3FC9]  }
0x91: {  	s19 =	sld [smem:$0x3FC8]  }
0x92: {  	s4 =	sld [smem:$0x3FC7]  }
0x93: {  	s5 =	sld [smem:$0x3FC6]  }
0x94: {  	s6 =	sld [smem:$0x3FD0];
	(tm) =	ssettm $0x1  }
0x95: {  	s7 =	sld [smem:$0x3FFB];
	_ =	sdelay $0x3  }
0x96: {  	_ =	strace s7  }
0x97: {  	s7 =	sld [smem:$0x3FFC];
	_ =	sdelay $0x3  }
0x98: {  	_ =	strace s7  }
0x99: {  	s7 =	sld [smem:$0x3FFD];
	_ =	sdelay $0x3  }
0x9a: {  	_ =	strace s7  }
0x9b: {  	_ =	strace $0x8FFFFFFF  }
0x9c: {  	s20 =	sld [smem:$0x3FDB];
	_ =	sdelay $0x1  }
0x9d: {  	s8 =	simm.s32 $_scs_section_size  }
0x9e: {  	s9 =	simm.s32 $_size__tile_overlayer_lowered;
	s10 =	simm.s32 $_tile_overlayer_lowered  }
0x9f: {  	s23 =	simm.s32 $0x1BFF;
	s22 =	sshll.u32 s10, $0x1;
	s7 =	sadd.s32 s8, s20  }
0xa0: {  	s11 =	simm.s32 $0x0;
	s21 =	sshll.u32 s9, $0x1;
	s9 =	sadd.s32 s22, s7  }
0xa1: {  	[timem:s11], [sflag:s23] =	dma.local [hbm:s9], s21  }
0xa2: {  	_ =	swait.ge [sflag:s23], s21  }
0xa3: {  	s8 =	ssub.s32 $0x0, s21;
	[sflag:s23] =	ssyncset.done $0x0  }
0xa4: {  	[sflag:s23] =	ssyncadd.s32 s8;
	_ =	sdelay $0x1  }
0xa5: {  	s24 =	simm.s32 $0x1B8B  }
0xa6: {  	_ =	swait.ge [sflag:s24], $0x1  }
0xa7: {  	[sflag:s24] =	ssyncset.done $0x0  }
0xa8: {  	s25 =	simm.s32 $0x1B8E;
	[sflag:s24] =	ssyncadd.s32 $0xFFFFFFFF  }
0xa9: {  	s26 =	simm.s32 $execute0_lowered;
	[smem:$0x3FD2] =	sst s25  }
0xaa: {  	s8 =	sshll.u32 s26, $0x1;
	_ =	strace $0x80000046;
	[dreg:$0x1] =	wrdreg $0xFFFFFFFF  }
0xab: {  	s28 =	simm.s32 $_size_execute0_lowered;
	s7 =	sadd.s32 s7, s8;
	[dreg:$0x0] =	wrdreg $0x0  }
0xac: {  	s8 =	sshll.u32 s28, $0x1;
	[dreg:$0x2] =	wrdreg s7  }
0xad: {  	[dreg:$0x3] =	wrdreg s8  }
0xae: {  	[dreg:$0x4] =	wrdreg $0xC0  }
0xaf: {  	_ =	task [dreg:s11], $0x5FFFF  }
0xb0: {  	[dreg:$0x1] =	wrdreg $0xFFFFFFFF  }
0xb1: {  	[dreg:$0x0] =	wrdreg $0x60  }
0xb2: {  	[dreg:$0x2] =	wrdreg s2  }
0xb3: {  	[dreg:$0x3] =	wrdreg s19  }
0xb4: {  	[dreg:$0x4] =	wrdreg s4  }
0xb5: {  	[dreg:$0x5] =	wrdreg s5  }
0xb6: {  	[dreg:$0x6] =	wrdreg s6  }
0xb7: {  	[dreg:$0x7] =	wrdreg $0x9  }
0xb8: {  	_ =	task.clear_ibuf [dreg:s11], $0x8FFFF;
	_ =	strace $0x90000046  }
0xb9: {  	s29 =	simm.s32 $0x9;
	_ =	strace $0x80000048  }
0xba: {  	_ =	swait.ge [sflag:s29], $0x1  }
0xbb: {  	[sflag:s29] =	ssyncadd.s32 $0xFFFFFFFF  }
0xbc: {  	_ =	strace $0x90000048  }
0xbd: {  	_ =	sfence  }
0xbe: {  	s30 =	sld [smem:$0x0];
	_ =	sdelay $0x2  }
0xbf: {  	s31 =	sshll.u32 s1, $0xD;
	s1 =	sshrl.u32 s1, $0x2  }
0xc0: {  	s3 =	sand.u32 $0x4000, s31;
	s1 =	sadd.s32 s1, s30  }
0xc1: {  	s0 =	sor.u32 s3, s0;
	s1 =	sshll.u32 s1, $0x11  }
0xc2: {  	s0 =	sor.u32 s1, s0  }
0xc3: {  	s0 =	sadd.s32 $0x8F2B, s0  }
0xc4: {  	[sflag:s0] =	ssyncadd.remote.s32 $0x1  }
0xc5: {  	_ =	sfence.sel $0xFFFF  }
0xc6: {  	[dreg:$0x0] =	wrdreg $0xFFFFFFFF;
	(pc) =	sbr.abs _section_cstart, $3  }
0xc7: {  	[dreg:$0x1] =	wrdreg $0xFFFFFFFF  }
0xc8: {  	_ =	task.clear_ibuf [dreg:s11], $0x2FFFF;
	_ =	strace $0x9FFFFFFF  }
0xc9: {  	(tm) =	ssettm $0x7FFFFFFF  }
tec
execute0_lowered:
.L_overlay_start_1:
0x0: {  	(tag) =	ssettag $0x1  }
0x1: {  	s0 =	rddreg [dreg:$0x0]  }
0x2: {  	s1 =	rddreg [dreg:$0x1]  }
0x3: {  	s2 =	rddreg [dreg:$0x2];
	s3 =	srdreg.scid  }
0x4: {  	s4 =	rddreg [dreg:$0x3];
	s6 =	stileid.u32  }
0x5: {  	s5 =	rddreg [dreg:$0x4];
	s28 =	simm.s32 $0x3000;
	s29 =	simm.s32 $0xF000  }
0x6: {  	s30 =	simm.s32 $0x9000;
	s31 =	simm.s32 $0x9800;
	s18 =	simm.s32 $0xB000  }
0x7: {  	s20 =	simm.s32 $0xB800;
	s21 =	simm.s32 $0x1;
	s22 =	simm.s32 $0x12000  }
0x8: {  	s3 =	sand.u32 $0x1, s3;
	s6 =	sshll.u32 s6, $0xA;
	s13 =	sadd.s32 $0x200, s4  }
0x9: {  	s17 =	sadd.s32 $0x600, s5;
	s7 =	sshll.u32 s3, $0x9;
	s3 =	ssub.s32 $0x2, s3  }
0xa: {  	s6 =	sor.u32 s7, s6;
	s7 =	simm.s32 $0x0;
	s12 =	sshrl.u32 s3, $0x1  }
0xb: {  	s8 =	sand.u32 $0x1E00, s6;
	s9 =	sshrl.u32 s6, $0x3;
	[smem:$0x7FF] =	sst s7  }
0xc: {  	s3 =	ssub.s32 s3, s12;
	s12 =	sadd.s32 $0x100, s4;
	s10 =	smul.u32 $0x300, s9  }
0xd: {  	s11 =	sshrl.u32 s8, $0x3;
	_ =	strace $0x80000047;
	s1 =	sadd.s32 s1, s9  }
0xe: {  	v2 =	vlaneseq.u32;
	s26 =	smax.u32 s3, $0x1;
	s11 =	smul.u32 $0x300, s11;
	[dreg:$0x6] =	wrdreg s1  }
.Ltmp0:
0xf: {  	v1 =	vshrl.u32 v2, $0x3;
	[dreg:$0xb] =	wrdreg s26;
	s23 =	sadd.s32 s0, s10;
	(pc) =	sbr.rel .LBB2_1-.Ltmp0, $4  }
0x10: {  	v0 =	vand.u32 $0x7, v2;
	v62 =	vmul.u32 $0x8, v1;
	s3 =	simm.s32 $0xA000;
	[dreg:$0x7] =	wrdreg s23;
	s1 =	sadd.s32 $0x600, s23  }
0x11: {  	[tilespmem:$0x1FFD0] =	vst v0;
	s9 =	simm.s32 $0x0;
	s24 =	sadd.s32 s2, s11;
	[dreg:$0x9] =	wrdreg s1  }
0x12: {  	v63 =	vor.u32 $0x8, v2;
	[tilespmem:$0x1FFE0] =	vst v62;
	s23 =	simm.s32 $0x2;
	[dreg:$0x8] =	wrdreg s24;
	s25 =	sadd.s32 $0x600, s24  }
0x13: {  	vm0 =	vmmov $0xffff;
	[tilespmem:$0x1FFF0] =	vst v63;
	s1 =	simm.s32 $0xA800;
	s24 =	simm.s32 $0x15000;
	[dreg:$0xa] =	wrdreg s25  }
.LBB2_8:
0x14: {  	s10 =	simm.s32 $0x3  }
0x15: {  	_ =	swait.ge [sflag:s10], $0x3000  }
0x16: {  	[sflag:s10] =	ssyncset.done $0x0  }
0x17: {  	s11 =	simm.s32 $0x4;
	[sflag:s10] =	ssyncadd.s32 $0xFFFFD000  }
0x18: {  	_ =	swait.ge [sflag:s11], $0x3000  }
0x19: {  	s9 =	sadd.s32 $0x1, s9;
	s26 =	rddreg [dreg:$0xb]  }
0x1a: {  	p0 =	sne.s32 s9, s26  }
.Ltmp1:
0x1b: {  	_ = 	snop;
	(pc) =	sbr.rel @!p0 .LBB2_9-.Ltmp1, $3  }
0x1c: {  	_ =	sdelay $0x1  }
0x1d: {  	[sflag:s11] =	ssyncset.done $0x0  }
0x1e: {  	[sflag:s11] =	ssyncadd.s32 $0xFFFFD000  }
.LBB2_1:
0x1f: {  	s10 =	rddreg [dreg:$0x6];
	s11 =	simm.s32 $0x18000;
	s15 =	simm.s32 $0x5  }
0x20: {  	[tilespmem:s11], [sflag:$0x5] =	stream.linear.gather [hbm4b:s10+s7], $0x200, $0x38;
	[tilespmem:$0x18200] =	vst v63  }
0x21: {  	_ =	swait.ge [sflag:s15], $0x200  }
0x22: {  	[sflag:s15] =	ssyncset.done $0x0  }
0x23: {  	s16 =	rddreg [dreg:$0x7];
	[sflag:s15] =	ssyncadd.s32 $0xFFFFFE00  }
0x24: {  	[tilespmem:s7], [sflag:$0x1] =	stream.linear.gather [hbm4b:s16+s7], $0x3000, $0x38;
	[tilespmem:$0x18200] =	vst v63  }
0x25: {  	s25 =	simm.s32 $0xC000;
	s19 =	rddreg [dreg:$0x8]  }
0x26: {  	[tilespmem:s25], [sflag:$0x1] =	stream.linear.gather [hbm4b:s19+s7], $0x3000, $0x38;
	[tilespmem:$0x18200] =	vst v63  }
0x27: {  	v3 =	vld [tilespmem:$0x18000];
	_ =	sdelay $0x3  }
0x28: {  	v0 =	vld [tilespmem:$0x1FFD0]  }
0x29: {  	v4 =	vshrl.u32 v3, $0x3  }
0x2a: {  	v1 =	vld [tilespmem:$0x1FFE0];
	v4 =	vmul.u32 $0x30, v4  }
0x2b: {  	v3 =	vand.u32 $0x7, v3  }
0x2c: {  	v3 =	vor.u32 v3, v4  }
0x2d: {  	v4 =	vperm.xlane v3, v0  }
0x2e: {  	v2 =	vld [tilespmem:$0x1FFF0]  }
0x2f: {  	v4 =	vadd.s32 v1, v4;
	_ =	sdelay $0x3  }
0x30: {  	s26 =	simm.s32 $0x6000;
	v3 =	vperm.xlane v3, v2  }
0x31: {  	[tilespmem:s26], [sflag:$0x1] =	stream.indirect_vreg.gather [hbm4b:s4+s7], $0x80, v4, vm0, $0xb8;
	[tilespmem:$0x18200] =	vst v63  }
0x32: {  	s11 =	simm.s32 $0x6800;
	v3 =	vadd.s32 v1, v3  }
0x33: {  	[tilespmem:s11], [sflag:$0x1] =	stream.indirect_vreg.gather [hbm4b:s12+s7], $0x80, v4, vm0, $0xb8;
	[tilespmem:$0x18200] =	vst v63  }
0x34: {  	s14 =	simm.s32 $0x7000  }
0x35: {  	[tilespmem:s14], [sflag:$0x1] =	stream.indirect_vreg.gather [hbm4b:s13+s7], $0x80, v4, vm0, $0xb8;
	[tilespmem:$0x18200] =	vst v63  }
0x36: {  	s15 =	simm.s32 $0x7800  }
0x37: {  	[tilespmem:s15], [sflag:$0x1] =	stream.indirect_vreg.gather [hbm4b:s4+s7], $0x80, v3, vm0, $0xb8;
	[tilespmem:$0x18200] =	vst v63  }
0x38: {  	s16 =	simm.s32 $0x8000  }
0x39: {  	[tilespmem:s16], [sflag:$0x1] =	stream.indirect_vreg.gather [hbm4b:s12+s7], $0x80, v3, vm0, $0xb8;
	[tilespmem:$0x18200] =	vst v63  }
0x3a: {  	s19 =	simm.s32 $0x8800  }
0x3b: {  	[tilespmem:s19], [sflag:$0x1] =	stream.indirect_vreg.gather [hbm4b:s13+s7], $0x80, v3, vm0, $0xb8;
	[tilespmem:$0x18200] =	vst v63  }
0x3c: {  	s25 =	rddreg [dreg:$0x9]  }
0x3d: {  	[tilespmem:s28], [sflag:$0x2] =	stream.linear.gather [hbm4b:s25+s7], $0x3000, $0x38;
	[tilespmem:$0x18200] =	vst v63  }
0x3e: {  	s26 =	rddreg [dreg:$0xa]  }
0x3f: {  	[tilespmem:s29], [sflag:$0x2] =	stream.linear.gather [hbm4b:s26+s7], $0x3000, $0x38;
	[tilespmem:$0x18200] =	vst v63  }
0x40: {  	v3 =	vld [tilespmem:$0x18010];
	_ =	sdelay $0x4  }
0x41: {  	v63 =	vshrl.u32 v3, $0x3  }
0x42: {  	v4 =	vmul.u32 $0x30, v63  }
0x43: {  	v3 =	vand.u32 $0x7, v3  }
0x44: {  	v3 =	vor.u32 v3, v4  }
0x45: {  	v4 =	vperm.xlane v3, v0;
	_ =	sdelay $0x1  }
0x46: {  	v4 =	vadd.s32 v1, v4;
	_ =	sdelay $0x3  }
0x47: {  	v3 =	vperm.xlane v3, v2  }
0x48: {  	[tilespmem:s30], [sflag:$0x2] =	stream.indirect_vreg.gather [hbm4b:s4+s7], $0x80, v4, vm0, $0xb8;
	[tilespmem:$0x18200] =	vst v63  }
0x49: {  	v3 =	vadd.s32 v1, v3  }
0x4a: {  	[tilespmem:s31], [sflag:$0x2] =	stream.indirect_vreg.gather [hbm4b:s12+s7], $0x80, v4, vm0, $0xb8;
	[tilespmem:$0x18200] =	vst v63  }
0x4b: {  	_ = 	snop  }
0x4c: {  	[tilespmem:s3], [sflag:$0x2] =	stream.indirect_vreg.gather [hbm4b:s13+s7], $0x80, v4, vm0, $0xb8;
	[tilespmem:$0x18200] =	vst v63  }
0x4d: {  	_ = 	snop  }
0x4e: {  	[tilespmem:s1], [sflag:$0x2] =	stream.indirect_vreg.gather [hbm4b:s4+s7], $0x80, v3, vm0, $0xb8;
	[tilespmem:$0x18200] =	vst v63  }
0x4f: {  	_ = 	snop  }
0x50: {  	[tilespmem:s18], [sflag:$0x2] =	stream.indirect_vreg.gather [hbm4b:s12+s7], $0x80, v3, vm0, $0xb8;
	[tilespmem:$0x18200] =	vst v63  }
0x51: {  	s14 =	simm.s32 $0x0  }
0x52: {  	[tilespmem:s20], [sflag:$0x2] =	stream.indirect_vreg.gather [hbm4b:s13+s7], $0x80, v3, vm0, $0xb8;
	[tilespmem:$0x18200] =	vst v63  }
.LBB2_2:
0x53: {  	_ =	swait.ge [sflag:s21], $0x3000  }
0x54: {  	[sflag:s21] =	ssyncset.done $0x0  }
0x55: {  	[sflag:s21] =	ssyncadd.s32 $0xFFFFD000  }
0x56: {  	_ =	swait.ge [sflag:s21], $0x3000  }
0x57: {  	[sflag:s21] =	ssyncset.done $0x0  }
0x58: {  	[sflag:s21] =	ssyncadd.s32 $0xFFFFD000  }
0x59: {  	_ =	swait.ge [sflag:s21], $0x3000  }
0x5a: {  	p0 =	seq.s32 s14, $0x0;
	[sflag:s21] =	ssyncset.done $0x0  }
0x5b: {  	s11 =	simm.s32 $0x0;
	s10 =	simm.s32 @!p0 $0x3;
	[sflag:s21] =	ssyncadd.s32 $0xFFFFD000  }
0x5c: {  	s15 =	simm.s32 $0x0;
	s11 =	smul.u32 $0x1800, s11;
	_ =	swait.ge @!p0 [sflag:s10], $0x3000  }
0x5d: {  	s15 =	sand.u32 $0x380, s15;
	[sflag:s10] =	ssyncset.done @!p0 $0x0  }
0x5e: {  	[sflag:s10] =	ssyncadd.s32 @!p0 $0xFFFFD000;
	s10 =	sor.u32 s15, s11  }
0x5f: {  	v0 =	vld [tilespmem:s10+$0xC60];
	_ =	sdelay $0x4  }
0x60: {  	[tilespmem:$0x1FDB0] =	vst v0;
	v0 =	vld [tilespmem:s10+$0x6C60];
	_ =	sdelay $0x4  }
0x61: {  	[tilespmem:$0x1FDC0] =	vst v0;
	v0 =	vld [tilespmem:s10+$0xC70];
	_ =	sdelay $0x4  }
0x62: {  	[tilespmem:$0x1FDD0] =	vst v0;
	v0 =	vld [tilespmem:s10+$0x6C70];
	_ =	sdelay $0x4  }
0x63: {  	[tilespmem:$0x1FDE0] =	vst v0;
	v0 =	vld [tilespmem:s10+$0x1000];
	_ =	sdelay $0x4  }
0x64: {  	[tilespmem:$0x1FDF0] =	vst v0;
	v0 =	vld [tilespmem:s10+$0x7000];
	_ =	sdelay $0x4  }
0x65: {  	[tilespmem:$0x1FE00] =	vst v0;
	v0 =	vld [tilespmem:s10+$0x1010];
	_ =	sdelay $0x4  }
0x66: {  	[tilespmem:$0x1FE10] =	vst v0;
	v0 =	vld [tilespmem:s10+$0x7010];
	_ =	sdelay $0x4  }
0x67: {  	[tilespmem:$0x1FE20] =	vst v0;
	v0 =	vld [tilespmem:s10+$0x1020];
	_ =	sdelay $0x4  }
0x68: {  	[tilespmem:$0x1FE30] =	vst v0;
	v0 =	vld [tilespmem:s10+$0x7020];
	_ =	sdelay $0x4  }
0x69: {  	[tilespmem:$0x1FE40] =	vst v0;
	v0 =	vld [tilespmem:s10+$0x1030];
	_ =	sdelay $0x4  }
0x6a: {  	[tilespmem:$0x1FE50] =	vst v0;
	v0 =	vld [tilespmem:s10+$0x7030];
	_ =	sdelay $0x4  }
0x6b: {  	[tilespmem:$0x1FE60] =	vst v0;
	v0 =	vld [tilespmem:s10+$0x1040];
	_ =	sdelay $0x4  }
0x6c: {  	[tilespmem:$0x1FE70] =	vst v0;
	v0 =	vld [tilespmem:s10+$0x7040];
	_ =	sdelay $0x4  }
0x6d: {  	[tilespmem:$0x1FE80] =	vst v0;
	v0 =	vld [tilespmem:s10+$0x1050];
	_ =	sdelay $0x4  }
0x6e: {  	[tilespmem:$0x1FE90] =	vst v0;
	v0 =	vld [tilespmem:s10+$0x7050];
	_ =	sdelay $0x4  }
0x6f: {  	[tilespmem:$0x1FEA0] =	vst v0;
	v0 =	vld [tilespmem:s10+$0x1060];
	_ =	sdelay $0x4  }
0x70: {  	[tilespmem:$0x1FEB0] =	vst v0;
	v0 =	vld [tilespmem:s10+$0x7060];
	_ =	sdelay $0x4  }
0x71: {  	[tilespmem:$0x1FEC0] =	vst v0;
	v0 =	vld [tilespmem:s10+$0x1070];
	_ =	sdelay $0x3  }
0x72: {  	v3 =	vld [tilespmem:s10+$0x1470]  }
0x73: {  	[tilespmem:$0x1FED0] =	vst v0;
	v0 =	vld [tilespmem:s10+$0x7070]  }
0x74: {  	v4 =	vld [tilespmem:s10+$0x7470]  }
0x75: {  	v63 =	vld [tilespmem:s10+$0x0]  }
0x76: {  	v5 =	vld [tilespmem:s10+$0xD470]  }
0x77: {  	v6 =	vld [tilespmem:s10+$0x6000]  }
0x78: {  	[tilespmem:$0x1FEE0] =	vst v0;
	v0 =	vld [tilespmem:s10+$0x1400]  }
0x79: {  	v8 =	vld [tilespmem:s10+$0x10]  }
0x7a: {  	v7 =	vld [tilespmem:s10+$0x6010]  }
0x7b: {  	v9 =	vld [tilespmem:s10+$0x20]  }
0x7c: {  	v10 =	vld [tilespmem:s10+$0x30]  }
0x7d: {  	[tilespmem:$0x1FEF0] =	vst v0;
	v0 =	vld [tilespmem:s10+$0x7400]  }
0x7e: {  	v12 =	vld [tilespmem:s10+$0x40]  }
0x7f: {  	v11 =	vld [tilespmem:s10+$0x6040]  }
0x80: {  	v14 =	vld [tilespmem:s10+$0x50]  }
0x81: {  	v13 =	vld [tilespmem:s10+$0x6050]  }
0x82: {  	[tilespmem:$0x1FF00] =	vst v0;
	v0 =	vld [tilespmem:s10+$0x1410]  }
0x83: {  	v16 =	vld [tilespmem:s10+$0x60]  }
0x84: {  	v15 =	vld [tilespmem:s10+$0x6060]  }
0x85: {  	v18 =	vld [tilespmem:s10+$0x70]  }
0x86: {  	v17 =	vld [tilespmem:s10+$0x6070]  }
0x87: {  	[tilespmem:$0x1FF10] =	vst v0;
	v0 =	vld [tilespmem:s10+$0x7410]  }
0x88: {  	v20 =	vld [tilespmem:s10+$0x400]  }
0x89: {  	v19 =	vld [tilespmem:s10+$0x6400]  }
0x8a: {  	v22 =	vld [tilespmem:s10+$0x410]  }
0x8b: {  	v21 =	vld [tilespmem:s10+$0x6410]  }
0x8c: {  	[tilespmem:$0x1FF20] =	vst v0;
	v0 =	vld [tilespmem:s10+$0x1420]  }
0x8d: {  	v24 =	vld [tilespmem:s10+$0x420]  }
0x8e: {  	v23 =	vld [tilespmem:s10+$0x6420]  }
0x8f: {  	v26 =	vld [tilespmem:s10+$0x430]  }
0x90: {  	v25 =	vld [tilespmem:s10+$0x6430]  }
0x91: {  	[tilespmem:$0x1FF30] =	vst v0;
	v0 =	vld [tilespmem:s10+$0x7420]  }
0x92: {  	v28 =	vld [tilespmem:s10+$0x440]  }
0x93: {  	v27 =	vld [tilespmem:s10+$0x6440]  }
0x94: {  	v30 =	vld [tilespmem:s10+$0x450]  }
0x95: {  	v29 =	vld [tilespmem:s10+$0x6450]  }
0x96: {  	[tilespmem:$0x1FF40] =	vst v0;
	v0 =	vld [tilespmem:s10+$0x1430]  }
0x97: {  	v32 =	vld [tilespmem:s10+$0x460]  }
0x98: {  	v31 =	vld [tilespmem:s10+$0x6460]  }
0x99: {  	v34 =	vld [tilespmem:s10+$0x470]  }
0x9a: {  	v33 =	vld [tilespmem:s10+$0x6470]  }
0x9b: {  	[tilespmem:$0x1FF50] =	vst v0;
	v0 =	vld [tilespmem:s10+$0x7430]  }
0x9c: {  	v36 =	vld [tilespmem:s10+$0x800]  }
0x9d: {  	v35 =	vld [tilespmem:s10+$0x6800]  }
0x9e: {  	v61 =	vld [tilespmem:s10+$0x810]  }
0x9f: {  	v62 =	vld [tilespmem:s10+$0x6810]  }
0xa0: {  	[tilespmem:$0x1FF60] =	vst v0;
	v0 =	vld [tilespmem:s10+$0x1440]  }
0xa1: {  	v59 =	vld [tilespmem:s10+$0x820]  }
0xa2: {  	v60 =	vld [tilespmem:s10+$0x6820]  }
0xa3: {  	v57 =	vld [tilespmem:s10+$0x830]  }
0xa4: {  	v58 =	vld [tilespmem:s10+$0x6830]  }
0xa5: {  	[tilespmem:$0x1FF70] =	vst v0;
	v0 =	vld [tilespmem:s10+$0x7440]  }
0xa6: {  	v55 =	vld [tilespmem:s10+$0x840]  }
0xa7: {  	v56 =	vld [tilespmem:s10+$0x6840]  }
0xa8: {  	v53 =	vld [tilespmem:s10+$0x850]  }
0xa9: {  	v54 =	vld [tilespmem:s10+$0x6850]  }
0xaa: {  	[tilespmem:$0x1FF80] =	vst v0;
	v0 =	vld [tilespmem:s10+$0x1450]  }
0xab: {  	v51 =	vld [tilespmem:s10+$0x860]  }
0xac: {  	v52 =	vld [tilespmem:s10+$0x6860]  }
0xad: {  	v49 =	vld [tilespmem:s10+$0x870]  }
0xae: {  	v50 =	vld [tilespmem:s10+$0x6870]  }
0xaf: {  	[tilespmem:$0x1FF90] =	vst v0;
	v0 =	vld [tilespmem:s10+$0x7450]  }
0xb0: {  	v47 =	vld [tilespmem:s10+$0xC00]  }
0xb1: {  	v48 =	vld [tilespmem:s10+$0x6C00]  }
0xb2: {  	v45 =	vld [tilespmem:s10+$0xC10]  }
0xb3: {  	v46 =	vld [tilespmem:s10+$0x6C10]  }
0xb4: {  	[tilespmem:$0x1FFA0] =	vst v0;
	v0 =	vld [tilespmem:s10+$0x1460]  }
0xb5: {  	v43 =	vld [tilespmem:s10+$0xC20]  }
0xb6: {  	v44 =	vld [tilespmem:s10+$0x6C20]  }
0xb7: {  	v41 =	vld [tilespmem:s10+$0xC30]  }
0xb8: {  	v42 =	vld [tilespmem:s10+$0x6C30]  }
0xb9: {  	[tilespmem:$0x1FFB0] =	vst v0;
	v0 =	vld [tilespmem:s10+$0x7460]  }
0xba: {  	v39 =	vld [tilespmem:s10+$0xC40]  }
0xbb: {  	v1 =	vld [tilespmem:s10+$0xC010];
	v3 =	vadd.f32 v4, v3  }
0xbc: {  	v4 =	vld [tilespmem:s10+$0x6020]  }
0xbd: {  	v3 =	vadd.f32 v5, v3;
	v5 =	vld [tilespmem:s10+$0x6030]  }
0xbe: {  	[tilespmem:$0x1FFC0] =	vst v0;
	v0 =	vld [tilespmem:s10+$0xC000]  }
0xbf: {  	v2 =	vld [tilespmem:s10+$0xC020]  }
0xc0: {  	v6 =	vadd.f32 v6, v63;
	v63 =	vld [tilespmem:s10+$0xC030];
	v7 =	vadd.f32 v7, v8  }
0xc1: {  	v40 =	vld [tilespmem:s10+$0x6C40]  }
0xc2: {  	v1 =	vadd.f32 v1, v7;
	[tilespmem:s10+$0x13470] =	vst v3;
	v3 =	vld [tilespmem:s10+$0xC040];
	v4 =	vadd.f32 v4, v9  }
0xc3: {  	v5 =	vadd.f32 v5, v10;
	v0 =	vadd.f32 v0, v6;
	v6 =	vld [tilespmem:s10+$0xC050]  }
0xc4: {  	v8 =	vld [tilespmem:s10+$0xC060];
	[tilespmem:s10+$0x12010] =	vst v1;
	v2 =	vadd.f32 v2, v4  }
0xc5: {  	v4 =	vadd.f32 v11, v12;
	v5 =	vadd.f32 v63, v5;
	[tilespmem:s10+$0x12000] =	vst v0;
	v0 =	vld [tilespmem:s10+$0xC070]  }
0xc6: {  	v7 =	vadd.f32 v13, v14;
	v1 =	vld [tilespmem:s10+$0xC400];
	[tilespmem:s10+$0x12020] =	vst v2  }
0xc7: {  	v2 =	vld [tilespmem:s10+$0xC410];
	v3 =	vadd.f32 v3, v4;
	[tilespmem:s10+$0x12030] =	vst v5;
	v5 =	vadd.f32 v15, v16  }
0xc8: {  	v4 =	vld [tilespmem:s10+$0xC420];
	v6 =	vadd.f32 v6, v7;
	v7 =	vadd.f32 v17, v18  }
0xc9: {  	[tilespmem:s10+$0x12040] =	vst v3;
	v3 =	vld [tilespmem:s10+$0xC430];
	v5 =	vadd.f32 v8, v5;
	v8 =	vadd.f32 v19, v20  }
0xca: {  	[tilespmem:s10+$0x12050] =	vst v6;
	v6 =	vld [tilespmem:s10+$0xC440];
	v0 =	vadd.f32 v0, v7;
	v7 =	vadd.f32 v21, v22  }
0xcb: {  	[tilespmem:s10+$0x12060] =	vst v5;
	v5 =	vld [tilespmem:s10+$0xC450];
	v1 =	vadd.f32 v1, v8;
	v8 =	vadd.f32 v23, v24  }
0xcc: {  	[tilespmem:s10+$0x12070] =	vst v0;
	v0 =	vld [tilespmem:s10+$0xC460];
	v2 =	vadd.f32 v2, v7;
	v7 =	vadd.f32 v25, v26  }
0xcd: {  	[tilespmem:s10+$0x12400] =	vst v1;
	v1 =	vld [tilespmem:s10+$0xC470];
	v4 =	vadd.f32 v4, v8;
	v8 =	vadd.f32 v27, v28  }
0xce: {  	[tilespmem:s10+$0x12410] =	vst v2;
	v2 =	vld [tilespmem:s10+$0xC800];
	v3 =	vadd.f32 v3, v7;
	v7 =	vadd.f32 v29, v30  }
0xcf: {  	[tilespmem:s10+$0x12420] =	vst v4;
	v4 =	vld [tilespmem:s10+$0xC810];
	v6 =	vadd.f32 v6, v8;
	v8 =	vadd.f32 v31, v32  }
0xd0: {  	[tilespmem:s10+$0x12430] =	vst v3;
	v3 =	vld [tilespmem:s10+$0xC820];
	v5 =	vadd.f32 v5, v7;
	v7 =	vadd.f32 v33, v34  }
0xd1: {  	[tilespmem:s10+$0x12440] =	vst v6;
	v6 =	vld [tilespmem:s10+$0xC830];
	v0 =	vadd.f32 v0, v8;
	v8 =	vadd.f32 v35, v36  }
0xd2: {  	[tilespmem:s10+$0x12450] =	vst v5;
	v5 =	vld [tilespmem:s10+$0xC840];
	v1 =	vadd.f32 v1, v7;
	v7 =	vadd.f32 v62, v61  }
0xd3: {  	[tilespmem:s10+$0x12460] =	vst v0;
	v0 =	vld [tilespmem:s10+$0xC850];
	v2 =	vadd.f32 v2, v8;
	v8 =	vadd.f32 v60, v59  }
0xd4: {  	[tilespmem:s10+$0x12470] =	vst v1;
	v1 =	vld [tilespmem:s10+$0xC860];
	v4 =	vadd.f32 v4, v7;
	v7 =	vadd.f32 v58, v57  }
0xd5: {  	v37 =	vld [tilespmem:s10+$0xC50];
	v3 =	vadd.f32 v3, v8;
	v8 =	vadd.f32 v56, v55  }
0xd6: {  	[tilespmem:s10+$0x12810] =	vst v4;
	v4 =	vld [tilespmem:s10+$0xCC00];
	v6 =	vadd.f32 v6, v7;
	v7 =	vadd.f32 v54, v53  }
0xd7: {  	[tilespmem:s10+$0x12800] =	vst v2;
	v2 =	vld [tilespmem:s10+$0xC870];
	v5 =	vadd.f32 v5, v8;
	v8 =	vadd.f32 v52, v51  }
0xd8: {  	[tilespmem:s10+$0x12830] =	vst v6;
	v6 =	vld [tilespmem:s10+$0xCC20];
	v0 =	vadd.f32 v0, v7  }
0xd9: {  	[tilespmem:s10+$0x12820] =	vst v3;
	v3 =	vld [tilespmem:s10+$0xCC10];
	v1 =	vadd.f32 v1, v8;
	v8 =	vadd.f32 v48, v47  }
0xda: {  	v7 =	vadd.f32 v50, v49;
	[tilespmem:s10+$0x12850] =	vst v0;
	v0 =	vld [tilespmem:s10+$0xCC40]  }
0xdb: {  	v38 =	vld [tilespmem:s10+$0x6C50];
	v4 =	vadd.f32 v4, v8;
	v8 =	vadd.f32 v44, v43  }
0xdc: {  	[tilespmem:s10+$0x12840] =	vst v5;
	v5 =	vld [tilespmem:s10+$0xCC30];
	v2 =	vadd.f32 v2, v7;
	v7 =	vadd.f32 v46, v45  }
0xdd: {  	v9 =	vld [tilespmem:$0x1FDC0];
	v6 =	vadd.f32 v6, v8;
	v8 =	vadd.f32 v40, v39  }
0xde: {  	[tilespmem:s10+$0x12860] =	vst v1;
	v1 =	vld [tilespmem:s10+$0xCC50];
	v3 =	vadd.f32 v3, v7  }
0xdf: {  	v7 =	vadd.f32 v42, v41;
	v0 =	vadd.f32 v0, v8;
	v8 =	vld [tilespmem:$0x1FDB0];
	_ =	sdelay $0x1  }
0xe0: {  	v5 =	vadd.f32 v5, v7;
	v7 =	vadd.f32 v38, v37  }
0xe1: {  	[tilespmem:s10+$0x12870] =	vst v2;
	v2 =	vld [tilespmem:s10+$0xCC60]  }
0xe2: {  	v1 =	vadd.f32 v1, v7;
	v7 =	vld [tilespmem:$0x1FDD0]  }
0xe3: {  	v8 =	vadd.f32 v9, v8;
	v9 =	vld [tilespmem:$0x1FDE0];
	_ =	sdelay $0x2  }
0xe4: {  	[tilespmem:s10+$0x12C00] =	vst v4;
	v4 =	vld [tilespmem:s10+$0xCC70]  }
0xe5: {  	v2 =	vadd.f32 v2, v8;
	v8 =	vld [tilespmem:$0x1FDF0]  }
0xe6: {  	v7 =	vadd.f32 v9, v7;
	v9 =	vld [tilespmem:$0x1FE00];
	_ =	sdelay $0x2  }
0xe7: {  	[tilespmem:s10+$0x12C10] =	vst v3;
	v3 =	vld [tilespmem:s10+$0xD000]  }
0xe8: {  	v4 =	vadd.f32 v4, v7;
	v7 =	vld [tilespmem:$0x1FE10]  }
0xe9: {  	v8 =	vadd.f32 v9, v8;
	v9 =	vld [tilespmem:$0x1FE20];
	_ =	sdelay $0x1  }
0xea: {  	[tilespmem:s10+$0x12C20] =	vst v6;
	v6 =	vld [tilespmem:s10+$0xD010]  }
0xeb: {  	v3 =	vadd.f32 v3, v8  }
0xec: {  	v8 =	vld [tilespmem:$0x1FE30]  }
0xed: {  	[tilespmem:s10+$0x13000] =	vst v3;
	v3 =	vld [tilespmem:$0x1FE50];
	v7 =	vadd.f32 v9, v7  }
0xee: {  	v9 =	vld [tilespmem:$0x1FE40]  }
0xef: {  	v6 =	vadd.f32 v6, v7;
	v7 =	vld [tilespmem:$0x1FE60]  }
0xf0: {  	[tilespmem:s10+$0x12C30] =	vst v5;
	v5 =	vld [tilespmem:s10+$0xD020]  }
0xf1: {  	[tilespmem:s10+$0x12C40] =	vst v0;
	v0 =	vld [tilespmem:s10+$0xD030];
	_ =	sdelay $0x1  }
0xf2: {  	v8 =	vadd.f32 v9, v8  }
0xf3: {  	[tilespmem:s10+$0x13010] =	vst v6;
	v6 =	vld [tilespmem:$0x1FE70];
	v3 =	vadd.f32 v7, v3  }
0xf4: {  	v5 =	vadd.f32 v5, v8;
	v7 =	vld [tilespmem:$0x1FE80]  }
0xf5: {  	v0 =	vadd.f32 v0, v3;
	v3 =	vld [tilespmem:$0x1FE90]  }
0xf6: {  	[tilespmem:s10+$0x13020] =	vst v5;
	v5 =	vld [tilespmem:$0x1FEA0];
	_ =	sdelay $0x3  }
0xf7: {  	v6 =	vadd.f32 v7, v6;
	v7 =	vld [tilespmem:$0x1FEC0]  }
0xf8: {  	v3 =	vadd.f32 v5, v3;
	v5 =	vld [tilespmem:$0x1FEB0];
	_ =	sdelay $0x4  }
0xf9: {  	v8 =	vadd.f32 v7, v5;
	v5 =	vld [tilespmem:$0x1FED0]  }
0xfa: {  	v7 =	vld [tilespmem:$0x1FEE0];
	_ =	sdelay $0x3  }
0xfb: {  	[tilespmem:s10+$0x13030] =	vst v0;
	v0 =	vld [tilespmem:$0x1FEF0]  }
0xfc: {  	v14 =	vadd.f32 v7, v5;
	v5 =	vld [tilespmem:$0x1FF00];
	_ =	sdelay $0x4  }
0xfd: {  	v15 =	vadd.f32 v5, v0;
	v0 =	vld [tilespmem:$0x1FF10]  }
0xfe: {  	v5 =	vld [tilespmem:$0x1FF20];
	_ =	sdelay $0x2  }
0xff: {  	[tilespmem:s10+$0x12C50] =	vst v1;
	v1 =	vld [tilespmem:s10+$0xD040]  }
0x100: {  	[tilespmem:s10+$0x12C60] =	vst v2;
	v2 =	vld [tilespmem:s10+$0xD050]  }
0x101: {  	v7 =	vadd.f32 v5, v0;
	v0 =	vld [tilespmem:$0x1FF30]  }
0x102: {  	v5 =	vld [tilespmem:$0x1FF40];
	_ =	sdelay $0x1  }
0x103: {  	v1 =	vadd.f32 v1, v6;
	_ =	sdelay $0x1  }
0x104: {  	[tilespmem:s10+$0x13040] =	vst v1;
	v1 =	vld [tilespmem:$0x1FF50]  }
0x105: {  	v5 =	vadd.f32 v5, v0;
	v0 =	vadd.f32 v2, v3;
	v2 =	vld [tilespmem:$0x1FF60];
	_ =	sdelay $0x4  }
0x106: {  	v9 =	vadd.f32 v2, v1;
	v1 =	vld [tilespmem:$0x1FF70]  }
0x107: {  	v2 =	vld [tilespmem:$0x1FF80];
	_ =	sdelay $0x4  }
0x108: {  	v10 =	vadd.f32 v2, v1;
	v1 =	vld [tilespmem:$0x1FF90]  }
0x109: {  	v2 =	vld [tilespmem:$0x1FFA0];
	_ =	sdelay $0x2  }
0x10a: {  	v12 =	vld [tilespmem:s10+$0xD070]  }
0x10b: {  	[tilespmem:s10+$0x12C70] =	vst v4;
	v4 =	vld [tilespmem:s10+$0xD060]  }
0x10c: {  	v13 =	vadd.f32 v2, v1;
	v1 =	vld [tilespmem:$0x1FFB0]  }
0x10d: {  	v2 =	vld [tilespmem:$0x1FFC0]  }
0x10e: {  	v25 =	vld [tilespmem:s10+$0xD400]  }
0x10f: {  	v20 =	vld [tilespmem:s10+$0xD410]  }
0x110: {  	v6 =	vld [tilespmem:s10+$0xD420]  }
0x111: {  	s26 =	simm.s32 $0x0;
	s19 =	simm.s32 $0x2;
	s15 =	sshll.u32 s14, $0x5;
	v8 =	vadd.f32 v4, v8;
	v3 =	vld [tilespmem:s10+$0xD430]  }
0x112: {  	s25 =	smul.u32 $0x1800, s26;
	s11 =	simm.s32 $0x80;
	s16 =	sor.u32 s6, s15;
	v4 =	vld [tilespmem:s10+$0xD440];
	v12 =	vadd.f32 v12, v14;
	[tilespmem:s10+$0x13050] =	vst v0;
	v11 =	vadd.f32 v2, v1  }
.LBB2_3:
0x113: {  	p1 =	sne.s32 s19, $0xF;
	s26 =	sand.u32 $0x380, s11;
	[tilespmem:s10+$0x13060] =	vst v8;
	v0 =	vadd.f32 v25, v15;
	v1 =	vld [tilespmem:s10+$0xD450]  }
0x114: {  	s25 =	sor.u32 s26, s25;
	[tilespmem:s10+$0x13070] =	vst v12;
	v2 =	vadd.f32 v20, v7;
	v7 =	vld [tilespmem:s10+$0xD460]  }
0x115: {  	v8 =	vld [tilespmem:s25+$0x1470];
	[tilespmem:s10+$0x13400] =	vst v0;
	v0 =	vadd.f32 v6, v5  }
0x116: {  	v5 =	vld [tilespmem:s25+$0x7470];
	[tilespmem:s10+$0x13410] =	vst v2;
	v2 =	vadd.f32 v3, v9  }
0x117: {  	v3 =	vld [tilespmem:s25+$0x0];
	[tilespmem:s10+$0x13420] =	vst v0;
	v0 =	vadd.f32 v4, v10  }
0x118: {  	v4 =	vld [tilespmem:s25+$0xD470];
	[tilespmem:s10+$0x13430] =	vst v2;
	v1 =	vadd.f32 v1, v13  }
0x119: {  	v2 =	vld [tilespmem:s25+$0x6000];
	[tilespmem:s10+$0x13440] =	vst v0;
	v0 =	vadd.f32 v7, v11  }
0x11a: {  	v6 =	vld [tilespmem:s25+$0x10];
	[tilespmem:s10+$0x13450] =	vst v1  }
0x11b: {  	v1 =	vld [tilespmem:s25+$0x6010];
	v5 =	vadd.f32 v5, v8;
	[tilespmem:s10+$0x13460] =	vst v0;
	s10 =	smov.u32 s25  }
0x11c: {  	v0 =	vld [tilespmem:s10+$0x20]  }
0x11d: {  	v7 =	vld [tilespmem:s10+$0x6020];
	v4 =	vadd.f32 v4, v5  }
0x11e: {  	v3 =	vadd.f32 v2, v3;
	v2 =	vld [tilespmem:s10+$0x30]  }
0x11f: {  	v5 =	vld [tilespmem:s10+$0x6030];
	[tilespmem:s10+$0x13470] =	vst v4  }
0x120: {  	v4 =	vadd.f32 v1, v6;
	v1 =	vld [tilespmem:s10+$0x40]  }
0x121: {  	v9 =	vld [tilespmem:s10+$0x6040]  }
0x122: {  	v6 =	vadd.f32 v7, v0;
	v0 =	vld [tilespmem:s10+$0x50]  }
0x123: {  	v7 =	vld [tilespmem:s10+$0x6050]  }
0x124: {  	v8 =	vadd.f32 v5, v2;
	v2 =	vld [tilespmem:s10+$0x60]  }
0x125: {  	v5 =	vld [tilespmem:s10+$0x6060]  }
0x126: {  	v12 =	vadd.f32 v9, v1;
	v1 =	vld [tilespmem:s10+$0x70]  }
0x127: {  	v9 =	vld [tilespmem:s10+$0x6070]  }
0x128: {  	v14 =	vadd.f32 v7, v0;
	v0 =	vld [tilespmem:s10+$0x400]  }
0x129: {  	v7 =	vld [tilespmem:s10+$0x6400]  }
0x12a: {  	v16 =	vadd.f32 v5, v2;
	v2 =	vld [tilespmem:s10+$0x410]  }
0x12b: {  	v5 =	vld [tilespmem:s10+$0x6410]  }
0x12c: {  	v17 =	vadd.f32 v9, v1;
	v1 =	vld [tilespmem:s10+$0x420]  }
0x12d: {  	v9 =	vld [tilespmem:s10+$0x6420]  }
0x12e: {  	v18 =	vadd.f32 v7, v0;
	v0 =	vld [tilespmem:s10+$0x430]  }
0x12f: {  	v7 =	vld [tilespmem:s10+$0x6430]  }
0x130: {  	v19 =	vadd.f32 v5, v2;
	v2 =	vld [tilespmem:s10+$0x440]  }
0x131: {  	v5 =	vld [tilespmem:s10+$0x6440]  }
0x132: {  	v20 =	vadd.f32 v9, v1;
	v1 =	vld [tilespmem:s10+$0x450]  }
0x133: {  	v9 =	vld [tilespmem:s10+$0x6450]  }
0x134: {  	v21 =	vadd.f32 v7, v0;
	v0 =	vld [tilespmem:s10+$0x460]  }
0x135: {  	v7 =	vld [tilespmem:s10+$0x6460]  }
0x136: {  	v22 =	vadd.f32 v5, v2;
	v2 =	vld [tilespmem:s10+$0x470]  }
0x137: {  	v5 =	vld [tilespmem:s10+$0x6470]  }
0x138: {  	v23 =	vadd.f32 v9, v1;
	v1 =	vld [tilespmem:s10+$0x800]  }
0x139: {  	v9 =	vld [tilespmem:s10+$0x6800]  }
0x13a: {  	v24 =	vadd.f32 v7, v0;
	v0 =	vld [tilespmem:s10+$0x810]  }
0x13b: {  	v7 =	vld [tilespmem:s10+$0x6810]  }
0x13c: {  	v25 =	vadd.f32 v5, v2;
	v2 =	vld [tilespmem:s10+$0x820]  }
0x13d: {  	v5 =	vld [tilespmem:s10+$0x6820]  }
0x13e: {  	v26 =	vadd.f32 v9, v1;
	v1 =	vld [tilespmem:s10+$0x830]  }
0x13f: {  	v9 =	vld [tilespmem:s10+$0x6830]  }
0x140: {  	v27 =	vadd.f32 v7, v0;
	v0 =	vld [tilespmem:s10+$0x840]  }
0x141: {  	v7 =	vld [tilespmem:s10+$0x6840]  }
0x142: {  	v28 =	vadd.f32 v5, v2;
	v2 =	vld [tilespmem:s10+$0x850]  }
0x143: {  	v5 =	vld [tilespmem:s10+$0x6850]  }
0x144: {  	v29 =	vadd.f32 v9, v1;
	v1 =	vld [tilespmem:s10+$0x860]  }
0x145: {  	v9 =	vld [tilespmem:s10+$0x6860]  }
0x146: {  	v30 =	vadd.f32 v7, v0;
	v0 =	vld [tilespmem:s10+$0x870]  }
0x147: {  	v7 =	vld [tilespmem:s10+$0x6870]  }
0x148: {  	v31 =	vadd.f32 v5, v2;
	v2 =	vld [tilespmem:s10+$0xC00]  }
0x149: {  	v5 =	vld [tilespmem:s10+$0x6C00]  }
0x14a: {  	v32 =	vadd.f32 v9, v1;
	v1 =	vld [tilespmem:s10+$0xC10]  }
0x14b: {  	v9 =	vld [tilespmem:s10+$0x6C10]  }
0x14c: {  	v33 =	vadd.f32 v7, v0;
	v0 =	vld [tilespmem:s10+$0xC20]  }
0x14d: {  	v7 =	vld [tilespmem:s10+$0x6C20]  }
0x14e: {  	v34 =	vadd.f32 v5, v2;
	v2 =	vld [tilespmem:s10+$0xC30]  }
0x14f: {  	v5 =	vld [tilespmem:s10+$0x6C30]  }
0x150: {  	v35 =	vadd.f32 v9, v1;
	v1 =	vld [tilespmem:s10+$0xC40]  }
0x151: {  	v9 =	vld [tilespmem:s10+$0x6C40]  }
0x152: {  	v36 =	vadd.f32 v7, v0;
	v0 =	vld [tilespmem:s10+$0xC50]  }
0x153: {  	v7 =	vld [tilespmem:s10+$0x6C50]  }
0x154: {  	v37 =	vadd.f32 v5, v2;
	v2 =	vld [tilespmem:s10+$0xC60]  }
0x155: {  	v5 =	vld [tilespmem:s10+$0x6C60]  }
0x156: {  	v38 =	vadd.f32 v9, v1;
	v1 =	vld [tilespmem:s10+$0xC70]  }
0x157: {  	v9 =	vld [tilespmem:s10+$0x6C70]  }
0x158: {  	v39 =	vadd.f32 v7, v0;
	v0 =	vld [tilespmem:s10+$0x1000]  }
0x159: {  	v7 =	vld [tilespmem:s10+$0x7000]  }
0x15a: {  	v40 =	vadd.f32 v5, v2;
	v2 =	vld [tilespmem:s10+$0x1010]  }
0x15b: {  	v5 =	vld [tilespmem:s10+$0x7010]  }
0x15c: {  	v41 =	vadd.f32 v9, v1;
	v1 =	vld [tilespmem:s10+$0x1020]  }
0x15d: {  	v9 =	vld [tilespmem:s10+$0x7020]  }
0x15e: {  	v42 =	vadd.f32 v7, v0;
	v0 =	vld [tilespmem:s10+$0x1030]  }
0x15f: {  	v7 =	vld [tilespmem:s10+$0x7030]  }
0x160: {  	v43 =	vadd.f32 v5, v2;
	v2 =	vld [tilespmem:s10+$0x1040]  }
0x161: {  	v5 =	vld [tilespmem:s10+$0x7040]  }
0x162: {  	v44 =	vadd.f32 v9, v1;
	v1 =	vld [tilespmem:s10+$0x1050]  }
0x163: {  	v9 =	vld [tilespmem:s10+$0x7050]  }
0x164: {  	v45 =	vadd.f32 v7, v0;
	v0 =	vld [tilespmem:s10+$0x1060]  }
0x165: {  	v7 =	vld [tilespmem:s10+$0x7060]  }
0x166: {  	v46 =	vadd.f32 v5, v2;
	v2 =	vld [tilespmem:s10+$0x1070]  }
0x167: {  	v5 =	vld [tilespmem:s10+$0x7070]  }
0x168: {  	v48 =	vadd.f32 v9, v1;
	v1 =	vld [tilespmem:s10+$0x1400]  }
0x169: {  	v9 =	vld [tilespmem:s10+$0x7400]  }
0x16a: {  	v49 =	vadd.f32 v7, v0;
	v0 =	vld [tilespmem:s10+$0x1410]  }
0x16b: {  	v7 =	vld [tilespmem:s10+$0x7410]  }
0x16c: {  	v47 =	vadd.f32 v5, v2;
	v2 =	vld [tilespmem:s10+$0x1420]  }
0x16d: {  	v5 =	vld [tilespmem:s10+$0x7420]  }
0x16e: {  	v15 =	vadd.f32 v9, v1;
	v1 =	vld [tilespmem:s10+$0x1430]  }
0x16f: {  	v9 =	vld [tilespmem:s10+$0x7430]  }
0x170: {  	v7 =	vadd.f32 v7, v0;
	v0 =	vld [tilespmem:s10+$0x1440]  }
0x171: {  	v10 =	vld [tilespmem:s10+$0x7440]  }
0x172: {  	v5 =	vadd.f32 v5, v2;
	v2 =	vld [tilespmem:s10+$0x1450]  }
0x173: {  	v11 =	vld [tilespmem:s10+$0x7450]  }
0x174: {  	v9 =	vadd.f32 v9, v1;
	v1 =	vld [tilespmem:s10+$0x1460]  }
0x175: {  	v50 =	vld [tilespmem:s10+$0x7460]  }
0x176: {  	v51 =	vld [tilespmem:s10+$0xC000];
	v10 =	vadd.f32 v10, v0  }
0x177: {  	v0 =	vld [tilespmem:s10+$0xC010]  }
0x178: {  	v52 =	vld [tilespmem:s10+$0xC020];
	v13 =	vadd.f32 v11, v2  }
0x179: {  	v2 =	vld [tilespmem:s10+$0xC030]  }
0x17a: {  	v53 =	vld [tilespmem:s10+$0xC040];
	v11 =	vadd.f32 v50, v1  }
0x17b: {  	v1 =	vadd.f32 v51, v3;
	v3 =	vld [tilespmem:s10+$0xC050]  }
0x17c: {  	v0 =	vadd.f32 v0, v4;
	v4 =	vld [tilespmem:s10+$0xC060]  }
0x17d: {  	[tilespmem:s10+$0x12000] =	vst v1;
	v1 =	vadd.f32 v52, v6;
	v6 =	vld [tilespmem:s10+$0xC070]  }
0x17e: {  	[tilespmem:s10+$0x12010] =	vst v0;
	v0 =	vadd.f32 v2, v8;
	v2 =	vld [tilespmem:s10+$0xC400]  }
0x17f: {  	[tilespmem:s10+$0x12020] =	vst v1;
	v1 =	vadd.f32 v53, v12;
	v8 =	vld [tilespmem:s10+$0xC410]  }
0x180: {  	[tilespmem:s10+$0x12030] =	vst v0;
	v0 =	vadd.f32 v3, v14;
	v3 =	vld [tilespmem:s10+$0xC420]  }
0x181: {  	[tilespmem:s10+$0x12040] =	vst v1;
	v1 =	vadd.f32 v4, v16;
	v4 =	vld [tilespmem:s10+$0xC430]  }
0x182: {  	[tilespmem:s10+$0x12050] =	vst v0;
	v0 =	vadd.f32 v6, v17;
	v6 =	vld [tilespmem:s10+$0xC440]  }
0x183: {  	[tilespmem:s10+$0x12060] =	vst v1;
	v1 =	vadd.f32 v2, v18;
	v2 =	vld [tilespmem:s10+$0xC450]  }
0x184: {  	[tilespmem:s10+$0x12070] =	vst v0;
	v0 =	vadd.f32 v8, v19;
	v8 =	vld [tilespmem:s10+$0xC460]  }
0x185: {  	[tilespmem:s10+$0x12400] =	vst v1;
	v1 =	vadd.f32 v3, v20;
	v3 =	vld [tilespmem:s10+$0xC470]  }
0x186: {  	[tilespmem:s10+$0x12410] =	vst v0;
	v0 =	vadd.f32 v4, v21;
	v4 =	vld [tilespmem:s10+$0xC800]  }
0x187: {  	[tilespmem:s10+$0x12420] =	vst v1;
	v1 =	vadd.f32 v6, v22;
	v6 =	vld [tilespmem:s10+$0xC810]  }
0x188: {  	[tilespmem:s10+$0x12430] =	vst v0;
	v0 =	vadd.f32 v2, v23;
	v2 =	vld [tilespmem:s10+$0xC820]  }
0x189: {  	[tilespmem:s10+$0x12440] =	vst v1;
	v1 =	vadd.f32 v8, v24;
	v8 =	vld [tilespmem:s10+$0xC830]  }
0x18a: {  	[tilespmem:s10+$0x12450] =	vst v0;
	v0 =	vadd.f32 v3, v25;
	v3 =	vld [tilespmem:s10+$0xC840]  }
0x18b: {  	[tilespmem:s10+$0x12460] =	vst v1;
	v1 =	vadd.f32 v4, v26;
	v4 =	vld [tilespmem:s10+$0xC850]  }
0x18c: {  	[tilespmem:s10+$0x12470] =	vst v0;
	v0 =	vadd.f32 v6, v27;
	v6 =	vld [tilespmem:s10+$0xC860]  }
0x18d: {  	[tilespmem:s10+$0x12800] =	vst v1;
	v1 =	vadd.f32 v2, v28;
	v2 =	vld [tilespmem:s10+$0xC870]  }
0x18e: {  	[tilespmem:s10+$0x12810] =	vst v0;
	v0 =	vadd.f32 v8, v29;
	v8 =	vld [tilespmem:s10+$0xCC00]  }
0x18f: {  	[tilespmem:s10+$0x12820] =	vst v1;
	v1 =	vadd.f32 v3, v30;
	v3 =	vld [tilespmem:s10+$0xCC10]  }
0x190: {  	[tilespmem:s10+$0x12830] =	vst v0;
	v0 =	vadd.f32 v4, v31;
	v4 =	vld [tilespmem:s10+$0xCC20]  }
0x191: {  	[tilespmem:s10+$0x12840] =	vst v1;
	v1 =	vadd.f32 v6, v32;
	v6 =	vld [tilespmem:s10+$0xCC30]  }
0x192: {  	[tilespmem:s10+$0x12850] =	vst v0;
	v0 =	vadd.f32 v2, v33;
	v2 =	vld [tilespmem:s10+$0xCC40]  }
0x193: {  	[tilespmem:s10+$0x12860] =	vst v1;
	v1 =	vadd.f32 v8, v34;
	v8 =	vld [tilespmem:s10+$0xCC50]  }
0x194: {  	[tilespmem:s10+$0x12870] =	vst v0;
	v0 =	vadd.f32 v3, v35;
	v3 =	vld [tilespmem:s10+$0xCC60]  }
0x195: {  	[tilespmem:s10+$0x12C00] =	vst v1;
	v1 =	vadd.f32 v4, v36;
	v4 =	vld [tilespmem:s10+$0xCC70]  }
0x196: {  	[tilespmem:s10+$0x12C10] =	vst v0;
	v0 =	vadd.f32 v6, v37;
	v6 =	vld [tilespmem:s10+$0xD000]  }
0x197: {  	[tilespmem:s10+$0x12C20] =	vst v1;
	v1 =	vadd.f32 v2, v38;
	v2 =	vld [tilespmem:s10+$0xD010]  }
0x198: {  	[tilespmem:s10+$0x12C30] =	vst v0;
	v0 =	vadd.f32 v8, v39;
	v8 =	vld [tilespmem:s10+$0xD020]  }
0x199: {  	[tilespmem:s10+$0x12C40] =	vst v1;
	v1 =	vadd.f32 v3, v40;
	v3 =	vld [tilespmem:s10+$0xD030]  }
0x19a: {  	[tilespmem:s10+$0x12C50] =	vst v0;
	v0 =	vadd.f32 v4, v41;
	v4 =	vld [tilespmem:s10+$0xD040]  }
0x19b: {  	[tilespmem:s10+$0x12C60] =	vst v1;
	v1 =	vadd.f32 v6, v42;
	v6 =	vld [tilespmem:s10+$0xD050]  }
0x19c: {  	[tilespmem:s10+$0x12C70] =	vst v0;
	v0 =	vadd.f32 v2, v43;
	v2 =	vld [tilespmem:s10+$0xD060]  }
0x19d: {  	[tilespmem:s10+$0x13000] =	vst v1;
	v1 =	vadd.f32 v8, v44;
	v12 =	vld [tilespmem:s10+$0xD070]  }
.Ltmp2:
0x19e: {  	[tilespmem:s10+$0x13010] =	vst v0;
	v0 =	vadd.f32 v3, v45;
	v25 =	vld [tilespmem:s10+$0xD400];
	(pc) =	sbr.rel @p1 .LBB2_3-.Ltmp2, $4  }
0x19f: {  	[tilespmem:s10+$0x13020] =	vst v1;
	v1 =	vadd.f32 v4, v46;
	v20 =	vld [tilespmem:s10+$0xD410]  }
0x1a0: {  	[tilespmem:s10+$0x13030] =	vst v0;
	v0 =	vadd.f32 v6, v48;
	v6 =	vld [tilespmem:s10+$0xD420]  }
0x1a1: {  	s25 =	sshrl.u32 s19, $0x3;
	[tilespmem:s10+$0x13040] =	vst v1;
	v8 =	vadd.f32 v2, v49;
	v3 =	vld [tilespmem:s10+$0xD430]  }
0x1a2: {  	s11 =	sadd.s32 $0x80, s11;
	s19 =	sadd.s32 $0x1, s19;
	s25 =	smul.u32 $0x1800, s25;
	[tilespmem:s10+$0x13050] =	vst v0;
	v12 =	vadd.f32 v12, v47;
	v4 =	vld [tilespmem:s10+$0xD440]  }
0x1a3: {  	[tilespmem:s10+$0x13060] =	vst v8;
	v0 =	vld [tilespmem:s10+$0xD450];
	s11 =	sand.u32 $0x380, s11;
	v1 =	vadd.f32 v25, v15  }
0x1a4: {  	v2 =	vld [tilespmem:s10+$0xD460];
	[tilespmem:s10+$0x13070] =	vst v12;
	s11 =	sor.u32 s11, s25;
	v7 =	vadd.f32 v20, v7  }
0x1a5: {  	v61 =	vld [tilespmem:s11+$0x1470];
	[tilespmem:s10+$0x13400] =	vst v1;
	v5 =	vadd.f32 v6, v5  }
0x1a6: {  	v17 =	vld [tilespmem:s11+$0x7470];
	[tilespmem:s10+$0x13410] =	vst v7;
	v3 =	vadd.f32 v3, v9  }
0x1a7: {  	v62 =	vld [tilespmem:s11+$0x0];
	[tilespmem:s10+$0x13420] =	vst v5;
	v4 =	vadd.f32 v4, v10  }
0x1a8: {  	v63 =	vld [tilespmem:s11+$0xD470];
	[tilespmem:s10+$0x13430] =	vst v3;
	v0 =	vadd.f32 v0, v13  }
0x1a9: {  	v2 =	vadd.f32 v2, v11;
	v8 =	vld [tilespmem:s11+$0x6000];
	[tilespmem:s10+$0x13440] =	vst v4  }
0x1aa: {  	v9 =	vld [tilespmem:s11+$0x10];
	[tilespmem:s10+$0x13450] =	vst v0  }
0x1ab: {  	v3 =	vld [tilespmem:s11+$0x6010];
	[tilespmem:s10+$0x13460] =	vst v2  }
0x1ac: {  	v0 =	vld [tilespmem:s11+$0xC50];
	_ =	sdelay $0x4  }
0x1ad: {  	[tilespmem:$0x1FB80] =	vst v0;
	v0 =	vld [tilespmem:s11+$0xC60];
	_ =	sdelay $0x4  }
0x1ae: {  	[tilespmem:$0x1FB90] =	vst v0;
	v0 =	vld [tilespmem:s11+$0x6C60];
	_ =	sdelay $0x4  }
0x1af: {  	[tilespmem:$0x1FBA0] =	vst v0;
	v0 =	vld [tilespmem:s11+$0xC70];
	_ =	sdelay $0x4  }
0x1b0: {  	[tilespmem:$0x1FBB0] =	vst v0;
	v0 =	vld [tilespmem:s11+$0x6C70];
	_ =	sdelay $0x1  }
0x1b1: {  	v4 =	vld [tilespmem:s11+$0x20]  }
0x1b2: {  	v2 =	vld [tilespmem:s11+$0x6020]  }
0x1b3: {  	v6 =	vld [tilespmem:s11+$0x30]  }
0x1b4: {  	[tilespmem:$0x1FBC0] =	vst v0;
	v0 =	vld [tilespmem:s11+$0x1000]  }
0x1b5: {  	v5 =	vld [tilespmem:s11+$0x6030]  }
0x1b6: {  	v10 =	vld [tilespmem:s11+$0x40]  }
0x1b7: {  	v7 =	vld [tilespmem:s11+$0x6040]  }
0x1b8: {  	v12 =	vld [tilespmem:s11+$0x50]  }
0x1b9: {  	[tilespmem:$0x1FBD0] =	vst v0;
	v0 =	vld [tilespmem:s11+$0x7000]  }
0x1ba: {  	v11 =	vld [tilespmem:s11+$0x6050]  }
0x1bb: {  	v14 =	vld [tilespmem:s11+$0x60]  }
0x1bc: {  	v13 =	vld [tilespmem:s11+$0x6060]  }
0x1bd: {  	v16 =	vld [tilespmem:s11+$0x70]  }
0x1be: {  	[tilespmem:$0x1FBE0] =	vst v0;
	v0 =	vld [tilespmem:s11+$0x1010]  }
0x1bf: {  	v15 =	vld [tilespmem:s11+$0x6070]  }
0x1c0: {  	v19 =	vld [tilespmem:s11+$0x400]  }
0x1c1: {  	v18 =	vld [tilespmem:s11+$0x6400]  }
0x1c2: {  	v21 =	vld [tilespmem:s11+$0x410]  }
0x1c3: {  	[tilespmem:$0x1FBF0] =	vst v0;
	v0 =	vld [tilespmem:s11+$0x7010]  }
0x1c4: {  	v20 =	vld [tilespmem:s11+$0x6410]  }
0x1c5: {  	v23 =	vld [tilespmem:s11+$0x420]  }
0x1c6: {  	v22 =	vld [tilespmem:s11+$0x6420]  }
0x1c7: {  	v25 =	vld [tilespmem:s11+$0x430]  }
0x1c8: {  	[tilespmem:$0x1FC00] =	vst v0;
	v0 =	vld [tilespmem:s11+$0x1020]  }
0x1c9: {  	v24 =	vld [tilespmem:s11+$0x6430]  }
0x1ca: {  	v27 =	vld [tilespmem:s11+$0x440]  }
0x1cb: {  	v26 =	vld [tilespmem:s11+$0x6440]  }
0x1cc: {  	v29 =	vld [tilespmem:s11+$0x450]  }
0x1cd: {  	[tilespmem:$0x1FC10] =	vst v0;
	v0 =	vld [tilespmem:s11+$0x7020]  }
0x1ce: {  	v28 =	vld [tilespmem:s11+$0x6450]  }
0x1cf: {  	v31 =	vld [tilespmem:s11+$0x460]  }
0x1d0: {  	v30 =	vld [tilespmem:s11+$0x6460]  }
0x1d1: {  	v33 =	vld [tilespmem:s11+$0x470]  }
0x1d2: {  	[tilespmem:$0x1FC20] =	vst v0;
	v0 =	vld [tilespmem:s11+$0x1030]  }
0x1d3: {  	v32 =	vld [tilespmem:s11+$0x6470]  }
0x1d4: {  	v35 =	vld [tilespmem:s11+$0x800]  }
0x1d5: {  	v34 =	vld [tilespmem:s11+$0x6800]  }
0x1d6: {  	v37 =	vld [tilespmem:s11+$0x810]  }
0x1d7: {  	[tilespmem:$0x1FC30] =	vst v0;
	v0 =	vld [tilespmem:s11+$0x7030]  }
0x1d8: {  	v36 =	vld [tilespmem:s11+$0x6810]  }
0x1d9: {  	v59 =	vld [tilespmem:s11+$0x820]  }
0x1da: {  	v60 =	vld [tilespmem:s11+$0x6820]  }
0x1db: {  	v57 =	vld [tilespmem:s11+$0x830]  }
0x1dc: {  	[tilespmem:$0x1FC40] =	vst v0;
	v0 =	vld [tilespmem:s11+$0x1040]  }
0x1dd: {  	v58 =	vld [tilespmem:s11+$0x6830]  }
0x1de: {  	v55 =	vld [tilespmem:s11+$0x840]  }
0x1df: {  	v56 =	vld [tilespmem:s11+$0x6840]  }
0x1e0: {  	v53 =	vld [tilespmem:s11+$0x850]  }
0x1e1: {  	[tilespmem:$0x1FC50] =	vst v0;
	v0 =	vld [tilespmem:s11+$0x7040]  }
0x1e2: {  	v54 =	vld [tilespmem:s11+$0x6850]  }
0x1e3: {  	v51 =	vld [tilespmem:s11+$0x860]  }
0x1e4: {  	v52 =	vld [tilespmem:s11+$0x6860]  }
0x1e5: {  	v49 =	vld [tilespmem:s11+$0x870]  }
0x1e6: {  	[tilespmem:$0x1FC60] =	vst v0;
	v0 =	vld [tilespmem:s11+$0x1050]  }
0x1e7: {  	v50 =	vld [tilespmem:s11+$0x6870]  }
0x1e8: {  	v47 =	vld [tilespmem:s11+$0xC00]  }
0x1e9: {  	v48 =	vld [tilespmem:s11+$0x6C00]  }
0x1ea: {  	v45 =	vld [tilespmem:s11+$0xC10]  }
0x1eb: {  	[tilespmem:$0x1FC70] =	vst v0;
	v0 =	vld [tilespmem:s11+$0x7050]  }
0x1ec: {  	v46 =	vld [tilespmem:s11+$0x6C10]  }
0x1ed: {  	v43 =	vld [tilespmem:s11+$0xC20]  }
0x1ee: {  	v44 =	vld [tilespmem:s11+$0x6C20]  }
0x1ef: {  	v41 =	vld [tilespmem:s11+$0xC30]  }
0x1f0: {  	[tilespmem:$0x1FC80] =	vst v0;
	v0 =	vld [tilespmem:s11+$0x1060]  }
0x1f1: {  	v42 =	vld [tilespmem:s11+$0x6C30]  }
0x1f2: {  	v39 =	vld [tilespmem:s11+$0xC40]  }
0x1f3: {  	v40 =	vld [tilespmem:s11+$0x6C40]  }
0x1f4: {  	v38 =	vld [tilespmem:s11+$0x6C50]  }
0x1f5: {  	[tilespmem:$0x1FC90] =	vst v0;
	v0 =	vld [tilespmem:s11+$0x7060]  }
0x1f6: {  	v1 =	vld [tilespmem:s11+$0xC010]  }
0x1f7: {  	v17 =	vadd.f32 v17, v61;
	v61 =	vld [tilespmem:s11+$0xC020]  }
0x1f8: {  	v8 =	vadd.f32 v8, v62;
	v62 =	vld [tilespmem:s11+$0xC030]  }
0x1f9: {  	v3 =	vadd.f32 v3, v9;
	v9 =	vld [tilespmem:s11+$0xC040]  }
0x1fa: {  	[tilespmem:$0x1FCA0] =	vst v0;
	v0 =	vld [tilespmem:s11+$0x1070]  }
0x1fb: {  	v2 =	vadd.f32 v2, v4;
	v4 =	vld [tilespmem:s11+$0xC050]  }
0x1fc: {  	v5 =	vadd.f32 v5, v6;
	v6 =	vld [tilespmem:s11+$0xC410]  }
0x1fd: {  	v16 =	vadd.f32 v15, v16;
	v15 =	vadd.f32 v22, v23;
	v23 =	vld [tilespmem:s11+$0xC470]  }
0x1fe: {  	v1 =	vadd.f32 v1, v3;
	v3 =	vld [tilespmem:s11+$0xC060]  }
0x1ff: {  	v17 =	vadd.f32 v63, v17;
	v63 =	vadd.f32 v11, v12;
	[tilespmem:$0x1FCB0] =	vst v0;
	v0 =	vld [tilespmem:s11+$0x7070]  }
0x200: {  	v61 =	vadd.f32 v61, v2;
	v2 =	vld [tilespmem:s11+$0xC070];
	v12 =	vadd.f32 v62, v5  }
0x201: {  	[tilespmem:s11+$0x13470] =	vst v17;
	v5 =	vld [tilespmem:s11+$0xC400]  }
0x202: {  	[tilespmem:s11+$0x12030] =	vst v12;
	v12 =	vadd.f32 v20, v21;
	v20 =	vld [tilespmem:s11+$0xC460]  }
0x203: {  	[tilespmem:s11+$0x12020] =	vst v61;
	v21 =	vadd.f32 v26, v27;
	v26 =	vld [tilespmem:s11+$0xC800]  }
0x204: {  	v17 =	vadd.f32 v7, v10;
	v61 =	vadd.f32 v18, v19;
	[tilespmem:$0x1FCC0] =	vst v0;
	v0 =	vld [tilespmem:s11+$0x1400]  }
0x205: {  	v18 =	vadd.f32 v24, v25;
	v24 =	vadd.f32 v28, v29;
	v29 =	vld [tilespmem:s11+$0xC810]  }
0x206: {  	v27 =	vadd.f32 v30, v31;
	v30 =	vadd.f32 v32, v33;
	v32 =	vld [tilespmem:s11+$0xC820]  }
0x207: {  	v13 =	vadd.f32 v13, v14;
	v33 =	vadd.f32 v34, v35;
	v35 =	vld [tilespmem:s11+$0xC830]  }
0x208: {  	v14 =	vadd.f32 v9, v17;
	v17 =	vadd.f32 v4, v63;
	v4 =	vld [tilespmem:s11+$0xC420]  }
0x209: {  	[tilespmem:$0x1FCD0] =	vst v0;
	v0 =	vld [tilespmem:s11+$0x7400]  }
0x20a: {  	v63 =	vld [tilespmem:s11+$0xC430]  }
0x20b: {  	[tilespmem:s11+$0x12040] =	vst v14;
	v14 =	vld [tilespmem:s11+$0xC440]  }
0x20c: {  	v19 =	vadd.f32 v6, v12;
	v12 =	vld [tilespmem:s11+$0xC850]  }
0x20d: {  	v36 =	vadd.f32 v36, v37;
	v37 =	vadd.f32 v23, v30;
	v30 =	vld [tilespmem:s11+$0xCC30]  }
0x20e: {  	[tilespmem:$0x1FCE0] =	vst v0;
	v0 =	vld [tilespmem:s11+$0x1410]  }
0x20f: {  	v62 =	vadd.f32 v3, v13;
	[tilespmem:s11+$0x12050] =	vst v17;
	v17 =	vld [tilespmem:s11+$0xC450]  }
0x210: {  	v13 =	vadd.f32 v2, v16;
	v16 =	vadd.f32 v5, v61;
	v61 =	vld [tilespmem:s11+$0xC840]  }
0x211: {  	[tilespmem:s11+$0x12470] =	vst v37;
	v37 =	vadd.f32 v42, v41;
	v42 =	vld [tilespmem:s11+$0xCC60]  }
0x212: {  	[tilespmem:s11+$0x12060] =	vst v62;
	v62 =	vadd.f32 v60, v59;
	v60 =	vld [tilespmem:s11+$0xD030]  }
0x213: {  	[tilespmem:$0x1FCF0] =	vst v0;
	v0 =	vld [tilespmem:s11+$0x7410]  }
0x214: {  	v34 =	vadd.f32 v20, v27;
	v27 =	vld [tilespmem:s11+$0xCC20]  }
0x215: {  	[tilespmem:s11+$0x12400] =	vst v16;
	v16 =	vadd.f32 v56, v55;
	v56 =	vld [tilespmem:s11+$0xD020]  }
0x216: {  	v22 =	vadd.f32 v4, v15;
	v15 =	vld [tilespmem:s11+$0xC860]  }
0x217: {  	v25 =	vadd.f32 v63, v18;
	v18 =	vld [tilespmem:s11+$0xC870]  }
0x218: {  	[tilespmem:$0x1FD00] =	vst v0;
	v0 =	vld [tilespmem:s11+$0x1420]  }
0x219: {  	v63 =	vadd.f32 v26, v33;
	v33 =	vld [tilespmem:s11+$0xCC40]  }
0x21a: {  	[tilespmem:s11+$0x12410] =	vst v19;
	v19 =	vadd.f32 v54, v53;
	v28 =	vadd.f32 v14, v21;
	v21 =	vld [tilespmem:s11+$0xCC00]  }
0x21b: {  	v14 =	vadd.f32 v29, v36;
	v36 =	vld [tilespmem:s11+$0xCC50]  }
0x21c: {  	v26 =	vadd.f32 v12, v19;
	v12 =	vld [tilespmem:s11+$0xD040]  }
0x21d: {  	[tilespmem:$0x1FD10] =	vst v0;
	v0 =	vld [tilespmem:s11+$0x7420]  }
0x21e: {  	[tilespmem:s11+$0x12460] =	vst v34;
	v34 =	vadd.f32 v44, v43;
	v43 =	vadd.f32 v40, v39;
	v40 =	vld [tilespmem:s11+$0xD430]  }
0x21f: {  	v31 =	vadd.f32 v17, v24;
	v24 =	vld [tilespmem:s11+$0xCC10]  }
0x220: {  	[tilespmem:s11+$0x12430] =	vst v25;
	v25 =	vadd.f32 v50, v49;
	v49 =	vld [tilespmem:$0x1FB90]  }
0x221: {  	[tilespmem:s11+$0x12070] =	vst v13;
	v50 =	vld [tilespmem:$0x1FBA0]  }
0x222: {  	v13 =	vadd.f32 v58, v57;
	[tilespmem:$0x1FD20] =	vst v0;
	v0 =	vld [tilespmem:s11+$0x1430]  }
0x223: {  	[tilespmem:s11+$0x12420] =	vst v22;
	v22 =	vadd.f32 v52, v51;
	v52 =	vld [tilespmem:s11+$0xD010]  }
0x224: {  	v20 =	vadd.f32 v35, v13;
	v23 =	vadd.f32 v61, v16;
	v16 =	vld [tilespmem:s11+$0xD050]  }
0x225: {  	[tilespmem:s11+$0x12440] =	vst v28;
	v28 =	vadd.f32 v48, v47;
	v48 =	vld [tilespmem:s11+$0xD000]  }
0x226: {  	[tilespmem:s11+$0x12830] =	vst v20;
	v20 =	vld [tilespmem:s11+$0xD060]  }
0x227: {  	[tilespmem:$0x1FD30] =	vst v0;
	v0 =	vld [tilespmem:s11+$0x7430]  }
0x228: {  	[tilespmem:s11+$0x12450] =	vst v31;
	v31 =	vadd.f32 v46, v45;
	v45 =	vld [tilespmem:s11+$0xCC70]  }
0x229: {  	v46 =	vld [tilespmem:$0x1FB80]  }
0x22a: {  	v53 =	vld [tilespmem:$0x1FBB0]  }
0x22b: {  	v35 =	vadd.f32 v21, v28;
	v28 =	vld [tilespmem:s11+$0xD400]  }
0x22c: {  	[tilespmem:$0x1FD40] =	vst v0;
	v0 =	vld [tilespmem:s11+$0x1440]  }
0x22d: {  	v57 =	vld [tilespmem:$0x1FBD0]  }
0x22e: {  	v17 =	vadd.f32 v32, v62;
	v32 =	vadd.f32 v18, v25;
	v58 =	vld [tilespmem:$0x1FBE0]  }
0x22f: {  	v41 =	vadd.f32 v24, v31;
	v24 =	vld [tilespmem:s11+$0xD070]  }
0x230: {  	[tilespmem:s11+$0x12870] =	vst v32;
	v32 =	vld [tilespmem:s11+$0xD410]  }
0x231: {  	v7 =	vadd.f32 v38, v46;
	[tilespmem:$0x1FD50] =	vst v0;
	v0 =	vld [tilespmem:s11+$0x7440]  }
0x232: {  	v54 =	vld [tilespmem:$0x1FBC0]  }
0x233: {  	v55 =	vadd.f32 v36, v7;
	v36 =	vld [tilespmem:s11+$0xD420];
	v7 =	vadd.f32 v58, v57  }
0x234: {  	v61 =	vld [tilespmem:$0x1FBF0]  }
0x235: {  	v29 =	vadd.f32 v15, v22;
	v15 =	vadd.f32 v48, v7;
	v48 =	vld [tilespmem:s11+$0xD450]  }
0x236: {  	[tilespmem:$0x1FD60] =	vst v0;
	v0 =	vld [tilespmem:s11+$0x1450]  }
0x237: {  	v62 =	vld [tilespmem:$0x1FC00]  }
0x238: {  	v13 =	vld [tilespmem:$0x1FC10]  }
0x239: {  	[tilespmem:s11+$0x12810] =	vst v14;
	v14 =	vld [tilespmem:$0x1FC20]  }
0x23a: {  	[tilespmem:s11+$0x12820] =	vst v17;
	v17 =	vld [tilespmem:$0x1FC30]  }
0x23b: {  	[tilespmem:$0x1FD70] =	vst v0;
	v0 =	vld [tilespmem:s11+$0x7450]  }
0x23c: {  	v18 =	vld [tilespmem:$0x1FC40]  }
0x23d: {  	v21 =	vld [tilespmem:$0x1FC50]  }
0x23e: {  	v22 =	vld [tilespmem:$0x1FC60]  }
0x23f: {  	[tilespmem:s11+$0x12010] =	vst v1;
	v25 =	vld [tilespmem:$0x1FC70]  }
0x240: {  	[tilespmem:$0x1FD80] =	vst v0;
	v0 =	vld [tilespmem:s11+$0x1460]  }
0x241: {  	[tilespmem:s11+$0x12850] =	vst v26;
	v26 =	vld [tilespmem:$0x1FC80]  }
0x242: {  	[tilespmem:s11+$0x12860] =	vst v29;
	v29 =	vld [tilespmem:$0x1FC90]  }
0x243: {  	[tilespmem:s11+$0x12800] =	vst v63;
	v47 =	vadd.f32 v30, v37;
	v30 =	vld [tilespmem:$0x1FCA0]  }
0x244: {  	[tilespmem:s11+$0x12840] =	vst v23;
	v51 =	vadd.f32 v33, v43;
	v33 =	vld [tilespmem:$0x1FCB0]  }
0x245: {  	v44 =	vadd.f32 v27, v34;
	[tilespmem:$0x1FD90] =	vst v0;
	v0 =	vld [tilespmem:s11+$0x7460]  }
0x246: {  	[tilespmem:s11+$0x12C30] =	vst v47;
	v9 =	vadd.f32 v54, v53;
	v34 =	vld [tilespmem:$0x1FCC0]  }
0x247: {  	[tilespmem:s11+$0x12C20] =	vst v44;
	v37 =	vld [tilespmem:$0x1FCD0]  }
0x248: {  	[tilespmem:s11+$0x12C40] =	vst v51;
	v63 =	vadd.f32 v45, v9;
	v9 =	vadd.f32 v14, v13;
	v38 =	vld [tilespmem:$0x1FCE0]  }
0x249: {  	[tilespmem:s11+$0x12C10] =	vst v41;
	v41 =	vld [tilespmem:$0x1FCF0]  }
0x24a: {  	v23 =	vadd.f32 v56, v9;
	[tilespmem:$0x1FDA0] =	vst v0;
	v0 =	vld [tilespmem:s11+$0xC000]  }
0x24b: {  	[tilespmem:s11+$0x12C00] =	vst v35;
	v7 =	vadd.f32 v18, v17;
	v9 =	vadd.f32 v26, v25;
	v56 =	vld [tilespmem:$0x1FD70]  }
0x24c: {  	[tilespmem:s11+$0x12C50] =	vst v55;
	v57 =	vld [tilespmem:$0x1FD80]  }
0x24d: {  	[tilespmem:s11+$0x12C70] =	vst v63;
	v27 =	vadd.f32 v60, v7;
	v35 =	vadd.f32 v16, v9;
	v45 =	vld [tilespmem:$0x1FD10]  }
0x24e: {  	[tilespmem:s11+$0x13000] =	vst v15;
	v7 =	vadd.f32 v30, v29;
	v9 =	vadd.f32 v38, v37;
	v46 =	vld [tilespmem:$0x1FD20]  }
0x24f: {  	[tilespmem:s11+$0x13020] =	vst v23;
	v0 =	vadd.f32 v0, v8;
	v8 =	vadd.f32 v50, v49;
	v49 =	vld [tilespmem:$0x1FD30]  }
0x250: {  	[tilespmem:s11+$0x13030] =	vst v27;
	v39 =	vadd.f32 v20, v7;
	v50 =	vld [tilespmem:$0x1FD40]  }
0x251: {  	[tilespmem:s11+$0x13050] =	vst v35;
	v47 =	vadd.f32 v28, v9;
	v53 =	vld [tilespmem:$0x1FD50];
	v2 =	vadd.f32 v57, v56  }
0x252: {  	[tilespmem:s11+$0x13060] =	vst v39;
	v59 =	vadd.f32 v42, v8;
	v8 =	vadd.f32 v62, v61;
	v42 =	vld [tilespmem:$0x1FD00]  }
0x253: {  	[tilespmem:s11+$0x13400] =	vst v47;
	v54 =	vld [tilespmem:$0x1FD60];
	v62 =	vadd.f32 v48, v2  }
0x254: {  	v60 =	vld [tilespmem:$0x1FDA0];
	[tilespmem:s11+$0x12000] =	vst v0;
	v19 =	vadd.f32 v52, v8;
	v8 =	vadd.f32 v22, v21  }
0x255: {  	[tilespmem:s11+$0x12C60] =	vst v59;
	v59 =	vld [tilespmem:$0x1FD90];
	v9 =	vadd.f32 v50, v49  }
0x256: {  	v44 =	vld [tilespmem:s11+$0xD440];
	[tilespmem:s11+$0x13450] =	vst v62;
	v31 =	vadd.f32 v12, v8;
	v8 =	vadd.f32 v34, v33  }
0x257: {  	v52 =	vld [tilespmem:s11+$0xD460];
	[tilespmem:s11+$0x13010] =	vst v19;
	v7 =	vadd.f32 v42, v41;
	v58 =	vadd.f32 v40, v9  }
0x258: {  	[tilespmem:s11+$0x13040] =	vst v31;
	v43 =	vadd.f32 v24, v8;
	v8 =	vadd.f32 v46, v45  }
0x259: {  	v51 =	vadd.f32 v32, v7;
	v7 =	vadd.f32 v54, v53;
	[tilespmem:s11+$0x13430] =	vst v58  }
0x25a: {  	v5 =	vadd.f32 v60, v59;
	[tilespmem:s11+$0x13070] =	vst v43;
	v55 =	vadd.f32 v36, v8  }
0x25b: {  	s25 =	sshrl.u32 s16, $0x3;
	[tilespmem:s11+$0x13410] =	vst v51;
	v61 =	vadd.f32 v44, v7  }
0x25c: {  	s10 =	smul.u32 $0x300, s25;
	v63 =	vadd.f32 v52, v5;
	[tilespmem:s11+$0x13420] =	vst v55  }
0x25d: {  	p1 =	seq.s32 s14, $0xF;
	[tilespmem:s11+$0x13440] =	vst v61  }
0x25e: {  	s26 =	sadd.s32 s5, s10;
	[tilespmem:s11+$0x13460] =	vst v63;
	s11 =	sadd.s32 @!p1 $0x20, s15  }
0x25f: {  	[hbm4b:s26+s7] =	stream.linear.scatter [tilespmem:s22], [sflag:$0x3], $0x3000, $0x38;
	[tilespmem:$0x18200] =	vst v63  }
0x260: {  	s16 =	sadd.s32 @!p1 s6, s11  }
0x261: {  	s16 =	sshrl.u32 @!p1 s16, $0x3  }
0x262: {  	s11 =	sadd.s32 @!p1 s8, s11;
	s16 =	smul.u32 @!p1 $0x300, s16  }
0x263: {  	s11 =	sshrl.u32 @!p1 s11, $0x3  }
0x264: {  	s19 =	simm.s32 @!p1 $0x0;
	s11 =	smul.u32 @!p1 $0x300, s11;
	s16 =	sadd.s32 @!p1 s0, s16  }
0x265: {  	[tilespmem:s19], [sflag:$0x1] =	stream.linear.gather @!p1 [hbm4b:s16+s19], $0x3000, $0x38;
	[tilespmem:$0x18200] =	vst v63  }
0x266: {  	s11 =	sadd.s32 @!p1 s2, s11;
	s16 =	simm.s32 @!p1 $0xC000  }
0x267: {  	[tilespmem:s16], [sflag:$0x1] =	stream.linear.gather @!p1 [hbm4b:s11+s19], $0x3000, $0x38;
	[tilespmem:$0x18200] =	vst v63  }
0x268: {  	v0 =	vld @!p1 [tilespmem:s15+$0x18020];
	_ =	sdelay $0x4  }
0x269: {  	v1 =	vshrl.u32 @!p1 v0, $0x3  }
0x26a: {  	v1 =	vmul.u32 @!p1 $0x30, v1  }
0x26b: {  	v2 =	vlaneseq.u32 @!p1;
	v0 =	vand.u32 @!p1 $0x7, v0  }
0x26c: {  	v3 =	vshrl.u32 @!p1 v2, $0x3;
	v0 =	vor.u32 @!p1 v0, v1;
	v1 =	vand.u32 @!p1 $0x7, v2  }
0x26d: {  	v3 =	vmul.u32 @!p1 $0x8, v3;
	v1 =	vperm.xlane @!p1 v0, v1;
	_ =	sdelay $0x1  }
0x26e: {  	v1 =	vadd.s32 @!p1 v3, v1;
	_ =	sdelay $0x2  }
0x26f: {  	v2 =	vor.u32 @!p1 $0x8, v2  }
0x270: {  	vm1 =	vmmov @!p1 $0xffff;
	s11 =	simm.s32 @!p1 $0x6000;
	v0 =	vperm.xlane @!p1 v0, v2  }
0x271: {  	[tilespmem:s11], [sflag:$0x1] =	stream.indirect_vreg.gather @!p1 [hbm4b:s4+s19], $0x80, v1, vm1, $0xb8;
	[tilespmem:$0x18200] =	vst v63  }
0x272: {  	v0 =	vadd.s32 @!p1 v3, v0;
	s11 =	simm.s32 @!p1 $0x6800  }
0x273: {  	[tilespmem:s11], [sflag:$0x1] =	stream.indirect_vreg.gather @!p1 [hbm4b:s12+s19], $0x80, v1, vm1, $0xb8;
	[tilespmem:$0x18200] =	vst v63  }
0x274: {  	s11 =	simm.s32 @!p1 $0x7000  }
0x275: {  	[tilespmem:s11], [sflag:$0x1] =	stream.indirect_vreg.gather @!p1 [hbm4b:s13+s19], $0x80, v1, vm1, $0xb8;
	[tilespmem:$0x18200] =	vst v63  }
0x276: {  	s11 =	simm.s32 @!p1 $0x7800  }
0x277: {  	[tilespmem:s11], [sflag:$0x1] =	stream.indirect_vreg.gather @!p1 [hbm4b:s4+s19], $0x80, v0, vm1, $0xb8;
	[tilespmem:$0x18200] =	vst v63  }
0x278: {  	s11 =	simm.s32 @!p1 $0x8000  }
0x279: {  	[tilespmem:s11], [sflag:$0x1] =	stream.indirect_vreg.gather @!p1 [hbm4b:s12+s19], $0x80, v0, vm1, $0xb8;
	[tilespmem:$0x18200] =	vst v63  }
0x27a: {  	s11 =	simm.s32 @!p1 $0x8800  }
0x27b: {  	[tilespmem:s11], [sflag:$0x1] =	stream.indirect_vreg.gather @!p1 [hbm4b:s13+s19], $0x80, v0, vm1, $0xb8;
	[tilespmem:$0x18200] =	vst v63  }
0x27c: {  	_ =	swait.ge [sflag:s23], $0x3000  }
0x27d: {  	[sflag:s23] =	ssyncset.done $0x0  }
0x27e: {  	[sflag:s23] =	ssyncadd.s32 $0xFFFFD000  }
0x27f: {  	_ =	swait.ge [sflag:s23], $0x3000  }
0x280: {  	[sflag:s23] =	ssyncset.done $0x0  }
0x281: {  	[sflag:s23] =	ssyncadd.s32 $0xFFFFD000  }
0x282: {  	_ =	swait.ge [sflag:s23], $0x3000  }
0x283: {  	[sflag:s23] =	ssyncset.done $0x0  }
0x284: {  	s11 =	simm.s32 @!p0 $0x4;
	[sflag:s23] =	ssyncadd.s32 $0xFFFFD000  }
0x285: {  	_ =	swait.ge @!p0 [sflag:s11], $0x3000  }
0x286: {  	[sflag:s11] =	ssyncset.done @!p0 $0x0  }
0x287: {  	s16 =	simm.s32 $0x0;
	[sflag:s11] =	ssyncadd.s32 @!p0 $0xFFFFD000;
	s11 =	simm.s32 $0x0  }
.LBB2_5:
0x288: {  	s19 =	sshrl.u32 s16, $0x3  }
0x289: {  	s19 =	smul.u32 $0x1800, s19  }
0x28a: {  	s25 =	sand.u32 $0x380, s11  }
0x28b: {  	s19 =	sor.u32 s25, s19  }
0x28c: {  	v0 =	vld [tilespmem:s19+$0x3000]  }
0x28d: {  	v1 =	vld [tilespmem:s19+$0x9000]  }
0x28e: {  	v2 =	vld [tilespmem:s19+$0xF000]  }
0x28f: {  	v3 =	vld [tilespmem:s19+$0x3010]  }
0x290: {  	v4 =	vld [tilespmem:s19+$0x9010]  }
0x291: {  	v5 =	vld [tilespmem:s19+$0xF010]  }
0x292: {  	v6 =	vld [tilespmem:s19+$0x3020]  }
0x293: {  	v7 =	vld [tilespmem:s19+$0x9020]  }
0x294: {  	v8 =	vld [tilespmem:s19+$0xF020]  }
0x295: {  	v9 =	vld [tilespmem:s19+$0x3030]  }
0x296: {  	v10 =	vld [tilespmem:s19+$0x9030]  }
0x297: {  	v11 =	vld [tilespmem:s19+$0xF030]  }
0x298: {  	v12 =	vld [tilespmem:s19+$0x3040]  }
0x299: {  	v13 =	vld [tilespmem:s19+$0x9040]  }
0x29a: {  	v14 =	vld [tilespmem:s19+$0xF040]  }
0x29b: {  	v15 =	vld [tilespmem:s19+$0x3050]  }
0x29c: {  	v16 =	vld [tilespmem:s19+$0x9050]  }
0x29d: {  	v17 =	vld [tilespmem:s19+$0xF050]  }
0x29e: {  	v18 =	vld [tilespmem:s19+$0x3060]  }
0x29f: {  	v19 =	vld [tilespmem:s19+$0x9060]  }
0x2a0: {  	v20 =	vld [tilespmem:s19+$0xF060]  }
0x2a1: {  	v21 =	vld [tilespmem:s19+$0x3070]  }
0x2a2: {  	v22 =	vld [tilespmem:s19+$0x9070]  }
0x2a3: {  	v23 =	vld [tilespmem:s19+$0xF070]  }
0x2a4: {  	v24 =	vld [tilespmem:s19+$0x3400]  }
0x2a5: {  	v25 =	vld [tilespmem:s19+$0x9400]  }
0x2a6: {  	v26 =	vld [tilespmem:s19+$0xF400]  }
0x2a7: {  	v27 =	vld [tilespmem:s19+$0x3410]  }
0x2a8: {  	v28 =	vld [tilespmem:s19+$0x9410]  }
0x2a9: {  	v29 =	vld [tilespmem:s19+$0xF410]  }
0x2aa: {  	v30 =	vld [tilespmem:s19+$0x3420]  }
0x2ab: {  	v31 =	vld [tilespmem:s19+$0x9420]  }
0x2ac: {  	v32 =	vld [tilespmem:s19+$0xF420]  }
0x2ad: {  	v33 =	vld [tilespmem:s19+$0x3430]  }
0x2ae: {  	v34 =	vld [tilespmem:s19+$0x9430]  }
0x2af: {  	v35 =	vld [tilespmem:s19+$0xF430]  }
0x2b0: {  	v36 =	vld [tilespmem:s19+$0x3440]  }
0x2b1: {  	v37 =	vld [tilespmem:s19+$0x9440]  }
0x2b2: {  	v38 =	vld [tilespmem:s19+$0xF440]  }
0x2b3: {  	v39 =	vld [tilespmem:s19+$0x3450]  }
0x2b4: {  	v40 =	vld [tilespmem:s19+$0x9450]  }
0x2b5: {  	v41 =	vld [tilespmem:s19+$0xF450]  }
0x2b6: {  	v42 =	vld [tilespmem:s19+$0x3460]  }
0x2b7: {  	v43 =	vld [tilespmem:s19+$0x9460]  }
0x2b8: {  	v44 =	vld [tilespmem:s19+$0xF460]  }
0x2b9: {  	v45 =	vld [tilespmem:s19+$0x3470]  }
0x2ba: {  	v46 =	vld [tilespmem:s19+$0x9470]  }
0x2bb: {  	v47 =	vld [tilespmem:s19+$0xF470]  }
0x2bc: {  	v48 =	vld [tilespmem:s19+$0x3800]  }
0x2bd: {  	v49 =	vld [tilespmem:s19+$0x9800]  }
0x2be: {  	v53 =	vld [tilespmem:s19+$0xF800]  }
0x2bf: {  	v51 =	vld [tilespmem:s19+$0x3810]  }
0x2c0: {  	v52 =	vld [tilespmem:s19+$0x9810]  }
0x2c1: {  	v56 =	vld [tilespmem:s19+$0xF810]  }
0x2c2: {  	v54 =	vld [tilespmem:s19+$0x3820]  }
0x2c3: {  	v55 =	vld [tilespmem:s19+$0x9820]  }
0x2c4: {  	v62 =	vld [tilespmem:s19+$0xF820]  }
0x2c5: {  	v57 =	vld [tilespmem:s19+$0x3830]  }
0x2c6: {  	v58 =	vld [tilespmem:s19+$0x9830]  }
0x2c7: {  	v63 =	vld [tilespmem:s19+$0xF840]  }
0x2c8: {  	v50 =	vld [tilespmem:s19+$0xF830]  }
0x2c9: {  	v59 =	vld [tilespmem:s19+$0xF850]  }
0x2ca: {  	v60 =	vld [tilespmem:s19+$0x3840]  }
0x2cb: {  	v61 =	vld [tilespmem:s19+$0x9840]  }
0x2cc: {  	[tilespmem:$0x1FB60] =	vst v63;
	v63 =	vld [tilespmem:s19+$0x3850]  }
0x2cd: {  	[tilespmem:$0x1FB50] =	vst v50;
	v50 =	vld [tilespmem:s19+$0x9850]  }
0x2ce: {  	[tilespmem:$0x1FB70] =	vst v59;
	v59 =	vld [tilespmem:s19+$0x3860]  }
0x2cf: {  	v0 =	vadd.f32 v1, v0;
	v1 =	vld [tilespmem:s19+$0x9860]  }
0x2d0: {  	v3 =	vadd.f32 v4, v3;
	v4 =	vld [tilespmem:s19+$0xF860]  }
0x2d1: {  	v22 =	vadd.f32 v22, v21;
	v21 =	vadd.f32 v31, v30;
	v30 =	vld [tilespmem:s19+$0x3C30]  }
0x2d2: {  	v0 =	vadd.f32 v2, v0;
	v2 =	vadd.f32 v7, v6;
	v6 =	vld [tilespmem:s19+$0x3870]  }
0x2d3: {  	v12 =	vadd.f32 v13, v12;
	v7 =	vld [tilespmem:s19+$0x9870]  }
0x2d4: {  	v3 =	vadd.f32 v5, v3;
	v5 =	vadd.f32 v10, v9;
	v9 =	vld [tilespmem:s19+$0x3C00]  }
0x2d5: {  	v15 =	vadd.f32 v16, v15;
	v10 =	vld [tilespmem:s19+$0x9C00]  }
0x2d6: {  	v16 =	vadd.f32 v14, v12;
	v12 =	vld [tilespmem:s19+$0x3C10];
	[tilespmem:s19+$0x15000] =	vst v0  }
0x2d7: {  	v18 =	vadd.f32 v19, v18;
	v19 =	vadd.f32 v17, v15;
	v14 =	vld [tilespmem:s19+$0xFC10];
	[tilespmem:s19+$0x15010] =	vst v3  }
0x2d8: {  	v17 =	vadd.f32 v25, v24;
	v15 =	vld [tilespmem:s19+$0x3C20];
	v24 =	vadd.f32 v32, v21;
	[tilespmem:s19+$0x15040] =	vst v16  }
0x2d9: {  	v25 =	vadd.f32 v37, v36;
	v36 =	vld [tilespmem:s19+$0xFC30];
	v0 =	vadd.f32 v8, v2;
	[tilespmem:s19+$0x15050] =	vst v19  }
0x2da: {  	v32 =	vadd.f32 v46, v45;
	v45 =	vld [tilespmem:s19+$0xFC40];
	v13 =	vadd.f32 v11, v5;
	[tilespmem:s19+$0x15420] =	vst v24  }
0x2db: {  	v8 =	vld [tilespmem:s19+$0xF870];
	v16 =	vadd.f32 v20, v18;
	[tilespmem:s19+$0x15020] =	vst v0  }
0x2dc: {  	v11 =	vld [tilespmem:s19+$0xFC00];
	v18 =	vadd.f32 v23, v22;
	[tilespmem:s19+$0x15030] =	vst v13  }
0x2dd: {  	v19 =	vadd.f32 v28, v27;
	v20 =	vadd.f32 v26, v17;
	v17 =	vld [tilespmem:s19+$0xFC20];
	[tilespmem:s19+$0x15060] =	vst v16  }
0x2de: {  	v23 =	vadd.f32 v34, v33;
	v28 =	vadd.f32 v38, v25;
	v33 =	vld [tilespmem:s19+$0x9C30];
	[tilespmem:s19+$0x15070] =	vst v18  }
0x2df: {  	v27 =	vadd.f32 v40, v39;
	v37 =	vadd.f32 v47, v32;
	v39 =	vld [tilespmem:s19+$0x3C40];
	[tilespmem:s19+$0x15400] =	vst v20  }
0x2e0: {  	v38 =	vadd.f32 v52, v51;
	v51 =	vld [tilespmem:s19+$0x9C50];
	v22 =	vadd.f32 v29, v19;
	[tilespmem:s19+$0x15440] =	vst v28  }
0x2e1: {  	v52 =	vld [tilespmem:$0x1FB60];
	v1 =	vadd.f32 v1, v59;
	v26 =	vadd.f32 v35, v23;
	[tilespmem:s19+$0x15470] =	vst v37  }
0x2e2: {  	v59 =	vld [tilespmem:s19+$0x9C60];
	v29 =	vadd.f32 v43, v42;
	v31 =	vadd.f32 v41, v27;
	[tilespmem:s19+$0x15410] =	vst v22  }
0x2e3: {  	v13 =	vld [tilespmem:s19+$0x9C10];
	v35 =	vadd.f32 v49, v48;
	v43 =	vadd.f32 v56, v38;
	[tilespmem:s19+$0x15430] =	vst v26  }
0x2e4: {  	v16 =	vld [tilespmem:s19+$0x9C20];
	v41 =	vadd.f32 v55, v54;
	v34 =	vadd.f32 v44, v29;
	[tilespmem:s19+$0x15450] =	vst v31  }
0x2e5: {  	v47 =	vadd.f32 v61, v60;
	v49 =	vld [tilespmem:$0x1FB50];
	v40 =	vadd.f32 v53, v35;
	[tilespmem:s19+$0x15810] =	vst v43  }
0x2e6: {  	v42 =	vld [tilespmem:s19+$0x9C40];
	v55 =	vadd.f32 v7, v6;
	v46 =	vadd.f32 v62, v41;
	[tilespmem:s19+$0x15460] =	vst v34  }
0x2e7: {  	v54 =	vld [tilespmem:$0x1FB70];
	v44 =	vadd.f32 v58, v57;
	v57 =	vadd.f32 v4, v1;
	[tilespmem:s19+$0x15800] =	vst v40  }
0x2e8: {  	v48 =	vld [tilespmem:s19+$0x3C50];
	v0 =	vadd.f32 v52, v47;
	[tilespmem:s19+$0x15820] =	vst v46  }
0x2e9: {  	v56 =	vld [tilespmem:s19+$0x3C60];
	v58 =	vadd.f32 v10, v9;
	v60 =	vadd.f32 v8, v55;
	[tilespmem:s19+$0x15860] =	vst v57  }
0x2ea: {  	v50 =	vadd.f32 v50, v63;
	v53 =	vld [tilespmem:s19+$0xFC50];
	v3 =	vadd.f32 v49, v44;
	[tilespmem:s19+$0x15840] =	vst v0  }
0x2eb: {  	v62 =	vld [tilespmem:s19+$0x3C70];
	v63 =	vadd.f32 v11, v58;
	v61 =	vadd.f32 v13, v12;
	[tilespmem:s19+$0x15870] =	vst v60  }
0x2ec: {  	v12 =	vadd.f32 v16, v15;
	v13 =	vld [tilespmem:s19+$0x9C70];
	[tilespmem:s19+$0x15830] =	vst v3;
	v3 =	vadd.f32 v54, v50  }
0x2ed: {  	v15 =	vadd.f32 v33, v30;
	v16 =	vld [tilespmem:s19+$0xFC60];
	[tilespmem:s19+$0x15C00] =	vst v63;
	v14 =	vadd.f32 v14, v61  }
0x2ee: {  	v21 =	vld [tilespmem:s19+$0xFC70];
	v19 =	vadd.f32 v42, v39;
	v18 =	vadd.f32 v17, v12;
	[tilespmem:s19+$0x15850] =	vst v3  }
0x2ef: {  	v26 =	vadd.f32 v51, v48;
	v22 =	vadd.f32 v36, v15;
	[tilespmem:s19+$0x15C10] =	vst v14  }
0x2f0: {  	v28 =	vadd.f32 v59, v56;
	v27 =	vadd.f32 v45, v19;
	[tilespmem:s19+$0x15C20] =	vst v18  }
0x2f1: {  	v2 =	vadd.f32 v53, v26;
	[tilespmem:s19+$0x15C30] =	vst v22;
	v29 =	vadd.f32 v13, v62  }
0x2f2: {  	[tilespmem:s19+$0x15C40] =	vst v27;
	v30 =	vadd.f32 v16, v28  }
0x2f3: {  	v32 =	vld [tilespmem:s19+$0x4000];
	[tilespmem:s19+$0x15C50] =	vst v2;
	v31 =	vadd.f32 v21, v29  }
0x2f4: {  	v33 =	vld [tilespmem:s19+$0xA000];
	[tilespmem:s19+$0x15C60] =	vst v30  }
0x2f5: {  	s25 =	sadd.s32 $0x1000, s19;
	[tilespmem:s19+$0x15C70] =	vst v31  }
0x2f6: {  	v1 =	vld [tilespmem:s25+$0xF000];
	_ =	sdelay $0x2  }
0x2f7: {  	v0 =	vadd.f32 v33, v32;
	_ =	sdelay $0x1  }
0x2f8: {  	v35 =	vld [tilespmem:s19+$0xA010];
	v0 =	vadd.f32 v1, v0  }
0x2f9: {  	v34 =	vld [tilespmem:s19+$0x4010]  }
0x2fa: {  	[tilespmem:s19+$0x16000] =	vst v0  }
0x2fb: {  	v0 =	vld [tilespmem:s25+$0xF010];
	_ =	sdelay $0x2  }
0x2fc: {  	v1 =	vadd.f32 v35, v34;
	_ =	sdelay $0x1  }
0x2fd: {  	v37 =	vld [tilespmem:s19+$0xA020];
	v0 =	vadd.f32 v0, v1  }
0x2fe: {  	v36 =	vld [tilespmem:s19+$0x4020]  }
0x2ff: {  	[tilespmem:s19+$0x16010] =	vst v0  }
0x300: {  	v0 =	vld [tilespmem:s25+$0xF020];
	_ =	sdelay $0x2  }
0x301: {  	v1 =	vadd.f32 v37, v36;
	_ =	sdelay $0x1  }
0x302: {  	v38 =	vld [tilespmem:s19+$0x4030];
	v0 =	vadd.f32 v0, v1  }
0x303: {  	v39 =	vld [tilespmem:s19+$0xA030]  }
0x304: {  	[tilespmem:s19+$0x16020] =	vst v0  }
0x305: {  	v0 =	vld [tilespmem:s25+$0xF030];
	_ =	sdelay $0x2  }
0x306: {  	v1 =	vadd.f32 v39, v38;
	_ =	sdelay $0x1  }
0x307: {  	v41 =	vld [tilespmem:s19+$0xA040];
	v0 =	vadd.f32 v0, v1  }
0x308: {  	v40 =	vld [tilespmem:s19+$0x4040]  }
0x309: {  	[tilespmem:s19+$0x16030] =	vst v0  }
0x30a: {  	v0 =	vld [tilespmem:s25+$0xF040];
	_ =	sdelay $0x2  }
0x30b: {  	v1 =	vadd.f32 v41, v40;
	_ =	sdelay $0x1  }
0x30c: {  	v43 =	vld [tilespmem:s19+$0xA050];
	v0 =	vadd.f32 v0, v1  }
0x30d: {  	v42 =	vld [tilespmem:s19+$0x4050]  }
0x30e: {  	[tilespmem:s19+$0x16040] =	vst v0  }
0x30f: {  	v0 =	vld [tilespmem:s25+$0xF050];
	_ =	sdelay $0x2  }
0x310: {  	v1 =	vadd.f32 v43, v42;
	_ =	sdelay $0x1  }
0x311: {  	v44 =	vld [tilespmem:s19+$0x4060];
	v0 =	vadd.f32 v0, v1  }
0x312: {  	v45 =	vld [tilespmem:s19+$0xA060]  }
0x313: {  	[tilespmem:s19+$0x16050] =	vst v0  }
0x314: {  	v0 =	vld [tilespmem:s25+$0xF060];
	_ =	sdelay $0x2  }
0x315: {  	v1 =	vadd.f32 v45, v44;
	_ =	sdelay $0x1  }
0x316: {  	v47 =	vld [tilespmem:s19+$0xA070];
	v0 =	vadd.f32 v0, v1  }
0x317: {  	v46 =	vld [tilespmem:s19+$0x4070]  }
0x318: {  	[tilespmem:s19+$0x16060] =	vst v0  }
0x319: {  	v0 =	vld [tilespmem:s25+$0xF070];
	_ =	sdelay $0x2  }
0x31a: {  	v1 =	vadd.f32 v47, v46;
	_ =	sdelay $0x1  }
0x31b: {  	v48 =	vld [tilespmem:s19+$0x4400];
	v0 =	vadd.f32 v0, v1  }
0x31c: {  	v49 =	vld [tilespmem:s19+$0xA400]  }
0x31d: {  	s26 =	sadd.s32 $0x1400, s19;
	[tilespmem:s19+$0x16070] =	vst v0  }
0x31e: {  	v0 =	vld [tilespmem:s26+$0xF000];
	_ =	sdelay $0x2  }
0x31f: {  	v1 =	vadd.f32 v49, v48;
	_ =	sdelay $0x1  }
0x320: {  	v51 =	vld [tilespmem:s19+$0xA410];
	v0 =	vadd.f32 v0, v1  }
0x321: {  	v50 =	vld [tilespmem:s19+$0x4410]  }
0x322: {  	[tilespmem:s19+$0x16400] =	vst v0  }
0x323: {  	v0 =	vld [tilespmem:s26+$0xF010];
	_ =	sdelay $0x2  }
0x324: {  	v1 =	vadd.f32 v51, v50;
	_ =	sdelay $0x1  }
0x325: {  	v52 =	vld [tilespmem:s19+$0x4420];
	v0 =	vadd.f32 v0, v1  }
0x326: {  	v53 =	vld [tilespmem:s19+$0xA420]  }
0x327: {  	[tilespmem:s19+$0x16410] =	vst v0  }
0x328: {  	v0 =	vld [tilespmem:s26+$0xF020];
	_ =	sdelay $0x2  }
0x329: {  	v1 =	vadd.f32 v53, v52;
	_ =	sdelay $0x1  }
0x32a: {  	v55 =	vld [tilespmem:s19+$0xA430];
	v0 =	vadd.f32 v0, v1  }
0x32b: {  	v54 =	vld [tilespmem:s19+$0x4430]  }
0x32c: {  	[tilespmem:s19+$0x16420] =	vst v0  }
0x32d: {  	v0 =	vld [tilespmem:s26+$0xF030];
	_ =	sdelay $0x2  }
0x32e: {  	v1 =	vadd.f32 v55, v54;
	_ =	sdelay $0x1  }
0x32f: {  	v57 =	vld [tilespmem:s19+$0xA440];
	v0 =	vadd.f32 v0, v1  }
0x330: {  	v56 =	vld [tilespmem:s19+$0x4440]  }
0x331: {  	[tilespmem:s19+$0x16430] =	vst v0  }
0x332: {  	v0 =	vld [tilespmem:s26+$0xF040];
	_ =	sdelay $0x2  }
0x333: {  	v1 =	vadd.f32 v57, v56;
	_ =	sdelay $0x1  }
0x334: {  	v58 =	vld [tilespmem:s19+$0x4450];
	v0 =	vadd.f32 v0, v1  }
0x335: {  	v59 =	vld [tilespmem:s19+$0xA450]  }
0x336: {  	[tilespmem:s19+$0x16440] =	vst v0  }
0x337: {  	v0 =	vld [tilespmem:s26+$0xF050];
	_ =	sdelay $0x2  }
0x338: {  	v1 =	vadd.f32 v59, v58;
	_ =	sdelay $0x1  }
0x339: {  	v60 =	vld [tilespmem:s19+$0x4460];
	v0 =	vadd.f32 v0, v1  }
0x33a: {  	v61 =	vld [tilespmem:s19+$0xA460]  }
0x33b: {  	[tilespmem:s19+$0x16450] =	vst v0  }
0x33c: {  	v0 =	vld [tilespmem:s26+$0xF060];
	_ =	sdelay $0x2  }
0x33d: {  	v1 =	vadd.f32 v61, v60;
	_ =	sdelay $0x1  }
0x33e: {  	v63 =	vld [tilespmem:s19+$0xA470];
	v0 =	vadd.f32 v0, v1  }
0x33f: {  	v62 =	vld [tilespmem:s19+$0x4470]  }
0x340: {  	[tilespmem:s19+$0x16460] =	vst v0  }
0x341: {  	v0 =	vld [tilespmem:s26+$0xF070];
	_ =	sdelay $0x1  }
0x342: {  	p0 =	sne.s32 s16, $0xF  }
.Ltmp3:
0x343: {  	v1 =	vadd.f32 v63, v62;
	(pc) =	sbr.rel @p0 .LBB2_5-.Ltmp3, $3  }
0x344: {  	_ = 	snop  }
0x345: {  	v0 =	vadd.f32 v0, v1;
	_ =	sdelay $0x1  }
0x346: {  	s11 =	sadd.s32 $0x80, s11;
	s16 =	sadd.s32 $0x1, s16;
	[tilespmem:s19+$0x16470] =	vst v0  }
.Ltmp4:
0x347: {  	(pc) =	sbr.rel @p1 .LBB2_8-.Ltmp4, $3  }
0x348: {  	_ =	sdelay $0x1  }
0x349: {  	s10 =	sadd.s32 s17, s10  }
0x34a: {  	[hbm4b:s10+s7] =	stream.linear.scatter [tilespmem:s24], [sflag:$0x4], $0x3000, $0x38;
	[tilespmem:$0x18200] =	vst v63  }
0x34b: {  	s10 =	sadd.s32 $0x30, s15  }
0x34c: {  	s11 =	sadd.s32 s6, s10  }
0x34d: {  	s11 =	sshrl.u32 s11, $0x3  }
0x34e: {  	s10 =	sadd.s32 s8, s10;
	s11 =	smul.u32 $0x300, s11  }
0x34f: {  	s10 =	sshrl.u32 s10, $0x3  }
0x350: {  	s10 =	smul.u32 $0x300, s10;
	s11 =	sadd.s32 s0, s11  }
0x351: {  	[tilespmem:s28], [sflag:$0x2] =	stream.linear.gather [hbm4b:s11+s7], $0x3000, $0x38;
	[tilespmem:$0x18200] =	vst v63  }
0x352: {  	s10 =	sadd.s32 s2, s10  }
0x353: {  	[tilespmem:s29], [sflag:$0x2] =	stream.linear.gather [hbm4b:s10+s7], $0x3000, $0x38;
	[tilespmem:$0x18200] =	vst v63  }
0x354: {  	v0 =	vld [tilespmem:s15+$0x18030];
	_ =	sdelay $0x3  }
0x355: {  	v63 =	vld [tilespmem:$0x1FFD0]  }
0x356: {  	v1 =	vshrl.u32 v0, $0x3  }
0x357: {  	v2 =	vld [tilespmem:$0x1FFE0];
	v1 =	vmul.u32 $0x30, v1  }
0x358: {  	v0 =	vand.u32 $0x7, v0  }
0x359: {  	v0 =	vor.u32 v0, v1  }
0x35a: {  	v1 =	vperm.xlane v0, v63  }
0x35b: {  	v3 =	vld [tilespmem:$0x1FFF0]  }
0x35c: {  	v1 =	vadd.s32 v2, v1;
	_ =	sdelay $0x3  }
0x35d: {  	v0 =	vperm.xlane v0, v3  }
0x35e: {  	[tilespmem:s30], [sflag:$0x2] =	stream.indirect_vreg.gather [hbm4b:s4+s7], $0x80, v1, vm0, $0xb8;
	[tilespmem:$0x18200] =	vst v63  }
0x35f: {  	v0 =	vadd.s32 v2, v0  }
0x360: {  	[tilespmem:s31], [sflag:$0x2] =	stream.indirect_vreg.gather [hbm4b:s12+s7], $0x80, v1, vm0, $0xb8;
	[tilespmem:$0x18200] =	vst v63  }
0x361: {  	_ = 	snop  }
0x362: {  	[tilespmem:s3], [sflag:$0x2] =	stream.indirect_vreg.gather [hbm4b:s13+s7], $0x80, v1, vm0, $0xb8;
	[tilespmem:$0x18200] =	vst v63  }
0x363: {  	_ = 	snop  }
0x364: {  	[tilespmem:s1], [sflag:$0x2] =	stream.indirect_vreg.gather [hbm4b:s4+s7], $0x80, v0, vm0, $0xb8;
	[tilespmem:$0x18200] =	vst v63  }
.Ltmp5:
0x365: {  	_ = 	snop;
	(pc) =	sbr.rel .LBB2_2-.Ltmp5, $4  }
0x366: {  	_ = 	snop  }
0x367: {  	[tilespmem:s18], [sflag:$0x2] =	stream.indirect_vreg.gather [hbm4b:s12+s7], $0x80, v0, vm0, $0xb8;
	[tilespmem:$0x18200] =	vst v63  }
0x368: {  	s14 =	sadd.s32 $0x1, s14  }
0x369: {  	[tilespmem:s20], [sflag:$0x2] =	stream.indirect_vreg.gather [hbm4b:s13+s7], $0x80, v0, vm0, $0xb8;
	[tilespmem:$0x18200] =	vst v63  }
.LBB2_9:
0x36a: {  	_ =	sfence.sel $0x180000  }
0x36b: {  	[bflag:$0x0] =	sbarrier.arrive $0xFFFF  }
0x36c: {  	_ =	strace $0x90000047  }
0x36d: {  	s0 =	stileid.u32;
	[bflag:$0x2] =	sbarrier.arrive $0xFFFF  }
0x36e: {  	p0 =	sne.s32 s0, $0x0;
	s0 =	rddreg [dreg:$0x5]  }
0x36f: {  	s0 =	sadd.s32 @!p0 $0x100000, s0  }
0x370: {  	[sflag:s0] =	ssyncadd.tile.s32 @!p0 $0x1;
	_ =	shalt  }
.Lfunc_end2:
_tile_overlayer_lowered:
.L_overlay_start_2:
0x371: {  	(tag) =	ssettag $0x2  }
0x372: {  	s0 =	rddreg [dreg:$0x0];
	s2 =	stileid.u32  }
0x373: {  	s1 =	rddreg [dreg:$0x1];
	p0 =	sne.s32 s2, $0x0  }
0x374: {  	s3 =	rddreg [dreg:$0x2];
	[bflag:$0x3] =	sbarrier.arrive $0xFFFF;
	s2 =	simm.s32 @!p0 $0x1C05  }
0x375: {  	[timem:s3], [sflag:s2] =	dma.local @!p0 [hbm:s0], s1  }
0x376: {  	s0 =	simm.s32 @!p0 $0x5  }
0x377: {  	_ =	swait.ge @!p0 [sflag:s0], s1  }
0x378: {  	s1 =	ssub.s32 @!p0 $0x0, s1;
	[sflag:s0] =	ssyncset.done @!p0 $0x0  }
0x379: {  	[sflag:s0] =	ssyncadd.s32 @!p0 s1  }
0x37a: {  	[bflag:$0x3] =	sbarrier.arrive $0xFFFF  }
0x37b: {  	_ =	shalt  }

</sc_bundles>
